<compile_context>
chip_gen: v7x
topology: tpu7x:2x2x1
jax: 0.10.2.dev20260603
libtpu: 0.0.44.dev20260713+nightly
codegen_flags: <defaults>
</compile_context>

<pallas_src>
import math
import functools

import jax
import jax.numpy as jnp
from jax import lax
from jax.experimental import pallas as pl
from jax.experimental.pallas import tpu as pltpu
from jax.experimental.pallas import tpu_sc as plsc

H = 64
W = 2048
HW = H * W
KNN_K = 5
SEARCH = 5
S2 = SEARCH * SEARCH
CENTER = (S2 - 1) // 2
SIGMA = 1.0
CUTOFF = 1.0
NCLASSES = 20

NW = 32
BLK = 512
NBLK = 8
NP = NW * NBLK * BLK

OOB_SLOT = HW
CUT_SLOT = HW + 1
L = 16
GROUPS = BLK // L
NS1 = S2 - 1


def _inv_gauss_weights():
    coords = jnp.arange(SEARCH, dtype=jnp.float32)
    x_grid = jnp.broadcast_to(coords[None, :], (SEARCH, SEARCH))
    y_grid = x_grid.T
    mean = (SEARCH - 1) / 2.0
    g = (1.0 / (2.0 * math.pi * SIGMA ** 2)) * jnp.exp(
        -((x_grid - mean) ** 2 + (y_grid - mean) ** 2) / (2.0 * SIGMA ** 2))
    g = g / jnp.sum(g)
    return (1.0 - g).reshape(-1)


def _knn_body(rng_hbm, cls_hbm, px_hbm, py_hbm, u_hbm, w_hbm, out_hbm,
              pxA, pyA, uA, idxA, grA, selA, gcA, obA,
              pxB, pyB, uB, idxB, grB, selB, gcB, obB,
              wb, spr, spc,
              sPA, sRA, sCA, sOA, sPB, sRB, sCB, sOB):
    wid = lax.axis_index("s") * 2 + lax.axis_index("c")
    tile_base = wid * (NBLK * BLK)
    pltpu.sync_copy(w_hbm, wb)

    @pl.when(lax.axis_index("s") == 0)
    def _():
        pltpu.sync_copy(rng_hbm, spr)
        pltpu.sync_copy(cls_hbm, spc)
    plsc.subcore_barrier()

    bufA = (pxA, pyA, uA, idxA, grA, selA, gcA, obA, sPA, sRA, sCA, sOA)
    bufB = (pxB, pyB, uB, idxB, grB, selB, gcB, obB, sPB, sRB, sCB, sOB)

    def pts_desc(buf, blk):
        px, py, u = buf[0], buf[1], buf[2]
        base = tile_base + blk * BLK
        return (pltpu.make_async_copy(px_hbm.at[pl.ds(base, BLK)], px, buf[8]),
                pltpu.make_async_copy(py_hbm.at[pl.ds(base, BLK)], py, buf[8]),
                pltpu.make_async_copy(u_hbm.at[pl.ds(base, BLK)], u, buf[8]))

    def issue_pts(buf, blk):
        for d in pts_desc(buf, blk):
            d.start()

    def wait_pts(buf, blk):
        for d in pts_desc(buf, blk):
            d.wait()

    def rg_desc(buf):
        return pltpu.make_async_copy(spr.at[buf[3]], buf[4], buf[9])

    def cg_desc(buf):
        return pltpu.make_async_copy(spc.at[buf[5]], buf[6], buf[10])

    def out_desc(buf, blk):
        base = tile_base + blk * BLK
        return pltpu.make_async_copy(buf[7], out_hbm.at[pl.ds(base, BLK)],
                                     buf[11])

    def idxgen(buf):
        pxb, pyb, idxb = buf[0], buf[1], buf[3]

        def gen_body(j, _):
            j16 = j * L
            py_v = pyb[pl.ds(j16, L)]
            px_v = pxb[pl.ds(j16, L)]
            cols = [(px_v + (b - 2)) & (W - 1) for b in range(SEARCH)]
            for a in range(SEARCH):
                row = py_v + (a - 2)
                oob = (row < 0) | (row >= H)
                rowmul = row * W
                for b in range(SEARCH):
                    s = a * SEARCH + b
                    if s == CENTER:
                        continue
                    slot = s if s < CENTER else s - 1
                    idx = jnp.where(oob, OOB_SLOT, rowmul + cols[b])
                    idxb[pl.ds(slot * BLK + j16, L)] = idx
            return _
        lax.fori_loop(0, GROUPS, gen_body, None)

    def select(buf):
        pxb, pyb, ub, idxb, gr, selidx = (buf[0], buf[1], buf[2], buf[3],
                                          buf[4], buf[5])

        def sel_body(j, _):
            j16 = j * L
            u_v = ub[pl.ds(j16, L)]
            py_v = pyb[pl.ds(j16, L)]
            px_v = pxb[pl.ds(j16, L)]
            inf = jnp.full((L,), jnp.inf, jnp.float32)
            zero_i = jnp.zeros((L,), jnp.int32)
            NSEL = KNN_K - 1
            D = [inf] * NSEL
            I = [zero_i] * NSEL
            for s in range(S2):
                if s == CENTER:
                    continue
                slot = s if s < CENTER else s - 1
                i_v = idxb[pl.ds(slot * BLK + j16, L)]
                v = gr[pl.ds(slot * BLK + j16, L)]
                w_v = wb[pl.ds(s * L, L)]
                d = jnp.abs(v - u_v) * w_v
                lt = [d < D[k] for k in range(NSEL)]
                nD = [jnp.where(lt[0], d, D[0])]
                nI = [jnp.where(lt[0], i_v, I[0])]
                for k in range(1, NSEL):
                    tD = jnp.where(lt[k - 1], D[k - 1], d)
                    tI = jnp.where(lt[k - 1], I[k - 1], i_v)
                    nD.append(jnp.where(lt[k], tD, D[k]))
                    nI.append(jnp.where(lt[k], tI, I[k]))
                D, I = nD, nI
            selidx[pl.ds(j16, L)] = py_v * W + px_v
            for k in range(NSEL):
                img = jnp.where(D[k] > CUTOFF, CUT_SLOT, I[k])
                selidx[pl.ds((k + 1) * BLK + j16, L)] = img
            return _
        lax.fori_loop(0, GROUPS, sel_body, None)

    def vote(buf):
        gc, outb = buf[6], buf[7]

        def vote_body(j, _):
            j16 = j * L
            c = [gc[pl.ds(k * BLK + j16, L)] for k in range(KNN_K)]
            one = jnp.ones((L,), jnp.int32)
            zero = jnp.zeros((L,), jnp.int32)
            e = {}
            for k in range(KNN_K):
                for m in range(k + 1, KNN_K):
                    e[(k, m)] = jnp.where(c[k] == c[m], one, zero)
            best = zero
            for k in range(KNN_K):
                cnt = one
                for m in range(KNN_K):
                    if m != k:
                        cnt = cnt + e[(min(k, m), max(k, m))]
                valid = (c[k] != 0) & (c[k] != NCLASSES)
                key = jnp.where(valid, cnt * 64 + (63 - c[k]), zero)
                best = jnp.maximum(best, key)
            outb[pl.ds(j16, L)] = jnp.where(best > 0, 63 - (best & 63), one)
            return _
        lax.fori_loop(0, GROUPS, vote_body, None)

    def pair_body(i, _):
        blkA = 2 * i
        issue_pts(bufA, blkA)
        wait_pts(bufA, blkA)
        idxgen(bufA)
        rg_desc(bufA).start()
        issue_pts(bufB, blkA + 1)
        wait_pts(bufB, blkA + 1)
        idxgen(bufB)
        rg_desc(bufB).start()

        rg_desc(bufA).wait()
        select(bufA)
        cg_desc(bufA).start()

        rg_desc(bufB).wait()
        select(bufB)
        cg_desc(bufB).start()

        cg_desc(bufA).wait()
        vote(bufA)
        out_desc(bufA, blkA).start()
        out_desc(bufA, blkA).wait()

        cg_desc(bufB).wait()
        vote(bufB)
        out_desc(bufB, blkA + 1).start()
        out_desc(bufB, blkA + 1).wait()
        return _

    lax.fori_loop(0, NBLK // 2, pair_body, None)


@functools.partial(jax.jit, static_argnames=())
def _knn_sc(rng_flat, cls_flat, pxp, pyp, up, wrep):
    mesh = plsc.VectorSubcoreMesh(core_axis_name="c", subcore_axis_name="s")

    def one_buf():
        return [
            pltpu.VMEM((BLK,), jnp.int32),
            pltpu.VMEM((BLK,), jnp.int32),
            pltpu.VMEM((BLK,), jnp.float32),
            pltpu.VMEM((NS1 * BLK,), jnp.int32),
            pltpu.VMEM((NS1 * BLK,), jnp.float32),
            pltpu.VMEM((KNN_K * BLK,), jnp.int32),
            pltpu.VMEM((KNN_K * BLK,), jnp.int32),
            pltpu.VMEM((BLK,), jnp.int32),
        ]

    f = pl.kernel(
        _knn_body,
        out_type=jax.ShapeDtypeStruct((NP,), jnp.int32),
        mesh=mesh,
        scratch_types=(
            one_buf() + one_buf()
            + [pltpu.VMEM((S2 * L,), jnp.float32)]
            + [pltpu.VMEM_SHARED((HW + 8,), jnp.float32),
               pltpu.VMEM_SHARED((HW + 8,), jnp.int32)]
            + [pltpu.SemaphoreType.DMA] * 8
        ),
    )
    return f(rng_flat, cls_flat, pxp, pyp, up, wrep)


def kernel(proj_range, unproj_range, proj_argmax, px, py):
    N = unproj_range.shape[0]
    pad_img_r = jnp.zeros((8,), jnp.float32)
    pad_img_c = jnp.zeros((8,), jnp.int32).at[1].set(NCLASSES)
    rng_flat = jnp.concatenate([proj_range.reshape(-1), pad_img_r])
    cls_flat = jnp.concatenate([proj_argmax.reshape(-1).astype(jnp.int32),
                                pad_img_c])
    pad_n = NP - N
    pxp = jnp.pad(px.astype(jnp.int32), (0, pad_n))
    pyp = jnp.pad(py.astype(jnp.int32), (0, pad_n))
    up = jnp.pad(unproj_range.astype(jnp.float32), (0, pad_n))
    wrep = jnp.repeat(_inv_gauss_weights(), L)
    out = _knn_sc(rng_flat, cls_flat, pxp, pyp, up, wrep)
    return out[:N].astype(jnp.int32)

# --- scband reference (transcript-rebuilt; emitter-appended) ---
"""Pipeline reference for scband-knn-9320079032360 (READ-ONLY COPY).

The authoritative reference and input builder live on the scoring server;
editing this copy changes nothing except your own understanding.
"""

import math
import jax, jax.numpy as jnp
import numpy as np

KNN_K = 5
SEARCH = 5
SIGMA = 1.0
CUTOFF = 1.0
NCLASSES = 20


def get_gaussian_kernel(kernel_size, sigma):
    coords = jnp.arange(kernel_size, dtype=jnp.float32)
    x_grid = jnp.broadcast_to(coords[None, :], (kernel_size, kernel_size))
    y_grid = x_grid.T
    mean = (kernel_size - 1) / 2.0
    variance = sigma ** 2.0
    g = (1.0 / (2.0 * math.pi * variance)) * jnp.exp(
        -((x_grid - mean) ** 2 + (y_grid - mean) ** 2) / (2.0 * variance))
    g = g / jnp.sum(g)
    return g


def _unfold_circular_w(img, search):
    # img: [H, W]. Circular pad width by pad, zero pad height by pad,
    # then extract search*search patches -> [search*search, H*W]
    H, W = img.shape
    pad = (search - 1) // 2
    p = jnp.concatenate([img[:, W - pad:], img, img[:, :pad]], axis=1)
    p = jnp.pad(p, ((pad, pad), (0, 0)))
    cols = [p[i:i + H, j:j + W] for i in range(search) for j in range(search)]
    return jnp.stack(cols, axis=0).reshape(search * search, H * W)


def setup_inputs(seed: int = 0) -> dict:
    key = jax.random.key(seed)
    k1, k2, k3, k4, k5 = jax.random.split(key, 5)
    H, W, N = 64, 2048, 130000
    proj_range = jax.random.uniform(k1, (H, W), dtype=jnp.float32)
    unproj_range = jax.random.uniform(k2, (N,), dtype=jnp.float32)
    proj_argmax = jax.random.randint(k3, (H, W), 0, NCLASSES).astype(jnp.int32)
    px = jax.random.randint(k4, (N,), 0, W).astype(jnp.int32)
    py = jax.random.randint(k5, (N,), 0, H).astype(jnp.int32)
    return {"proj_range": proj_range, "unproj_range": unproj_range,
            "proj_argmax": proj_argmax, "px": px, "py": py}


def reference(proj_range, unproj_range, proj_argmax, px, py):
    H, W = proj_range.shape
    N = unproj_range.shape[0]
    search = SEARCH
    S2 = search * search

    idx_list = (py.astype(jnp.int32) * W + px.astype(jnp.int32))

    proj_unfold = _unfold_circular_w(proj_range, search)        # [S2, H*W]
    unproj_neigh = proj_unfold[:, idx_list]                      # [S2, N]
    unproj_neigh = jnp.where(unproj_neigh < 0, jnp.inf, unproj_neigh)
    center = (S2 - 1) // 2
    unproj_neigh = unproj_neigh.at[center].set(unproj_range)

    k2_dist = jnp.abs(unproj_neigh - unproj_range[None, :])     # [S2, N]
    inv_gauss = (1.0 - get_gaussian_kernel(search, SIGMA)).reshape(-1)[:, None]
    k2_dist = k2_dist * inv_gauss.astype(proj_range.dtype)

    # smallest-k along neighbor axis
    _, knn_idx = jax.lax.top_k(-k2_dist.T, KNN_K)               # [N, k]
    knn_idx = knn_idx.T                                          # [k, N]

    arg_unfold = _unfold_circular_w(proj_argmax.astype(jnp.float32), search).astype(jnp.int32)
    argmax_neigh = arg_unfold[:, idx_list]                       # [S2, N]
    knn_argmax = jnp.take_along_axis(argmax_neigh, knn_idx, axis=0)  # [k, N]

    if CUTOFF > 0:
        knn_dist = jnp.take_along_axis(k2_dist, knn_idx, axis=0)
        knn_argmax = jnp.where(knn_dist > CUTOFF, NCLASSES, knn_argmax)

    cols = jnp.broadcast_to(jnp.arange(N), (KNN_K, N))
    votes = jnp.zeros((NCLASSES + 1, N), dtype=proj_range.dtype)
    votes = votes.at[knn_argmax, cols].add(1.0)

    knn_out = jnp.argmax(votes[1:-1], axis=0) + 1               # [N]
    return knn_out.astype(jnp.int32)

if __name__ == "__main__":
    import jax
    _d = setup_inputs()
    print(jax.jit(kernel)(*tuple(_d.values())))

</pallas_src>

<mosaic_0001>
#map = affine_map<(d0, d1) -> (0)>
module attributes {stable_mosaic.version = 14 : i64} {
  func.func @_knn_body(%arg0: i32, %arg1: i32, %arg2: memref<131080xf32, #tpu.memory_space<hbm>>, %arg3: memref<131080xi32, #tpu.memory_space<hbm>>, %arg4: memref<131072xi32, #tpu.memory_space<hbm>>, %arg5: memref<131072xi32, #tpu.memory_space<hbm>>, %arg6: memref<131072xf32, #tpu.memory_space<hbm>>, %arg7: memref<400xf32, #tpu.memory_space<hbm>>, %arg8: memref<131072xi32, #tpu.memory_space<hbm>>, %arg9: memref<512xi32, #tpu.memory_space<vmem>>, %arg10: memref<512xi32, #tpu.memory_space<vmem>>, %arg11: memref<512xf32, #tpu.memory_space<vmem>>, %arg12: memref<12288xi32, #tpu.memory_space<vmem>>, %arg13: memref<12288xf32, #tpu.memory_space<vmem>>, %arg14: memref<2560xi32, #tpu.memory_space<vmem>>, %arg15: memref<2560xi32, #tpu.memory_space<vmem>>, %arg16: memref<512xi32, #tpu.memory_space<vmem>>, %arg17: memref<512xi32, #tpu.memory_space<vmem>>, %arg18: memref<512xi32, #tpu.memory_space<vmem>>, %arg19: memref<512xf32, #tpu.memory_space<vmem>>, %arg20: memref<12288xi32, #tpu.memory_space<vmem>>, %arg21: memref<12288xf32, #tpu.memory_space<vmem>>, %arg22: memref<2560xi32, #tpu.memory_space<vmem>>, %arg23: memref<2560xi32, #tpu.memory_space<vmem>>, %arg24: memref<512xi32, #tpu.memory_space<vmem>>, %arg25: memref<400xf32, #tpu.memory_space<vmem>>, %arg26: memref<131080xf32, #tpu.memory_space<vmem_shared>>, %arg27: memref<131080xi32, #tpu.memory_space<vmem_shared>>, %arg28: memref<!tpu.dma_semaphore, #tpu.memory_space<semaphore_mem>>, %arg29: memref<!tpu.dma_semaphore, #tpu.memory_space<semaphore_mem>>, %arg30: memref<!tpu.dma_semaphore, #tpu.memory_space<semaphore_mem>>, %arg31: memref<!tpu.dma_semaphore, #tpu.memory_space<semaphore_mem>>, %arg32: memref<!tpu.dma_semaphore, #tpu.memory_space<semaphore_mem>>, %arg33: memref<!tpu.dma_semaphore, #tpu.memory_space<semaphore_mem>>, %arg34: memref<!tpu.dma_semaphore, #tpu.memory_space<semaphore_mem>>, %arg35: memref<!tpu.dma_semaphore, #tpu.memory_space<semaphore_mem>>) attributes {dimension_semantics = [#tpu.dimension_semantics<core_parallel>, #tpu.dimension_semantics<subcore_parallel>], iteration_bounds = array<i64: 2, 16>, scalar_prefetch = 0 : i64, scratch_operands = 27 : i64, tpu.core_type = #tpu.core_type<sc_vector_subcore>, window_params = [{transform_indices = #map}, {transform_indices = #map}, {transform_indices = #map}, {transform_indices = #map}, {transform_indices = #map}, {transform_indices = #map}, {transform_indices = #map}]} {
    %mul3A = arith.constant 2 : i32
    %mul3A_0 = arith.muli %arg1, %mul3A : i32
    %add3A = arith.addi %mul3A_0, %arg0 : i32
    %mul3A_1 = arith.constant 4096 : i32
    %mul3A_2 = arith.muli %add3A, %mul3A_1 : i32
    "tpu.region"() ({
      %run_scoped3A = tpu.sem_alloc : memref<!tpu.dma_semaphore, #tpu.memory_space<semaphore_mem>>
      tpu.enqueue_dma source(%arg7 : memref<400xf32, #tpu.memory_space<hbm>>) target(%arg25 : memref<400xf32, #tpu.memory_space<vmem>>) target_semaphore(%run_scoped3A : memref<!tpu.dma_semaphore, #tpu.memory_space<semaphore_mem>>)
      tpu.wait_dma2 semaphore(%run_scoped3A : memref<!tpu.dma_semaphore, #tpu.memory_space<semaphore_mem>>) src(%arg7 : memref<400xf32, #tpu.memory_space<hbm>>) dst(%arg25 : memref<400xf32, #tpu.memory_space<vmem>>)
      tpu.yield
    }) : () -> ()
    %eq3A = arith.constant 0 : i32
    %eq3A_3 = arith.cmpi eq, %arg1, %eq3A : i32
    %convert_element_type3A = arith.extui %eq3A_3 : i1 to i32
    %cond3A = arith.constant 0 : i32
    %cond3A_4 = arith.cmpi ne, %convert_element_type3A, %cond3A : i32
    scf.if %cond3A_4 {
      "tpu.region"() ({
        %run_scoped3A = tpu.sem_alloc : memref<!tpu.dma_semaphore, #tpu.memory_space<semaphore_mem>>
        tpu.enqueue_dma source(%arg2 : memref<131080xf32, #tpu.memory_space<hbm>>) target(%arg26 : memref<131080xf32, #tpu.memory_space<vmem_shared>>) target_semaphore(%run_scoped3A : memref<!tpu.dma_semaphore, #tpu.memory_space<semaphore_mem>>)
        tpu.wait_dma2 semaphore(%run_scoped3A : memref<!tpu.dma_semaphore, #tpu.memory_space<semaphore_mem>>) src(%arg2 : memref<131080xf32, #tpu.memory_space<hbm>>) dst(%arg26 : memref<131080xf32, #tpu.memory_space<vmem_shared>>)
        tpu.yield
      }) : () -> ()
      "tpu.region"() ({
        %run_scoped3A = tpu.sem_alloc : memref<!tpu.dma_semaphore, #tpu.memory_space<semaphore_mem>>
        tpu.enqueue_dma source(%arg3 : memref<131080xi32, #tpu.memory_space<hbm>>) target(%arg27 : memref<131080xi32, #tpu.memory_space<vmem_shared>>) target_semaphore(%run_scoped3A : memref<!tpu.dma_semaphore, #tpu.memory_space<semaphore_mem>>)
        tpu.wait_dma2 semaphore(%run_scoped3A : memref<!tpu.dma_semaphore, #tpu.memory_space<semaphore_mem>>) src(%arg3 : memref<131080xi32, #tpu.memory_space<hbm>>) dst(%arg27 : memref<131080xi32, #tpu.memory_space<vmem_shared>>)
        tpu.yield
      }) : () -> ()
    } else {
    }
    %barrier3A = arith.constant 0 : index
    tpu.barrier barrier_id(%barrier3A)
    %scan3A = arith.constant 0 : i32
    %scan3A_5 = arith.constant 4 : i32
    %scan3A_6 = arith.addi %scan3A, %scan3A_5 : i32
    %scan3A_7 = arith.constant 1 : i32
    scf.for %scan3A_9 = %scan3A to %scan3A_6 step %scan3A_7  : i32 {
      %mul3A_10 = arith.constant 2 : i32
      %mul3A_11 = arith.muli %mul3A_10, %scan3A_9 : i32
      %mul3A_12 = arith.constant 512 : i32
      %mul3A_13 = arith.muli %mul3A_11, %mul3A_12 : i32
      %add3A_14 = arith.addi %mul3A_2, %mul3A_13 : i32
      %dma_start3A = tpu.memref_slice %arg4[%add3A_14] : memref<131072xi32, #tpu.memory_space<hbm>> -> memref<512xi32, #tpu.memory_space<hbm>>
      %dma_start3A_15 = tpu.memref_slice %arg4[%add3A_14] : memref<131072xi32, #tpu.memory_space<hbm>> -> memref<512xi32, #tpu.memory_space<hbm>>
      tpu.enqueue_dma source(%dma_start3A_15 : memref<512xi32, #tpu.memory_space<hbm>>) target(%arg9 : memref<512xi32, #tpu.memory_space<vmem>>) target_semaphore(%arg28 : memref<!tpu.dma_semaphore, #tpu.memory_space<semaphore_mem>>)
      %dma_start3A_16 = tpu.memref_slice %arg5[%add3A_14] : memref<131072xi32, #tpu.memory_space<hbm>> -> memref<512xi32, #tpu.memory_space<hbm>>
      %dma_start3A_17 = tpu.memref_slice %arg5[%add3A_14] : memref<131072xi32, #tpu.memory_space<hbm>> -> memref<512xi32, #tpu.memory_space<hbm>>
      tpu.enqueue_dma source(%dma_start3A_17 : memref<512xi32, #tpu.memory_space<hbm>>) target(%arg10 : memref<512xi32, #tpu.memory_space<vmem>>) target_semaphore(%arg28 : memref<!tpu.dma_semaphore, #tpu.memory_space<semaphore_mem>>)
      %dma_start3A_18 = tpu.memref_slice %arg6[%add3A_14] : memref<131072xf32, #tpu.memory_space<hbm>> -> memref<512xf32, #tpu.memory_space<hbm>>
      %dma_start3A_19 = tpu.memref_slice %arg6[%add3A_14] : memref<131072xf32, #tpu.memory_space<hbm>> -> memref<512xf32, #tpu.memory_space<hbm>>
      tpu.enqueue_dma source(%dma_start3A_19 : memref<512xf32, #tpu.memory_space<hbm>>) target(%arg11 : memref<512xf32, #tpu.memory_space<vmem>>) target_semaphore(%arg28 : memref<!tpu.dma_semaphore, #tpu.memory_space<semaphore_mem>>)
      %mul3A_20 = arith.constant 512 : i32
      %mul3A_21 = arith.muli %mul3A_11, %mul3A_20 : i32
      %add3A_22 = arith.addi %mul3A_2, %mul3A_21 : i32
      %dma_wait3A = tpu.memref_slice %arg4[%add3A_22] : memref<131072xi32, #tpu.memory_space<hbm>> -> memref<512xi32, #tpu.memory_space<hbm>>
      %dma_wait3A_23 = tpu.memref_slice %arg4[%add3A_22] : memref<131072xi32, #tpu.memory_space<hbm>> -> memref<512xi32, #tpu.memory_space<hbm>>
      tpu.wait_dma2 semaphore(%arg28 : memref<!tpu.dma_semaphore, #tpu.memory_space<semaphore_mem>>) src(%dma_wait3A_23 : memref<512xi32, #tpu.memory_space<hbm>>) dst(%arg9 : memref<512xi32, #tpu.memory_space<vmem>>)
      %dma_wait3A_24 = tpu.memref_slice %arg5[%add3A_22] : memref<131072xi32, #tpu.memory_space<hbm>> -> memref<512xi32, #tpu.memory_space<hbm>>
      %dma_wait3A_25 = tpu.memref_slice %arg5[%add3A_22] : memref<131072xi32, #tpu.memory_space<hbm>> -> memref<512xi32, #tpu.memory_space<hbm>>
      tpu.wait_dma2 semaphore(%arg28 : memref<!tpu.dma_semaphore, #tpu.memory_space<semaphore_mem>>) src(%dma_wait3A_25 : memref<512xi32, #tpu.memory_space<hbm>>) dst(%arg10 : memref<512xi32, #tpu.memory_space<vmem>>)
      %dma_wait3A_26 = tpu.memref_slice %arg6[%add3A_22] : memref<131072xf32, #tpu.memory_space<hbm>> -> memref<512xf32, #tpu.memory_space<hbm>>
      %dma_wait3A_27 = tpu.memref_slice %arg6[%add3A_22] : memref<131072xf32, #tpu.memory_space<hbm>> -> memref<512xf32, #tpu.memory_space<hbm>>
      tpu.wait_dma2 semaphore(%arg28 : memref<!tpu.dma_semaphore, #tpu.memory_space<semaphore_mem>>) src(%dma_wait3A_27 : memref<512xf32, #tpu.memory_space<hbm>>) dst(%arg11 : memref<512xf32, #tpu.memory_space<vmem>>)
      %scan3A_28 = arith.constant 0 : i32
      %scan3A_29 = arith.constant 32 : i32
      %scan3A_30 = arith.addi %scan3A_28, %scan3A_29 : i32
      %scan3A_31 = arith.constant 1 : i32
      scf.for %scan3A_120 = %scan3A_28 to %scan3A_30 step %scan3A_31  : i32 {
        %mul3A_121 = arith.constant 16 : i32
        %mul3A_122 = arith.muli %scan3A_120, %mul3A_121 : i32
        %get3A = arith.index_cast %mul3A_122 : i32 to index
        %get3A_123 = tpu.vector_load %arg10[%get3A] {strides = array<i32>} : memref<512xi32, #tpu.memory_space<vmem>>, vector<16xi32>,
        %get3A_124 = vector.shape_cast %get3A_123 : vector<16xi32> to vector<16xi32>
        %get3A_125 = arith.index_cast %mul3A_122 : i32 to index
        %get3A_126 = tpu.vector_load %arg9[%get3A_125] {strides = array<i32>} : memref<512xi32, #tpu.memory_space<vmem>>, vector<16xi32>,
        %get3A_127 = vector.shape_cast %get3A_126 : vector<16xi32> to vector<16xi32>
        %add3A_128 = arith.constant -2 : i32
        %add3A_129 = vector.broadcast %add3A_128 : i32 to vector<16xi32>
        %add3A_130 = arith.addi %get3A_127, %add3A_129 : vector<16xi32>
        %and3A = arith.constant 2047 : i32
        %and3A_131 = vector.broadcast %and3A : i32 to vector<16xi32>
        %and3A_132 = arith.andi %add3A_130, %and3A_131 : vector<16xi32>
        %add3A_133 = arith.constant -1 : i32
        %add3A_134 = vector.broadcast %add3A_133 : i32 to vector<16xi32>
        %add3A_135 = arith.addi %get3A_127, %add3A_134 : vector<16xi32>
        %and3A_136 = arith.constant 2047 : i32
        %and3A_137 = vector.broadcast %and3A_136 : i32 to vector<16xi32>
        %and3A_138 = arith.andi %add3A_135, %and3A_137 : vector<16xi32>
        %add3A_139 = arith.constant 0 : i32
        %add3A_140 = vector.broadcast %add3A_139 : i32 to vector<16xi32>
        %add3A_141 = arith.addi %get3A_127, %add3A_140 : vector<16xi32>
        %and3A_142 = arith.constant 2047 : i32
        %and3A_143 = vector.broadcast %and3A_142 : i32 to vector<16xi32>
        %and3A_144 = arith.andi %add3A_141, %and3A_143 : vector<16xi32>
        %add3A_145 = arith.constant 1 : i32
        %add3A_146 = vector.broadcast %add3A_145 : i32 to vector<16xi32>
        %add3A_147 = arith.addi %get3A_127, %add3A_146 : vector<16xi32>
        %and3A_148 = arith.constant 2047 : i32
        %and3A_149 = vector.broadcast %and3A_148 : i32 to vector<16xi32>
        %and3A_150 = arith.andi %add3A_147, %and3A_149 : vector<16xi32>
        %add3A_151 = arith.constant 2 : i32
        %add3A_152 = vector.broadcast %add3A_151 : i32 to vector<16xi32>
        %add3A_153 = arith.addi %get3A_127, %add3A_152 : vector<16xi32>
        %and3A_154 = arith.constant 2047 : i32
        %and3A_155 = vector.broadcast %and3A_154 : i32 to vector<16xi32>
        %and3A_156 = arith.andi %add3A_153, %and3A_155 : vector<16xi32>
        %add3A_157 = arith.constant -2 : i32
        %add3A_158 = vector.broadcast %add3A_157 : i32 to vector<16xi32>
        %add3A_159 = arith.addi %get3A_124, %add3A_158 : vector<16xi32>
        %lt3A = arith.constant 0 : i32
        %lt3A_160 = vector.broadcast %lt3A : i32 to vector<16xi32>
        %lt3A_161 = arith.cmpi slt, %add3A_159, %lt3A_160 : vector<16xi32>
        %ge3A = arith.constant 64 : i32
        %ge3A_162 = vector.broadcast %ge3A : i32 to vector<16xi32>
        %ge3A_163 = arith.cmpi sge, %add3A_159, %ge3A_162 : vector<16xi32>
        %or3A = arith.ori %lt3A_161, %ge3A_163 : vector<16xi1>
        %mul3A_164 = arith.constant 2048 : i32
        %mul3A_165 = vector.broadcast %mul3A_164 : i32 to vector<16xi32>
        %mul3A_166 = arith.muli %add3A_159, %mul3A_165 : vector<16xi32>
        %add3A_167 = arith.addi %mul3A_166, %and3A_132 : vector<16xi32>
        %jit3A = arith.constant 131072 : i32
        %broadcast_in_dim3A = vector.broadcast %jit3A : i32 to vector<16xi32>
        %select_n3A = arith.select %or3A, %broadcast_in_dim3A, %add3A_167 : vector<16xi1>, vector<16xi32>
        %add3A_168 = arith.constant 0 : i32
        %add3A_169 = arith.addi %add3A_168, %mul3A_122 : i32
        %swap3A = arith.index_cast %add3A_169 : i32 to index
        %swap3A_170 = tpu.vector_load %arg12[%swap3A] {strides = array<i32>} : memref<12288xi32, #tpu.memory_space<vmem>>, vector<16xi32>,
        %swap3A_171 = vector.shape_cast %swap3A_170 : vector<16xi32> to vector<16xi32>
        %swap3A_172 = vector.shape_cast %select_n3A : vector<16xi32> to vector<16xi32>
        tpu.vector_store %arg12[%swap3A], %swap3A_172 {strides = array<i32>} : memref<12288xi32, #tpu.memory_space<vmem>>, vector<16xi32>,
        %add3A_173 = arith.addi %mul3A_166, %and3A_138 : vector<16xi32>
        %jit3A_174 = arith.constant 131072 : i32
        %broadcast_in_dim3A_175 = vector.broadcast %jit3A_174 : i32 to vector<16xi32>
        %select_n3A_176 = arith.select %or3A, %broadcast_in_dim3A_175, %add3A_173 : vector<16xi1>, vector<16xi32>
        %add3A_177 = arith.constant 512 : i32
        %add3A_178 = arith.addi %add3A_177, %mul3A_122 : i32
        %swap3A_179 = arith.index_cast %add3A_178 : i32 to index
        %swap3A_180 = tpu.vector_load %arg12[%swap3A_179] {strides = array<i32>} : memref<12288xi32, #tpu.memory_space<vmem>>, vector<16xi32>,
        %swap3A_181 = vector.shape_cast %swap3A_180 : vector<16xi32> to vector<16xi32>
        %swap3A_182 = vector.shape_cast %select_n3A_176 : vector<16xi32> to vector<16xi32>
        tpu.vector_store %arg12[%swap3A_179], %swap3A_182 {strides = array<i32>} : memref<12288xi32, #tpu.memory_space<vmem>>, vector<16xi32>,
        %add3A_183 = arith.addi %mul3A_166, %and3A_144 : vector<16xi32>
        %jit3A_184 = arith.constant 131072 : i32
        %broadcast_in_dim3A_185 = vector.broadcast %jit3A_184 : i32 to vector<16xi32>
        %select_n3A_186 = arith.select %or3A, %broadcast_in_dim3A_185, %add3A_183 : vector<16xi1>, vector<16xi32>
        %add3A_187 = arith.constant 1024 : i32
        %add3A_188 = arith.addi %add3A_187, %mul3A_122 : i32
        %swap3A_189 = arith.index_cast %add3A_188 : i32 to index
        %swap3A_190 = tpu.vector_load %arg12[%swap3A_189] {strides = array<i32>} : memref<12288xi32, #tpu.memory_space<vmem>>, vector<16xi32>,
        %swap3A_191 = vector.shape_cast %swap3A_190 : vector<16xi32> to vector<16xi32>
        %swap3A_192 = vector.shape_cast %select_n3A_186 : vector<16xi32> to vector<16xi32>
        tpu.vector_store %arg12[%swap3A_189], %swap3A_192 {strides = array<i32>} : memref<12288xi32, #tpu.memory_space<vmem>>, vector<16xi32>,
        %add3A_193 = arith.addi %mul3A_166, %and3A_150 : vector<16xi32>
        %jit3A_194 = arith.constant 131072 : i32
        %broadcast_in_dim3A_195 = vector.broadcast %jit3A_194 : i32 to vector<16xi32>
        %select_n3A_196 = arith.select %or3A, %broadcast_in_dim3A_195, %add3A_193 : vector<16xi1>, vector<16xi32>
        %add3A_197 = arith.constant 1536 : i32
        %add3A_198 = arith.addi %add3A_197, %mul3A_122 : i32
        %swap3A_199 = arith.index_cast %add3A_198 : i32 to index
        %swap3A_200 = tpu.vector_load %arg12[%swap3A_199] {strides = array<i32>} : memref<12288xi32, #tpu.memory_space<vmem>>, vector<16xi32>,
        %swap3A_201 = vector.shape_cast %swap3A_200 : vector<16xi32> to vector<16xi32>
        %swap3A_202 = vector.shape_cast %select_n3A_196 : vector<16xi32> to vector<16xi32>
        tpu.vector_store %arg12[%swap3A_199], %swap3A_202 {strides = array<i32>} : memref<12288xi32, #tpu.memory_space<vmem>>, vector<16xi32>,
        %add3A_203 = arith.addi %mul3A_166, %and3A_156 : vector<16xi32>
        %jit3A_204 = arith.constant 131072 : i32
        %broadcast_in_dim3A_205 = vector.broadcast %jit3A_204 : i32 to vector<16xi32>
        %select_n3A_206 = arith.select %or3A, %broadcast_in_dim3A_205, %add3A_203 : vector<16xi1>, vector<16xi32>
        %add3A_207 = arith.constant 2048 : i32
        %add3A_208 = arith.addi %add3A_207, %mul3A_122 : i32
        %swap3A_209 = arith.index_cast %add3A_208 : i32 to index
        %swap3A_210 = tpu.vector_load %arg12[%swap3A_209] {strides = array<i32>} : memref<12288xi32, #tpu.memory_space<vmem>>, vector<16xi32>,
        %swap3A_211 = vector.shape_cast %swap3A_210 : vector<16xi32> to vector<16xi32>
        %swap3A_212 = vector.shape_cast %select_n3A_206 : vector<16xi32> to vector<16xi32>
        tpu.vector_store %arg12[%swap3A_209], %swap3A_212 {strides = array<i32>} : memref<12288xi32, #tpu.memory_space<vmem>>, vector<16xi32>,
        %add3A_213 = arith.constant -1 : i32
        %add3A_214 = vector.broadcast %add3A_213 : i32 to vector<16xi32>
        %add3A_215 = arith.addi %get3A_124, %add3A_214 : vector<16xi32>
        %lt3A_216 = arith.constant 0 : i32
        %lt3A_217 = vector.broadcast %lt3A_216 : i32 to vector<16xi32>
        %lt3A_218 = arith.cmpi slt, %add3A_215, %lt3A_217 : vector<16xi32>
        %ge3A_219 = arith.constant 64 : i32
        %ge3A_220 = vector.broadcast %ge3A_219 : i32 to vector<16xi32>
        %ge3A_221 = arith.cmpi sge, %add3A_215, %ge3A_220 : vector<16xi32>
        %or3A_222 = arith.ori %lt3A_218, %ge3A_221 : vector<16xi1>
        %mul3A_223 = arith.constant 2048 : i32
        %mul3A_224 = vector.broadcast %mul3A_223 : i32 to vector<16xi32>
        %mul3A_225 = arith.muli %add3A_215, %mul3A_224 : vector<16xi32>
        %add3A_226 = arith.addi %mul3A_225, %and3A_132 : vector<16xi32>
        %jit3A_227 = arith.constant 131072 : i32
        %broadcast_in_dim3A_228 = vector.broadcast %jit3A_227 : i32 to vector<16xi32>
        %select_n3A_229 = arith.select %or3A_222, %broadcast_in_dim3A_228, %add3A_226 : vector<16xi1>, vector<16xi32>
        %add3A_230 = arith.constant 2560 : i32
        %add3A_231 = arith.addi %add3A_230, %mul3A_122 : i32
        %swap3A_232 = arith.index_cast %add3A_231 : i32 to index
        %swap3A_233 = tpu.vector_load %arg12[%swap3A_232] {strides = array<i32>} : memref<12288xi32, #tpu.memory_space<vmem>>, vector<16xi32>,
        %swap3A_234 = vector.shape_cast %swap3A_233 : vector<16xi32> to vector<16xi32>
        %swap3A_235 = vector.shape_cast %select_n3A_229 : vector<16xi32> to vector<16xi32>
        tpu.vector_store %arg12[%swap3A_232], %swap3A_235 {strides = array<i32>} : memref<12288xi32, #tpu.memory_space<vmem>>, vector<16xi32>,
        %add3A_236 = arith.addi %mul3A_225, %and3A_138 : vector<16xi32>
        %jit3A_237 = arith.constant 131072 : i32
        %broadcast_in_dim3A_238 = vector.broadcast %jit3A_237 : i32 to vector<16xi32>
        %select_n3A_239 = arith.select %or3A_222, %broadcast_in_dim3A_238, %add3A_236 : vector<16xi1>, vector<16xi32>
        %add3A_240 = arith.constant 3072 : i32
        %add3A_241 = arith.addi %add3A_240, %mul3A_122 : i32
        %swap3A_242 = arith.index_cast %add3A_241 : i32 to index
        %swap3A_243 = tpu.vector_load %arg12[%swap3A_242] {strides = array<i32>} : memref<12288xi32, #tpu.memory_space<vmem>>, vector<16xi32>,
        %swap3A_244 = vector.shape_cast %swap3A_243 : vector<16xi32> to vector<16xi32>
        %swap3A_245 = vector.shape_cast %select_n3A_239 : vector<16xi32> to vector<16xi32>
        tpu.vector_store %arg12[%swap3A_242], %swap3A_245 {strides = array<i32>} : memref<12288xi32, #tpu.memory_space<vmem>>, vector<16xi32>,
        %add3A_246 = arith.addi %mul3A_225, %and3A_144 : vector<16xi32>
        %jit3A_247 = arith.constant 131072 : i32
        %broadcast_in_dim3A_248 = vector.broadcast %jit3A_247 : i32 to vector<16xi32>
        %select_n3A_249 = arith.select %or3A_222, %broadcast_in_dim3A_248, %add3A_246 : vector<16xi1>, vector<16xi32>
        %add3A_250 = arith.constant 3584 : i32
        %add3A_251 = arith.addi %add3A_250, %mul3A_122 : i32
        %swap3A_252 = arith.index_cast %add3A_251 : i32 to index
        %swap3A_253 = tpu.vector_load %arg12[%swap3A_252] {strides = array<i32>} : memref<12288xi32, #tpu.memory_space<vmem>>, vector<16xi32>,
        %swap3A_254 = vector.shape_cast %swap3A_253 : vector<16xi32> to vector<16xi32>
        %swap3A_255 = vector.shape_cast %select_n3A_249 : vector<16xi32> to vector<16xi32>
        tpu.vector_store %arg12[%swap3A_252], %swap3A_255 {strides = array<i32>} : memref<12288xi32, #tpu.memory_space<vmem>>, vector<16xi32>,
        %add3A_256 = arith.addi %mul3A_225, %and3A_150 : vector<16xi32>
        %jit3A_257 = arith.constant 131072 : i32
        %broadcast_in_dim3A_258 = vector.broadcast %jit3A_257 : i32 to vector<16xi32>
        %select_n3A_259 = arith.select %or3A_222, %broadcast_in_dim3A_258, %add3A_256 : vector<16xi1>, vector<16xi32>
        %add3A_260 = arith.constant 4096 : i32
        %add3A_261 = arith.addi %add3A_260, %mul3A_122 : i32
        %swap3A_262 = arith.index_cast %add3A_261 : i32 to index
        %swap3A_263 = tpu.vector_load %arg12[%swap3A_262] {strides = array<i32>} : memref<12288xi32, #tpu.memory_space<vmem>>, vector<16xi32>,
        %swap3A_264 = vector.shape_cast %swap3A_263 : vector<16xi32> to vector<16xi32>
        %swap3A_265 = vector.shape_cast %select_n3A_259 : vector<16xi32> to vector<16xi32>
        tpu.vector_store %arg12[%swap3A_262], %swap3A_265 {strides = array<i32>} : memref<12288xi32, #tpu.memory_space<vmem>>, vector<16xi32>,
        %add3A_266 = arith.addi %mul3A_225, %and3A_156 : vector<16xi32>
        %jit3A_267 = arith.constant 131072 : i32
        %broadcast_in_dim3A_268 = vector.broadcast %jit3A_267 : i32 to vector<16xi32>
        %select_n3A_269 = arith.select %or3A_222, %broadcast_in_dim3A_268, %add3A_266 : vector<16xi1>, vector<16xi32>
        %add3A_270 = arith.constant 4608 : i32
        %add3A_271 = arith.addi %add3A_270, %mul3A_122 : i32
        %swap3A_272 = arith.index_cast %add3A_271 : i32 to index
        %swap3A_273 = tpu.vector_load %arg12[%swap3A_272] {strides = array<i32>} : memref<12288xi32, #tpu.memory_space<vmem>>, vector<16xi32>,
        %swap3A_274 = vector.shape_cast %swap3A_273 : vector<16xi32> to vector<16xi32>
        %swap3A_275 = vector.shape_cast %select_n3A_269 : vector<16xi32> to vector<16xi32>
        tpu.vector_store %arg12[%swap3A_272], %swap3A_275 {strides = array<i32>} : memref<12288xi32, #tpu.memory_space<vmem>>, vector<16xi32>,
        %add3A_276 = arith.constant 0 : i32
        %add3A_277 = vector.broadcast %add3A_276 : i32 to vector<16xi32>
        %add3A_278 = arith.addi %get3A_124, %add3A_277 : vector<16xi32>
        %lt3A_279 = arith.constant 0 : i32
        %lt3A_280 = vector.broadcast %lt3A_279 : i32 to vector<16xi32>
        %lt3A_281 = arith.cmpi slt, %add3A_278, %lt3A_280 : vector<16xi32>
        %ge3A_282 = arith.constant 64 : i32
        %ge3A_283 = vector.broadcast %ge3A_282 : i32 to vector<16xi32>
        %ge3A_284 = arith.cmpi sge, %add3A_278, %ge3A_283 : vector<16xi32>
        %or3A_285 = arith.ori %lt3A_281, %ge3A_284 : vector<16xi1>
        %mul3A_286 = arith.constant 2048 : i32
        %mul3A_287 = vector.broadcast %mul3A_286 : i32 to vector<16xi32>
        %mul3A_288 = arith.muli %add3A_278, %mul3A_287 : vector<16xi32>
        %add3A_289 = arith.addi %mul3A_288, %and3A_132 : vector<16xi32>
        %jit3A_290 = arith.constant 131072 : i32
        %broadcast_in_dim3A_291 = vector.broadcast %jit3A_290 : i32 to vector<16xi32>
        %select_n3A_292 = arith.select %or3A_285, %broadcast_in_dim3A_291, %add3A_289 : vector<16xi1>, vector<16xi32>
        %add3A_293 = arith.constant 5120 : i32
        %add3A_294 = arith.addi %add3A_293, %mul3A_122 : i32
        %swap3A_295 = arith.index_cast %add3A_294 : i32 to index
        %swap3A_296 = tpu.vector_load %arg12[%swap3A_295] {strides = array<i32>} : memref<12288xi32, #tpu.memory_space<vmem>>, vector<16xi32>,
        %swap3A_297 = vector.shape_cast %swap3A_296 : vector<16xi32> to vector<16xi32>
        %swap3A_298 = vector.shape_cast %select_n3A_292 : vector<16xi32> to vector<16xi32>
        tpu.vector_store %arg12[%swap3A_295], %swap3A_298 {strides = array<i32>} : memref<12288xi32, #tpu.memory_space<vmem>>, vector<16xi32>,
        %add3A_299 = arith.addi %mul3A_288, %and3A_138 : vector<16xi32>
        %jit3A_300 = arith.constant 131072 : i32
        %broadcast_in_dim3A_301 = vector.broadcast %jit3A_300 : i32 to vector<16xi32>
        %select_n3A_302 = arith.select %or3A_285, %broadcast_in_dim3A_301, %add3A_299 : vector<16xi1>, vector<16xi32>
        %add3A_303 = arith.constant 5632 : i32
        %add3A_304 = arith.addi %add3A_303, %mul3A_122 : i32
        %swap3A_305 = arith.index_cast %add3A_304 : i32 to index
        %swap3A_306 = tpu.vector_load %arg12[%swap3A_305] {strides = array<i32>} : memref<12288xi32, #tpu.memory_space<vmem>>, vector<16xi32>,
        %swap3A_307 = vector.shape_cast %swap3A_306 : vector<16xi32> to vector<16xi32>
        %swap3A_308 = vector.shape_cast %select_n3A_302 : vector<16xi32> to vector<16xi32>
        tpu.vector_store %arg12[%swap3A_305], %swap3A_308 {strides = array<i32>} : memref<12288xi32, #tpu.memory_space<vmem>>, vector<16xi32>,
        %add3A_309 = arith.addi %mul3A_288, %and3A_150 : vector<16xi32>
        %jit3A_310 = arith.constant 131072 : i32
        %broadcast_in_dim3A_311 = vector.broadcast %jit3A_310 : i32 to vector<16xi32>
        %select_n3A_312 = arith.select %or3A_285, %broadcast_in_dim3A_311, %add3A_309 : vector<16xi1>, vector<16xi32>
        %add3A_313 = arith.constant 6144 : i32
        %add3A_314 = arith.addi %add3A_313, %mul3A_122 : i32
        %swap3A_315 = arith.index_cast %add3A_314 : i32 to index
        %swap3A_316 = tpu.vector_load %arg12[%swap3A_315] {strides = array<i32>} : memref<12288xi32, #tpu.memory_space<vmem>>, vector<16xi32>,
        %swap3A_317 = vector.shape_cast %swap3A_316 : vector<16xi32> to vector<16xi32>
        %swap3A_318 = vector.shape_cast %select_n3A_312 : vector<16xi32> to vector<16xi32>
        tpu.vector_store %arg12[%swap3A_315], %swap3A_318 {strides = array<i32>} : memref<12288xi32, #tpu.memory_space<vmem>>, vector<16xi32>,
        %add3A_319 = arith.addi %mul3A_288, %and3A_156 : vector<16xi32>
        %jit3A_320 = arith.constant 131072 : i32
        %broadcast_in_dim3A_321 = vector.broadcast %jit3A_320 : i32 to vector<16xi32>
        %select_n3A_322 = arith.select %or3A_285, %broadcast_in_dim3A_321, %add3A_319 : vector<16xi1>, vector<16xi32>
        %add3A_323 = arith.constant 6656 : i32
        %add3A_324 = arith.addi %add3A_323, %mul3A_122 : i32
        %swap3A_325 = arith.index_cast %add3A_324 : i32 to index
        %swap3A_326 = tpu.vector_load %arg12[%swap3A_325] {strides = array<i32>} : memref<12288xi32, #tpu.memory_space<vmem>>, vector<16xi32>,
        %swap3A_327 = vector.shape_cast %swap3A_326 : vector<16xi32> to vector<16xi32>
        %swap3A_328 = vector.shape_cast %select_n3A_322 : vector<16xi32> to vector<16xi32>
        tpu.vector_store %arg12[%swap3A_325], %swap3A_328 {strides = array<i32>} : memref<12288xi32, #tpu.memory_space<vmem>>, vector<16xi32>,
        %add3A_329 = arith.constant 1 : i32
        %add3A_330 = vector.broadcast %add3A_329 : i32 to vector<16xi32>
        %add3A_331 = arith.addi %get3A_124, %add3A_330 : vector<16xi32>
        %lt3A_332 = arith.constant 0 : i32
        %lt3A_333 = vector.broadcast %lt3A_332 : i32 to vector<16xi32>
        %lt3A_334 = arith.cmpi slt, %add3A_331, %lt3A_333 : vector<16xi32>
        %ge3A_335 = arith.constant 64 : i32
        %ge3A_336 = vector.broadcast %ge3A_335 : i32 to vector<16xi32>
        %ge3A_337 = arith.cmpi sge, %add3A_331, %ge3A_336 : vector<16xi32>
        %or3A_338 = arith.ori %lt3A_334, %ge3A_337 : vector<16xi1>
        %mul3A_339 = arith.constant 2048 : i32
        %mul3A_340 = vector.broadcast %mul3A_339 : i32 to vector<16xi32>
        %mul3A_341 = arith.muli %add3A_331, %mul3A_340 : vector<16xi32>
        %add3A_342 = arith.addi %mul3A_341, %and3A_132 : vector<16xi32>
        %jit3A_343 = arith.constant 131072 : i32
        %broadcast_in_dim3A_344 = vector.broadcast %jit3A_343 : i32 to vector<16xi32>
        %select_n3A_345 = arith.select %or3A_338, %broadcast_in_dim3A_344, %add3A_342 : vector<16xi1>, vector<16xi32>
        %add3A_346 = arith.constant 7168 : i32
        %add3A_347 = arith.addi %add3A_346, %mul3A_122 : i32
        %swap3A_348 = arith.index_cast %add3A_347 : i32 to index
        %swap3A_349 = tpu.vector_load %arg12[%swap3A_348] {strides = array<i32>} : memref<12288xi32, #tpu.memory_space<vmem>>, vector<16xi32>,
        %swap3A_350 = vector.shape_cast %swap3A_349 : vector<16xi32> to vector<16xi32>
        %swap3A_351 = vector.shape_cast %select_n3A_345 : vector<16xi32> to vector<16xi32>
        tpu.vector_store %arg12[%swap3A_348], %swap3A_351 {strides = array<i32>} : memref<12288xi32, #tpu.memory_space<vmem>>, vector<16xi32>,
        %add3A_352 = arith.addi %mul3A_341, %and3A_138 : vector<16xi32>
        %jit3A_353 = arith.constant 131072 : i32
        %broadcast_in_dim3A_354 = vector.broadcast %jit3A_353 : i32 to vector<16xi32>
        %select_n3A_355 = arith.select %or3A_338, %broadcast_in_dim3A_354, %add3A_352 : vector<16xi1>, vector<16xi32>
        %add3A_356 = arith.constant 7680 : i32
        %add3A_357 = arith.addi %add3A_356, %mul3A_122 : i32
        %swap3A_358 = arith.index_cast %add3A_357 : i32 to index
        %swap3A_359 = tpu.vector_load %arg12[%swap3A_358] {strides = array<i32>} : memref<12288xi32, #tpu.memory_space<vmem>>, vector<16xi32>,
        %swap3A_360 = vector.shape_cast %swap3A_359 : vector<16xi32> to vector<16xi32>
        %swap3A_361 = vector.shape_cast %select_n3A_355 : vector<16xi32> to vector<16xi32>
        tpu.vector_store %arg12[%swap3A_358], %swap3A_361 {strides = array<i32>} : memref<12288xi32, #tpu.memory_space<vmem>>, vector<16xi32>,
        %add3A_362 = arith.addi %mul3A_341, %and3A_144 : vector<16xi32>
        %jit3A_363 = arith.constant 131072 : i32
        %broadcast_in_dim3A_364 = vector.broadcast %jit3A_363 : i32 to vector<16xi32>
        %select_n3A_365 = arith.select %or3A_338, %broadcast_in_dim3A_364, %add3A_362 : vector<16xi1>, vector<16xi32>
        %add3A_366 = arith.constant 8192 : i32
        %add3A_367 = arith.addi %add3A_366, %mul3A_122 : i32
        %swap3A_368 = arith.index_cast %add3A_367 : i32 to index
        %swap3A_369 = tpu.vector_load %arg12[%swap3A_368] {strides = array<i32>} : memref<12288xi32, #tpu.memory_space<vmem>>, vector<16xi32>,
        %swap3A_370 = vector.shape_cast %swap3A_369 : vector<16xi32> to vector<16xi32>
        %swap3A_371 = vector.shape_cast %select_n3A_365 : vector<16xi32> to vector<16xi32>
        tpu.vector_store %arg12[%swap3A_368], %swap3A_371 {strides = array<i32>} : memref<12288xi32, #tpu.memory_space<vmem>>, vector<16xi32>,
        %add3A_372 = arith.addi %mul3A_341, %and3A_150 : vector<16xi32>
        %jit3A_373 = arith.constant 131072 : i32
        %broadcast_in_dim3A_374 = vector.broadcast %jit3A_373 : i32 to vector<16xi32>
        %select_n3A_375 = arith.select %or3A_338, %broadcast_in_dim3A_374, %add3A_372 : vector<16xi1>, vector<16xi32>
        %add3A_376 = arith.constant 8704 : i32
        %add3A_377 = arith.addi %add3A_376, %mul3A_122 : i32
        %swap3A_378 = arith.index_cast %add3A_377 : i32 to index
        %swap3A_379 = tpu.vector_load %arg12[%swap3A_378] {strides = array<i32>} : memref<12288xi32, #tpu.memory_space<vmem>>, vector<16xi32>,
        %swap3A_380 = vector.shape_cast %swap3A_379 : vector<16xi32> to vector<16xi32>
        %swap3A_381 = vector.shape_cast %select_n3A_375 : vector<16xi32> to vector<16xi32>
        tpu.vector_store %arg12[%swap3A_378], %swap3A_381 {strides = array<i32>} : memref<12288xi32, #tpu.memory_space<vmem>>, vector<16xi32>,
        %add3A_382 = arith.addi %mul3A_341, %and3A_156 : vector<16xi32>
        %jit3A_383 = arith.constant 131072 : i32
        %broadcast_in_dim3A_384 = vector.broadcast %jit3A_383 : i32 to vector<16xi32>
        %select_n3A_385 = arith.select %or3A_338, %broadcast_in_dim3A_384, %add3A_382 : vector<16xi1>, vector<16xi32>
        %add3A_386 = arith.constant 9216 : i32
        %add3A_387 = arith.addi %add3A_386, %mul3A_122 : i32
        %swap3A_388 = arith.index_cast %add3A_387 : i32 to index
        %swap3A_389 = tpu.vector_load %arg12[%swap3A_388] {strides = array<i32>} : memref<12288xi32, #tpu.memory_space<vmem>>, vector<16xi32>,
        %swap3A_390 = vector.shape_cast %swap3A_389 : vector<16xi32> to vector<16xi32>
        %swap3A_391 = vector.shape_cast %select_n3A_385 : vector<16xi32> to vector<16xi32>
        tpu.vector_store %arg12[%swap3A_388], %swap3A_391 {strides = array<i32>} : memref<12288xi32, #tpu.memory_space<vmem>>, vector<16xi32>,
        %add3A_392 = arith.constant 2 : i32
        %add3A_393 = vector.broadcast %add3A_392 : i32 to vector<16xi32>
        %add3A_394 = arith.addi %get3A_124, %add3A_393 : vector<16xi32>
        %lt3A_395 = arith.constant 0 : i32
        %lt3A_396 = vector.broadcast %lt3A_395 : i32 to vector<16xi32>
        %lt3A_397 = arith.cmpi slt, %add3A_394, %lt3A_396 : vector<16xi32>
        %ge3A_398 = arith.constant 64 : i32
        %ge3A_399 = vector.broadcast %ge3A_398 : i32 to vector<16xi32>
        %ge3A_400 = arith.cmpi sge, %add3A_394, %ge3A_399 : vector<16xi32>
        %or3A_401 = arith.ori %lt3A_397, %ge3A_400 : vector<16xi1>
        %mul3A_402 = arith.constant 2048 : i32
        %mul3A_403 = vector.broadcast %mul3A_402 : i32 to vector<16xi32>
        %mul3A_404 = arith.muli %add3A_394, %mul3A_403 : vector<16xi32>
        %add3A_405 = arith.addi %mul3A_404, %and3A_132 : vector<16xi32>
        %jit3A_406 = arith.constant 131072 : i32
        %broadcast_in_dim3A_407 = vector.broadcast %jit3A_406 : i32 to vector<16xi32>
        %select_n3A_408 = arith.select %or3A_401, %broadcast_in_dim3A_407, %add3A_405 : vector<16xi1>, vector<16xi32>
        %add3A_409 = arith.constant 9728 : i32
        %add3A_410 = arith.addi %add3A_409, %mul3A_122 : i32
        %swap3A_411 = arith.index_cast %add3A_410 : i32 to index
        %swap3A_412 = tpu.vector_load %arg12[%swap3A_411] {strides = array<i32>} : memref<12288xi32, #tpu.memory_space<vmem>>, vector<16xi32>,
        %swap3A_413 = vector.shape_cast %swap3A_412 : vector<16xi32> to vector<16xi32>
        %swap3A_414 = vector.shape_cast %select_n3A_408 : vector<16xi32> to vector<16xi32>
        tpu.vector_store %arg12[%swap3A_411], %swap3A_414 {strides = array<i32>} : memref<12288xi32, #tpu.memory_space<vmem>>, vector<16xi32>,
        %add3A_415 = arith.addi %mul3A_404, %and3A_138 : vector<16xi32>
        %jit3A_416 = arith.constant 131072 : i32
        %broadcast_in_dim3A_417 = vector.broadcast %jit3A_416 : i32 to vector<16xi32>
        %select_n3A_418 = arith.select %or3A_401, %broadcast_in_dim3A_417, %add3A_415 : vector<16xi1>, vector<16xi32>
        %add3A_419 = arith.constant 10240 : i32
        %add3A_420 = arith.addi %add3A_419, %mul3A_122 : i32
        %swap3A_421 = arith.index_cast %add3A_420 : i32 to index
        %swap3A_422 = tpu.vector_load %arg12[%swap3A_421] {strides = array<i32>} : memref<12288xi32, #tpu.memory_space<vmem>>, vector<16xi32>,
        %swap3A_423 = vector.shape_cast %swap3A_422 : vector<16xi32> to vector<16xi32>
        %swap3A_424 = vector.shape_cast %select_n3A_418 : vector<16xi32> to vector<16xi32>
        tpu.vector_store %arg12[%swap3A_421], %swap3A_424 {strides = array<i32>} : memref<12288xi32, #tpu.memory_space<vmem>>, vector<16xi32>,
        %add3A_425 = arith.addi %mul3A_404, %and3A_144 : vector<16xi32>
        %jit3A_426 = arith.constant 131072 : i32
        %broadcast_in_dim3A_427 = vector.broadcast %jit3A_426 : i32 to vector<16xi32>
        %select_n3A_428 = arith.select %or3A_401, %broadcast_in_dim3A_427, %add3A_425 : vector<16xi1>, vector<16xi32>
        %add3A_429 = arith.constant 10752 : i32
        %add3A_430 = arith.addi %add3A_429, %mul3A_122 : i32
        %swap3A_431 = arith.index_cast %add3A_430 : i32 to index
        %swap3A_432 = tpu.vector_load %arg12[%swap3A_431] {strides = array<i32>} : memref<12288xi32, #tpu.memory_space<vmem>>, vector<16xi32>,
        %swap3A_433 = vector.shape_cast %swap3A_432 : vector<16xi32> to vector<16xi32>
        %swap3A_434 = vector.shape_cast %select_n3A_428 : vector<16xi32> to vector<16xi32>
        tpu.vector_store %arg12[%swap3A_431], %swap3A_434 {strides = array<i32>} : memref<12288xi32, #tpu.memory_space<vmem>>, vector<16xi32>,
        %add3A_435 = arith.addi %mul3A_404, %and3A_150 : vector<16xi32>
        %jit3A_436 = arith.constant 131072 : i32
        %broadcast_in_dim3A_437 = vector.broadcast %jit3A_436 : i32 to vector<16xi32>
        %select_n3A_438 = arith.select %or3A_401, %broadcast_in_dim3A_437, %add3A_435 : vector<16xi1>, vector<16xi32>
        %add3A_439 = arith.constant 11264 : i32
        %add3A_440 = arith.addi %add3A_439, %mul3A_122 : i32
        %swap3A_441 = arith.index_cast %add3A_440 : i32 to index
        %swap3A_442 = tpu.vector_load %arg12[%swap3A_441] {strides = array<i32>} : memref<12288xi32, #tpu.memory_space<vmem>>, vector<16xi32>,
        %swap3A_443 = vector.shape_cast %swap3A_442 : vector<16xi32> to vector<16xi32>
        %swap3A_444 = vector.shape_cast %select_n3A_438 : vector<16xi32> to vector<16xi32>
        tpu.vector_store %arg12[%swap3A_441], %swap3A_444 {strides = array<i32>} : memref<12288xi32, #tpu.memory_space<vmem>>, vector<16xi32>,
        %add3A_445 = arith.addi %mul3A_404, %and3A_156 : vector<16xi32>
        %jit3A_446 = arith.constant 131072 : i32
        %broadcast_in_dim3A_447 = vector.broadcast %jit3A_446 : i32 to vector<16xi32>
        %select_n3A_448 = arith.select %or3A_401, %broadcast_in_dim3A_447, %add3A_445 : vector<16xi1>, vector<16xi32>
        %add3A_449 = arith.constant 11776 : i32
        %add3A_450 = arith.addi %add3A_449, %mul3A_122 : i32
        %swap3A_451 = arith.index_cast %add3A_450 : i32 to index
        %swap3A_452 = tpu.vector_load %arg12[%swap3A_451] {strides = array<i32>} : memref<12288xi32, #tpu.memory_space<vmem>>, vector<16xi32>,
        %swap3A_453 = vector.shape_cast %swap3A_452 : vector<16xi32> to vector<16xi32>
        %swap3A_454 = vector.shape_cast %select_n3A_448 : vector<16xi32> to vector<16xi32>
        tpu.vector_store %arg12[%swap3A_451], %swap3A_454 {strides = array<i32>} : memref<12288xi32, #tpu.memory_space<vmem>>, vector<16xi32>,
      }
      %scan3A_32 = arith.constant 32 : i32
      %dma_start3A_33 = arith.constant 0 : i32
      %dma_start3A_34 = tpu.memref_slice %arg26[%dma_start3A_33] : memref<131080xf32, #tpu.memory_space<vmem_shared>> -> memref<131080xf32, #tpu.memory_space<vmem_shared>>
      tpu.enqueue_indirect_dma source(%dma_start3A_34 : memref<131080xf32, #tpu.memory_space<vmem_shared>>) target(%arg13 : memref<12288xf32, #tpu.memory_space<vmem>>) offsets(%arg12 : memref<12288xi32, #tpu.memory_space<vmem>>) semaphore(%arg29 : memref<!tpu.dma_semaphore, #tpu.memory_space<semaphore_mem>>)
      %add3A_35 = arith.constant 1 : i32
      %add3A_36 = arith.addi %mul3A_11, %add3A_35 : i32
      %mul3A_37 = arith.constant 512 : i32
      %mul3A_38 = arith.muli %add3A_36, %mul3A_37 : i32
      %add3A_39 = arith.addi %mul3A_2, %mul3A_38 : i32
      %dma_start3A_40 = tpu.memref_slice %arg4[%add3A_39] : memref<131072xi32, #tpu.memory_space<hbm>> -> memref<512xi32, #tpu.memory_space<hbm>>
      %dma_start3A_41 = tpu.memref_slice %arg4[%add3A_39] : memref<131072xi32, #tpu.memory_space<hbm>> -> memref<512xi32, #tpu.memory_space<hbm>>
      tpu.enqueue_dma source(%dma_start3A_41 : memref<512xi32, #tpu.memory_space<hbm>>) target(%arg17 : memref<512xi32, #tpu.memory_space<vmem>>) target_semaphore(%arg32 : memref<!tpu.dma_semaphore, #tpu.memory_space<semaphore_mem>>)
      %dma_start3A_42 = tpu.memref_slice %arg5[%add3A_39] : memref<131072xi32, #tpu.memory_space<hbm>> -> memref<512xi32, #tpu.memory_space<hbm>>
      %dma_start3A_43 = tpu.memref_slice %arg5[%add3A_39] : memref<131072xi32, #tpu.memory_space<hbm>> -> memref<512xi32, #tpu.memory_space<hbm>>
      tpu.enqueue_dma source(%dma_start3A_43 : memref<512xi32, #tpu.memory_space<hbm>>) target(%arg18 : memref<512xi32, #tpu.memory_space<vmem>>) target_semaphore(%arg32 : memref<!tpu.dma_semaphore, #tpu.memory_space<semaphore_mem>>)
      %dma_start3A_44 = tpu.memref_slice %arg6[%add3A_39] : memref<131072xf32, #tpu.memory_space<hbm>> -> memref<512xf32, #tpu.memory_space<hbm>>
      %dma_start3A_45 = tpu.memref_slice %arg6[%add3A_39] : memref<131072xf32, #tpu.memory_space<hbm>> -> memref<512xf32, #tpu.memory_space<hbm>>
      tpu.enqueue_dma source(%dma_start3A_45 : memref<512xf32, #tpu.memory_space<hbm>>) target(%arg19 : memref<512xf32, #tpu.memory_space<vmem>>) target_semaphore(%arg32 : memref<!tpu.dma_semaphore, #tpu.memory_space<semaphore_mem>>)
      %add3A_46 = arith.constant 1 : i32
      %add3A_47 = arith.addi %mul3A_11, %add3A_46 : i32
      %mul3A_48 = arith.constant 512 : i32
      %mul3A_49 = arith.muli %add3A_47, %mul3A_48 : i32
      %add3A_50 = arith.addi %mul3A_2, %mul3A_49 : i32
      %dma_wait3A_51 = tpu.memref_slice %arg4[%add3A_50] : memref<131072xi32, #tpu.memory_space<hbm>> -> memref<512xi32, #tpu.memory_space<hbm>>
      %dma_wait3A_52 = tpu.memref_slice %arg4[%add3A_50] : memref<131072xi32, #tpu.memory_space<hbm>> -> memref<512xi32, #tpu.memory_space<hbm>>
      tpu.wait_dma2 semaphore(%arg32 : memref<!tpu.dma_semaphore, #tpu.memory_space<semaphore_mem>>) src(%dma_wait3A_52 : memref<512xi32, #tpu.memory_space<hbm>>) dst(%arg17 : memref<512xi32, #tpu.memory_space<vmem>>)
      %dma_wait3A_53 = tpu.memref_slice %arg5[%add3A_50] : memref<131072xi32, #tpu.memory_space<hbm>> -> memref<512xi32, #tpu.memory_space<hbm>>
      %dma_wait3A_54 = tpu.memref_slice %arg5[%add3A_50] : memref<131072xi32, #tpu.memory_space<hbm>> -> memref<512xi32, #tpu.memory_space<hbm>>
      tpu.wait_dma2 semaphore(%arg32 : memref<!tpu.dma_semaphore, #tpu.memory_space<semaphore_mem>>) src(%dma_wait3A_54 : memref<512xi32, #tpu.memory_space<hbm>>) dst(%arg18 : memref<512xi32, #tpu.memory_space<vmem>>)
      %dma_wait3A_55 = tpu.memref_slice %arg6[%add3A_50] : memref<131072xf32, #tpu.memory_space<hbm>> -> memref<512xf32, #tpu.memory_space<hbm>>
      %dma_wait3A_56 = tpu.memref_slice %arg6[%add3A_50] : memref<131072xf32, #tpu.memory_space<hbm>> -> memref<512xf32, #tpu.memory_space<hbm>>
      tpu.wait_dma2 semaphore(%arg32 : memref<!tpu.dma_semaphore, #tpu.memory_space<semaphore_mem>>) src(%dma_wait3A_56 : memref<512xf32, #tpu.memory_space<hbm>>) dst(%arg19 : memref<512xf32, #tpu.memory_space<vmem>>)
      %scan3A_57 = arith.constant 0 : i32
      %scan3A_58 = arith.constant 32 : i32
      %scan3A_59 = arith.addi %scan3A_57, %scan3A_58 : i32
      %scan3A_60 = arith.constant 1 : i32
      scf.for %scan3A_120 = %scan3A_57 to %scan3A_59 step %scan3A_60  : i32 {
        %mul3A_121 = arith.constant 16 : i32
        %mul3A_122 = arith.muli %scan3A_120, %mul3A_121 : i32
        %get3A = arith.index_cast %mul3A_122 : i32 to index
        %get3A_123 = tpu.vector_load %arg18[%get3A] {strides = array<i32>} : memref<512xi32, #tpu.memory_space<vmem>>, vector<16xi32>,
        %get3A_124 = vector.shape_cast %get3A_123 : vector<16xi32> to vector<16xi32>
        %get3A_125 = arith.index_cast %mul3A_122 : i32 to index
        %get3A_126 = tpu.vector_load %arg17[%get3A_125] {strides = array<i32>} : memref<512xi32, #tpu.memory_space<vmem>>, vector<16xi32>,
        %get3A_127 = vector.shape_cast %get3A_126 : vector<16xi32> to vector<16xi32>
        %add3A_128 = arith.constant -2 : i32
        %add3A_129 = vector.broadcast %add3A_128 : i32 to vector<16xi32>
        %add3A_130 = arith.addi %get3A_127, %add3A_129 : vector<16xi32>
        %and3A = arith.constant 2047 : i32
        %and3A_131 = vector.broadcast %and3A : i32 to vector<16xi32>
        %and3A_132 = arith.andi %add3A_130, %and3A_131 : vector<16xi32>
        %add3A_133 = arith.constant -1 : i32
        %add3A_134 = vector.broadcast %add3A_133 : i32 to vector<16xi32>
        %add3A_135 = arith.addi %get3A_127, %add3A_134 : vector<16xi32>
        %and3A_136 = arith.constant 2047 : i32
        %and3A_137 = vector.broadcast %and3A_136 : i32 to vector<16xi32>
        %and3A_138 = arith.andi %add3A_135, %and3A_137 : vector<16xi32>
        %add3A_139 = arith.constant 0 : i32
        %add3A_140 = vector.broadcast %add3A_139 : i32 to vector<16xi32>
        %add3A_141 = arith.addi %get3A_127, %add3A_140 : vector<16xi32>
        %and3A_142 = arith.constant 2047 : i32
        %and3A_143 = vector.broadcast %and3A_142 : i32 to vector<16xi32>
        %and3A_144 = arith.andi %add3A_141, %and3A_143 : vector<16xi32>
        %add3A_145 = arith.constant 1 : i32
        %add3A_146 = vector.broadcast %add3A_145 : i32 to vector<16xi32>
        %add3A_147 = arith.addi %get3A_127, %add3A_146 : vector<16xi32>
        %and3A_148 = arith.constant 2047 : i32
        %and3A_149 = vector.broadcast %and3A_148 : i32 to vector<16xi32>
        %and3A_150 = arith.andi %add3A_147, %and3A_149 : vector<16xi32>
        %add3A_151 = arith.constant 2 : i32
        %add3A_152 = vector.broadcast %add3A_151 : i32 to vector<16xi32>
        %add3A_153 = arith.addi %get3A_127, %add3A_152 : vector<16xi32>
        %and3A_154 = arith.constant 2047 : i32
        %and3A_155 = vector.broadcast %and3A_154 : i32 to vector<16xi32>
        %and3A_156 = arith.andi %add3A_153, %and3A_155 : vector<16xi32>
        %add3A_157 = arith.constant -2 : i32
        %add3A_158 = vector.broadcast %add3A_157 : i32 to vector<16xi32>
        %add3A_159 = arith.addi %get3A_124, %add3A_158 : vector<16xi32>
        %lt3A = arith.constant 0 : i32
        %lt3A_160 = vector.broadcast %lt3A : i32 to vector<16xi32>
        %lt3A_161 = arith.cmpi slt, %add3A_159, %lt3A_160 : vector<16xi32>
        %ge3A = arith.constant 64 : i32
        %ge3A_162 = vector.broadcast %ge3A : i32 to vector<16xi32>
        %ge3A_163 = arith.cmpi sge, %add3A_159, %ge3A_162 : vector<16xi32>
        %or3A = arith.ori %lt3A_161, %ge3A_163 : vector<16xi1>
        %mul3A_164 = arith.constant 2048 : i32
        %mul3A_165 = vector.broadcast %mul3A_164 : i32 to vector<16xi32>
        %mul3A_166 = arith.muli %add3A_159, %mul3A_165 : vector<16xi32>
        %add3A_167 = arith.addi %mul3A_166, %and3A_132 : vector<16xi32>
        %jit3A = arith.constant 131072 : i32
        %broadcast_in_dim3A = vector.broadcast %jit3A : i32 to vector<16xi32>
        %select_n3A = arith.select %or3A, %broadcast_in_dim3A, %add3A_167 : vector<16xi1>, vector<16xi32>
        %add3A_168 = arith.constant 0 : i32
        %add3A_169 = arith.addi %add3A_168, %mul3A_122 : i32
        %swap3A = arith.index_cast %add3A_169 : i32 to index
        %swap3A_170 = tpu.vector_load %arg20[%swap3A] {strides = array<i32>} : memref<12288xi32, #tpu.memory_space<vmem>>, vector<16xi32>,
        %swap3A_171 = vector.shape_cast %swap3A_170 : vector<16xi32> to vector<16xi32>
        %swap3A_172 = vector.shape_cast %select_n3A : vector<16xi32> to vector<16xi32>
        tpu.vector_store %arg20[%swap3A], %swap3A_172 {strides = array<i32>} : memref<12288xi32, #tpu.memory_space<vmem>>, vector<16xi32>,
        %add3A_173 = arith.addi %mul3A_166, %and3A_138 : vector<16xi32>
        %jit3A_174 = arith.constant 131072 : i32
        %broadcast_in_dim3A_175 = vector.broadcast %jit3A_174 : i32 to vector<16xi32>
        %select_n3A_176 = arith.select %or3A, %broadcast_in_dim3A_175, %add3A_173 : vector<16xi1>, vector<16xi32>
        %add3A_177 = arith.constant 512 : i32
        %add3A_178 = arith.addi %add3A_177, %mul3A_122 : i32
        %swap3A_179 = arith.index_cast %add3A_178 : i32 to index
        %swap3A_180 = tpu.vector_load %arg20[%swap3A_179] {strides = array<i32>} : memref<12288xi32, #tpu.memory_space<vmem>>, vector<16xi32>,
        %swap3A_181 = vector.shape_cast %swap3A_180 : vector<16xi32> to vector<16xi32>
        %swap3A_182 = vector.shape_cast %select_n3A_176 : vector<16xi32> to vector<16xi32>
        tpu.vector_store %arg20[%swap3A_179], %swap3A_182 {strides = array<i32>} : memref<12288xi32, #tpu.memory_space<vmem>>, vector<16xi32>,
        %add3A_183 = arith.addi %mul3A_166, %and3A_144 : vector<16xi32>
        %jit3A_184 = arith.constant 131072 : i32
        %broadcast_in_dim3A_185 = vector.broadcast %jit3A_184 : i32 to vector<16xi32>
        %select_n3A_186 = arith.select %or3A, %broadcast_in_dim3A_185, %add3A_183 : vector<16xi1>, vector<16xi32>
        %add3A_187 = arith.constant 1024 : i32
        %add3A_188 = arith.addi %add3A_187, %mul3A_122 : i32
        %swap3A_189 = arith.index_cast %add3A_188 : i32 to index
        %swap3A_190 = tpu.vector_load %arg20[%swap3A_189] {strides = array<i32>} : memref<12288xi32, #tpu.memory_space<vmem>>, vector<16xi32>,
        %swap3A_191 = vector.shape_cast %swap3A_190 : vector<16xi32> to vector<16xi32>
        %swap3A_192 = vector.shape_cast %select_n3A_186 : vector<16xi32> to vector<16xi32>
        tpu.vector_store %arg20[%swap3A_189], %swap3A_192 {strides = array<i32>} : memref<12288xi32, #tpu.memory_space<vmem>>, vector<16xi32>,
        %add3A_193 = arith.addi %mul3A_166, %and3A_150 : vector<16xi32>
        %jit3A_194 = arith.constant 131072 : i32
        %broadcast_in_dim3A_195 = vector.broadcast %jit3A_194 : i32 to vector<16xi32>
        %select_n3A_196 = arith.select %or3A, %broadcast_in_dim3A_195, %add3A_193 : vector<16xi1>, vector<16xi32>
        %add3A_197 = arith.constant 1536 : i32
        %add3A_198 = arith.addi %add3A_197, %mul3A_122 : i32
        %swap3A_199 = arith.index_cast %add3A_198 : i32 to index
        %swap3A_200 = tpu.vector_load %arg20[%swap3A_199] {strides = array<i32>} : memref<12288xi32, #tpu.memory_space<vmem>>, vector<16xi32>,
        %swap3A_201 = vector.shape_cast %swap3A_200 : vector<16xi32> to vector<16xi32>
        %swap3A_202 = vector.shape_cast %select_n3A_196 : vector<16xi32> to vector<16xi32>
        tpu.vector_store %arg20[%swap3A_199], %swap3A_202 {strides = array<i32>} : memref<12288xi32, #tpu.memory_space<vmem>>, vector<16xi32>,
        %add3A_203 = arith.addi %mul3A_166, %and3A_156 : vector<16xi32>
        %jit3A_204 = arith.constant 131072 : i32
        %broadcast_in_dim3A_205 = vector.broadcast %jit3A_204 : i32 to vector<16xi32>
        %select_n3A_206 = arith.select %or3A, %broadcast_in_dim3A_205, %add3A_203 : vector<16xi1>, vector<16xi32>
        %add3A_207 = arith.constant 2048 : i32
        %add3A_208 = arith.addi %add3A_207, %mul3A_122 : i32
        %swap3A_209 = arith.index_cast %add3A_208 : i32 to index
        %swap3A_210 = tpu.vector_load %arg20[%swap3A_209] {strides = array<i32>} : memref<12288xi32, #tpu.memory_space<vmem>>, vector<16xi32>,
        %swap3A_211 = vector.shape_cast %swap3A_210 : vector<16xi32> to vector<16xi32>
        %swap3A_212 = vector.shape_cast %select_n3A_206 : vector<16xi32> to vector<16xi32>
        tpu.vector_store %arg20[%swap3A_209], %swap3A_212 {strides = array<i32>} : memref<12288xi32, #tpu.memory_space<vmem>>, vector<16xi32>,
        %add3A_213 = arith.constant -1 : i32
        %add3A_214 = vector.broadcast %add3A_213 : i32 to vector<16xi32>
        %add3A_215 = arith.addi %get3A_124, %add3A_214 : vector<16xi32>
        %lt3A_216 = arith.constant 0 : i32
        %lt3A_217 = vector.broadcast %lt3A_216 : i32 to vector<16xi32>
        %lt3A_218 = arith.cmpi slt, %add3A_215, %lt3A_217 : vector<16xi32>
        %ge3A_219 = arith.constant 64 : i32
        %ge3A_220 = vector.broadcast %ge3A_219 : i32 to vector<16xi32>
        %ge3A_221 = arith.cmpi sge, %add3A_215, %ge3A_220 : vector<16xi32>
        %or3A_222 = arith.ori %lt3A_218, %ge3A_221 : vector<16xi1>
        %mul3A_223 = arith.constant 2048 : i32
        %mul3A_224 = vector.broadcast %mul3A_223 : i32 to vector<16xi32>
        %mul3A_225 = arith.muli %add3A_215, %mul3A_224 : vector<16xi32>
        %add3A_226 = arith.addi %mul3A_225, %and3A_132 : vector<16xi32>
        %jit3A_227 = arith.constant 131072 : i32
        %broadcast_in_dim3A_228 = vector.broadcast %jit3A_227 : i32 to vector<16xi32>
        %select_n3A_229 = arith.select %or3A_222, %broadcast_in_dim3A_228, %add3A_226 : vector<16xi1>, vector<16xi32>
        %add3A_230 = arith.constant 2560 : i32
        %add3A_231 = arith.addi %add3A_230, %mul3A_122 : i32
        %swap3A_232 = arith.index_cast %add3A_231 : i32 to index
        %swap3A_233 = tpu.vector_load %arg20[%swap3A_232] {strides = array<i32>} : memref<12288xi32, #tpu.memory_space<vmem>>, vector<16xi32>,
        %swap3A_234 = vector.shape_cast %swap3A_233 : vector<16xi32> to vector<16xi32>
        %swap3A_235 = vector.shape_cast %select_n3A_229 : vector<16xi32> to vector<16xi32>
        tpu.vector_store %arg20[%swap3A_232], %swap3A_235 {strides = array<i32>} : memref<12288xi32, #tpu.memory_space<vmem>>, vector<16xi32>,
        %add3A_236 = arith.addi %mul3A_225, %and3A_138 : vector<16xi32>
        %jit3A_237 = arith.constant 131072 : i32
        %broadcast_in_dim3A_238 = vector.broadcast %jit3A_237 : i32 to vector<16xi32>
        %select_n3A_239 = arith.select %or3A_222, %broadcast_in_dim3A_238, %add3A_236 : vector<16xi1>, vector<16xi32>
        %add3A_240 = arith.constant 3072 : i32
        %add3A_241 = arith.addi %add3A_240, %mul3A_122 : i32
        %swap3A_242 = arith.index_cast %add3A_241 : i32 to index
        %swap3A_243 = tpu.vector_load %arg20[%swap3A_242] {strides = array<i32>} : memref<12288xi32, #tpu.memory_space<vmem>>, vector<16xi32>,
        %swap3A_244 = vector.shape_cast %swap3A_243 : vector<16xi32> to vector<16xi32>
        %swap3A_245 = vector.shape_cast %select_n3A_239 : vector<16xi32> to vector<16xi32>
        tpu.vector_store %arg20[%swap3A_242], %swap3A_245 {strides = array<i32>} : memref<12288xi32, #tpu.memory_space<vmem>>, vector<16xi32>,
        %add3A_246 = arith.addi %mul3A_225, %and3A_144 : vector<16xi32>
        %jit3A_247 = arith.constant 131072 : i32
        %broadcast_in_dim3A_248 = vector.broadcast %jit3A_247 : i32 to vector<16xi32>
        %select_n3A_249 = arith.select %or3A_222, %broadcast_in_dim3A_248, %add3A_246 : vector<16xi1>, vector<16xi32>
        %add3A_250 = arith.constant 3584 : i32
        %add3A_251 = arith.addi %add3A_250, %mul3A_122 : i32
        %swap3A_252 = arith.index_cast %add3A_251 : i32 to index
        %swap3A_253 = tpu.vector_load %arg20[%swap3A_252] {strides = array<i32>} : memref<12288xi32, #tpu.memory_space<vmem>>, vector<16xi32>,
        %swap3A_254 = vector.shape_cast %swap3A_253 : vector<16xi32> to vector<16xi32>
        %swap3A_255 = vector.shape_cast %select_n3A_249 : vector<16xi32> to vector<16xi32>
        tpu.vector_store %arg20[%swap3A_252], %swap3A_255 {strides = array<i32>} : memref<12288xi32, #tpu.memory_space<vmem>>, vector<16xi32>,
        %add3A_256 = arith.addi %mul3A_225, %and3A_150 : vector<16xi32>
        %jit3A_257 = arith.constant 131072 : i32
        %broadcast_in_dim3A_258 = vector.broadcast %jit3A_257 : i32 to vector<16xi32>
        %select_n3A_259 = arith.select %or3A_222, %broadcast_in_dim3A_258, %add3A_256 : vector<16xi1>, vector<16xi32>
        %add3A_260 = arith.constant 4096 : i32
        %add3A_261 = arith.addi %add3A_260, %mul3A_122 : i32
        %swap3A_262 = arith.index_cast %add3A_261 : i32 to index
        %swap3A_263 = tpu.vector_load %arg20[%swap3A_262] {strides = array<i32>} : memref<12288xi32, #tpu.memory_space<vmem>>, vector<16xi32>,
        %swap3A_264 = vector.shape_cast %swap3A_263 : vector<16xi32> to vector<16xi32>
        %swap3A_265 = vector.shape_cast %select_n3A_259 : vector<16xi32> to vector<16xi32>
        tpu.vector_store %arg20[%swap3A_262], %swap3A_265 {strides = array<i32>} : memref<12288xi32, #tpu.memory_space<vmem>>, vector<16xi32>,
        %add3A_266 = arith.addi %mul3A_225, %and3A_156 : vector<16xi32>
        %jit3A_267 = arith.constant 131072 : i32
        %broadcast_in_dim3A_268 = vector.broadcast %jit3A_267 : i32 to vector<16xi32>
        %select_n3A_269 = arith.select %or3A_222, %broadcast_in_dim3A_268, %add3A_266 : vector<16xi1>, vector<16xi32>
        %add3A_270 = arith.constant 4608 : i32
        %add3A_271 = arith.addi %add3A_270, %mul3A_122 : i32
        %swap3A_272 = arith.index_cast %add3A_271 : i32 to index
        %swap3A_273 = tpu.vector_load %arg20[%swap3A_272] {strides = array<i32>} : memref<12288xi32, #tpu.memory_space<vmem>>, vector<16xi32>,
        %swap3A_274 = vector.shape_cast %swap3A_273 : vector<16xi32> to vector<16xi32>
        %swap3A_275 = vector.shape_cast %select_n3A_269 : vector<16xi32> to vector<16xi32>
        tpu.vector_store %arg20[%swap3A_272], %swap3A_275 {strides = array<i32>} : memref<12288xi32, #tpu.memory_space<vmem>>, vector<16xi32>,
        %add3A_276 = arith.constant 0 : i32
        %add3A_277 = vector.broadcast %add3A_276 : i32 to vector<16xi32>
        %add3A_278 = arith.addi %get3A_124, %add3A_277 : vector<16xi32>
        %lt3A_279 = arith.constant 0 : i32
        %lt3A_280 = vector.broadcast %lt3A_279 : i32 to vector<16xi32>
        %lt3A_281 = arith.cmpi slt, %add3A_278, %lt3A_280 : vector<16xi32>
        %ge3A_282 = arith.constant 64 : i32
        %ge3A_283 = vector.broadcast %ge3A_282 : i32 to vector<16xi32>
        %ge3A_284 = arith.cmpi sge, %add3A_278, %ge3A_283 : vector<16xi32>
        %or3A_285 = arith.ori %lt3A_281, %ge3A_284 : vector<16xi1>
        %mul3A_286 = arith.constant 2048 : i32
        %mul3A_287 = vector.broadcast %mul3A_286 : i32 to vector<16xi32>
        %mul3A_288 = arith.muli %add3A_278, %mul3A_287 : vector<16xi32>
        %add3A_289 = arith.addi %mul3A_288, %and3A_132 : vector<16xi32>
        %jit3A_290 = arith.constant 131072 : i32
        %broadcast_in_dim3A_291 = vector.broadcast %jit3A_290 : i32 to vector<16xi32>
        %select_n3A_292 = arith.select %or3A_285, %broadcast_in_dim3A_291, %add3A_289 : vector<16xi1>, vector<16xi32>
        %add3A_293 = arith.constant 5120 : i32
        %add3A_294 = arith.addi %add3A_293, %mul3A_122 : i32
        %swap3A_295 = arith.index_cast %add3A_294 : i32 to index
        %swap3A_296 = tpu.vector_load %arg20[%swap3A_295] {strides = array<i32>} : memref<12288xi32, #tpu.memory_space<vmem>>, vector<16xi32>,
        %swap3A_297 = vector.shape_cast %swap3A_296 : vector<16xi32> to vector<16xi32>
        %swap3A_298 = vector.shape_cast %select_n3A_292 : vector<16xi32> to vector<16xi32>
        tpu.vector_store %arg20[%swap3A_295], %swap3A_298 {strides = array<i32>} : memref<12288xi32, #tpu.memory_space<vmem>>, vector<16xi32>,
        %add3A_299 = arith.addi %mul3A_288, %and3A_138 : vector<16xi32>
        %jit3A_300 = arith.constant 131072 : i32
        %broadcast_in_dim3A_301 = vector.broadcast %jit3A_300 : i32 to vector<16xi32>
        %select_n3A_302 = arith.select %or3A_285, %broadcast_in_dim3A_301, %add3A_299 : vector<16xi1>, vector<16xi32>
        %add3A_303 = arith.constant 5632 : i32
        %add3A_304 = arith.addi %add3A_303, %mul3A_122 : i32
        %swap3A_305 = arith.index_cast %add3A_304 : i32 to index
        %swap3A_306 = tpu.vector_load %arg20[%swap3A_305] {strides = array<i32>} : memref<12288xi32, #tpu.memory_space<vmem>>, vector<16xi32>,
        %swap3A_307 = vector.shape_cast %swap3A_306 : vector<16xi32> to vector<16xi32>
        %swap3A_308 = vector.shape_cast %select_n3A_302 : vector<16xi32> to vector<16xi32>
        tpu.vector_store %arg20[%swap3A_305], %swap3A_308 {strides = array<i32>} : memref<12288xi32, #tpu.memory_space<vmem>>, vector<16xi32>,
        %add3A_309 = arith.addi %mul3A_288, %and3A_150 : vector<16xi32>
        %jit3A_310 = arith.constant 131072 : i32
        %broadcast_in_dim3A_311 = vector.broadcast %jit3A_310 : i32 to vector<16xi32>
        %select_n3A_312 = arith.select %or3A_285, %broadcast_in_dim3A_311, %add3A_309 : vector<16xi1>, vector<16xi32>
        %add3A_313 = arith.constant 6144 : i32
        %add3A_314 = arith.addi %add3A_313, %mul3A_122 : i32
        %swap3A_315 = arith.index_cast %add3A_314 : i32 to index
        %swap3A_316 = tpu.vector_load %arg20[%swap3A_315] {strides = array<i32>} : memref<12288xi32, #tpu.memory_space<vmem>>, vector<16xi32>,
        %swap3A_317 = vector.shape_cast %swap3A_316 : vector<16xi32> to vector<16xi32>
        %swap3A_318 = vector.shape_cast %select_n3A_312 : vector<16xi32> to vector<16xi32>
        tpu.vector_store %arg20[%swap3A_315], %swap3A_318 {strides = array<i32>} : memref<12288xi32, #tpu.memory_space<vmem>>, vector<16xi32>,
        %add3A_319 = arith.addi %mul3A_288, %and3A_156 : vector<16xi32>
        %jit3A_320 = arith.constant 131072 : i32
        %broadcast_in_dim3A_321 = vector.broadcast %jit3A_320 : i32 to vector<16xi32>
        %select_n3A_322 = arith.select %or3A_285, %broadcast_in_dim3A_321, %add3A_319 : vector<16xi1>, vector<16xi32>
        %add3A_323 = arith.constant 6656 : i32
        %add3A_324 = arith.addi %add3A_323, %mul3A_122 : i32
        %swap3A_325 = arith.index_cast %add3A_324 : i32 to index
        %swap3A_326 = tpu.vector_load %arg20[%swap3A_325] {strides = array<i32>} : memref<12288xi32, #tpu.memory_space<vmem>>, vector<16xi32>,
        %swap3A_327 = vector.shape_cast %swap3A_326 : vector<16xi32> to vector<16xi32>
        %swap3A_328 = vector.shape_cast %select_n3A_322 : vector<16xi32> to vector<16xi32>
        tpu.vector_store %arg20[%swap3A_325], %swap3A_328 {strides = array<i32>} : memref<12288xi32, #tpu.memory_space<vmem>>, vector<16xi32>,
        %add3A_329 = arith.constant 1 : i32
        %add3A_330 = vector.broadcast %add3A_329 : i32 to vector<16xi32>
        %add3A_331 = arith.addi %get3A_124, %add3A_330 : vector<16xi32>
        %lt3A_332 = arith.constant 0 : i32
        %lt3A_333 = vector.broadcast %lt3A_332 : i32 to vector<16xi32>
        %lt3A_334 = arith.cmpi slt, %add3A_331, %lt3A_333 : vector<16xi32>
        %ge3A_335 = arith.constant 64 : i32
        %ge3A_336 = vector.broadcast %ge3A_335 : i32 to vector<16xi32>
        %ge3A_337 = arith.cmpi sge, %add3A_331, %ge3A_336 : vector<16xi32>
        %or3A_338 = arith.ori %lt3A_334, %ge3A_337 : vector<16xi1>
        %mul3A_339 = arith.constant 2048 : i32
        %mul3A_340 = vector.broadcast %mul3A_339 : i32 to vector<16xi32>
        %mul3A_341 = arith.muli %add3A_331, %mul3A_340 : vector<16xi32>
        %add3A_342 = arith.addi %mul3A_341, %and3A_132 : vector<16xi32>
        %jit3A_343 = arith.constant 131072 : i32
        %broadcast_in_dim3A_344 = vector.broadcast %jit3A_343 : i32 to vector<16xi32>
        %select_n3A_345 = arith.select %or3A_338, %broadcast_in_dim3A_344, %add3A_342 : vector<16xi1>, vector<16xi32>
        %add3A_346 = arith.constant 7168 : i32
        %add3A_347 = arith.addi %add3A_346, %mul3A_122 : i32
        %swap3A_348 = arith.index_cast %add3A_347 : i32 to index
        %swap3A_349 = tpu.vector_load %arg20[%swap3A_348] {strides = array<i32>} : memref<12288xi32, #tpu.memory_space<vmem>>, vector<16xi32>,
        %swap3A_350 = vector.shape_cast %swap3A_349 : vector<16xi32> to vector<16xi32>
        %swap3A_351 = vector.shape_cast %select_n3A_345 : vector<16xi32> to vector<16xi32>
        tpu.vector_store %arg20[%swap3A_348], %swap3A_351 {strides = array<i32>} : memref<12288xi32, #tpu.memory_space<vmem>>, vector<16xi32>,
        %add3A_352 = arith.addi %mul3A_341, %and3A_138 : vector<16xi32>
        %jit3A_353 = arith.constant 131072 : i32
        %broadcast_in_dim3A_354 = vector.broadcast %jit3A_353 : i32 to vector<16xi32>
        %select_n3A_355 = arith.select %or3A_338, %broadcast_in_dim3A_354, %add3A_352 : vector<16xi1>, vector<16xi32>
        %add3A_356 = arith.constant 7680 : i32
        %add3A_357 = arith.addi %add3A_356, %mul3A_122 : i32
        %swap3A_358 = arith.index_cast %add3A_357 : i32 to index
        %swap3A_359 = tpu.vector_load %arg20[%swap3A_358] {strides = array<i32>} : memref<12288xi32, #tpu.memory_space<vmem>>, vector<16xi32>,
        %swap3A_360 = vector.shape_cast %swap3A_359 : vector<16xi32> to vector<16xi32>
        %swap3A_361 = vector.shape_cast %select_n3A_355 : vector<16xi32> to vector<16xi32>
        tpu.vector_store %arg20[%swap3A_358], %swap3A_361 {strides = array<i32>} : memref<12288xi32, #tpu.memory_space<vmem>>, vector<16xi32>,
        %add3A_362 = arith.addi %mul3A_341, %and3A_144 : vector<16xi32>
        %jit3A_363 = arith.constant 131072 : i32
        %broadcast_in_dim3A_364 = vector.broadcast %jit3A_363 : i32 to vector<16xi32>
        %select_n3A_365 = arith.select %or3A_338, %broadcast_in_dim3A_364, %add3A_362 : vector<16xi1>, vector<16xi32>
        %add3A_366 = arith.constant 8192 : i32
        %add3A_367 = arith.addi %add3A_366, %mul3A_122 : i32
        %swap3A_368 = arith.index_cast %add3A_367 : i32 to index
        %swap3A_369 = tpu.vector_load %arg20[%swap3A_368] {strides = array<i32>} : memref<12288xi32, #tpu.memory_space<vmem>>, vector<16xi32>,
        %swap3A_370 = vector.shape_cast %swap3A_369 : vector<16xi32> to vector<16xi32>
        %swap3A_371 = vector.shape_cast %select_n3A_365 : vector<16xi32> to vector<16xi32>
        tpu.vector_store %arg20[%swap3A_368], %swap3A_371 {strides = array<i32>} : memref<12288xi32, #tpu.memory_space<vmem>>, vector<16xi32>,
        %add3A_372 = arith.addi %mul3A_341, %and3A_150 : vector<16xi32>
        %jit3A_373 = arith.constant 131072 : i32
        %broadcast_in_dim3A_374 = vector.broadcast %jit3A_373 : i32 to vector<16xi32>
        %select_n3A_375 = arith.select %or3A_338, %broadcast_in_dim3A_374, %add3A_372 : vector<16xi1>, vector<16xi32>
        %add3A_376 = arith.constant 8704 : i32
        %add3A_377 = arith.addi %add3A_376, %mul3A_122 : i32
        %swap3A_378 = arith.index_cast %add3A_377 : i32 to index
        %swap3A_379 = tpu.vector_load %arg20[%swap3A_378] {strides = array<i32>} : memref<12288xi32, #tpu.memory_space<vmem>>, vector<16xi32>,
        %swap3A_380 = vector.shape_cast %swap3A_379 : vector<16xi32> to vector<16xi32>
        %swap3A_381 = vector.shape_cast %select_n3A_375 : vector<16xi32> to vector<16xi32>
        tpu.vector_store %arg20[%swap3A_378], %swap3A_381 {strides = array<i32>} : memref<12288xi32, #tpu.memory_space<vmem>>, vector<16xi32>,
        %add3A_382 = arith.addi %mul3A_341, %and3A_156 : vector<16xi32>
        %jit3A_383 = arith.constant 131072 : i32
        %broadcast_in_dim3A_384 = vector.broadcast %jit3A_383 : i32 to vector<16xi32>
        %select_n3A_385 = arith.select %or3A_338, %broadcast_in_dim3A_384, %add3A_382 : vector<16xi1>, vector<16xi32>
        %add3A_386 = arith.constant 9216 : i32
        %add3A_387 = arith.addi %add3A_386, %mul3A_122 : i32
        %swap3A_388 = arith.index_cast %add3A_387 : i32 to index
        %swap3A_389 = tpu.vector_load %arg20[%swap3A_388] {strides = array<i32>} : memref<12288xi32, #tpu.memory_space<vmem>>, vector<16xi32>,
        %swap3A_390 = vector.shape_cast %swap3A_389 : vector<16xi32> to vector<16xi32>
        %swap3A_391 = vector.shape_cast %select_n3A_385 : vector<16xi32> to vector<16xi32>
        tpu.vector_store %arg20[%swap3A_388], %swap3A_391 {strides = array<i32>} : memref<12288xi32, #tpu.memory_space<vmem>>, vector<16xi32>,
        %add3A_392 = arith.constant 2 : i32
        %add3A_393 = vector.broadcast %add3A_392 : i32 to vector<16xi32>
        %add3A_394 = arith.addi %get3A_124, %add3A_393 : vector<16xi32>
        %lt3A_395 = arith.constant 0 : i32
        %lt3A_396 = vector.broadcast %lt3A_395 : i32 to vector<16xi32>
        %lt3A_397 = arith.cmpi slt, %add3A_394, %lt3A_396 : vector<16xi32>
        %ge3A_398 = arith.constant 64 : i32
        %ge3A_399 = vector.broadcast %ge3A_398 : i32 to vector<16xi32>
        %ge3A_400 = arith.cmpi sge, %add3A_394, %ge3A_399 : vector<16xi32>
        %or3A_401 = arith.ori %lt3A_397, %ge3A_400 : vector<16xi1>
        %mul3A_402 = arith.constant 2048 : i32
        %mul3A_403 = vector.broadcast %mul3A_402 : i32 to vector<16xi32>
        %mul3A_404 = arith.muli %add3A_394, %mul3A_403 : vector<16xi32>
        %add3A_405 = arith.addi %mul3A_404, %and3A_132 : vector<16xi32>
        %jit3A_406 = arith.constant 131072 : i32
        %broadcast_in_dim3A_407 = vector.broadcast %jit3A_406 : i32 to vector<16xi32>
        %select_n3A_408 = arith.select %or3A_401, %broadcast_in_dim3A_407, %add3A_405 : vector<16xi1>, vector<16xi32>
        %add3A_409 = arith.constant 9728 : i32
        %add3A_410 = arith.addi %add3A_409, %mul3A_122 : i32
        %swap3A_411 = arith.index_cast %add3A_410 : i32 to index
        %swap3A_412 = tpu.vector_load %arg20[%swap3A_411] {strides = array<i32>} : memref<12288xi32, #tpu.memory_space<vmem>>, vector<16xi32>,
        %swap3A_413 = vector.shape_cast %swap3A_412 : vector<16xi32> to vector<16xi32>
        %swap3A_414 = vector.shape_cast %select_n3A_408 : vector<16xi32> to vector<16xi32>
        tpu.vector_store %arg20[%swap3A_411], %swap3A_414 {strides = array<i32>} : memref<12288xi32, #tpu.memory_space<vmem>>, vector<16xi32>,
        %add3A_415 = arith.addi %mul3A_404, %and3A_138 : vector<16xi32>
        %jit3A_416 = arith.constant 131072 : i32
        %broadcast_in_dim3A_417 = vector.broadcast %jit3A_416 : i32 to vector<16xi32>
        %select_n3A_418 = arith.select %or3A_401, %broadcast_in_dim3A_417, %add3A_415 : vector<16xi1>, vector<16xi32>
        %add3A_419 = arith.constant 10240 : i32
        %add3A_420 = arith.addi %add3A_419, %mul3A_122 : i32
        %swap3A_421 = arith.index_cast %add3A_420 : i32 to index
        %swap3A_422 = tpu.vector_load %arg20[%swap3A_421] {strides = array<i32>} : memref<12288xi32, #tpu.memory_space<vmem>>, vector<16xi32>,
        %swap3A_423 = vector.shape_cast %swap3A_422 : vector<16xi32> to vector<16xi32>
        %swap3A_424 = vector.shape_cast %select_n3A_418 : vector<16xi32> to vector<16xi32>
        tpu.vector_store %arg20[%swap3A_421], %swap3A_424 {strides = array<i32>} : memref<12288xi32, #tpu.memory_space<vmem>>, vector<16xi32>,
        %add3A_425 = arith.addi %mul3A_404, %and3A_144 : vector<16xi32>
        %jit3A_426 = arith.constant 131072 : i32
        %broadcast_in_dim3A_427 = vector.broadcast %jit3A_426 : i32 to vector<16xi32>
        %select_n3A_428 = arith.select %or3A_401, %broadcast_in_dim3A_427, %add3A_425 : vector<16xi1>, vector<16xi32>
        %add3A_429 = arith.constant 10752 : i32
        %add3A_430 = arith.addi %add3A_429, %mul3A_122 : i32
        %swap3A_431 = arith.index_cast %add3A_430 : i32 to index
        %swap3A_432 = tpu.vector_load %arg20[%swap3A_431] {strides = array<i32>} : memref<12288xi32, #tpu.memory_space<vmem>>, vector<16xi32>,
        %swap3A_433 = vector.shape_cast %swap3A_432 : vector<16xi32> to vector<16xi32>
        %swap3A_434 = vector.shape_cast %select_n3A_428 : vector<16xi32> to vector<16xi32>
        tpu.vector_store %arg20[%swap3A_431], %swap3A_434 {strides = array<i32>} : memref<12288xi32, #tpu.memory_space<vmem>>, vector<16xi32>,
        %add3A_435 = arith.addi %mul3A_404, %and3A_150 : vector<16xi32>
        %jit3A_436 = arith.constant 131072 : i32
        %broadcast_in_dim3A_437 = vector.broadcast %jit3A_436 : i32 to vector<16xi32>
        %select_n3A_438 = arith.select %or3A_401, %broadcast_in_dim3A_437, %add3A_435 : vector<16xi1>, vector<16xi32>
        %add3A_439 = arith.constant 11264 : i32
        %add3A_440 = arith.addi %add3A_439, %mul3A_122 : i32
        %swap3A_441 = arith.index_cast %add3A_440 : i32 to index
        %swap3A_442 = tpu.vector_load %arg20[%swap3A_441] {strides = array<i32>} : memref<12288xi32, #tpu.memory_space<vmem>>, vector<16xi32>,
        %swap3A_443 = vector.shape_cast %swap3A_442 : vector<16xi32> to vector<16xi32>
        %swap3A_444 = vector.shape_cast %select_n3A_438 : vector<16xi32> to vector<16xi32>
        tpu.vector_store %arg20[%swap3A_441], %swap3A_444 {strides = array<i32>} : memref<12288xi32, #tpu.memory_space<vmem>>, vector<16xi32>,
        %add3A_445 = arith.addi %mul3A_404, %and3A_156 : vector<16xi32>
        %jit3A_446 = arith.constant 131072 : i32
        %broadcast_in_dim3A_447 = vector.broadcast %jit3A_446 : i32 to vector<16xi32>
        %select_n3A_448 = arith.select %or3A_401, %broadcast_in_dim3A_447, %add3A_445 : vector<16xi1>, vector<16xi32>
        %add3A_449 = arith.constant 11776 : i32
        %add3A_450 = arith.addi %add3A_449, %mul3A_122 : i32
        %swap3A_451 = arith.index_cast %add3A_450 : i32 to index
        %swap3A_452 = tpu.vector_load %arg20[%swap3A_451] {strides = array<i32>} : memref<12288xi32, #tpu.memory_space<vmem>>, vector<16xi32>,
        %swap3A_453 = vector.shape_cast %swap3A_452 : vector<16xi32> to vector<16xi32>
        %swap3A_454 = vector.shape_cast %select_n3A_448 : vector<16xi32> to vector<16xi32>
        tpu.vector_store %arg20[%swap3A_451], %swap3A_454 {strides = array<i32>} : memref<12288xi32, #tpu.memory_space<vmem>>, vector<16xi32>,
      }
      %scan3A_61 = arith.constant 32 : i32
      %dma_start3A_62 = arith.constant 0 : i32
      %dma_start3A_63 = tpu.memref_slice %arg26[%dma_start3A_62] : memref<131080xf32, #tpu.memory_space<vmem_shared>> -> memref<131080xf32, #tpu.memory_space<vmem_shared>>
      tpu.enqueue_indirect_dma source(%dma_start3A_63 : memref<131080xf32, #tpu.memory_space<vmem_shared>>) target(%arg21 : memref<12288xf32, #tpu.memory_space<vmem>>) offsets(%arg20 : memref<12288xi32, #tpu.memory_space<vmem>>) semaphore(%arg33 : memref<!tpu.dma_semaphore, #tpu.memory_space<semaphore_mem>>)
      %dma_wait3A_64 = arith.constant 0 : i32
      %dma_wait3A_65 = tpu.memref_slice %arg26[%dma_wait3A_64] : memref<131080xf32, #tpu.memory_space<vmem_shared>> -> memref<131080xf32, #tpu.memory_space<vmem_shared>>
      tpu.wait_indirect_dma semaphore(%arg29 : memref<!tpu.dma_semaphore, #tpu.memory_space<semaphore_mem>>) src(%dma_wait3A_65 : memref<131080xf32, #tpu.memory_space<vmem_shared>>) dst(%arg13 : memref<12288xf32, #tpu.memory_space<vmem>>)
      %scan3A_66 = arith.constant 0 : i32
      %scan3A_67 = arith.constant 32 : i32
      %scan3A_68 = arith.addi %scan3A_66, %scan3A_67 : i32
      %scan3A_69 = arith.constant 1 : i32
      scf.for %scan3A_120 = %scan3A_66 to %scan3A_68 step %scan3A_69  : i32 {
        %mul3A_121 = arith.constant 16 : i32
        %mul3A_122 = arith.muli %scan3A_120, %mul3A_121 : i32
        %get3A = arith.index_cast %mul3A_122 : i32 to index
        %get3A_123 = tpu.vector_load %arg11[%get3A] {strides = array<i32>} : memref<512xf32, #tpu.memory_space<vmem>>, vector<16xf32>,
        %get3A_124 = vector.shape_cast %get3A_123 : vector<16xf32> to vector<16xf32>
        %get3A_125 = arith.index_cast %mul3A_122 : i32 to index
        %get3A_126 = tpu.vector_load %arg10[%get3A_125] {strides = array<i32>} : memref<512xi32, #tpu.memory_space<vmem>>, vector<16xi32>,
        %get3A_127 = vector.shape_cast %get3A_126 : vector<16xi32> to vector<16xi32>
        %get3A_128 = arith.index_cast %mul3A_122 : i32 to index
        %get3A_129 = tpu.vector_load %arg9[%get3A_128] {strides = array<i32>} : memref<512xi32, #tpu.memory_space<vmem>>, vector<16xi32>,
        %get3A_130 = vector.shape_cast %get3A_129 : vector<16xi32> to vector<16xi32>
        %broadcast_in_dim3A = arith.constant 0x7F800000 : f32
        %broadcast_in_dim3A_131 = vector.broadcast %broadcast_in_dim3A : f32 to vector<16xf32>
        %broadcast_in_dim3A_132 = arith.constant 0 : i32
        %broadcast_in_dim3A_133 = vector.broadcast %broadcast_in_dim3A_132 : i32 to vector<16xi32>
        %add3A_134 = arith.constant 0 : i32
        %add3A_135 = arith.addi %add3A_134, %mul3A_122 : i32
        %get3A_136 = arith.index_cast %add3A_135 : i32 to index
        %get3A_137 = tpu.vector_load %arg12[%get3A_136] {strides = array<i32>} : memref<12288xi32, #tpu.memory_space<vmem>>, vector<16xi32>,
        %get3A_138 = vector.shape_cast %get3A_137 : vector<16xi32> to vector<16xi32>
        %add3A_139 = arith.constant 0 : i32
        %add3A_140 = arith.addi %add3A_139, %mul3A_122 : i32
        %get3A_141 = arith.index_cast %add3A_140 : i32 to index
        %get3A_142 = tpu.vector_load %arg13[%get3A_141] {strides = array<i32>} : memref<12288xf32, #tpu.memory_space<vmem>>, vector<16xf32>,
        %get3A_143 = vector.shape_cast %get3A_142 : vector<16xf32> to vector<16xf32>
        %get3A_144 = arith.constant 0 : index
        %get3A_145 = tpu.vector_load %arg25[%get3A_144] {strides = array<i32>} : memref<400xf32, #tpu.memory_space<vmem>>, vector<16xf32>,
        %get3A_146 = vector.shape_cast %get3A_145 : vector<16xf32> to vector<16xf32>
        %sub3A = arith.subf %get3A_143, %get3A_124 : vector<16xf32>
        %abs3A = math.absf %sub3A : vector<16xf32>
        %mul3A_147 = arith.mulf %abs3A, %get3A_146 : vector<16xf32>
        %lt3A = arith.cmpf olt, %mul3A_147, %broadcast_in_dim3A_131 : vector<16xf32>
        %lt3A_148 = arith.cmpf olt, %mul3A_147, %broadcast_in_dim3A_131 : vector<16xf32>
        %lt3A_149 = arith.cmpf olt, %mul3A_147, %broadcast_in_dim3A_131 : vector<16xf32>
        %lt3A_150 = arith.cmpf olt, %mul3A_147, %broadcast_in_dim3A_131 : vector<16xf32>
        %select_n3A = arith.select %lt3A, %mul3A_147, %broadcast_in_dim3A_131 : vector<16xi1>, vector<16xf32>
        %select_n3A_151 = arith.select %lt3A, %get3A_138, %broadcast_in_dim3A_133 : vector<16xi1>, vector<16xi32>
        %select_n3A_152 = arith.select %lt3A, %broadcast_in_dim3A_131, %mul3A_147 : vector<16xi1>, vector<16xf32>
        %select_n3A_153 = arith.select %lt3A, %broadcast_in_dim3A_133, %get3A_138 : vector<16xi1>, vector<16xi32>
        %select_n3A_154 = arith.select %lt3A_148, %select_n3A_152, %broadcast_in_dim3A_131 : vector<16xi1>, vector<16xf32>
        %select_n3A_155 = arith.select %lt3A_148, %select_n3A_153, %broadcast_in_dim3A_133 : vector<16xi1>, vector<16xi32>
        %select_n3A_156 = arith.select %lt3A_148, %broadcast_in_dim3A_131, %mul3A_147 : vector<16xi1>, vector<16xf32>
        %select_n3A_157 = arith.select %lt3A_148, %broadcast_in_dim3A_133, %get3A_138 : vector<16xi1>, vector<16xi32>
        %select_n3A_158 = arith.select %lt3A_149, %select_n3A_156, %broadcast_in_dim3A_131 : vector<16xi1>, vector<16xf32>
        %select_n3A_159 = arith.select %lt3A_149, %select_n3A_157, %broadcast_in_dim3A_133 : vector<16xi1>, vector<16xi32>
        %select_n3A_160 = arith.select %lt3A_149, %broadcast_in_dim3A_131, %mul3A_147 : vector<16xi1>, vector<16xf32>
        %select_n3A_161 = arith.select %lt3A_149, %broadcast_in_dim3A_133, %get3A_138 : vector<16xi1>, vector<16xi32>
        %select_n3A_162 = arith.select %lt3A_150, %select_n3A_160, %broadcast_in_dim3A_131 : vector<16xi1>, vector<16xf32>
        %select_n3A_163 = arith.select %lt3A_150, %select_n3A_161, %broadcast_in_dim3A_133 : vector<16xi1>, vector<16xi32>
        %add3A_164 = arith.constant 512 : i32
        %add3A_165 = arith.addi %add3A_164, %mul3A_122 : i32
        %get3A_166 = arith.index_cast %add3A_165 : i32 to index
        %get3A_167 = tpu.vector_load %arg12[%get3A_166] {strides = array<i32>} : memref<12288xi32, #tpu.memory_space<vmem>>, vector<16xi32>,
        %get3A_168 = vector.shape_cast %get3A_167 : vector<16xi32> to vector<16xi32>
        %add3A_169 = arith.constant 512 : i32
        %add3A_170 = arith.addi %add3A_169, %mul3A_122 : i32
        %get3A_171 = arith.index_cast %add3A_170 : i32 to index
        %get3A_172 = tpu.vector_load %arg13[%get3A_171] {strides = array<i32>} : memref<12288xf32, #tpu.memory_space<vmem>>, vector<16xf32>,
        %get3A_173 = vector.shape_cast %get3A_172 : vector<16xf32> to vector<16xf32>
        %get3A_174 = arith.constant 16 : index
        %get3A_175 = tpu.vector_load %arg25[%get3A_174] {strides = array<i32>} : memref<400xf32, #tpu.memory_space<vmem>>, vector<16xf32>,
        %get3A_176 = vector.shape_cast %get3A_175 : vector<16xf32> to vector<16xf32>
        %sub3A_177 = arith.subf %get3A_173, %get3A_124 : vector<16xf32>
        %abs3A_178 = math.absf %sub3A_177 : vector<16xf32>
        %mul3A_179 = arith.mulf %abs3A_178, %get3A_176 : vector<16xf32>
        %lt3A_180 = arith.cmpf olt, %mul3A_179, %select_n3A : vector<16xf32>
        %lt3A_181 = arith.cmpf olt, %mul3A_179, %select_n3A_154 : vector<16xf32>
        %lt3A_182 = arith.cmpf olt, %mul3A_179, %select_n3A_158 : vector<16xf32>
        %lt3A_183 = arith.cmpf olt, %mul3A_179, %select_n3A_162 : vector<16xf32>
        %select_n3A_184 = arith.select %lt3A_180, %mul3A_179, %select_n3A : vector<16xi1>, vector<16xf32>
        %select_n3A_185 = arith.select %lt3A_180, %get3A_168, %select_n3A_151 : vector<16xi1>, vector<16xi32>
        %select_n3A_186 = arith.select %lt3A_180, %select_n3A, %mul3A_179 : vector<16xi1>, vector<16xf32>
        %select_n3A_187 = arith.select %lt3A_180, %select_n3A_151, %get3A_168 : vector<16xi1>, vector<16xi32>
        %select_n3A_188 = arith.select %lt3A_181, %select_n3A_186, %select_n3A_154 : vector<16xi1>, vector<16xf32>
        %select_n3A_189 = arith.select %lt3A_181, %select_n3A_187, %select_n3A_155 : vector<16xi1>, vector<16xi32>
        %select_n3A_190 = arith.select %lt3A_181, %select_n3A_154, %mul3A_179 : vector<16xi1>, vector<16xf32>
        %select_n3A_191 = arith.select %lt3A_181, %select_n3A_155, %get3A_168 : vector<16xi1>, vector<16xi32>
        %select_n3A_192 = arith.select %lt3A_182, %select_n3A_190, %select_n3A_158 : vector<16xi1>, vector<16xf32>
        %select_n3A_193 = arith.select %lt3A_182, %select_n3A_191, %select_n3A_159 : vector<16xi1>, vector<16xi32>
        %select_n3A_194 = arith.select %lt3A_182, %select_n3A_158, %mul3A_179 : vector<16xi1>, vector<16xf32>
        %select_n3A_195 = arith.select %lt3A_182, %select_n3A_159, %get3A_168 : vector<16xi1>, vector<16xi32>
        %select_n3A_196 = arith.select %lt3A_183, %select_n3A_194, %select_n3A_162 : vector<16xi1>, vector<16xf32>
        %select_n3A_197 = arith.select %lt3A_183, %select_n3A_195, %select_n3A_163 : vector<16xi1>, vector<16xi32>
        %add3A_198 = arith.constant 1024 : i32
        %add3A_199 = arith.addi %add3A_198, %mul3A_122 : i32
        %get3A_200 = arith.index_cast %add3A_199 : i32 to index
        %get3A_201 = tpu.vector_load %arg12[%get3A_200] {strides = array<i32>} : memref<12288xi32, #tpu.memory_space<vmem>>, vector<16xi32>,
        %get3A_202 = vector.shape_cast %get3A_201 : vector<16xi32> to vector<16xi32>
        %add3A_203 = arith.constant 1024 : i32
        %add3A_204 = arith.addi %add3A_203, %mul3A_122 : i32
        %get3A_205 = arith.index_cast %add3A_204 : i32 to index
        %get3A_206 = tpu.vector_load %arg13[%get3A_205] {strides = array<i32>} : memref<12288xf32, #tpu.memory_space<vmem>>, vector<16xf32>,
        %get3A_207 = vector.shape_cast %get3A_206 : vector<16xf32> to vector<16xf32>
        %get3A_208 = arith.constant 32 : index
        %get3A_209 = tpu.vector_load %arg25[%get3A_208] {strides = array<i32>} : memref<400xf32, #tpu.memory_space<vmem>>, vector<16xf32>,
        %get3A_210 = vector.shape_cast %get3A_209 : vector<16xf32> to vector<16xf32>
        %sub3A_211 = arith.subf %get3A_207, %get3A_124 : vector<16xf32>
        %abs3A_212 = math.absf %sub3A_211 : vector<16xf32>
        %mul3A_213 = arith.mulf %abs3A_212, %get3A_210 : vector<16xf32>
        %lt3A_214 = arith.cmpf olt, %mul3A_213, %select_n3A_184 : vector<16xf32>
        %lt3A_215 = arith.cmpf olt, %mul3A_213, %select_n3A_188 : vector<16xf32>
        %lt3A_216 = arith.cmpf olt, %mul3A_213, %select_n3A_192 : vector<16xf32>
        %lt3A_217 = arith.cmpf olt, %mul3A_213, %select_n3A_196 : vector<16xf32>
        %select_n3A_218 = arith.select %lt3A_214, %mul3A_213, %select_n3A_184 : vector<16xi1>, vector<16xf32>
        %select_n3A_219 = arith.select %lt3A_214, %get3A_202, %select_n3A_185 : vector<16xi1>, vector<16xi32>
        %select_n3A_220 = arith.select %lt3A_214, %select_n3A_184, %mul3A_213 : vector<16xi1>, vector<16xf32>
        %select_n3A_221 = arith.select %lt3A_214, %select_n3A_185, %get3A_202 : vector<16xi1>, vector<16xi32>
        %select_n3A_222 = arith.select %lt3A_215, %select_n3A_220, %select_n3A_188 : vector<16xi1>, vector<16xf32>
        %select_n3A_223 = arith.select %lt3A_215, %select_n3A_221, %select_n3A_189 : vector<16xi1>, vector<16xi32>
        %select_n3A_224 = arith.select %lt3A_215, %select_n3A_188, %mul3A_213 : vector<16xi1>, vector<16xf32>
        %select_n3A_225 = arith.select %lt3A_215, %select_n3A_189, %get3A_202 : vector<16xi1>, vector<16xi32>
        %select_n3A_226 = arith.select %lt3A_216, %select_n3A_224, %select_n3A_192 : vector<16xi1>, vector<16xf32>
        %select_n3A_227 = arith.select %lt3A_216, %select_n3A_225, %select_n3A_193 : vector<16xi1>, vector<16xi32>
        %select_n3A_228 = arith.select %lt3A_216, %select_n3A_192, %mul3A_213 : vector<16xi1>, vector<16xf32>
        %select_n3A_229 = arith.select %lt3A_216, %select_n3A_193, %get3A_202 : vector<16xi1>, vector<16xi32>
        %select_n3A_230 = arith.select %lt3A_217, %select_n3A_228, %select_n3A_196 : vector<16xi1>, vector<16xf32>
        %select_n3A_231 = arith.select %lt3A_217, %select_n3A_229, %select_n3A_197 : vector<16xi1>, vector<16xi32>
        %add3A_232 = arith.constant 1536 : i32
        %add3A_233 = arith.addi %add3A_232, %mul3A_122 : i32
        %get3A_234 = arith.index_cast %add3A_233 : i32 to index
        %get3A_235 = tpu.vector_load %arg12[%get3A_234] {strides = array<i32>} : memref<12288xi32, #tpu.memory_space<vmem>>, vector<16xi32>,
        %get3A_236 = vector.shape_cast %get3A_235 : vector<16xi32> to vector<16xi32>
        %add3A_237 = arith.constant 1536 : i32
        %add3A_238 = arith.addi %add3A_237, %mul3A_122 : i32
        %get3A_239 = arith.index_cast %add3A_238 : i32 to index
        %get3A_240 = tpu.vector_load %arg13[%get3A_239] {strides = array<i32>} : memref<12288xf32, #tpu.memory_space<vmem>>, vector<16xf32>,
        %get3A_241 = vector.shape_cast %get3A_240 : vector<16xf32> to vector<16xf32>
        %get3A_242 = arith.constant 48 : index
        %get3A_243 = tpu.vector_load %arg25[%get3A_242] {strides = array<i32>} : memref<400xf32, #tpu.memory_space<vmem>>, vector<16xf32>,
        %get3A_244 = vector.shape_cast %get3A_243 : vector<16xf32> to vector<16xf32>
        %sub3A_245 = arith.subf %get3A_241, %get3A_124 : vector<16xf32>
        %abs3A_246 = math.absf %sub3A_245 : vector<16xf32>
        %mul3A_247 = arith.mulf %abs3A_246, %get3A_244 : vector<16xf32>
        %lt3A_248 = arith.cmpf olt, %mul3A_247, %select_n3A_218 : vector<16xf32>
        %lt3A_249 = arith.cmpf olt, %mul3A_247, %select_n3A_222 : vector<16xf32>
        %lt3A_250 = arith.cmpf olt, %mul3A_247, %select_n3A_226 : vector<16xf32>
        %lt3A_251 = arith.cmpf olt, %mul3A_247, %select_n3A_230 : vector<16xf32>
        %select_n3A_252 = arith.select %lt3A_248, %mul3A_247, %select_n3A_218 : vector<16xi1>, vector<16xf32>
        %select_n3A_253 = arith.select %lt3A_248, %get3A_236, %select_n3A_219 : vector<16xi1>, vector<16xi32>
        %select_n3A_254 = arith.select %lt3A_248, %select_n3A_218, %mul3A_247 : vector<16xi1>, vector<16xf32>
        %select_n3A_255 = arith.select %lt3A_248, %select_n3A_219, %get3A_236 : vector<16xi1>, vector<16xi32>
        %select_n3A_256 = arith.select %lt3A_249, %select_n3A_254, %select_n3A_222 : vector<16xi1>, vector<16xf32>
        %select_n3A_257 = arith.select %lt3A_249, %select_n3A_255, %select_n3A_223 : vector<16xi1>, vector<16xi32>
        %select_n3A_258 = arith.select %lt3A_249, %select_n3A_222, %mul3A_247 : vector<16xi1>, vector<16xf32>
        %select_n3A_259 = arith.select %lt3A_249, %select_n3A_223, %get3A_236 : vector<16xi1>, vector<16xi32>
        %select_n3A_260 = arith.select %lt3A_250, %select_n3A_258, %select_n3A_226 : vector<16xi1>, vector<16xf32>
        %select_n3A_261 = arith.select %lt3A_250, %select_n3A_259, %select_n3A_227 : vector<16xi1>, vector<16xi32>
        %select_n3A_262 = arith.select %lt3A_250, %select_n3A_226, %mul3A_247 : vector<16xi1>, vector<16xf32>
        %select_n3A_263 = arith.select %lt3A_250, %select_n3A_227, %get3A_236 : vector<16xi1>, vector<16xi32>
        %select_n3A_264 = arith.select %lt3A_251, %select_n3A_262, %select_n3A_230 : vector<16xi1>, vector<16xf32>
        %select_n3A_265 = arith.select %lt3A_251, %select_n3A_263, %select_n3A_231 : vector<16xi1>, vector<16xi32>
        %add3A_266 = arith.constant 2048 : i32
        %add3A_267 = arith.addi %add3A_266, %mul3A_122 : i32
        %get3A_268 = arith.index_cast %add3A_267 : i32 to index
        %get3A_269 = tpu.vector_load %arg12[%get3A_268] {strides = array<i32>} : memref<12288xi32, #tpu.memory_space<vmem>>, vector<16xi32>,
        %get3A_270 = vector.shape_cast %get3A_269 : vector<16xi32> to vector<16xi32>
        %add3A_271 = arith.constant 2048 : i32
        %add3A_272 = arith.addi %add3A_271, %mul3A_122 : i32
        %get3A_273 = arith.index_cast %add3A_272 : i32 to index
        %get3A_274 = tpu.vector_load %arg13[%get3A_273] {strides = array<i32>} : memref<12288xf32, #tpu.memory_space<vmem>>, vector<16xf32>,
        %get3A_275 = vector.shape_cast %get3A_274 : vector<16xf32> to vector<16xf32>
        %get3A_276 = arith.constant 64 : index
        %get3A_277 = tpu.vector_load %arg25[%get3A_276] {strides = array<i32>} : memref<400xf32, #tpu.memory_space<vmem>>, vector<16xf32>,
        %get3A_278 = vector.shape_cast %get3A_277 : vector<16xf32> to vector<16xf32>
        %sub3A_279 = arith.subf %get3A_275, %get3A_124 : vector<16xf32>
        %abs3A_280 = math.absf %sub3A_279 : vector<16xf32>
        %mul3A_281 = arith.mulf %abs3A_280, %get3A_278 : vector<16xf32>
        %lt3A_282 = arith.cmpf olt, %mul3A_281, %select_n3A_252 : vector<16xf32>
        %lt3A_283 = arith.cmpf olt, %mul3A_281, %select_n3A_256 : vector<16xf32>
        %lt3A_284 = arith.cmpf olt, %mul3A_281, %select_n3A_260 : vector<16xf32>
        %lt3A_285 = arith.cmpf olt, %mul3A_281, %select_n3A_264 : vector<16xf32>
        %select_n3A_286 = arith.select %lt3A_282, %mul3A_281, %select_n3A_252 : vector<16xi1>, vector<16xf32>
        %select_n3A_287 = arith.select %lt3A_282, %get3A_270, %select_n3A_253 : vector<16xi1>, vector<16xi32>
        %select_n3A_288 = arith.select %lt3A_282, %select_n3A_252, %mul3A_281 : vector<16xi1>, vector<16xf32>
        %select_n3A_289 = arith.select %lt3A_282, %select_n3A_253, %get3A_270 : vector<16xi1>, vector<16xi32>
        %select_n3A_290 = arith.select %lt3A_283, %select_n3A_288, %select_n3A_256 : vector<16xi1>, vector<16xf32>
        %select_n3A_291 = arith.select %lt3A_283, %select_n3A_289, %select_n3A_257 : vector<16xi1>, vector<16xi32>
        %select_n3A_292 = arith.select %lt3A_283, %select_n3A_256, %mul3A_281 : vector<16xi1>, vector<16xf32>
        %select_n3A_293 = arith.select %lt3A_283, %select_n3A_257, %get3A_270 : vector<16xi1>, vector<16xi32>
        %select_n3A_294 = arith.select %lt3A_284, %select_n3A_292, %select_n3A_260 : vector<16xi1>, vector<16xf32>
        %select_n3A_295 = arith.select %lt3A_284, %select_n3A_293, %select_n3A_261 : vector<16xi1>, vector<16xi32>
        %select_n3A_296 = arith.select %lt3A_284, %select_n3A_260, %mul3A_281 : vector<16xi1>, vector<16xf32>
        %select_n3A_297 = arith.select %lt3A_284, %select_n3A_261, %get3A_270 : vector<16xi1>, vector<16xi32>
        %select_n3A_298 = arith.select %lt3A_285, %select_n3A_296, %select_n3A_264 : vector<16xi1>, vector<16xf32>
        %select_n3A_299 = arith.select %lt3A_285, %select_n3A_297, %select_n3A_265 : vector<16xi1>, vector<16xi32>
        %add3A_300 = arith.constant 2560 : i32
        %add3A_301 = arith.addi %add3A_300, %mul3A_122 : i32
        %get3A_302 = arith.index_cast %add3A_301 : i32 to index
        %get3A_303 = tpu.vector_load %arg12[%get3A_302] {strides = array<i32>} : memref<12288xi32, #tpu.memory_space<vmem>>, vector<16xi32>,
        %get3A_304 = vector.shape_cast %get3A_303 : vector<16xi32> to vector<16xi32>
        %add3A_305 = arith.constant 2560 : i32
        %add3A_306 = arith.addi %add3A_305, %mul3A_122 : i32
        %get3A_307 = arith.index_cast %add3A_306 : i32 to index
        %get3A_308 = tpu.vector_load %arg13[%get3A_307] {strides = array<i32>} : memref<12288xf32, #tpu.memory_space<vmem>>, vector<16xf32>,
        %get3A_309 = vector.shape_cast %get3A_308 : vector<16xf32> to vector<16xf32>
        %get3A_310 = arith.constant 80 : index
        %get3A_311 = tpu.vector_load %arg25[%get3A_310] {strides = array<i32>} : memref<400xf32, #tpu.memory_space<vmem>>, vector<16xf32>,
        %get3A_312 = vector.shape_cast %get3A_311 : vector<16xf32> to vector<16xf32>
        %sub3A_313 = arith.subf %get3A_309, %get3A_124 : vector<16xf32>
        %abs3A_314 = math.absf %sub3A_313 : vector<16xf32>
        %mul3A_315 = arith.mulf %abs3A_314, %get3A_312 : vector<16xf32>
        %lt3A_316 = arith.cmpf olt, %mul3A_315, %select_n3A_286 : vector<16xf32>
        %lt3A_317 = arith.cmpf olt, %mul3A_315, %select_n3A_290 : vector<16xf32>
        %lt3A_318 = arith.cmpf olt, %mul3A_315, %select_n3A_294 : vector<16xf32>
        %lt3A_319 = arith.cmpf olt, %mul3A_315, %select_n3A_298 : vector<16xf32>
        %select_n3A_320 = arith.select %lt3A_316, %mul3A_315, %select_n3A_286 : vector<16xi1>, vector<16xf32>
        %select_n3A_321 = arith.select %lt3A_316, %get3A_304, %select_n3A_287 : vector<16xi1>, vector<16xi32>
        %select_n3A_322 = arith.select %lt3A_316, %select_n3A_286, %mul3A_315 : vector<16xi1>, vector<16xf32>
        %select_n3A_323 = arith.select %lt3A_316, %select_n3A_287, %get3A_304 : vector<16xi1>, vector<16xi32>
        %select_n3A_324 = arith.select %lt3A_317, %select_n3A_322, %select_n3A_290 : vector<16xi1>, vector<16xf32>
        %select_n3A_325 = arith.select %lt3A_317, %select_n3A_323, %select_n3A_291 : vector<16xi1>, vector<16xi32>
        %select_n3A_326 = arith.select %lt3A_317, %select_n3A_290, %mul3A_315 : vector<16xi1>, vector<16xf32>
        %select_n3A_327 = arith.select %lt3A_317, %select_n3A_291, %get3A_304 : vector<16xi1>, vector<16xi32>
        %select_n3A_328 = arith.select %lt3A_318, %select_n3A_326, %select_n3A_294 : vector<16xi1>, vector<16xf32>
        %select_n3A_329 = arith.select %lt3A_318, %select_n3A_327, %select_n3A_295 : vector<16xi1>, vector<16xi32>
        %select_n3A_330 = arith.select %lt3A_318, %select_n3A_294, %mul3A_315 : vector<16xi1>, vector<16xf32>
        %select_n3A_331 = arith.select %lt3A_318, %select_n3A_295, %get3A_304 : vector<16xi1>, vector<16xi32>
        %select_n3A_332 = arith.select %lt3A_319, %select_n3A_330, %select_n3A_298 : vector<16xi1>, vector<16xf32>
        %select_n3A_333 = arith.select %lt3A_319, %select_n3A_331, %select_n3A_299 : vector<16xi1>, vector<16xi32>
        %add3A_334 = arith.constant 3072 : i32
        %add3A_335 = arith.addi %add3A_334, %mul3A_122 : i32
        %get3A_336 = arith.index_cast %add3A_335 : i32 to index
        %get3A_337 = tpu.vector_load %arg12[%get3A_336] {strides = array<i32>} : memref<12288xi32, #tpu.memory_space<vmem>>, vector<16xi32>,
        %get3A_338 = vector.shape_cast %get3A_337 : vector<16xi32> to vector<16xi32>
        %add3A_339 = arith.constant 3072 : i32
        %add3A_340 = arith.addi %add3A_339, %mul3A_122 : i32
        %get3A_341 = arith.index_cast %add3A_340 : i32 to index
        %get3A_342 = tpu.vector_load %arg13[%get3A_341] {strides = array<i32>} : memref<12288xf32, #tpu.memory_space<vmem>>, vector<16xf32>,
        %get3A_343 = vector.shape_cast %get3A_342 : vector<16xf32> to vector<16xf32>
        %get3A_344 = arith.constant 96 : index
        %get3A_345 = tpu.vector_load %arg25[%get3A_344] {strides = array<i32>} : memref<400xf32, #tpu.memory_space<vmem>>, vector<16xf32>,
        %get3A_346 = vector.shape_cast %get3A_345 : vector<16xf32> to vector<16xf32>
        %sub3A_347 = arith.subf %get3A_343, %get3A_124 : vector<16xf32>
        %abs3A_348 = math.absf %sub3A_347 : vector<16xf32>
        %mul3A_349 = arith.mulf %abs3A_348, %get3A_346 : vector<16xf32>
        %lt3A_350 = arith.cmpf olt, %mul3A_349, %select_n3A_320 : vector<16xf32>
        %lt3A_351 = arith.cmpf olt, %mul3A_349, %select_n3A_324 : vector<16xf32>
        %lt3A_352 = arith.cmpf olt, %mul3A_349, %select_n3A_328 : vector<16xf32>
        %lt3A_353 = arith.cmpf olt, %mul3A_349, %select_n3A_332 : vector<16xf32>
        %select_n3A_354 = arith.select %lt3A_350, %mul3A_349, %select_n3A_320 : vector<16xi1>, vector<16xf32>
        %select_n3A_355 = arith.select %lt3A_350, %get3A_338, %select_n3A_321 : vector<16xi1>, vector<16xi32>
        %select_n3A_356 = arith.select %lt3A_350, %select_n3A_320, %mul3A_349 : vector<16xi1>, vector<16xf32>
        %select_n3A_357 = arith.select %lt3A_350, %select_n3A_321, %get3A_338 : vector<16xi1>, vector<16xi32>
        %select_n3A_358 = arith.select %lt3A_351, %select_n3A_356, %select_n3A_324 : vector<16xi1>, vector<16xf32>
        %select_n3A_359 = arith.select %lt3A_351, %select_n3A_357, %select_n3A_325 : vector<16xi1>, vector<16xi32>
        %select_n3A_360 = arith.select %lt3A_351, %select_n3A_324, %mul3A_349 : vector<16xi1>, vector<16xf32>
        %select_n3A_361 = arith.select %lt3A_351, %select_n3A_325, %get3A_338 : vector<16xi1>, vector<16xi32>
        %select_n3A_362 = arith.select %lt3A_352, %select_n3A_360, %select_n3A_328 : vector<16xi1>, vector<16xf32>
        %select_n3A_363 = arith.select %lt3A_352, %select_n3A_361, %select_n3A_329 : vector<16xi1>, vector<16xi32>
        %select_n3A_364 = arith.select %lt3A_352, %select_n3A_328, %mul3A_349 : vector<16xi1>, vector<16xf32>
        %select_n3A_365 = arith.select %lt3A_352, %select_n3A_329, %get3A_338 : vector<16xi1>, vector<16xi32>
        %select_n3A_366 = arith.select %lt3A_353, %select_n3A_364, %select_n3A_332 : vector<16xi1>, vector<16xf32>
        %select_n3A_367 = arith.select %lt3A_353, %select_n3A_365, %select_n3A_333 : vector<16xi1>, vector<16xi32>
        %add3A_368 = arith.constant 3584 : i32
        %add3A_369 = arith.addi %add3A_368, %mul3A_122 : i32
        %get3A_370 = arith.index_cast %add3A_369 : i32 to index
        %get3A_371 = tpu.vector_load %arg12[%get3A_370] {strides = array<i32>} : memref<12288xi32, #tpu.memory_space<vmem>>, vector<16xi32>,
        %get3A_372 = vector.shape_cast %get3A_371 : vector<16xi32> to vector<16xi32>
        %add3A_373 = arith.constant 3584 : i32
        %add3A_374 = arith.addi %add3A_373, %mul3A_122 : i32
        %get3A_375 = arith.index_cast %add3A_374 : i32 to index
        %get3A_376 = tpu.vector_load %arg13[%get3A_375] {strides = array<i32>} : memref<12288xf32, #tpu.memory_space<vmem>>, vector<16xf32>,
        %get3A_377 = vector.shape_cast %get3A_376 : vector<16xf32> to vector<16xf32>
        %get3A_378 = arith.constant 112 : index
        %get3A_379 = tpu.vector_load %arg25[%get3A_378] {strides = array<i32>} : memref<400xf32, #tpu.memory_space<vmem>>, vector<16xf32>,
        %get3A_380 = vector.shape_cast %get3A_379 : vector<16xf32> to vector<16xf32>
        %sub3A_381 = arith.subf %get3A_377, %get3A_124 : vector<16xf32>
        %abs3A_382 = math.absf %sub3A_381 : vector<16xf32>
        %mul3A_383 = arith.mulf %abs3A_382, %get3A_380 : vector<16xf32>
        %lt3A_384 = arith.cmpf olt, %mul3A_383, %select_n3A_354 : vector<16xf32>
        %lt3A_385 = arith.cmpf olt, %mul3A_383, %select_n3A_358 : vector<16xf32>
        %lt3A_386 = arith.cmpf olt, %mul3A_383, %select_n3A_362 : vector<16xf32>
        %lt3A_387 = arith.cmpf olt, %mul3A_383, %select_n3A_366 : vector<16xf32>
        %select_n3A_388 = arith.select %lt3A_384, %mul3A_383, %select_n3A_354 : vector<16xi1>, vector<16xf32>
        %select_n3A_389 = arith.select %lt3A_384, %get3A_372, %select_n3A_355 : vector<16xi1>, vector<16xi32>
        %select_n3A_390 = arith.select %lt3A_384, %select_n3A_354, %mul3A_383 : vector<16xi1>, vector<16xf32>
        %select_n3A_391 = arith.select %lt3A_384, %select_n3A_355, %get3A_372 : vector<16xi1>, vector<16xi32>
        %select_n3A_392 = arith.select %lt3A_385, %select_n3A_390, %select_n3A_358 : vector<16xi1>, vector<16xf32>
        %select_n3A_393 = arith.select %lt3A_385, %select_n3A_391, %select_n3A_359 : vector<16xi1>, vector<16xi32>
        %select_n3A_394 = arith.select %lt3A_385, %select_n3A_358, %mul3A_383 : vector<16xi1>, vector<16xf32>
        %select_n3A_395 = arith.select %lt3A_385, %select_n3A_359, %get3A_372 : vector<16xi1>, vector<16xi32>
        %select_n3A_396 = arith.select %lt3A_386, %select_n3A_394, %select_n3A_362 : vector<16xi1>, vector<16xf32>
        %select_n3A_397 = arith.select %lt3A_386, %select_n3A_395, %select_n3A_363 : vector<16xi1>, vector<16xi32>
        %select_n3A_398 = arith.select %lt3A_386, %select_n3A_362, %mul3A_383 : vector<16xi1>, vector<16xf32>
        %select_n3A_399 = arith.select %lt3A_386, %select_n3A_363, %get3A_372 : vector<16xi1>, vector<16xi32>
        %select_n3A_400 = arith.select %lt3A_387, %select_n3A_398, %select_n3A_366 : vector<16xi1>, vector<16xf32>
        %select_n3A_401 = arith.select %lt3A_387, %select_n3A_399, %select_n3A_367 : vector<16xi1>, vector<16xi32>
        %add3A_402 = arith.constant 4096 : i32
        %add3A_403 = arith.addi %add3A_402, %mul3A_122 : i32
        %get3A_404 = arith.index_cast %add3A_403 : i32 to index
        %get3A_405 = tpu.vector_load %arg12[%get3A_404] {strides = array<i32>} : memref<12288xi32, #tpu.memory_space<vmem>>, vector<16xi32>,
        %get3A_406 = vector.shape_cast %get3A_405 : vector<16xi32> to vector<16xi32>
        %add3A_407 = arith.constant 4096 : i32
        %add3A_408 = arith.addi %add3A_407, %mul3A_122 : i32
        %get3A_409 = arith.index_cast %add3A_408 : i32 to index
        %get3A_410 = tpu.vector_load %arg13[%get3A_409] {strides = array<i32>} : memref<12288xf32, #tpu.memory_space<vmem>>, vector<16xf32>,
        %get3A_411 = vector.shape_cast %get3A_410 : vector<16xf32> to vector<16xf32>
        %get3A_412 = arith.constant 128 : index
        %get3A_413 = tpu.vector_load %arg25[%get3A_412] {strides = array<i32>} : memref<400xf32, #tpu.memory_space<vmem>>, vector<16xf32>,
        %get3A_414 = vector.shape_cast %get3A_413 : vector<16xf32> to vector<16xf32>
        %sub3A_415 = arith.subf %get3A_411, %get3A_124 : vector<16xf32>
        %abs3A_416 = math.absf %sub3A_415 : vector<16xf32>
        %mul3A_417 = arith.mulf %abs3A_416, %get3A_414 : vector<16xf32>
        %lt3A_418 = arith.cmpf olt, %mul3A_417, %select_n3A_388 : vector<16xf32>
        %lt3A_419 = arith.cmpf olt, %mul3A_417, %select_n3A_392 : vector<16xf32>
        %lt3A_420 = arith.cmpf olt, %mul3A_417, %select_n3A_396 : vector<16xf32>
        %lt3A_421 = arith.cmpf olt, %mul3A_417, %select_n3A_400 : vector<16xf32>
        %select_n3A_422 = arith.select %lt3A_418, %mul3A_417, %select_n3A_388 : vector<16xi1>, vector<16xf32>
        %select_n3A_423 = arith.select %lt3A_418, %get3A_406, %select_n3A_389 : vector<16xi1>, vector<16xi32>
        %select_n3A_424 = arith.select %lt3A_418, %select_n3A_388, %mul3A_417 : vector<16xi1>, vector<16xf32>
        %select_n3A_425 = arith.select %lt3A_418, %select_n3A_389, %get3A_406 : vector<16xi1>, vector<16xi32>
        %select_n3A_426 = arith.select %lt3A_419, %select_n3A_424, %select_n3A_392 : vector<16xi1>, vector<16xf32>
        %select_n3A_427 = arith.select %lt3A_419, %select_n3A_425, %select_n3A_393 : vector<16xi1>, vector<16xi32>
        %select_n3A_428 = arith.select %lt3A_419, %select_n3A_392, %mul3A_417 : vector<16xi1>, vector<16xf32>
        %select_n3A_429 = arith.select %lt3A_419, %select_n3A_393, %get3A_406 : vector<16xi1>, vector<16xi32>
        %select_n3A_430 = arith.select %lt3A_420, %select_n3A_428, %select_n3A_396 : vector<16xi1>, vector<16xf32>
        %select_n3A_431 = arith.select %lt3A_420, %select_n3A_429, %select_n3A_397 : vector<16xi1>, vector<16xi32>
        %select_n3A_432 = arith.select %lt3A_420, %select_n3A_396, %mul3A_417 : vector<16xi1>, vector<16xf32>
        %select_n3A_433 = arith.select %lt3A_420, %select_n3A_397, %get3A_406 : vector<16xi1>, vector<16xi32>
        %select_n3A_434 = arith.select %lt3A_421, %select_n3A_432, %select_n3A_400 : vector<16xi1>, vector<16xf32>
        %select_n3A_435 = arith.select %lt3A_421, %select_n3A_433, %select_n3A_401 : vector<16xi1>, vector<16xi32>
        %add3A_436 = arith.constant 4608 : i32
        %add3A_437 = arith.addi %add3A_436, %mul3A_122 : i32
        %get3A_438 = arith.index_cast %add3A_437 : i32 to index
        %get3A_439 = tpu.vector_load %arg12[%get3A_438] {strides = array<i32>} : memref<12288xi32, #tpu.memory_space<vmem>>, vector<16xi32>,
        %get3A_440 = vector.shape_cast %get3A_439 : vector<16xi32> to vector<16xi32>
        %add3A_441 = arith.constant 4608 : i32
        %add3A_442 = arith.addi %add3A_441, %mul3A_122 : i32
        %get3A_443 = arith.index_cast %add3A_442 : i32 to index
        %get3A_444 = tpu.vector_load %arg13[%get3A_443] {strides = array<i32>} : memref<12288xf32, #tpu.memory_space<vmem>>, vector<16xf32>,
        %get3A_445 = vector.shape_cast %get3A_444 : vector<16xf32> to vector<16xf32>
        %get3A_446 = arith.constant 144 : index
        %get3A_447 = tpu.vector_load %arg25[%get3A_446] {strides = array<i32>} : memref<400xf32, #tpu.memory_space<vmem>>, vector<16xf32>,
        %get3A_448 = vector.shape_cast %get3A_447 : vector<16xf32> to vector<16xf32>
        %sub3A_449 = arith.subf %get3A_445, %get3A_124 : vector<16xf32>
        %abs3A_450 = math.absf %sub3A_449 : vector<16xf32>
        %mul3A_451 = arith.mulf %abs3A_450, %get3A_448 : vector<16xf32>
        %lt3A_452 = arith.cmpf olt, %mul3A_451, %select_n3A_422 : vector<16xf32>
        %lt3A_453 = arith.cmpf olt, %mul3A_451, %select_n3A_426 : vector<16xf32>
        %lt3A_454 = arith.cmpf olt, %mul3A_451, %select_n3A_430 : vector<16xf32>
        %lt3A_455 = arith.cmpf olt, %mul3A_451, %select_n3A_434 : vector<16xf32>
        %select_n3A_456 = arith.select %lt3A_452, %mul3A_451, %select_n3A_422 : vector<16xi1>, vector<16xf32>
        %select_n3A_457 = arith.select %lt3A_452, %get3A_440, %select_n3A_423 : vector<16xi1>, vector<16xi32>
        %select_n3A_458 = arith.select %lt3A_452, %select_n3A_422, %mul3A_451 : vector<16xi1>, vector<16xf32>
        %select_n3A_459 = arith.select %lt3A_452, %select_n3A_423, %get3A_440 : vector<16xi1>, vector<16xi32>
        %select_n3A_460 = arith.select %lt3A_453, %select_n3A_458, %select_n3A_426 : vector<16xi1>, vector<16xf32>
        %select_n3A_461 = arith.select %lt3A_453, %select_n3A_459, %select_n3A_427 : vector<16xi1>, vector<16xi32>
        %select_n3A_462 = arith.select %lt3A_453, %select_n3A_426, %mul3A_451 : vector<16xi1>, vector<16xf32>
        %select_n3A_463 = arith.select %lt3A_453, %select_n3A_427, %get3A_440 : vector<16xi1>, vector<16xi32>
        %select_n3A_464 = arith.select %lt3A_454, %select_n3A_462, %select_n3A_430 : vector<16xi1>, vector<16xf32>
        %select_n3A_465 = arith.select %lt3A_454, %select_n3A_463, %select_n3A_431 : vector<16xi1>, vector<16xi32>
        %select_n3A_466 = arith.select %lt3A_454, %select_n3A_430, %mul3A_451 : vector<16xi1>, vector<16xf32>
        %select_n3A_467 = arith.select %lt3A_454, %select_n3A_431, %get3A_440 : vector<16xi1>, vector<16xi32>
        %select_n3A_468 = arith.select %lt3A_455, %select_n3A_466, %select_n3A_434 : vector<16xi1>, vector<16xf32>
        %select_n3A_469 = arith.select %lt3A_455, %select_n3A_467, %select_n3A_435 : vector<16xi1>, vector<16xi32>
        %add3A_470 = arith.constant 5120 : i32
        %add3A_471 = arith.addi %add3A_470, %mul3A_122 : i32
        %get3A_472 = arith.index_cast %add3A_471 : i32 to index
        %get3A_473 = tpu.vector_load %arg12[%get3A_472] {strides = array<i32>} : memref<12288xi32, #tpu.memory_space<vmem>>, vector<16xi32>,
        %get3A_474 = vector.shape_cast %get3A_473 : vector<16xi32> to vector<16xi32>
        %add3A_475 = arith.constant 5120 : i32
        %add3A_476 = arith.addi %add3A_475, %mul3A_122 : i32
        %get3A_477 = arith.index_cast %add3A_476 : i32 to index
        %get3A_478 = tpu.vector_load %arg13[%get3A_477] {strides = array<i32>} : memref<12288xf32, #tpu.memory_space<vmem>>, vector<16xf32>,
        %get3A_479 = vector.shape_cast %get3A_478 : vector<16xf32> to vector<16xf32>
        %get3A_480 = arith.constant 160 : index
        %get3A_481 = tpu.vector_load %arg25[%get3A_480] {strides = array<i32>} : memref<400xf32, #tpu.memory_space<vmem>>, vector<16xf32>,
        %get3A_482 = vector.shape_cast %get3A_481 : vector<16xf32> to vector<16xf32>
        %sub3A_483 = arith.subf %get3A_479, %get3A_124 : vector<16xf32>
        %abs3A_484 = math.absf %sub3A_483 : vector<16xf32>
        %mul3A_485 = arith.mulf %abs3A_484, %get3A_482 : vector<16xf32>
        %lt3A_486 = arith.cmpf olt, %mul3A_485, %select_n3A_456 : vector<16xf32>
        %lt3A_487 = arith.cmpf olt, %mul3A_485, %select_n3A_460 : vector<16xf32>
        %lt3A_488 = arith.cmpf olt, %mul3A_485, %select_n3A_464 : vector<16xf32>
        %lt3A_489 = arith.cmpf olt, %mul3A_485, %select_n3A_468 : vector<16xf32>
        %select_n3A_490 = arith.select %lt3A_486, %mul3A_485, %select_n3A_456 : vector<16xi1>, vector<16xf32>
        %select_n3A_491 = arith.select %lt3A_486, %get3A_474, %select_n3A_457 : vector<16xi1>, vector<16xi32>
        %select_n3A_492 = arith.select %lt3A_486, %select_n3A_456, %mul3A_485 : vector<16xi1>, vector<16xf32>
        %select_n3A_493 = arith.select %lt3A_486, %select_n3A_457, %get3A_474 : vector<16xi1>, vector<16xi32>
        %select_n3A_494 = arith.select %lt3A_487, %select_n3A_492, %select_n3A_460 : vector<16xi1>, vector<16xf32>
        %select_n3A_495 = arith.select %lt3A_487, %select_n3A_493, %select_n3A_461 : vector<16xi1>, vector<16xi32>
        %select_n3A_496 = arith.select %lt3A_487, %select_n3A_460, %mul3A_485 : vector<16xi1>, vector<16xf32>
        %select_n3A_497 = arith.select %lt3A_487, %select_n3A_461, %get3A_474 : vector<16xi1>, vector<16xi32>
        %select_n3A_498 = arith.select %lt3A_488, %select_n3A_496, %select_n3A_464 : vector<16xi1>, vector<16xf32>
        %select_n3A_499 = arith.select %lt3A_488, %select_n3A_497, %select_n3A_465 : vector<16xi1>, vector<16xi32>
        %select_n3A_500 = arith.select %lt3A_488, %select_n3A_464, %mul3A_485 : vector<16xi1>, vector<16xf32>
        %select_n3A_501 = arith.select %lt3A_488, %select_n3A_465, %get3A_474 : vector<16xi1>, vector<16xi32>
        %select_n3A_502 = arith.select %lt3A_489, %select_n3A_500, %select_n3A_468 : vector<16xi1>, vector<16xf32>
        %select_n3A_503 = arith.select %lt3A_489, %select_n3A_501, %select_n3A_469 : vector<16xi1>, vector<16xi32>
        %add3A_504 = arith.constant 5632 : i32
        %add3A_505 = arith.addi %add3A_504, %mul3A_122 : i32
        %get3A_506 = arith.index_cast %add3A_505 : i32 to index
        %get3A_507 = tpu.vector_load %arg12[%get3A_506] {strides = array<i32>} : memref<12288xi32, #tpu.memory_space<vmem>>, vector<16xi32>,
        %get3A_508 = vector.shape_cast %get3A_507 : vector<16xi32> to vector<16xi32>
        %add3A_509 = arith.constant 5632 : i32
        %add3A_510 = arith.addi %add3A_509, %mul3A_122 : i32
        %get3A_511 = arith.index_cast %add3A_510 : i32 to index
        %get3A_512 = tpu.vector_load %arg13[%get3A_511] {strides = array<i32>} : memref<12288xf32, #tpu.memory_space<vmem>>, vector<16xf32>,
        %get3A_513 = vector.shape_cast %get3A_512 : vector<16xf32> to vector<16xf32>
        %get3A_514 = arith.constant 176 : index
        %get3A_515 = tpu.vector_load %arg25[%get3A_514] {strides = array<i32>} : memref<400xf32, #tpu.memory_space<vmem>>, vector<16xf32>,
        %get3A_516 = vector.shape_cast %get3A_515 : vector<16xf32> to vector<16xf32>
        %sub3A_517 = arith.subf %get3A_513, %get3A_124 : vector<16xf32>
        %abs3A_518 = math.absf %sub3A_517 : vector<16xf32>
        %mul3A_519 = arith.mulf %abs3A_518, %get3A_516 : vector<16xf32>
        %lt3A_520 = arith.cmpf olt, %mul3A_519, %select_n3A_490 : vector<16xf32>
        %lt3A_521 = arith.cmpf olt, %mul3A_519, %select_n3A_494 : vector<16xf32>
        %lt3A_522 = arith.cmpf olt, %mul3A_519, %select_n3A_498 : vector<16xf32>
        %lt3A_523 = arith.cmpf olt, %mul3A_519, %select_n3A_502 : vector<16xf32>
        %select_n3A_524 = arith.select %lt3A_520, %mul3A_519, %select_n3A_490 : vector<16xi1>, vector<16xf32>
        %select_n3A_525 = arith.select %lt3A_520, %get3A_508, %select_n3A_491 : vector<16xi1>, vector<16xi32>
        %select_n3A_526 = arith.select %lt3A_520, %select_n3A_490, %mul3A_519 : vector<16xi1>, vector<16xf32>
        %select_n3A_527 = arith.select %lt3A_520, %select_n3A_491, %get3A_508 : vector<16xi1>, vector<16xi32>
        %select_n3A_528 = arith.select %lt3A_521, %select_n3A_526, %select_n3A_494 : vector<16xi1>, vector<16xf32>
        %select_n3A_529 = arith.select %lt3A_521, %select_n3A_527, %select_n3A_495 : vector<16xi1>, vector<16xi32>
        %select_n3A_530 = arith.select %lt3A_521, %select_n3A_494, %mul3A_519 : vector<16xi1>, vector<16xf32>
        %select_n3A_531 = arith.select %lt3A_521, %select_n3A_495, %get3A_508 : vector<16xi1>, vector<16xi32>
        %select_n3A_532 = arith.select %lt3A_522, %select_n3A_530, %select_n3A_498 : vector<16xi1>, vector<16xf32>
        %select_n3A_533 = arith.select %lt3A_522, %select_n3A_531, %select_n3A_499 : vector<16xi1>, vector<16xi32>
        %select_n3A_534 = arith.select %lt3A_522, %select_n3A_498, %mul3A_519 : vector<16xi1>, vector<16xf32>
        %select_n3A_535 = arith.select %lt3A_522, %select_n3A_499, %get3A_508 : vector<16xi1>, vector<16xi32>
        %select_n3A_536 = arith.select %lt3A_523, %select_n3A_534, %select_n3A_502 : vector<16xi1>, vector<16xf32>
        %select_n3A_537 = arith.select %lt3A_523, %select_n3A_535, %select_n3A_503 : vector<16xi1>, vector<16xi32>
        %add3A_538 = arith.constant 6144 : i32
        %add3A_539 = arith.addi %add3A_538, %mul3A_122 : i32
        %get3A_540 = arith.index_cast %add3A_539 : i32 to index
        %get3A_541 = tpu.vector_load %arg12[%get3A_540] {strides = array<i32>} : memref<12288xi32, #tpu.memory_space<vmem>>, vector<16xi32>,
        %get3A_542 = vector.shape_cast %get3A_541 : vector<16xi32> to vector<16xi32>
        %add3A_543 = arith.constant 6144 : i32
        %add3A_544 = arith.addi %add3A_543, %mul3A_122 : i32
        %get3A_545 = arith.index_cast %add3A_544 : i32 to index
        %get3A_546 = tpu.vector_load %arg13[%get3A_545] {strides = array<i32>} : memref<12288xf32, #tpu.memory_space<vmem>>, vector<16xf32>,
        %get3A_547 = vector.shape_cast %get3A_546 : vector<16xf32> to vector<16xf32>
        %get3A_548 = arith.constant 208 : index
        %get3A_549 = tpu.vector_load %arg25[%get3A_548] {strides = array<i32>} : memref<400xf32, #tpu.memory_space<vmem>>, vector<16xf32>,
        %get3A_550 = vector.shape_cast %get3A_549 : vector<16xf32> to vector<16xf32>
        %sub3A_551 = arith.subf %get3A_547, %get3A_124 : vector<16xf32>
        %abs3A_552 = math.absf %sub3A_551 : vector<16xf32>
        %mul3A_553 = arith.mulf %abs3A_552, %get3A_550 : vector<16xf32>
        %lt3A_554 = arith.cmpf olt, %mul3A_553, %select_n3A_524 : vector<16xf32>
        %lt3A_555 = arith.cmpf olt, %mul3A_553, %select_n3A_528 : vector<16xf32>
        %lt3A_556 = arith.cmpf olt, %mul3A_553, %select_n3A_532 : vector<16xf32>
        %lt3A_557 = arith.cmpf olt, %mul3A_553, %select_n3A_536 : vector<16xf32>
        %select_n3A_558 = arith.select %lt3A_554, %mul3A_553, %select_n3A_524 : vector<16xi1>, vector<16xf32>
        %select_n3A_559 = arith.select %lt3A_554, %get3A_542, %select_n3A_525 : vector<16xi1>, vector<16xi32>
        %select_n3A_560 = arith.select %lt3A_554, %select_n3A_524, %mul3A_553 : vector<16xi1>, vector<16xf32>
        %select_n3A_561 = arith.select %lt3A_554, %select_n3A_525, %get3A_542 : vector<16xi1>, vector<16xi32>
        %select_n3A_562 = arith.select %lt3A_555, %select_n3A_560, %select_n3A_528 : vector<16xi1>, vector<16xf32>
        %select_n3A_563 = arith.select %lt3A_555, %select_n3A_561, %select_n3A_529 : vector<16xi1>, vector<16xi32>
        %select_n3A_564 = arith.select %lt3A_555, %select_n3A_528, %mul3A_553 : vector<16xi1>, vector<16xf32>
        %select_n3A_565 = arith.select %lt3A_555, %select_n3A_529, %get3A_542 : vector<16xi1>, vector<16xi32>
        %select_n3A_566 = arith.select %lt3A_556, %select_n3A_564, %select_n3A_532 : vector<16xi1>, vector<16xf32>
        %select_n3A_567 = arith.select %lt3A_556, %select_n3A_565, %select_n3A_533 : vector<16xi1>, vector<16xi32>
        %select_n3A_568 = arith.select %lt3A_556, %select_n3A_532, %mul3A_553 : vector<16xi1>, vector<16xf32>
        %select_n3A_569 = arith.select %lt3A_556, %select_n3A_533, %get3A_542 : vector<16xi1>, vector<16xi32>
        %select_n3A_570 = arith.select %lt3A_557, %select_n3A_568, %select_n3A_536 : vector<16xi1>, vector<16xf32>
        %select_n3A_571 = arith.select %lt3A_557, %select_n3A_569, %select_n3A_537 : vector<16xi1>, vector<16xi32>
        %add3A_572 = arith.constant 6656 : i32
        %add3A_573 = arith.addi %add3A_572, %mul3A_122 : i32
        %get3A_574 = arith.index_cast %add3A_573 : i32 to index
        %get3A_575 = tpu.vector_load %arg12[%get3A_574] {strides = array<i32>} : memref<12288xi32, #tpu.memory_space<vmem>>, vector<16xi32>,
        %get3A_576 = vector.shape_cast %get3A_575 : vector<16xi32> to vector<16xi32>
        %add3A_577 = arith.constant 6656 : i32
        %add3A_578 = arith.addi %add3A_577, %mul3A_122 : i32
        %get3A_579 = arith.index_cast %add3A_578 : i32 to index
        %get3A_580 = tpu.vector_load %arg13[%get3A_579] {strides = array<i32>} : memref<12288xf32, #tpu.memory_space<vmem>>, vector<16xf32>,
        %get3A_581 = vector.shape_cast %get3A_580 : vector<16xf32> to vector<16xf32>
        %get3A_582 = arith.constant 224 : index
        %get3A_583 = tpu.vector_load %arg25[%get3A_582] {strides = array<i32>} : memref<400xf32, #tpu.memory_space<vmem>>, vector<16xf32>,
        %get3A_584 = vector.shape_cast %get3A_583 : vector<16xf32> to vector<16xf32>
        %sub3A_585 = arith.subf %get3A_581, %get3A_124 : vector<16xf32>
        %abs3A_586 = math.absf %sub3A_585 : vector<16xf32>
        %mul3A_587 = arith.mulf %abs3A_586, %get3A_584 : vector<16xf32>
        %lt3A_588 = arith.cmpf olt, %mul3A_587, %select_n3A_558 : vector<16xf32>
        %lt3A_589 = arith.cmpf olt, %mul3A_587, %select_n3A_562 : vector<16xf32>
        %lt3A_590 = arith.cmpf olt, %mul3A_587, %select_n3A_566 : vector<16xf32>
        %lt3A_591 = arith.cmpf olt, %mul3A_587, %select_n3A_570 : vector<16xf32>
        %select_n3A_592 = arith.select %lt3A_588, %mul3A_587, %select_n3A_558 : vector<16xi1>, vector<16xf32>
        %select_n3A_593 = arith.select %lt3A_588, %get3A_576, %select_n3A_559 : vector<16xi1>, vector<16xi32>
        %select_n3A_594 = arith.select %lt3A_588, %select_n3A_558, %mul3A_587 : vector<16xi1>, vector<16xf32>
        %select_n3A_595 = arith.select %lt3A_588, %select_n3A_559, %get3A_576 : vector<16xi1>, vector<16xi32>
        %select_n3A_596 = arith.select %lt3A_589, %select_n3A_594, %select_n3A_562 : vector<16xi1>, vector<16xf32>
        %select_n3A_597 = arith.select %lt3A_589, %select_n3A_595, %select_n3A_563 : vector<16xi1>, vector<16xi32>
        %select_n3A_598 = arith.select %lt3A_589, %select_n3A_562, %mul3A_587 : vector<16xi1>, vector<16xf32>
        %select_n3A_599 = arith.select %lt3A_589, %select_n3A_563, %get3A_576 : vector<16xi1>, vector<16xi32>
        %select_n3A_600 = arith.select %lt3A_590, %select_n3A_598, %select_n3A_566 : vector<16xi1>, vector<16xf32>
        %select_n3A_601 = arith.select %lt3A_590, %select_n3A_599, %select_n3A_567 : vector<16xi1>, vector<16xi32>
        %select_n3A_602 = arith.select %lt3A_590, %select_n3A_566, %mul3A_587 : vector<16xi1>, vector<16xf32>
        %select_n3A_603 = arith.select %lt3A_590, %select_n3A_567, %get3A_576 : vector<16xi1>, vector<16xi32>
        %select_n3A_604 = arith.select %lt3A_591, %select_n3A_602, %select_n3A_570 : vector<16xi1>, vector<16xf32>
        %select_n3A_605 = arith.select %lt3A_591, %select_n3A_603, %select_n3A_571 : vector<16xi1>, vector<16xi32>
        %add3A_606 = arith.constant 7168 : i32
        %add3A_607 = arith.addi %add3A_606, %mul3A_122 : i32
        %get3A_608 = arith.index_cast %add3A_607 : i32 to index
        %get3A_609 = tpu.vector_load %arg12[%get3A_608] {strides = array<i32>} : memref<12288xi32, #tpu.memory_space<vmem>>, vector<16xi32>,
        %get3A_610 = vector.shape_cast %get3A_609 : vector<16xi32> to vector<16xi32>
        %add3A_611 = arith.constant 7168 : i32
        %add3A_612 = arith.addi %add3A_611, %mul3A_122 : i32
        %get3A_613 = arith.index_cast %add3A_612 : i32 to index
        %get3A_614 = tpu.vector_load %arg13[%get3A_613] {strides = array<i32>} : memref<12288xf32, #tpu.memory_space<vmem>>, vector<16xf32>,
        %get3A_615 = vector.shape_cast %get3A_614 : vector<16xf32> to vector<16xf32>
        %get3A_616 = arith.constant 240 : index
        %get3A_617 = tpu.vector_load %arg25[%get3A_616] {strides = array<i32>} : memref<400xf32, #tpu.memory_space<vmem>>, vector<16xf32>,
        %get3A_618 = vector.shape_cast %get3A_617 : vector<16xf32> to vector<16xf32>
        %sub3A_619 = arith.subf %get3A_615, %get3A_124 : vector<16xf32>
        %abs3A_620 = math.absf %sub3A_619 : vector<16xf32>
        %mul3A_621 = arith.mulf %abs3A_620, %get3A_618 : vector<16xf32>
        %lt3A_622 = arith.cmpf olt, %mul3A_621, %select_n3A_592 : vector<16xf32>
        %lt3A_623 = arith.cmpf olt, %mul3A_621, %select_n3A_596 : vector<16xf32>
        %lt3A_624 = arith.cmpf olt, %mul3A_621, %select_n3A_600 : vector<16xf32>
        %lt3A_625 = arith.cmpf olt, %mul3A_621, %select_n3A_604 : vector<16xf32>
        %select_n3A_626 = arith.select %lt3A_622, %mul3A_621, %select_n3A_592 : vector<16xi1>, vector<16xf32>
        %select_n3A_627 = arith.select %lt3A_622, %get3A_610, %select_n3A_593 : vector<16xi1>, vector<16xi32>
        %select_n3A_628 = arith.select %lt3A_622, %select_n3A_592, %mul3A_621 : vector<16xi1>, vector<16xf32>
        %select_n3A_629 = arith.select %lt3A_622, %select_n3A_593, %get3A_610 : vector<16xi1>, vector<16xi32>
        %select_n3A_630 = arith.select %lt3A_623, %select_n3A_628, %select_n3A_596 : vector<16xi1>, vector<16xf32>
        %select_n3A_631 = arith.select %lt3A_623, %select_n3A_629, %select_n3A_597 : vector<16xi1>, vector<16xi32>
        %select_n3A_632 = arith.select %lt3A_623, %select_n3A_596, %mul3A_621 : vector<16xi1>, vector<16xf32>
        %select_n3A_633 = arith.select %lt3A_623, %select_n3A_597, %get3A_610 : vector<16xi1>, vector<16xi32>
        %select_n3A_634 = arith.select %lt3A_624, %select_n3A_632, %select_n3A_600 : vector<16xi1>, vector<16xf32>
        %select_n3A_635 = arith.select %lt3A_624, %select_n3A_633, %select_n3A_601 : vector<16xi1>, vector<16xi32>
        %select_n3A_636 = arith.select %lt3A_624, %select_n3A_600, %mul3A_621 : vector<16xi1>, vector<16xf32>
        %select_n3A_637 = arith.select %lt3A_624, %select_n3A_601, %get3A_610 : vector<16xi1>, vector<16xi32>
        %select_n3A_638 = arith.select %lt3A_625, %select_n3A_636, %select_n3A_604 : vector<16xi1>, vector<16xf32>
        %select_n3A_639 = arith.select %lt3A_625, %select_n3A_637, %select_n3A_605 : vector<16xi1>, vector<16xi32>
        %add3A_640 = arith.constant 7680 : i32
        %add3A_641 = arith.addi %add3A_640, %mul3A_122 : i32
        %get3A_642 = arith.index_cast %add3A_641 : i32 to index
        %get3A_643 = tpu.vector_load %arg12[%get3A_642] {strides = array<i32>} : memref<12288xi32, #tpu.memory_space<vmem>>, vector<16xi32>,
        %get3A_644 = vector.shape_cast %get3A_643 : vector<16xi32> to vector<16xi32>
        %add3A_645 = arith.constant 7680 : i32
        %add3A_646 = arith.addi %add3A_645, %mul3A_122 : i32
        %get3A_647 = arith.index_cast %add3A_646 : i32 to index
        %get3A_648 = tpu.vector_load %arg13[%get3A_647] {strides = array<i32>} : memref<12288xf32, #tpu.memory_space<vmem>>, vector<16xf32>,
        %get3A_649 = vector.shape_cast %get3A_648 : vector<16xf32> to vector<16xf32>
        %get3A_650 = arith.constant 256 : index
        %get3A_651 = tpu.vector_load %arg25[%get3A_650] {strides = array<i32>} : memref<400xf32, #tpu.memory_space<vmem>>, vector<16xf32>,
        %get3A_652 = vector.shape_cast %get3A_651 : vector<16xf32> to vector<16xf32>
        %sub3A_653 = arith.subf %get3A_649, %get3A_124 : vector<16xf32>
        %abs3A_654 = math.absf %sub3A_653 : vector<16xf32>
        %mul3A_655 = arith.mulf %abs3A_654, %get3A_652 : vector<16xf32>
        %lt3A_656 = arith.cmpf olt, %mul3A_655, %select_n3A_626 : vector<16xf32>
        %lt3A_657 = arith.cmpf olt, %mul3A_655, %select_n3A_630 : vector<16xf32>
        %lt3A_658 = arith.cmpf olt, %mul3A_655, %select_n3A_634 : vector<16xf32>
        %lt3A_659 = arith.cmpf olt, %mul3A_655, %select_n3A_638 : vector<16xf32>
        %select_n3A_660 = arith.select %lt3A_656, %mul3A_655, %select_n3A_626 : vector<16xi1>, vector<16xf32>
        %select_n3A_661 = arith.select %lt3A_656, %get3A_644, %select_n3A_627 : vector<16xi1>, vector<16xi32>
        %select_n3A_662 = arith.select %lt3A_656, %select_n3A_626, %mul3A_655 : vector<16xi1>, vector<16xf32>
        %select_n3A_663 = arith.select %lt3A_656, %select_n3A_627, %get3A_644 : vector<16xi1>, vector<16xi32>
        %select_n3A_664 = arith.select %lt3A_657, %select_n3A_662, %select_n3A_630 : vector<16xi1>, vector<16xf32>
        %select_n3A_665 = arith.select %lt3A_657, %select_n3A_663, %select_n3A_631 : vector<16xi1>, vector<16xi32>
        %select_n3A_666 = arith.select %lt3A_657, %select_n3A_630, %mul3A_655 : vector<16xi1>, vector<16xf32>
        %select_n3A_667 = arith.select %lt3A_657, %select_n3A_631, %get3A_644 : vector<16xi1>, vector<16xi32>
        %select_n3A_668 = arith.select %lt3A_658, %select_n3A_666, %select_n3A_634 : vector<16xi1>, vector<16xf32>
        %select_n3A_669 = arith.select %lt3A_658, %select_n3A_667, %select_n3A_635 : vector<16xi1>, vector<16xi32>
        %select_n3A_670 = arith.select %lt3A_658, %select_n3A_634, %mul3A_655 : vector<16xi1>, vector<16xf32>
        %select_n3A_671 = arith.select %lt3A_658, %select_n3A_635, %get3A_644 : vector<16xi1>, vector<16xi32>
        %select_n3A_672 = arith.select %lt3A_659, %select_n3A_670, %select_n3A_638 : vector<16xi1>, vector<16xf32>
        %select_n3A_673 = arith.select %lt3A_659, %select_n3A_671, %select_n3A_639 : vector<16xi1>, vector<16xi32>
        %add3A_674 = arith.constant 8192 : i32
        %add3A_675 = arith.addi %add3A_674, %mul3A_122 : i32
        %get3A_676 = arith.index_cast %add3A_675 : i32 to index
        %get3A_677 = tpu.vector_load %arg12[%get3A_676] {strides = array<i32>} : memref<12288xi32, #tpu.memory_space<vmem>>, vector<16xi32>,
        %get3A_678 = vector.shape_cast %get3A_677 : vector<16xi32> to vector<16xi32>
        %add3A_679 = arith.constant 8192 : i32
        %add3A_680 = arith.addi %add3A_679, %mul3A_122 : i32
        %get3A_681 = arith.index_cast %add3A_680 : i32 to index
        %get3A_682 = tpu.vector_load %arg13[%get3A_681] {strides = array<i32>} : memref<12288xf32, #tpu.memory_space<vmem>>, vector<16xf32>,
        %get3A_683 = vector.shape_cast %get3A_682 : vector<16xf32> to vector<16xf32>
        %get3A_684 = arith.constant 272 : index
        %get3A_685 = tpu.vector_load %arg25[%get3A_684] {strides = array<i32>} : memref<400xf32, #tpu.memory_space<vmem>>, vector<16xf32>,
        %get3A_686 = vector.shape_cast %get3A_685 : vector<16xf32> to vector<16xf32>
        %sub3A_687 = arith.subf %get3A_683, %get3A_124 : vector<16xf32>
        %abs3A_688 = math.absf %sub3A_687 : vector<16xf32>
        %mul3A_689 = arith.mulf %abs3A_688, %get3A_686 : vector<16xf32>
        %lt3A_690 = arith.cmpf olt, %mul3A_689, %select_n3A_660 : vector<16xf32>
        %lt3A_691 = arith.cmpf olt, %mul3A_689, %select_n3A_664 : vector<16xf32>
        %lt3A_692 = arith.cmpf olt, %mul3A_689, %select_n3A_668 : vector<16xf32>
        %lt3A_693 = arith.cmpf olt, %mul3A_689, %select_n3A_672 : vector<16xf32>
        %select_n3A_694 = arith.select %lt3A_690, %mul3A_689, %select_n3A_660 : vector<16xi1>, vector<16xf32>
        %select_n3A_695 = arith.select %lt3A_690, %get3A_678, %select_n3A_661 : vector<16xi1>, vector<16xi32>
        %select_n3A_696 = arith.select %lt3A_690, %select_n3A_660, %mul3A_689 : vector<16xi1>, vector<16xf32>
        %select_n3A_697 = arith.select %lt3A_690, %select_n3A_661, %get3A_678 : vector<16xi1>, vector<16xi32>
        %select_n3A_698 = arith.select %lt3A_691, %select_n3A_696, %select_n3A_664 : vector<16xi1>, vector<16xf32>
        %select_n3A_699 = arith.select %lt3A_691, %select_n3A_697, %select_n3A_665 : vector<16xi1>, vector<16xi32>
        %select_n3A_700 = arith.select %lt3A_691, %select_n3A_664, %mul3A_689 : vector<16xi1>, vector<16xf32>
        %select_n3A_701 = arith.select %lt3A_691, %select_n3A_665, %get3A_678 : vector<16xi1>, vector<16xi32>
        %select_n3A_702 = arith.select %lt3A_692, %select_n3A_700, %select_n3A_668 : vector<16xi1>, vector<16xf32>
        %select_n3A_703 = arith.select %lt3A_692, %select_n3A_701, %select_n3A_669 : vector<16xi1>, vector<16xi32>
        %select_n3A_704 = arith.select %lt3A_692, %select_n3A_668, %mul3A_689 : vector<16xi1>, vector<16xf32>
        %select_n3A_705 = arith.select %lt3A_692, %select_n3A_669, %get3A_678 : vector<16xi1>, vector<16xi32>
        %select_n3A_706 = arith.select %lt3A_693, %select_n3A_704, %select_n3A_672 : vector<16xi1>, vector<16xf32>
        %select_n3A_707 = arith.select %lt3A_693, %select_n3A_705, %select_n3A_673 : vector<16xi1>, vector<16xi32>
        %add3A_708 = arith.constant 8704 : i32
        %add3A_709 = arith.addi %add3A_708, %mul3A_122 : i32
        %get3A_710 = arith.index_cast %add3A_709 : i32 to index
        %get3A_711 = tpu.vector_load %arg12[%get3A_710] {strides = array<i32>} : memref<12288xi32, #tpu.memory_space<vmem>>, vector<16xi32>,
        %get3A_712 = vector.shape_cast %get3A_711 : vector<16xi32> to vector<16xi32>
        %add3A_713 = arith.constant 8704 : i32
        %add3A_714 = arith.addi %add3A_713, %mul3A_122 : i32
        %get3A_715 = arith.index_cast %add3A_714 : i32 to index
        %get3A_716 = tpu.vector_load %arg13[%get3A_715] {strides = array<i32>} : memref<12288xf32, #tpu.memory_space<vmem>>, vector<16xf32>,
        %get3A_717 = vector.shape_cast %get3A_716 : vector<16xf32> to vector<16xf32>
        %get3A_718 = arith.constant 288 : index
        %get3A_719 = tpu.vector_load %arg25[%get3A_718] {strides = array<i32>} : memref<400xf32, #tpu.memory_space<vmem>>, vector<16xf32>,
        %get3A_720 = vector.shape_cast %get3A_719 : vector<16xf32> to vector<16xf32>
        %sub3A_721 = arith.subf %get3A_717, %get3A_124 : vector<16xf32>
        %abs3A_722 = math.absf %sub3A_721 : vector<16xf32>
        %mul3A_723 = arith.mulf %abs3A_722, %get3A_720 : vector<16xf32>
        %lt3A_724 = arith.cmpf olt, %mul3A_723, %select_n3A_694 : vector<16xf32>
        %lt3A_725 = arith.cmpf olt, %mul3A_723, %select_n3A_698 : vector<16xf32>
        %lt3A_726 = arith.cmpf olt, %mul3A_723, %select_n3A_702 : vector<16xf32>
        %lt3A_727 = arith.cmpf olt, %mul3A_723, %select_n3A_706 : vector<16xf32>
        %select_n3A_728 = arith.select %lt3A_724, %mul3A_723, %select_n3A_694 : vector<16xi1>, vector<16xf32>
        %select_n3A_729 = arith.select %lt3A_724, %get3A_712, %select_n3A_695 : vector<16xi1>, vector<16xi32>
        %select_n3A_730 = arith.select %lt3A_724, %select_n3A_694, %mul3A_723 : vector<16xi1>, vector<16xf32>
        %select_n3A_731 = arith.select %lt3A_724, %select_n3A_695, %get3A_712 : vector<16xi1>, vector<16xi32>
        %select_n3A_732 = arith.select %lt3A_725, %select_n3A_730, %select_n3A_698 : vector<16xi1>, vector<16xf32>
        %select_n3A_733 = arith.select %lt3A_725, %select_n3A_731, %select_n3A_699 : vector<16xi1>, vector<16xi32>
        %select_n3A_734 = arith.select %lt3A_725, %select_n3A_698, %mul3A_723 : vector<16xi1>, vector<16xf32>
        %select_n3A_735 = arith.select %lt3A_725, %select_n3A_699, %get3A_712 : vector<16xi1>, vector<16xi32>
        %select_n3A_736 = arith.select %lt3A_726, %select_n3A_734, %select_n3A_702 : vector<16xi1>, vector<16xf32>
        %select_n3A_737 = arith.select %lt3A_726, %select_n3A_735, %select_n3A_703 : vector<16xi1>, vector<16xi32>
        %select_n3A_738 = arith.select %lt3A_726, %select_n3A_702, %mul3A_723 : vector<16xi1>, vector<16xf32>
        %select_n3A_739 = arith.select %lt3A_726, %select_n3A_703, %get3A_712 : vector<16xi1>, vector<16xi32>
        %select_n3A_740 = arith.select %lt3A_727, %select_n3A_738, %select_n3A_706 : vector<16xi1>, vector<16xf32>
        %select_n3A_741 = arith.select %lt3A_727, %select_n3A_739, %select_n3A_707 : vector<16xi1>, vector<16xi32>
        %add3A_742 = arith.constant 9216 : i32
        %add3A_743 = arith.addi %add3A_742, %mul3A_122 : i32
        %get3A_744 = arith.index_cast %add3A_743 : i32 to index
        %get3A_745 = tpu.vector_load %arg12[%get3A_744] {strides = array<i32>} : memref<12288xi32, #tpu.memory_space<vmem>>, vector<16xi32>,
        %get3A_746 = vector.shape_cast %get3A_745 : vector<16xi32> to vector<16xi32>
        %add3A_747 = arith.constant 9216 : i32
        %add3A_748 = arith.addi %add3A_747, %mul3A_122 : i32
        %get3A_749 = arith.index_cast %add3A_748 : i32 to index
        %get3A_750 = tpu.vector_load %arg13[%get3A_749] {strides = array<i32>} : memref<12288xf32, #tpu.memory_space<vmem>>, vector<16xf32>,
        %get3A_751 = vector.shape_cast %get3A_750 : vector<16xf32> to vector<16xf32>
        %get3A_752 = arith.constant 304 : index
        %get3A_753 = tpu.vector_load %arg25[%get3A_752] {strides = array<i32>} : memref<400xf32, #tpu.memory_space<vmem>>, vector<16xf32>,
        %get3A_754 = vector.shape_cast %get3A_753 : vector<16xf32> to vector<16xf32>
        %sub3A_755 = arith.subf %get3A_751, %get3A_124 : vector<16xf32>
        %abs3A_756 = math.absf %sub3A_755 : vector<16xf32>
        %mul3A_757 = arith.mulf %abs3A_756, %get3A_754 : vector<16xf32>
        %lt3A_758 = arith.cmpf olt, %mul3A_757, %select_n3A_728 : vector<16xf32>
        %lt3A_759 = arith.cmpf olt, %mul3A_757, %select_n3A_732 : vector<16xf32>
        %lt3A_760 = arith.cmpf olt, %mul3A_757, %select_n3A_736 : vector<16xf32>
        %lt3A_761 = arith.cmpf olt, %mul3A_757, %select_n3A_740 : vector<16xf32>
        %select_n3A_762 = arith.select %lt3A_758, %mul3A_757, %select_n3A_728 : vector<16xi1>, vector<16xf32>
        %select_n3A_763 = arith.select %lt3A_758, %get3A_746, %select_n3A_729 : vector<16xi1>, vector<16xi32>
        %select_n3A_764 = arith.select %lt3A_758, %select_n3A_728, %mul3A_757 : vector<16xi1>, vector<16xf32>
        %select_n3A_765 = arith.select %lt3A_758, %select_n3A_729, %get3A_746 : vector<16xi1>, vector<16xi32>
        %select_n3A_766 = arith.select %lt3A_759, %select_n3A_764, %select_n3A_732 : vector<16xi1>, vector<16xf32>
        %select_n3A_767 = arith.select %lt3A_759, %select_n3A_765, %select_n3A_733 : vector<16xi1>, vector<16xi32>
        %select_n3A_768 = arith.select %lt3A_759, %select_n3A_732, %mul3A_757 : vector<16xi1>, vector<16xf32>
        %select_n3A_769 = arith.select %lt3A_759, %select_n3A_733, %get3A_746 : vector<16xi1>, vector<16xi32>
        %select_n3A_770 = arith.select %lt3A_760, %select_n3A_768, %select_n3A_736 : vector<16xi1>, vector<16xf32>
        %select_n3A_771 = arith.select %lt3A_760, %select_n3A_769, %select_n3A_737 : vector<16xi1>, vector<16xi32>
        %select_n3A_772 = arith.select %lt3A_760, %select_n3A_736, %mul3A_757 : vector<16xi1>, vector<16xf32>
        %select_n3A_773 = arith.select %lt3A_760, %select_n3A_737, %get3A_746 : vector<16xi1>, vector<16xi32>
        %select_n3A_774 = arith.select %lt3A_761, %select_n3A_772, %select_n3A_740 : vector<16xi1>, vector<16xf32>
        %select_n3A_775 = arith.select %lt3A_761, %select_n3A_773, %select_n3A_741 : vector<16xi1>, vector<16xi32>
        %add3A_776 = arith.constant 9728 : i32
        %add3A_777 = arith.addi %add3A_776, %mul3A_122 : i32
        %get3A_778 = arith.index_cast %add3A_777 : i32 to index
        %get3A_779 = tpu.vector_load %arg12[%get3A_778] {strides = array<i32>} : memref<12288xi32, #tpu.memory_space<vmem>>, vector<16xi32>,
        %get3A_780 = vector.shape_cast %get3A_779 : vector<16xi32> to vector<16xi32>
        %add3A_781 = arith.constant 9728 : i32
        %add3A_782 = arith.addi %add3A_781, %mul3A_122 : i32
        %get3A_783 = arith.index_cast %add3A_782 : i32 to index
        %get3A_784 = tpu.vector_load %arg13[%get3A_783] {strides = array<i32>} : memref<12288xf32, #tpu.memory_space<vmem>>, vector<16xf32>,
        %get3A_785 = vector.shape_cast %get3A_784 : vector<16xf32> to vector<16xf32>
        %get3A_786 = arith.constant 320 : index
        %get3A_787 = tpu.vector_load %arg25[%get3A_786] {strides = array<i32>} : memref<400xf32, #tpu.memory_space<vmem>>, vector<16xf32>,
        %get3A_788 = vector.shape_cast %get3A_787 : vector<16xf32> to vector<16xf32>
        %sub3A_789 = arith.subf %get3A_785, %get3A_124 : vector<16xf32>
        %abs3A_790 = math.absf %sub3A_789 : vector<16xf32>
        %mul3A_791 = arith.mulf %abs3A_790, %get3A_788 : vector<16xf32>
        %lt3A_792 = arith.cmpf olt, %mul3A_791, %select_n3A_762 : vector<16xf32>
        %lt3A_793 = arith.cmpf olt, %mul3A_791, %select_n3A_766 : vector<16xf32>
        %lt3A_794 = arith.cmpf olt, %mul3A_791, %select_n3A_770 : vector<16xf32>
        %lt3A_795 = arith.cmpf olt, %mul3A_791, %select_n3A_774 : vector<16xf32>
        %select_n3A_796 = arith.select %lt3A_792, %mul3A_791, %select_n3A_762 : vector<16xi1>, vector<16xf32>
        %select_n3A_797 = arith.select %lt3A_792, %get3A_780, %select_n3A_763 : vector<16xi1>, vector<16xi32>
        %select_n3A_798 = arith.select %lt3A_792, %select_n3A_762, %mul3A_791 : vector<16xi1>, vector<16xf32>
        %select_n3A_799 = arith.select %lt3A_792, %select_n3A_763, %get3A_780 : vector<16xi1>, vector<16xi32>
        %select_n3A_800 = arith.select %lt3A_793, %select_n3A_798, %select_n3A_766 : vector<16xi1>, vector<16xf32>
        %select_n3A_801 = arith.select %lt3A_793, %select_n3A_799, %select_n3A_767 : vector<16xi1>, vector<16xi32>
        %select_n3A_802 = arith.select %lt3A_793, %select_n3A_766, %mul3A_791 : vector<16xi1>, vector<16xf32>
        %select_n3A_803 = arith.select %lt3A_793, %select_n3A_767, %get3A_780 : vector<16xi1>, vector<16xi32>
        %select_n3A_804 = arith.select %lt3A_794, %select_n3A_802, %select_n3A_770 : vector<16xi1>, vector<16xf32>
        %select_n3A_805 = arith.select %lt3A_794, %select_n3A_803, %select_n3A_771 : vector<16xi1>, vector<16xi32>
        %select_n3A_806 = arith.select %lt3A_794, %select_n3A_770, %mul3A_791 : vector<16xi1>, vector<16xf32>
        %select_n3A_807 = arith.select %lt3A_794, %select_n3A_771, %get3A_780 : vector<16xi1>, vector<16xi32>
        %select_n3A_808 = arith.select %lt3A_795, %select_n3A_806, %select_n3A_774 : vector<16xi1>, vector<16xf32>
        %select_n3A_809 = arith.select %lt3A_795, %select_n3A_807, %select_n3A_775 : vector<16xi1>, vector<16xi32>
        %add3A_810 = arith.constant 10240 : i32
        %add3A_811 = arith.addi %add3A_810, %mul3A_122 : i32
        %get3A_812 = arith.index_cast %add3A_811 : i32 to index
        %get3A_813 = tpu.vector_load %arg12[%get3A_812] {strides = array<i32>} : memref<12288xi32, #tpu.memory_space<vmem>>, vector<16xi32>,
        %get3A_814 = vector.shape_cast %get3A_813 : vector<16xi32> to vector<16xi32>
        %add3A_815 = arith.constant 10240 : i32
        %add3A_816 = arith.addi %add3A_815, %mul3A_122 : i32
        %get3A_817 = arith.index_cast %add3A_816 : i32 to index
        %get3A_818 = tpu.vector_load %arg13[%get3A_817] {strides = array<i32>} : memref<12288xf32, #tpu.memory_space<vmem>>, vector<16xf32>,
        %get3A_819 = vector.shape_cast %get3A_818 : vector<16xf32> to vector<16xf32>
        %get3A_820 = arith.constant 336 : index
        %get3A_821 = tpu.vector_load %arg25[%get3A_820] {strides = array<i32>} : memref<400xf32, #tpu.memory_space<vmem>>, vector<16xf32>,
        %get3A_822 = vector.shape_cast %get3A_821 : vector<16xf32> to vector<16xf32>
        %sub3A_823 = arith.subf %get3A_819, %get3A_124 : vector<16xf32>
        %abs3A_824 = math.absf %sub3A_823 : vector<16xf32>
        %mul3A_825 = arith.mulf %abs3A_824, %get3A_822 : vector<16xf32>
        %lt3A_826 = arith.cmpf olt, %mul3A_825, %select_n3A_796 : vector<16xf32>
        %lt3A_827 = arith.cmpf olt, %mul3A_825, %select_n3A_800 : vector<16xf32>
        %lt3A_828 = arith.cmpf olt, %mul3A_825, %select_n3A_804 : vector<16xf32>
        %lt3A_829 = arith.cmpf olt, %mul3A_825, %select_n3A_808 : vector<16xf32>
        %select_n3A_830 = arith.select %lt3A_826, %mul3A_825, %select_n3A_796 : vector<16xi1>, vector<16xf32>
        %select_n3A_831 = arith.select %lt3A_826, %get3A_814, %select_n3A_797 : vector<16xi1>, vector<16xi32>
        %select_n3A_832 = arith.select %lt3A_826, %select_n3A_796, %mul3A_825 : vector<16xi1>, vector<16xf32>
        %select_n3A_833 = arith.select %lt3A_826, %select_n3A_797, %get3A_814 : vector<16xi1>, vector<16xi32>
        %select_n3A_834 = arith.select %lt3A_827, %select_n3A_832, %select_n3A_800 : vector<16xi1>, vector<16xf32>
        %select_n3A_835 = arith.select %lt3A_827, %select_n3A_833, %select_n3A_801 : vector<16xi1>, vector<16xi32>
        %select_n3A_836 = arith.select %lt3A_827, %select_n3A_800, %mul3A_825 : vector<16xi1>, vector<16xf32>
        %select_n3A_837 = arith.select %lt3A_827, %select_n3A_801, %get3A_814 : vector<16xi1>, vector<16xi32>
        %select_n3A_838 = arith.select %lt3A_828, %select_n3A_836, %select_n3A_804 : vector<16xi1>, vector<16xf32>
        %select_n3A_839 = arith.select %lt3A_828, %select_n3A_837, %select_n3A_805 : vector<16xi1>, vector<16xi32>
        %select_n3A_840 = arith.select %lt3A_828, %select_n3A_804, %mul3A_825 : vector<16xi1>, vector<16xf32>
        %select_n3A_841 = arith.select %lt3A_828, %select_n3A_805, %get3A_814 : vector<16xi1>, vector<16xi32>
        %select_n3A_842 = arith.select %lt3A_829, %select_n3A_840, %select_n3A_808 : vector<16xi1>, vector<16xf32>
        %select_n3A_843 = arith.select %lt3A_829, %select_n3A_841, %select_n3A_809 : vector<16xi1>, vector<16xi32>
        %add3A_844 = arith.constant 10752 : i32
        %add3A_845 = arith.addi %add3A_844, %mul3A_122 : i32
        %get3A_846 = arith.index_cast %add3A_845 : i32 to index
        %get3A_847 = tpu.vector_load %arg12[%get3A_846] {strides = array<i32>} : memref<12288xi32, #tpu.memory_space<vmem>>, vector<16xi32>,
        %get3A_848 = vector.shape_cast %get3A_847 : vector<16xi32> to vector<16xi32>
        %add3A_849 = arith.constant 10752 : i32
        %add3A_850 = arith.addi %add3A_849, %mul3A_122 : i32
        %get3A_851 = arith.index_cast %add3A_850 : i32 to index
        %get3A_852 = tpu.vector_load %arg13[%get3A_851] {strides = array<i32>} : memref<12288xf32, #tpu.memory_space<vmem>>, vector<16xf32>,
        %get3A_853 = vector.shape_cast %get3A_852 : vector<16xf32> to vector<16xf32>
        %get3A_854 = arith.constant 352 : index
        %get3A_855 = tpu.vector_load %arg25[%get3A_854] {strides = array<i32>} : memref<400xf32, #tpu.memory_space<vmem>>, vector<16xf32>,
        %get3A_856 = vector.shape_cast %get3A_855 : vector<16xf32> to vector<16xf32>
        %sub3A_857 = arith.subf %get3A_853, %get3A_124 : vector<16xf32>
        %abs3A_858 = math.absf %sub3A_857 : vector<16xf32>
        %mul3A_859 = arith.mulf %abs3A_858, %get3A_856 : vector<16xf32>
        %lt3A_860 = arith.cmpf olt, %mul3A_859, %select_n3A_830 : vector<16xf32>
        %lt3A_861 = arith.cmpf olt, %mul3A_859, %select_n3A_834 : vector<16xf32>
        %lt3A_862 = arith.cmpf olt, %mul3A_859, %select_n3A_838 : vector<16xf32>
        %lt3A_863 = arith.cmpf olt, %mul3A_859, %select_n3A_842 : vector<16xf32>
        %select_n3A_864 = arith.select %lt3A_860, %mul3A_859, %select_n3A_830 : vector<16xi1>, vector<16xf32>
        %select_n3A_865 = arith.select %lt3A_860, %get3A_848, %select_n3A_831 : vector<16xi1>, vector<16xi32>
        %select_n3A_866 = arith.select %lt3A_860, %select_n3A_830, %mul3A_859 : vector<16xi1>, vector<16xf32>
        %select_n3A_867 = arith.select %lt3A_860, %select_n3A_831, %get3A_848 : vector<16xi1>, vector<16xi32>
        %select_n3A_868 = arith.select %lt3A_861, %select_n3A_866, %select_n3A_834 : vector<16xi1>, vector<16xf32>
        %select_n3A_869 = arith.select %lt3A_861, %select_n3A_867, %select_n3A_835 : vector<16xi1>, vector<16xi32>
        %select_n3A_870 = arith.select %lt3A_861, %select_n3A_834, %mul3A_859 : vector<16xi1>, vector<16xf32>
        %select_n3A_871 = arith.select %lt3A_861, %select_n3A_835, %get3A_848 : vector<16xi1>, vector<16xi32>
        %select_n3A_872 = arith.select %lt3A_862, %select_n3A_870, %select_n3A_838 : vector<16xi1>, vector<16xf32>
        %select_n3A_873 = arith.select %lt3A_862, %select_n3A_871, %select_n3A_839 : vector<16xi1>, vector<16xi32>
        %select_n3A_874 = arith.select %lt3A_862, %select_n3A_838, %mul3A_859 : vector<16xi1>, vector<16xf32>
        %select_n3A_875 = arith.select %lt3A_862, %select_n3A_839, %get3A_848 : vector<16xi1>, vector<16xi32>
        %select_n3A_876 = arith.select %lt3A_863, %select_n3A_874, %select_n3A_842 : vector<16xi1>, vector<16xf32>
        %select_n3A_877 = arith.select %lt3A_863, %select_n3A_875, %select_n3A_843 : vector<16xi1>, vector<16xi32>
        %add3A_878 = arith.constant 11264 : i32
        %add3A_879 = arith.addi %add3A_878, %mul3A_122 : i32
        %get3A_880 = arith.index_cast %add3A_879 : i32 to index
        %get3A_881 = tpu.vector_load %arg12[%get3A_880] {strides = array<i32>} : memref<12288xi32, #tpu.memory_space<vmem>>, vector<16xi32>,
        %get3A_882 = vector.shape_cast %get3A_881 : vector<16xi32> to vector<16xi32>
        %add3A_883 = arith.constant 11264 : i32
        %add3A_884 = arith.addi %add3A_883, %mul3A_122 : i32
        %get3A_885 = arith.index_cast %add3A_884 : i32 to index
        %get3A_886 = tpu.vector_load %arg13[%get3A_885] {strides = array<i32>} : memref<12288xf32, #tpu.memory_space<vmem>>, vector<16xf32>,
        %get3A_887 = vector.shape_cast %get3A_886 : vector<16xf32> to vector<16xf32>
        %get3A_888 = arith.constant 368 : index
        %get3A_889 = tpu.vector_load %arg25[%get3A_888] {strides = array<i32>} : memref<400xf32, #tpu.memory_space<vmem>>, vector<16xf32>,
        %get3A_890 = vector.shape_cast %get3A_889 : vector<16xf32> to vector<16xf32>
        %sub3A_891 = arith.subf %get3A_887, %get3A_124 : vector<16xf32>
        %abs3A_892 = math.absf %sub3A_891 : vector<16xf32>
        %mul3A_893 = arith.mulf %abs3A_892, %get3A_890 : vector<16xf32>
        %lt3A_894 = arith.cmpf olt, %mul3A_893, %select_n3A_864 : vector<16xf32>
        %lt3A_895 = arith.cmpf olt, %mul3A_893, %select_n3A_868 : vector<16xf32>
        %lt3A_896 = arith.cmpf olt, %mul3A_893, %select_n3A_872 : vector<16xf32>
        %lt3A_897 = arith.cmpf olt, %mul3A_893, %select_n3A_876 : vector<16xf32>
        %select_n3A_898 = arith.select %lt3A_894, %mul3A_893, %select_n3A_864 : vector<16xi1>, vector<16xf32>
        %select_n3A_899 = arith.select %lt3A_894, %get3A_882, %select_n3A_865 : vector<16xi1>, vector<16xi32>
        %select_n3A_900 = arith.select %lt3A_894, %select_n3A_864, %mul3A_893 : vector<16xi1>, vector<16xf32>
        %select_n3A_901 = arith.select %lt3A_894, %select_n3A_865, %get3A_882 : vector<16xi1>, vector<16xi32>
        %select_n3A_902 = arith.select %lt3A_895, %select_n3A_900, %select_n3A_868 : vector<16xi1>, vector<16xf32>
        %select_n3A_903 = arith.select %lt3A_895, %select_n3A_901, %select_n3A_869 : vector<16xi1>, vector<16xi32>
        %select_n3A_904 = arith.select %lt3A_895, %select_n3A_868, %mul3A_893 : vector<16xi1>, vector<16xf32>
        %select_n3A_905 = arith.select %lt3A_895, %select_n3A_869, %get3A_882 : vector<16xi1>, vector<16xi32>
        %select_n3A_906 = arith.select %lt3A_896, %select_n3A_904, %select_n3A_872 : vector<16xi1>, vector<16xf32>
        %select_n3A_907 = arith.select %lt3A_896, %select_n3A_905, %select_n3A_873 : vector<16xi1>, vector<16xi32>
        %select_n3A_908 = arith.select %lt3A_896, %select_n3A_872, %mul3A_893 : vector<16xi1>, vector<16xf32>
        %select_n3A_909 = arith.select %lt3A_896, %select_n3A_873, %get3A_882 : vector<16xi1>, vector<16xi32>
        %select_n3A_910 = arith.select %lt3A_897, %select_n3A_908, %select_n3A_876 : vector<16xi1>, vector<16xf32>
        %select_n3A_911 = arith.select %lt3A_897, %select_n3A_909, %select_n3A_877 : vector<16xi1>, vector<16xi32>
        %add3A_912 = arith.constant 11776 : i32
        %add3A_913 = arith.addi %add3A_912, %mul3A_122 : i32
        %get3A_914 = arith.index_cast %add3A_913 : i32 to index
        %get3A_915 = tpu.vector_load %arg12[%get3A_914] {strides = array<i32>} : memref<12288xi32, #tpu.memory_space<vmem>>, vector<16xi32>,
        %get3A_916 = vector.shape_cast %get3A_915 : vector<16xi32> to vector<16xi32>
        %add3A_917 = arith.constant 11776 : i32
        %add3A_918 = arith.addi %add3A_917, %mul3A_122 : i32
        %get3A_919 = arith.index_cast %add3A_918 : i32 to index
        %get3A_920 = tpu.vector_load %arg13[%get3A_919] {strides = array<i32>} : memref<12288xf32, #tpu.memory_space<vmem>>, vector<16xf32>,
        %get3A_921 = vector.shape_cast %get3A_920 : vector<16xf32> to vector<16xf32>
        %get3A_922 = arith.constant 384 : index
        %get3A_923 = tpu.vector_load %arg25[%get3A_922] {strides = array<i32>} : memref<400xf32, #tpu.memory_space<vmem>>, vector<16xf32>,
        %get3A_924 = vector.shape_cast %get3A_923 : vector<16xf32> to vector<16xf32>
        %sub3A_925 = arith.subf %get3A_921, %get3A_124 : vector<16xf32>
        %abs3A_926 = math.absf %sub3A_925 : vector<16xf32>
        %mul3A_927 = arith.mulf %abs3A_926, %get3A_924 : vector<16xf32>
        %lt3A_928 = arith.cmpf olt, %mul3A_927, %select_n3A_898 : vector<16xf32>
        %lt3A_929 = arith.cmpf olt, %mul3A_927, %select_n3A_902 : vector<16xf32>
        %lt3A_930 = arith.cmpf olt, %mul3A_927, %select_n3A_906 : vector<16xf32>
        %lt3A_931 = arith.cmpf olt, %mul3A_927, %select_n3A_910 : vector<16xf32>
        %select_n3A_932 = arith.select %lt3A_928, %mul3A_927, %select_n3A_898 : vector<16xi1>, vector<16xf32>
        %select_n3A_933 = arith.select %lt3A_928, %get3A_916, %select_n3A_899 : vector<16xi1>, vector<16xi32>
        %select_n3A_934 = arith.select %lt3A_928, %select_n3A_898, %mul3A_927 : vector<16xi1>, vector<16xf32>
        %select_n3A_935 = arith.select %lt3A_928, %select_n3A_899, %get3A_916 : vector<16xi1>, vector<16xi32>
        %select_n3A_936 = arith.select %lt3A_929, %select_n3A_934, %select_n3A_902 : vector<16xi1>, vector<16xf32>
        %select_n3A_937 = arith.select %lt3A_929, %select_n3A_935, %select_n3A_903 : vector<16xi1>, vector<16xi32>
        %select_n3A_938 = arith.select %lt3A_929, %select_n3A_902, %mul3A_927 : vector<16xi1>, vector<16xf32>
        %select_n3A_939 = arith.select %lt3A_929, %select_n3A_903, %get3A_916 : vector<16xi1>, vector<16xi32>
        %select_n3A_940 = arith.select %lt3A_930, %select_n3A_938, %select_n3A_906 : vector<16xi1>, vector<16xf32>
        %select_n3A_941 = arith.select %lt3A_930, %select_n3A_939, %select_n3A_907 : vector<16xi1>, vector<16xi32>
        %select_n3A_942 = arith.select %lt3A_930, %select_n3A_906, %mul3A_927 : vector<16xi1>, vector<16xf32>
        %select_n3A_943 = arith.select %lt3A_930, %select_n3A_907, %get3A_916 : vector<16xi1>, vector<16xi32>
        %select_n3A_944 = arith.select %lt3A_931, %select_n3A_942, %select_n3A_910 : vector<16xi1>, vector<16xf32>
        %select_n3A_945 = arith.select %lt3A_931, %select_n3A_943, %select_n3A_911 : vector<16xi1>, vector<16xi32>
        %mul3A_946 = arith.constant 2048 : i32
        %mul3A_947 = vector.broadcast %mul3A_946 : i32 to vector<16xi32>
        %mul3A_948 = arith.muli %get3A_127, %mul3A_947 : vector<16xi32>
        %add3A_949 = arith.addi %mul3A_948, %get3A_130 : vector<16xi32>
        %swap3A = arith.index_cast %mul3A_122 : i32 to index
        %swap3A_950 = tpu.vector_load %arg14[%swap3A] {strides = array<i32>} : memref<2560xi32, #tpu.memory_space<vmem>>, vector<16xi32>,
        %swap3A_951 = vector.shape_cast %swap3A_950 : vector<16xi32> to vector<16xi32>
        %swap3A_952 = vector.shape_cast %add3A_949 : vector<16xi32> to vector<16xi32>
        tpu.vector_store %arg14[%swap3A], %swap3A_952 {strides = array<i32>} : memref<2560xi32, #tpu.memory_space<vmem>>, vector<16xi32>,
        %gt3A = arith.constant 1.000000e+00 : f32
        %gt3A_953 = vector.broadcast %gt3A : f32 to vector<16xf32>
        %gt3A_954 = arith.cmpf ogt, %select_n3A_932, %gt3A_953 : vector<16xf32>
        %jit3A = arith.constant 131073 : i32
        %broadcast_in_dim3A_955 = vector.broadcast %jit3A : i32 to vector<16xi32>
        %select_n3A_956 = arith.select %gt3A_954, %broadcast_in_dim3A_955, %select_n3A_933 : vector<16xi1>, vector<16xi32>
        %add3A_957 = arith.constant 512 : i32
        %add3A_958 = arith.addi %add3A_957, %mul3A_122 : i32
        %swap3A_959 = arith.index_cast %add3A_958 : i32 to index
        %swap3A_960 = tpu.vector_load %arg14[%swap3A_959] {strides = array<i32>} : memref<2560xi32, #tpu.memory_space<vmem>>, vector<16xi32>,
        %swap3A_961 = vector.shape_cast %swap3A_960 : vector<16xi32> to vector<16xi32>
        %swap3A_962 = vector.shape_cast %select_n3A_956 : vector<16xi32> to vector<16xi32>
        tpu.vector_store %arg14[%swap3A_959], %swap3A_962 {strides = array<i32>} : memref<2560xi32, #tpu.memory_space<vmem>>, vector<16xi32>,
        %gt3A_963 = arith.constant 1.000000e+00 : f32
        %gt3A_964 = vector.broadcast %gt3A_963 : f32 to vector<16xf32>
        %gt3A_965 = arith.cmpf ogt, %select_n3A_936, %gt3A_964 : vector<16xf32>
        %jit3A_966 = arith.constant 131073 : i32
        %broadcast_in_dim3A_967 = vector.broadcast %jit3A_966 : i32 to vector<16xi32>
        %select_n3A_968 = arith.select %gt3A_965, %broadcast_in_dim3A_967, %select_n3A_937 : vector<16xi1>, vector<16xi32>
        %add3A_969 = arith.constant 1024 : i32
        %add3A_970 = arith.addi %add3A_969, %mul3A_122 : i32
        %swap3A_971 = arith.index_cast %add3A_970 : i32 to index
        %swap3A_972 = tpu.vector_load %arg14[%swap3A_971] {strides = array<i32>} : memref<2560xi32, #tpu.memory_space<vmem>>, vector<16xi32>,
        %swap3A_973 = vector.shape_cast %swap3A_972 : vector<16xi32> to vector<16xi32>
        %swap3A_974 = vector.shape_cast %select_n3A_968 : vector<16xi32> to vector<16xi32>
        tpu.vector_store %arg14[%swap3A_971], %swap3A_974 {strides = array<i32>} : memref<2560xi32, #tpu.memory_space<vmem>>, vector<16xi32>,
        %gt3A_975 = arith.constant 1.000000e+00 : f32
        %gt3A_976 = vector.broadcast %gt3A_975 : f32 to vector<16xf32>
        %gt3A_977 = arith.cmpf ogt, %select_n3A_940, %gt3A_976 : vector<16xf32>
        %jit3A_978 = arith.constant 131073 : i32
        %broadcast_in_dim3A_979 = vector.broadcast %jit3A_978 : i32 to vector<16xi32>
        %select_n3A_980 = arith.select %gt3A_977, %broadcast_in_dim3A_979, %select_n3A_941 : vector<16xi1>, vector<16xi32>
        %add3A_981 = arith.constant 1536 : i32
        %add3A_982 = arith.addi %add3A_981, %mul3A_122 : i32
        %swap3A_983 = arith.index_cast %add3A_982 : i32 to index
        %swap3A_984 = tpu.vector_load %arg14[%swap3A_983] {strides = array<i32>} : memref<2560xi32, #tpu.memory_space<vmem>>, vector<16xi32>,
        %swap3A_985 = vector.shape_cast %swap3A_984 : vector<16xi32> to vector<16xi32>
        %swap3A_986 = vector.shape_cast %select_n3A_980 : vector<16xi32> to vector<16xi32>
        tpu.vector_store %arg14[%swap3A_983], %swap3A_986 {strides = array<i32>} : memref<2560xi32, #tpu.memory_space<vmem>>, vector<16xi32>,
        %gt3A_987 = arith.constant 1.000000e+00 : f32
        %gt3A_988 = vector.broadcast %gt3A_987 : f32 to vector<16xf32>
        %gt3A_989 = arith.cmpf ogt, %select_n3A_944, %gt3A_988 : vector<16xf32>
        %jit3A_990 = arith.constant 131073 : i32
        %broadcast_in_dim3A_991 = vector.broadcast %jit3A_990 : i32 to vector<16xi32>
        %select_n3A_992 = arith.select %gt3A_989, %broadcast_in_dim3A_991, %select_n3A_945 : vector<16xi1>, vector<16xi32>
        %add3A_993 = arith.constant 2048 : i32
        %add3A_994 = arith.addi %add3A_993, %mul3A_122 : i32
        %swap3A_995 = arith.index_cast %add3A_994 : i32 to index
        %swap3A_996 = tpu.vector_load %arg14[%swap3A_995] {strides = array<i32>} : memref<2560xi32, #tpu.memory_space<vmem>>, vector<16xi32>,
        %swap3A_997 = vector.shape_cast %swap3A_996 : vector<16xi32> to vector<16xi32>
        %swap3A_998 = vector.shape_cast %select_n3A_992 : vector<16xi32> to vector<16xi32>
        tpu.vector_store %arg14[%swap3A_995], %swap3A_998 {strides = array<i32>} : memref<2560xi32, #tpu.memory_space<vmem>>, vector<16xi32>,
      }
      %scan3A_70 = arith.constant 32 : i32
      %dma_start3A_71 = arith.constant 0 : i32
      %dma_start3A_72 = tpu.memref_slice %arg27[%dma_start3A_71] : memref<131080xi32, #tpu.memory_space<vmem_shared>> -> memref<131080xi32, #tpu.memory_space<vmem_shared>>
      tpu.enqueue_indirect_dma source(%dma_start3A_72 : memref<131080xi32, #tpu.memory_space<vmem_shared>>) target(%arg15 : memref<2560xi32, #tpu.memory_space<vmem>>) offsets(%arg14 : memref<2560xi32, #tpu.memory_space<vmem>>) semaphore(%arg30 : memref<!tpu.dma_semaphore, #tpu.memory_space<semaphore_mem>>)
      %dma_wait3A_73 = arith.constant 0 : i32
      %dma_wait3A_74 = tpu.memref_slice %arg26[%dma_wait3A_73] : memref<131080xf32, #tpu.memory_space<vmem_shared>> -> memref<131080xf32, #tpu.memory_space<vmem_shared>>
      tpu.wait_indirect_dma semaphore(%arg33 : memref<!tpu.dma_semaphore, #tpu.memory_space<semaphore_mem>>) src(%dma_wait3A_74 : memref<131080xf32, #tpu.memory_space<vmem_shared>>) dst(%arg21 : memref<12288xf32, #tpu.memory_space<vmem>>)
      %scan3A_75 = arith.constant 0 : i32
      %scan3A_76 = arith.constant 32 : i32
      %scan3A_77 = arith.addi %scan3A_75, %scan3A_76 : i32
      %scan3A_78 = arith.constant 1 : i32
      scf.for %scan3A_120 = %scan3A_75 to %scan3A_77 step %scan3A_78  : i32 {
        %mul3A_121 = arith.constant 16 : i32
        %mul3A_122 = arith.muli %scan3A_120, %mul3A_121 : i32
        %get3A = arith.index_cast %mul3A_122 : i32 to index
        %get3A_123 = tpu.vector_load %arg19[%get3A] {strides = array<i32>} : memref<512xf32, #tpu.memory_space<vmem>>, vector<16xf32>,
        %get3A_124 = vector.shape_cast %get3A_123 : vector<16xf32> to vector<16xf32>
        %get3A_125 = arith.index_cast %mul3A_122 : i32 to index
        %get3A_126 = tpu.vector_load %arg18[%get3A_125] {strides = array<i32>} : memref<512xi32, #tpu.memory_space<vmem>>, vector<16xi32>,
        %get3A_127 = vector.shape_cast %get3A_126 : vector<16xi32> to vector<16xi32>
        %get3A_128 = arith.index_cast %mul3A_122 : i32 to index
        %get3A_129 = tpu.vector_load %arg17[%get3A_128] {strides = array<i32>} : memref<512xi32, #tpu.memory_space<vmem>>, vector<16xi32>,
        %get3A_130 = vector.shape_cast %get3A_129 : vector<16xi32> to vector<16xi32>
        %broadcast_in_dim3A = arith.constant 0x7F800000 : f32
        %broadcast_in_dim3A_131 = vector.broadcast %broadcast_in_dim3A : f32 to vector<16xf32>
        %broadcast_in_dim3A_132 = arith.constant 0 : i32
        %broadcast_in_dim3A_133 = vector.broadcast %broadcast_in_dim3A_132 : i32 to vector<16xi32>
        %add3A_134 = arith.constant 0 : i32
        %add3A_135 = arith.addi %add3A_134, %mul3A_122 : i32
        %get3A_136 = arith.index_cast %add3A_135 : i32 to index
        %get3A_137 = tpu.vector_load %arg20[%get3A_136] {strides = array<i32>} : memref<12288xi32, #tpu.memory_space<vmem>>, vector<16xi32>,
        %get3A_138 = vector.shape_cast %get3A_137 : vector<16xi32> to vector<16xi32>
        %add3A_139 = arith.constant 0 : i32
        %add3A_140 = arith.addi %add3A_139, %mul3A_122 : i32
        %get3A_141 = arith.index_cast %add3A_140 : i32 to index
        %get3A_142 = tpu.vector_load %arg21[%get3A_141] {strides = array<i32>} : memref<12288xf32, #tpu.memory_space<vmem>>, vector<16xf32>,
        %get3A_143 = vector.shape_cast %get3A_142 : vector<16xf32> to vector<16xf32>
        %get3A_144 = arith.constant 0 : index
        %get3A_145 = tpu.vector_load %arg25[%get3A_144] {strides = array<i32>} : memref<400xf32, #tpu.memory_space<vmem>>, vector<16xf32>,
        %get3A_146 = vector.shape_cast %get3A_145 : vector<16xf32> to vector<16xf32>
        %sub3A = arith.subf %get3A_143, %get3A_124 : vector<16xf32>
        %abs3A = math.absf %sub3A : vector<16xf32>
        %mul3A_147 = arith.mulf %abs3A, %get3A_146 : vector<16xf32>
        %lt3A = arith.cmpf olt, %mul3A_147, %broadcast_in_dim3A_131 : vector<16xf32>
        %lt3A_148 = arith.cmpf olt, %mul3A_147, %broadcast_in_dim3A_131 : vector<16xf32>
        %lt3A_149 = arith.cmpf olt, %mul3A_147, %broadcast_in_dim3A_131 : vector<16xf32>
        %lt3A_150 = arith.cmpf olt, %mul3A_147, %broadcast_in_dim3A_131 : vector<16xf32>
        %select_n3A = arith.select %lt3A, %mul3A_147, %broadcast_in_dim3A_131 : vector<16xi1>, vector<16xf32>
        %select_n3A_151 = arith.select %lt3A, %get3A_138, %broadcast_in_dim3A_133 : vector<16xi1>, vector<16xi32>
        %select_n3A_152 = arith.select %lt3A, %broadcast_in_dim3A_131, %mul3A_147 : vector<16xi1>, vector<16xf32>
        %select_n3A_153 = arith.select %lt3A, %broadcast_in_dim3A_133, %get3A_138 : vector<16xi1>, vector<16xi32>
        %select_n3A_154 = arith.select %lt3A_148, %select_n3A_152, %broadcast_in_dim3A_131 : vector<16xi1>, vector<16xf32>
        %select_n3A_155 = arith.select %lt3A_148, %select_n3A_153, %broadcast_in_dim3A_133 : vector<16xi1>, vector<16xi32>
        %select_n3A_156 = arith.select %lt3A_148, %broadcast_in_dim3A_131, %mul3A_147 : vector<16xi1>, vector<16xf32>
        %select_n3A_157 = arith.select %lt3A_148, %broadcast_in_dim3A_133, %get3A_138 : vector<16xi1>, vector<16xi32>
        %select_n3A_158 = arith.select %lt3A_149, %select_n3A_156, %broadcast_in_dim3A_131 : vector<16xi1>, vector<16xf32>
        %select_n3A_159 = arith.select %lt3A_149, %select_n3A_157, %broadcast_in_dim3A_133 : vector<16xi1>, vector<16xi32>
        %select_n3A_160 = arith.select %lt3A_149, %broadcast_in_dim3A_131, %mul3A_147 : vector<16xi1>, vector<16xf32>
        %select_n3A_161 = arith.select %lt3A_149, %broadcast_in_dim3A_133, %get3A_138 : vector<16xi1>, vector<16xi32>
        %select_n3A_162 = arith.select %lt3A_150, %select_n3A_160, %broadcast_in_dim3A_131 : vector<16xi1>, vector<16xf32>
        %select_n3A_163 = arith.select %lt3A_150, %select_n3A_161, %broadcast_in_dim3A_133 : vector<16xi1>, vector<16xi32>
        %add3A_164 = arith.constant 512 : i32
        %add3A_165 = arith.addi %add3A_164, %mul3A_122 : i32
        %get3A_166 = arith.index_cast %add3A_165 : i32 to index
        %get3A_167 = tpu.vector_load %arg20[%get3A_166] {strides = array<i32>} : memref<12288xi32, #tpu.memory_space<vmem>>, vector<16xi32>,
        %get3A_168 = vector.shape_cast %get3A_167 : vector<16xi32> to vector<16xi32>
        %add3A_169 = arith.constant 512 : i32
        %add3A_170 = arith.addi %add3A_169, %mul3A_122 : i32
        %get3A_171 = arith.index_cast %add3A_170 : i32 to index
        %get3A_172 = tpu.vector_load %arg21[%get3A_171] {strides = array<i32>} : memref<12288xf32, #tpu.memory_space<vmem>>, vector<16xf32>,
        %get3A_173 = vector.shape_cast %get3A_172 : vector<16xf32> to vector<16xf32>
        %get3A_174 = arith.constant 16 : index
        %get3A_175 = tpu.vector_load %arg25[%get3A_174] {strides = array<i32>} : memref<400xf32, #tpu.memory_space<vmem>>, vector<16xf32>,
        %get3A_176 = vector.shape_cast %get3A_175 : vector<16xf32> to vector<16xf32>
        %sub3A_177 = arith.subf %get3A_173, %get3A_124 : vector<16xf32>
        %abs3A_178 = math.absf %sub3A_177 : vector<16xf32>
        %mul3A_179 = arith.mulf %abs3A_178, %get3A_176 : vector<16xf32>
        %lt3A_180 = arith.cmpf olt, %mul3A_179, %select_n3A : vector<16xf32>
        %lt3A_181 = arith.cmpf olt, %mul3A_179, %select_n3A_154 : vector<16xf32>
        %lt3A_182 = arith.cmpf olt, %mul3A_179, %select_n3A_158 : vector<16xf32>
        %lt3A_183 = arith.cmpf olt, %mul3A_179, %select_n3A_162 : vector<16xf32>
        %select_n3A_184 = arith.select %lt3A_180, %mul3A_179, %select_n3A : vector<16xi1>, vector<16xf32>
        %select_n3A_185 = arith.select %lt3A_180, %get3A_168, %select_n3A_151 : vector<16xi1>, vector<16xi32>
        %select_n3A_186 = arith.select %lt3A_180, %select_n3A, %mul3A_179 : vector<16xi1>, vector<16xf32>
        %select_n3A_187 = arith.select %lt3A_180, %select_n3A_151, %get3A_168 : vector<16xi1>, vector<16xi32>
        %select_n3A_188 = arith.select %lt3A_181, %select_n3A_186, %select_n3A_154 : vector<16xi1>, vector<16xf32>
        %select_n3A_189 = arith.select %lt3A_181, %select_n3A_187, %select_n3A_155 : vector<16xi1>, vector<16xi32>
        %select_n3A_190 = arith.select %lt3A_181, %select_n3A_154, %mul3A_179 : vector<16xi1>, vector<16xf32>
        %select_n3A_191 = arith.select %lt3A_181, %select_n3A_155, %get3A_168 : vector<16xi1>, vector<16xi32>
        %select_n3A_192 = arith.select %lt3A_182, %select_n3A_190, %select_n3A_158 : vector<16xi1>, vector<16xf32>
        %select_n3A_193 = arith.select %lt3A_182, %select_n3A_191, %select_n3A_159 : vector<16xi1>, vector<16xi32>
        %select_n3A_194 = arith.select %lt3A_182, %select_n3A_158, %mul3A_179 : vector<16xi1>, vector<16xf32>
        %select_n3A_195 = arith.select %lt3A_182, %select_n3A_159, %get3A_168 : vector<16xi1>, vector<16xi32>
        %select_n3A_196 = arith.select %lt3A_183, %select_n3A_194, %select_n3A_162 : vector<16xi1>, vector<16xf32>
        %select_n3A_197 = arith.select %lt3A_183, %select_n3A_195, %select_n3A_163 : vector<16xi1>, vector<16xi32>
        %add3A_198 = arith.constant 1024 : i32
        %add3A_199 = arith.addi %add3A_198, %mul3A_122 : i32
        %get3A_200 = arith.index_cast %add3A_199 : i32 to index
        %get3A_201 = tpu.vector_load %arg20[%get3A_200] {strides = array<i32>} : memref<12288xi32, #tpu.memory_space<vmem>>, vector<16xi32>,
        %get3A_202 = vector.shape_cast %get3A_201 : vector<16xi32> to vector<16xi32>
        %add3A_203 = arith.constant 1024 : i32
        %add3A_204 = arith.addi %add3A_203, %mul3A_122 : i32
        %get3A_205 = arith.index_cast %add3A_204 : i32 to index
        %get3A_206 = tpu.vector_load %arg21[%get3A_205] {strides = array<i32>} : memref<12288xf32, #tpu.memory_space<vmem>>, vector<16xf32>,
        %get3A_207 = vector.shape_cast %get3A_206 : vector<16xf32> to vector<16xf32>
        %get3A_208 = arith.constant 32 : index
        %get3A_209 = tpu.vector_load %arg25[%get3A_208] {strides = array<i32>} : memref<400xf32, #tpu.memory_space<vmem>>, vector<16xf32>,
        %get3A_210 = vector.shape_cast %get3A_209 : vector<16xf32> to vector<16xf32>
        %sub3A_211 = arith.subf %get3A_207, %get3A_124 : vector<16xf32>
        %abs3A_212 = math.absf %sub3A_211 : vector<16xf32>
        %mul3A_213 = arith.mulf %abs3A_212, %get3A_210 : vector<16xf32>
        %lt3A_214 = arith.cmpf olt, %mul3A_213, %select_n3A_184 : vector<16xf32>
        %lt3A_215 = arith.cmpf olt, %mul3A_213, %select_n3A_188 : vector<16xf32>
        %lt3A_216 = arith.cmpf olt, %mul3A_213, %select_n3A_192 : vector<16xf32>
        %lt3A_217 = arith.cmpf olt, %mul3A_213, %select_n3A_196 : vector<16xf32>
        %select_n3A_218 = arith.select %lt3A_214, %mul3A_213, %select_n3A_184 : vector<16xi1>, vector<16xf32>
        %select_n3A_219 = arith.select %lt3A_214, %get3A_202, %select_n3A_185 : vector<16xi1>, vector<16xi32>
        %select_n3A_220 = arith.select %lt3A_214, %select_n3A_184, %mul3A_213 : vector<16xi1>, vector<16xf32>
        %select_n3A_221 = arith.select %lt3A_214, %select_n3A_185, %get3A_202 : vector<16xi1>, vector<16xi32>
        %select_n3A_222 = arith.select %lt3A_215, %select_n3A_220, %select_n3A_188 : vector<16xi1>, vector<16xf32>
        %select_n3A_223 = arith.select %lt3A_215, %select_n3A_221, %select_n3A_189 : vector<16xi1>, vector<16xi32>
        %select_n3A_224 = arith.select %lt3A_215, %select_n3A_188, %mul3A_213 : vector<16xi1>, vector<16xf32>
        %select_n3A_225 = arith.select %lt3A_215, %select_n3A_189, %get3A_202 : vector<16xi1>, vector<16xi32>
        %select_n3A_226 = arith.select %lt3A_216, %select_n3A_224, %select_n3A_192 : vector<16xi1>, vector<16xf32>
        %select_n3A_227 = arith.select %lt3A_216, %select_n3A_225, %select_n3A_193 : vector<16xi1>, vector<16xi32>
        %select_n3A_228 = arith.select %lt3A_216, %select_n3A_192, %mul3A_213 : vector<16xi1>, vector<16xf32>
        %select_n3A_229 = arith.select %lt3A_216, %select_n3A_193, %get3A_202 : vector<16xi1>, vector<16xi32>
        %select_n3A_230 = arith.select %lt3A_217, %select_n3A_228, %select_n3A_196 : vector<16xi1>, vector<16xf32>
        %select_n3A_231 = arith.select %lt3A_217, %select_n3A_229, %select_n3A_197 : vector<16xi1>, vector<16xi32>
        %add3A_232 = arith.constant 1536 : i32
        %add3A_233 = arith.addi %add3A_232, %mul3A_122 : i32
        %get3A_234 = arith.index_cast %add3A_233 : i32 to index
        %get3A_235 = tpu.vector_load %arg20[%get3A_234] {strides = array<i32>} : memref<12288xi32, #tpu.memory_space<vmem>>, vector<16xi32>,
        %get3A_236 = vector.shape_cast %get3A_235 : vector<16xi32> to vector<16xi32>
        %add3A_237 = arith.constant 1536 : i32
        %add3A_238 = arith.addi %add3A_237, %mul3A_122 : i32
        %get3A_239 = arith.index_cast %add3A_238 : i32 to index
        %get3A_240 = tpu.vector_load %arg21[%get3A_239] {strides = array<i32>} : memref<12288xf32, #tpu.memory_space<vmem>>, vector<16xf32>,
        %get3A_241 = vector.shape_cast %get3A_240 : vector<16xf32> to vector<16xf32>
        %get3A_242 = arith.constant 48 : index
        %get3A_243 = tpu.vector_load %arg25[%get3A_242] {strides = array<i32>} : memref<400xf32, #tpu.memory_space<vmem>>, vector<16xf32>,
        %get3A_244 = vector.shape_cast %get3A_243 : vector<16xf32> to vector<16xf32>
        %sub3A_245 = arith.subf %get3A_241, %get3A_124 : vector<16xf32>
        %abs3A_246 = math.absf %sub3A_245 : vector<16xf32>
        %mul3A_247 = arith.mulf %abs3A_246, %get3A_244 : vector<16xf32>
        %lt3A_248 = arith.cmpf olt, %mul3A_247, %select_n3A_218 : vector<16xf32>
        %lt3A_249 = arith.cmpf olt, %mul3A_247, %select_n3A_222 : vector<16xf32>
        %lt3A_250 = arith.cmpf olt, %mul3A_247, %select_n3A_226 : vector<16xf32>
        %lt3A_251 = arith.cmpf olt, %mul3A_247, %select_n3A_230 : vector<16xf32>
        %select_n3A_252 = arith.select %lt3A_248, %mul3A_247, %select_n3A_218 : vector<16xi1>, vector<16xf32>
        %select_n3A_253 = arith.select %lt3A_248, %get3A_236, %select_n3A_219 : vector<16xi1>, vector<16xi32>
        %select_n3A_254 = arith.select %lt3A_248, %select_n3A_218, %mul3A_247 : vector<16xi1>, vector<16xf32>
        %select_n3A_255 = arith.select %lt3A_248, %select_n3A_219, %get3A_236 : vector<16xi1>, vector<16xi32>
        %select_n3A_256 = arith.select %lt3A_249, %select_n3A_254, %select_n3A_222 : vector<16xi1>, vector<16xf32>
        %select_n3A_257 = arith.select %lt3A_249, %select_n3A_255, %select_n3A_223 : vector<16xi1>, vector<16xi32>
        %select_n3A_258 = arith.select %lt3A_249, %select_n3A_222, %mul3A_247 : vector<16xi1>, vector<16xf32>
        %select_n3A_259 = arith.select %lt3A_249, %select_n3A_223, %get3A_236 : vector<16xi1>, vector<16xi32>
        %select_n3A_260 = arith.select %lt3A_250, %select_n3A_258, %select_n3A_226 : vector<16xi1>, vector<16xf32>
        %select_n3A_261 = arith.select %lt3A_250, %select_n3A_259, %select_n3A_227 : vector<16xi1>, vector<16xi32>
        %select_n3A_262 = arith.select %lt3A_250, %select_n3A_226, %mul3A_247 : vector<16xi1>, vector<16xf32>
        %select_n3A_263 = arith.select %lt3A_250, %select_n3A_227, %get3A_236 : vector<16xi1>, vector<16xi32>
        %select_n3A_264 = arith.select %lt3A_251, %select_n3A_262, %select_n3A_230 : vector<16xi1>, vector<16xf32>
        %select_n3A_265 = arith.select %lt3A_251, %select_n3A_263, %select_n3A_231 : vector<16xi1>, vector<16xi32>
        %add3A_266 = arith.constant 2048 : i32
        %add3A_267 = arith.addi %add3A_266, %mul3A_122 : i32
        %get3A_268 = arith.index_cast %add3A_267 : i32 to index
        %get3A_269 = tpu.vector_load %arg20[%get3A_268] {strides = array<i32>} : memref<12288xi32, #tpu.memory_space<vmem>>, vector<16xi32>,
        %get3A_270 = vector.shape_cast %get3A_269 : vector<16xi32> to vector<16xi32>
        %add3A_271 = arith.constant 2048 : i32
        %add3A_272 = arith.addi %add3A_271, %mul3A_122 : i32
        %get3A_273 = arith.index_cast %add3A_272 : i32 to index
        %get3A_274 = tpu.vector_load %arg21[%get3A_273] {strides = array<i32>} : memref<12288xf32, #tpu.memory_space<vmem>>, vector<16xf32>,
        %get3A_275 = vector.shape_cast %get3A_274 : vector<16xf32> to vector<16xf32>
        %get3A_276 = arith.constant 64 : index
        %get3A_277 = tpu.vector_load %arg25[%get3A_276] {strides = array<i32>} : memref<400xf32, #tpu.memory_space<vmem>>, vector<16xf32>,
        %get3A_278 = vector.shape_cast %get3A_277 : vector<16xf32> to vector<16xf32>
        %sub3A_279 = arith.subf %get3A_275, %get3A_124 : vector<16xf32>
        %abs3A_280 = math.absf %sub3A_279 : vector<16xf32>
        %mul3A_281 = arith.mulf %abs3A_280, %get3A_278 : vector<16xf32>
        %lt3A_282 = arith.cmpf olt, %mul3A_281, %select_n3A_252 : vector<16xf32>
        %lt3A_283 = arith.cmpf olt, %mul3A_281, %select_n3A_256 : vector<16xf32>
        %lt3A_284 = arith.cmpf olt, %mul3A_281, %select_n3A_260 : vector<16xf32>
        %lt3A_285 = arith.cmpf olt, %mul3A_281, %select_n3A_264 : vector<16xf32>
        %select_n3A_286 = arith.select %lt3A_282, %mul3A_281, %select_n3A_252 : vector<16xi1>, vector<16xf32>
        %select_n3A_287 = arith.select %lt3A_282, %get3A_270, %select_n3A_253 : vector<16xi1>, vector<16xi32>
        %select_n3A_288 = arith.select %lt3A_282, %select_n3A_252, %mul3A_281 : vector<16xi1>, vector<16xf32>
        %select_n3A_289 = arith.select %lt3A_282, %select_n3A_253, %get3A_270 : vector<16xi1>, vector<16xi32>
        %select_n3A_290 = arith.select %lt3A_283, %select_n3A_288, %select_n3A_256 : vector<16xi1>, vector<16xf32>
        %select_n3A_291 = arith.select %lt3A_283, %select_n3A_289, %select_n3A_257 : vector<16xi1>, vector<16xi32>
        %select_n3A_292 = arith.select %lt3A_283, %select_n3A_256, %mul3A_281 : vector<16xi1>, vector<16xf32>
        %select_n3A_293 = arith.select %lt3A_283, %select_n3A_257, %get3A_270 : vector<16xi1>, vector<16xi32>
        %select_n3A_294 = arith.select %lt3A_284, %select_n3A_292, %select_n3A_260 : vector<16xi1>, vector<16xf32>
        %select_n3A_295 = arith.select %lt3A_284, %select_n3A_293, %select_n3A_261 : vector<16xi1>, vector<16xi32>
        %select_n3A_296 = arith.select %lt3A_284, %select_n3A_260, %mul3A_281 : vector<16xi1>, vector<16xf32>
        %select_n3A_297 = arith.select %lt3A_284, %select_n3A_261, %get3A_270 : vector<16xi1>, vector<16xi32>
        %select_n3A_298 = arith.select %lt3A_285, %select_n3A_296, %select_n3A_264 : vector<16xi1>, vector<16xf32>
        %select_n3A_299 = arith.select %lt3A_285, %select_n3A_297, %select_n3A_265 : vector<16xi1>, vector<16xi32>
        %add3A_300 = arith.constant 2560 : i32
        %add3A_301 = arith.addi %add3A_300, %mul3A_122 : i32
        %get3A_302 = arith.index_cast %add3A_301 : i32 to index
        %get3A_303 = tpu.vector_load %arg20[%get3A_302] {strides = array<i32>} : memref<12288xi32, #tpu.memory_space<vmem>>, vector<16xi32>,
        %get3A_304 = vector.shape_cast %get3A_303 : vector<16xi32> to vector<16xi32>
        %add3A_305 = arith.constant 2560 : i32
        %add3A_306 = arith.addi %add3A_305, %mul3A_122 : i32
        %get3A_307 = arith.index_cast %add3A_306 : i32 to index
        %get3A_308 = tpu.vector_load %arg21[%get3A_307] {strides = array<i32>} : memref<12288xf32, #tpu.memory_space<vmem>>, vector<16xf32>,
        %get3A_309 = vector.shape_cast %get3A_308 : vector<16xf32> to vector<16xf32>
        %get3A_310 = arith.constant 80 : index
        %get3A_311 = tpu.vector_load %arg25[%get3A_310] {strides = array<i32>} : memref<400xf32, #tpu.memory_space<vmem>>, vector<16xf32>,
        %get3A_312 = vector.shape_cast %get3A_311 : vector<16xf32> to vector<16xf32>
        %sub3A_313 = arith.subf %get3A_309, %get3A_124 : vector<16xf32>
        %abs3A_314 = math.absf %sub3A_313 : vector<16xf32>
        %mul3A_315 = arith.mulf %abs3A_314, %get3A_312 : vector<16xf32>
        %lt3A_316 = arith.cmpf olt, %mul3A_315, %select_n3A_286 : vector<16xf32>
        %lt3A_317 = arith.cmpf olt, %mul3A_315, %select_n3A_290 : vector<16xf32>
        %lt3A_318 = arith.cmpf olt, %mul3A_315, %select_n3A_294 : vector<16xf32>
        %lt3A_319 = arith.cmpf olt, %mul3A_315, %select_n3A_298 : vector<16xf32>
        %select_n3A_320 = arith.select %lt3A_316, %mul3A_315, %select_n3A_286 : vector<16xi1>, vector<16xf32>
        %select_n3A_321 = arith.select %lt3A_316, %get3A_304, %select_n3A_287 : vector<16xi1>, vector<16xi32>
        %select_n3A_322 = arith.select %lt3A_316, %select_n3A_286, %mul3A_315 : vector<16xi1>, vector<16xf32>
        %select_n3A_323 = arith.select %lt3A_316, %select_n3A_287, %get3A_304 : vector<16xi1>, vector<16xi32>
        %select_n3A_324 = arith.select %lt3A_317, %select_n3A_322, %select_n3A_290 : vector<16xi1>, vector<16xf32>
        %select_n3A_325 = arith.select %lt3A_317, %select_n3A_323, %select_n3A_291 : vector<16xi1>, vector<16xi32>
        %select_n3A_326 = arith.select %lt3A_317, %select_n3A_290, %mul3A_315 : vector<16xi1>, vector<16xf32>
        %select_n3A_327 = arith.select %lt3A_317, %select_n3A_291, %get3A_304 : vector<16xi1>, vector<16xi32>
        %select_n3A_328 = arith.select %lt3A_318, %select_n3A_326, %select_n3A_294 : vector<16xi1>, vector<16xf32>
        %select_n3A_329 = arith.select %lt3A_318, %select_n3A_327, %select_n3A_295 : vector<16xi1>, vector<16xi32>
        %select_n3A_330 = arith.select %lt3A_318, %select_n3A_294, %mul3A_315 : vector<16xi1>, vector<16xf32>
        %select_n3A_331 = arith.select %lt3A_318, %select_n3A_295, %get3A_304 : vector<16xi1>, vector<16xi32>
        %select_n3A_332 = arith.select %lt3A_319, %select_n3A_330, %select_n3A_298 : vector<16xi1>, vector<16xf32>
        %select_n3A_333 = arith.select %lt3A_319, %select_n3A_331, %select_n3A_299 : vector<16xi1>, vector<16xi32>
        %add3A_334 = arith.constant 3072 : i32
        %add3A_335 = arith.addi %add3A_334, %mul3A_122 : i32
        %get3A_336 = arith.index_cast %add3A_335 : i32 to index
        %get3A_337 = tpu.vector_load %arg20[%get3A_336] {strides = array<i32>} : memref<12288xi32, #tpu.memory_space<vmem>>, vector<16xi32>,
        %get3A_338 = vector.shape_cast %get3A_337 : vector<16xi32> to vector<16xi32>
        %add3A_339 = arith.constant 3072 : i32
        %add3A_340 = arith.addi %add3A_339, %mul3A_122 : i32
        %get3A_341 = arith.index_cast %add3A_340 : i32 to index
        %get3A_342 = tpu.vector_load %arg21[%get3A_341] {strides = array<i32>} : memref<12288xf32, #tpu.memory_space<vmem>>, vector<16xf32>,
        %get3A_343 = vector.shape_cast %get3A_342 : vector<16xf32> to vector<16xf32>
        %get3A_344 = arith.constant 96 : index
        %get3A_345 = tpu.vector_load %arg25[%get3A_344] {strides = array<i32>} : memref<400xf32, #tpu.memory_space<vmem>>, vector<16xf32>,
        %get3A_346 = vector.shape_cast %get3A_345 : vector<16xf32> to vector<16xf32>
        %sub3A_347 = arith.subf %get3A_343, %get3A_124 : vector<16xf32>
        %abs3A_348 = math.absf %sub3A_347 : vector<16xf32>
        %mul3A_349 = arith.mulf %abs3A_348, %get3A_346 : vector<16xf32>
        %lt3A_350 = arith.cmpf olt, %mul3A_349, %select_n3A_320 : vector<16xf32>
        %lt3A_351 = arith.cmpf olt, %mul3A_349, %select_n3A_324 : vector<16xf32>
        %lt3A_352 = arith.cmpf olt, %mul3A_349, %select_n3A_328 : vector<16xf32>
        %lt3A_353 = arith.cmpf olt, %mul3A_349, %select_n3A_332 : vector<16xf32>
        %select_n3A_354 = arith.select %lt3A_350, %mul3A_349, %select_n3A_320 : vector<16xi1>, vector<16xf32>
        %select_n3A_355 = arith.select %lt3A_350, %get3A_338, %select_n3A_321 : vector<16xi1>, vector<16xi32>
        %select_n3A_356 = arith.select %lt3A_350, %select_n3A_320, %mul3A_349 : vector<16xi1>, vector<16xf32>
        %select_n3A_357 = arith.select %lt3A_350, %select_n3A_321, %get3A_338 : vector<16xi1>, vector<16xi32>
        %select_n3A_358 = arith.select %lt3A_351, %select_n3A_356, %select_n3A_324 : vector<16xi1>, vector<16xf32>
        %select_n3A_359 = arith.select %lt3A_351, %select_n3A_357, %select_n3A_325 : vector<16xi1>, vector<16xi32>
        %select_n3A_360 = arith.select %lt3A_351, %select_n3A_324, %mul3A_349 : vector<16xi1>, vector<16xf32>
        %select_n3A_361 = arith.select %lt3A_351, %select_n3A_325, %get3A_338 : vector<16xi1>, vector<16xi32>
        %select_n3A_362 = arith.select %lt3A_352, %select_n3A_360, %select_n3A_328 : vector<16xi1>, vector<16xf32>
        %select_n3A_363 = arith.select %lt3A_352, %select_n3A_361, %select_n3A_329 : vector<16xi1>, vector<16xi32>
        %select_n3A_364 = arith.select %lt3A_352, %select_n3A_328, %mul3A_349 : vector<16xi1>, vector<16xf32>
        %select_n3A_365 = arith.select %lt3A_352, %select_n3A_329, %get3A_338 : vector<16xi1>, vector<16xi32>
        %select_n3A_366 = arith.select %lt3A_353, %select_n3A_364, %select_n3A_332 : vector<16xi1>, vector<16xf32>
        %select_n3A_367 = arith.select %lt3A_353, %select_n3A_365, %select_n3A_333 : vector<16xi1>, vector<16xi32>
        %add3A_368 = arith.constant 3584 : i32
        %add3A_369 = arith.addi %add3A_368, %mul3A_122 : i32
        %get3A_370 = arith.index_cast %add3A_369 : i32 to index
        %get3A_371 = tpu.vector_load %arg20[%get3A_370] {strides = array<i32>} : memref<12288xi32, #tpu.memory_space<vmem>>, vector<16xi32>,
        %get3A_372 = vector.shape_cast %get3A_371 : vector<16xi32> to vector<16xi32>
        %add3A_373 = arith.constant 3584 : i32
        %add3A_374 = arith.addi %add3A_373, %mul3A_122 : i32
        %get3A_375 = arith.index_cast %add3A_374 : i32 to index
        %get3A_376 = tpu.vector_load %arg21[%get3A_375] {strides = array<i32>} : memref<12288xf32, #tpu.memory_space<vmem>>, vector<16xf32>,
        %get3A_377 = vector.shape_cast %get3A_376 : vector<16xf32> to vector<16xf32>
        %get3A_378 = arith.constant 112 : index
        %get3A_379 = tpu.vector_load %arg25[%get3A_378] {strides = array<i32>} : memref<400xf32, #tpu.memory_space<vmem>>, vector<16xf32>,
        %get3A_380 = vector.shape_cast %get3A_379 : vector<16xf32> to vector<16xf32>
        %sub3A_381 = arith.subf %get3A_377, %get3A_124 : vector<16xf32>
        %abs3A_382 = math.absf %sub3A_381 : vector<16xf32>
        %mul3A_383 = arith.mulf %abs3A_382, %get3A_380 : vector<16xf32>
        %lt3A_384 = arith.cmpf olt, %mul3A_383, %select_n3A_354 : vector<16xf32>
        %lt3A_385 = arith.cmpf olt, %mul3A_383, %select_n3A_358 : vector<16xf32>
        %lt3A_386 = arith.cmpf olt, %mul3A_383, %select_n3A_362 : vector<16xf32>
        %lt3A_387 = arith.cmpf olt, %mul3A_383, %select_n3A_366 : vector<16xf32>
        %select_n3A_388 = arith.select %lt3A_384, %mul3A_383, %select_n3A_354 : vector<16xi1>, vector<16xf32>
        %select_n3A_389 = arith.select %lt3A_384, %get3A_372, %select_n3A_355 : vector<16xi1>, vector<16xi32>
        %select_n3A_390 = arith.select %lt3A_384, %select_n3A_354, %mul3A_383 : vector<16xi1>, vector<16xf32>
        %select_n3A_391 = arith.select %lt3A_384, %select_n3A_355, %get3A_372 : vector<16xi1>, vector<16xi32>
        %select_n3A_392 = arith.select %lt3A_385, %select_n3A_390, %select_n3A_358 : vector<16xi1>, vector<16xf32>
        %select_n3A_393 = arith.select %lt3A_385, %select_n3A_391, %select_n3A_359 : vector<16xi1>, vector<16xi32>
        %select_n3A_394 = arith.select %lt3A_385, %select_n3A_358, %mul3A_383 : vector<16xi1>, vector<16xf32>
        %select_n3A_395 = arith.select %lt3A_385, %select_n3A_359, %get3A_372 : vector<16xi1>, vector<16xi32>
        %select_n3A_396 = arith.select %lt3A_386, %select_n3A_394, %select_n3A_362 : vector<16xi1>, vector<16xf32>
        %select_n3A_397 = arith.select %lt3A_386, %select_n3A_395, %select_n3A_363 : vector<16xi1>, vector<16xi32>
        %select_n3A_398 = arith.select %lt3A_386, %select_n3A_362, %mul3A_383 : vector<16xi1>, vector<16xf32>
        %select_n3A_399 = arith.select %lt3A_386, %select_n3A_363, %get3A_372 : vector<16xi1>, vector<16xi32>
        %select_n3A_400 = arith.select %lt3A_387, %select_n3A_398, %select_n3A_366 : vector<16xi1>, vector<16xf32>
        %select_n3A_401 = arith.select %lt3A_387, %select_n3A_399, %select_n3A_367 : vector<16xi1>, vector<16xi32>
        %add3A_402 = arith.constant 4096 : i32
        %add3A_403 = arith.addi %add3A_402, %mul3A_122 : i32
        %get3A_404 = arith.index_cast %add3A_403 : i32 to index
        %get3A_405 = tpu.vector_load %arg20[%get3A_404] {strides = array<i32>} : memref<12288xi32, #tpu.memory_space<vmem>>, vector<16xi32>,
        %get3A_406 = vector.shape_cast %get3A_405 : vector<16xi32> to vector<16xi32>
        %add3A_407 = arith.constant 4096 : i32
        %add3A_408 = arith.addi %add3A_407, %mul3A_122 : i32
        %get3A_409 = arith.index_cast %add3A_408 : i32 to index
        %get3A_410 = tpu.vector_load %arg21[%get3A_409] {strides = array<i32>} : memref<12288xf32, #tpu.memory_space<vmem>>, vector<16xf32>,
        %get3A_411 = vector.shape_cast %get3A_410 : vector<16xf32> to vector<16xf32>
        %get3A_412 = arith.constant 128 : index
        %get3A_413 = tpu.vector_load %arg25[%get3A_412] {strides = array<i32>} : memref<400xf32, #tpu.memory_space<vmem>>, vector<16xf32>,
        %get3A_414 = vector.shape_cast %get3A_413 : vector<16xf32> to vector<16xf32>
        %sub3A_415 = arith.subf %get3A_411, %get3A_124 : vector<16xf32>
        %abs3A_416 = math.absf %sub3A_415 : vector<16xf32>
        %mul3A_417 = arith.mulf %abs3A_416, %get3A_414 : vector<16xf32>
        %lt3A_418 = arith.cmpf olt, %mul3A_417, %select_n3A_388 : vector<16xf32>
        %lt3A_419 = arith.cmpf olt, %mul3A_417, %select_n3A_392 : vector<16xf32>
        %lt3A_420 = arith.cmpf olt, %mul3A_417, %select_n3A_396 : vector<16xf32>
        %lt3A_421 = arith.cmpf olt, %mul3A_417, %select_n3A_400 : vector<16xf32>
        %select_n3A_422 = arith.select %lt3A_418, %mul3A_417, %select_n3A_388 : vector<16xi1>, vector<16xf32>
        %select_n3A_423 = arith.select %lt3A_418, %get3A_406, %select_n3A_389 : vector<16xi1>, vector<16xi32>
        %select_n3A_424 = arith.select %lt3A_418, %select_n3A_388, %mul3A_417 : vector<16xi1>, vector<16xf32>
        %select_n3A_425 = arith.select %lt3A_418, %select_n3A_389, %get3A_406 : vector<16xi1>, vector<16xi32>
        %select_n3A_426 = arith.select %lt3A_419, %select_n3A_424, %select_n3A_392 : vector<16xi1>, vector<16xf32>
        %select_n3A_427 = arith.select %lt3A_419, %select_n3A_425, %select_n3A_393 : vector<16xi1>, vector<16xi32>
        %select_n3A_428 = arith.select %lt3A_419, %select_n3A_392, %mul3A_417 : vector<16xi1>, vector<16xf32>
        %select_n3A_429 = arith.select %lt3A_419, %select_n3A_393, %get3A_406 : vector<16xi1>, vector<16xi32>
        %select_n3A_430 = arith.select %lt3A_420, %select_n3A_428, %select_n3A_396 : vector<16xi1>, vector<16xf32>
        %select_n3A_431 = arith.select %lt3A_420, %select_n3A_429, %select_n3A_397 : vector<16xi1>, vector<16xi32>
        %select_n3A_432 = arith.select %lt3A_420, %select_n3A_396, %mul3A_417 : vector<16xi1>, vector<16xf32>
        %select_n3A_433 = arith.select %lt3A_420, %select_n3A_397, %get3A_406 : vector<16xi1>, vector<16xi32>
        %select_n3A_434 = arith.select %lt3A_421, %select_n3A_432, %select_n3A_400 : vector<16xi1>, vector<16xf32>
        %select_n3A_435 = arith.select %lt3A_421, %select_n3A_433, %select_n3A_401 : vector<16xi1>, vector<16xi32>
        %add3A_436 = arith.constant 4608 : i32
        %add3A_437 = arith.addi %add3A_436, %mul3A_122 : i32
        %get3A_438 = arith.index_cast %add3A_437 : i32 to index
        %get3A_439 = tpu.vector_load %arg20[%get3A_438] {strides = array<i32>} : memref<12288xi32, #tpu.memory_space<vmem>>, vector<16xi32>,
        %get3A_440 = vector.shape_cast %get3A_439 : vector<16xi32> to vector<16xi32>
        %add3A_441 = arith.constant 4608 : i32
        %add3A_442 = arith.addi %add3A_441, %mul3A_122 : i32
        %get3A_443 = arith.index_cast %add3A_442 : i32 to index
        %get3A_444 = tpu.vector_load %arg21[%get3A_443] {strides = array<i32>} : memref<12288xf32, #tpu.memory_space<vmem>>, vector<16xf32>,
        %get3A_445 = vector.shape_cast %get3A_444 : vector<16xf32> to vector<16xf32>
        %get3A_446 = arith.constant 144 : index
        %get3A_447 = tpu.vector_load %arg25[%get3A_446] {strides = array<i32>} : memref<400xf32, #tpu.memory_space<vmem>>, vector<16xf32>,
        %get3A_448 = vector.shape_cast %get3A_447 : vector<16xf32> to vector<16xf32>
        %sub3A_449 = arith.subf %get3A_445, %get3A_124 : vector<16xf32>
        %abs3A_450 = math.absf %sub3A_449 : vector<16xf32>
        %mul3A_451 = arith.mulf %abs3A_450, %get3A_448 : vector<16xf32>
        %lt3A_452 = arith.cmpf olt, %mul3A_451, %select_n3A_422 : vector<16xf32>
        %lt3A_453 = arith.cmpf olt, %mul3A_451, %select_n3A_426 : vector<16xf32>
        %lt3A_454 = arith.cmpf olt, %mul3A_451, %select_n3A_430 : vector<16xf32>
        %lt3A_455 = arith.cmpf olt, %mul3A_451, %select_n3A_434 : vector<16xf32>
        %select_n3A_456 = arith.select %lt3A_452, %mul3A_451, %select_n3A_422 : vector<16xi1>, vector<16xf32>
        %select_n3A_457 = arith.select %lt3A_452, %get3A_440, %select_n3A_423 : vector<16xi1>, vector<16xi32>
        %select_n3A_458 = arith.select %lt3A_452, %select_n3A_422, %mul3A_451 : vector<16xi1>, vector<16xf32>
        %select_n3A_459 = arith.select %lt3A_452, %select_n3A_423, %get3A_440 : vector<16xi1>, vector<16xi32>
        %select_n3A_460 = arith.select %lt3A_453, %select_n3A_458, %select_n3A_426 : vector<16xi1>, vector<16xf32>
        %select_n3A_461 = arith.select %lt3A_453, %select_n3A_459, %select_n3A_427 : vector<16xi1>, vector<16xi32>
        %select_n3A_462 = arith.select %lt3A_453, %select_n3A_426, %mul3A_451 : vector<16xi1>, vector<16xf32>
        %select_n3A_463 = arith.select %lt3A_453, %select_n3A_427, %get3A_440 : vector<16xi1>, vector<16xi32>
        %select_n3A_464 = arith.select %lt3A_454, %select_n3A_462, %select_n3A_430 : vector<16xi1>, vector<16xf32>
        %select_n3A_465 = arith.select %lt3A_454, %select_n3A_463, %select_n3A_431 : vector<16xi1>, vector<16xi32>
        %select_n3A_466 = arith.select %lt3A_454, %select_n3A_430, %mul3A_451 : vector<16xi1>, vector<16xf32>
        %select_n3A_467 = arith.select %lt3A_454, %select_n3A_431, %get3A_440 : vector<16xi1>, vector<16xi32>
        %select_n3A_468 = arith.select %lt3A_455, %select_n3A_466, %select_n3A_434 : vector<16xi1>, vector<16xf32>
        %select_n3A_469 = arith.select %lt3A_455, %select_n3A_467, %select_n3A_435 : vector<16xi1>, vector<16xi32>
        %add3A_470 = arith.constant 5120 : i32
        %add3A_471 = arith.addi %add3A_470, %mul3A_122 : i32
        %get3A_472 = arith.index_cast %add3A_471 : i32 to index
        %get3A_473 = tpu.vector_load %arg20[%get3A_472] {strides = array<i32>} : memref<12288xi32, #tpu.memory_space<vmem>>, vector<16xi32>,
        %get3A_474 = vector.shape_cast %get3A_473 : vector<16xi32> to vector<16xi32>
        %add3A_475 = arith.constant 5120 : i32
        %add3A_476 = arith.addi %add3A_475, %mul3A_122 : i32
        %get3A_477 = arith.index_cast %add3A_476 : i32 to index
        %get3A_478 = tpu.vector_load %arg21[%get3A_477] {strides = array<i32>} : memref<12288xf32, #tpu.memory_space<vmem>>, vector<16xf32>,
        %get3A_479 = vector.shape_cast %get3A_478 : vector<16xf32> to vector<16xf32>
        %get3A_480 = arith.constant 160 : index
        %get3A_481 = tpu.vector_load %arg25[%get3A_480] {strides = array<i32>} : memref<400xf32, #tpu.memory_space<vmem>>, vector<16xf32>,
        %get3A_482 = vector.shape_cast %get3A_481 : vector<16xf32> to vector<16xf32>
        %sub3A_483 = arith.subf %get3A_479, %get3A_124 : vector<16xf32>
        %abs3A_484 = math.absf %sub3A_483 : vector<16xf32>
        %mul3A_485 = arith.mulf %abs3A_484, %get3A_482 : vector<16xf32>
        %lt3A_486 = arith.cmpf olt, %mul3A_485, %select_n3A_456 : vector<16xf32>
        %lt3A_487 = arith.cmpf olt, %mul3A_485, %select_n3A_460 : vector<16xf32>
        %lt3A_488 = arith.cmpf olt, %mul3A_485, %select_n3A_464 : vector<16xf32>
        %lt3A_489 = arith.cmpf olt, %mul3A_485, %select_n3A_468 : vector<16xf32>
        %select_n3A_490 = arith.select %lt3A_486, %mul3A_485, %select_n3A_456 : vector<16xi1>, vector<16xf32>
        %select_n3A_491 = arith.select %lt3A_486, %get3A_474, %select_n3A_457 : vector<16xi1>, vector<16xi32>
        %select_n3A_492 = arith.select %lt3A_486, %select_n3A_456, %mul3A_485 : vector<16xi1>, vector<16xf32>
        %select_n3A_493 = arith.select %lt3A_486, %select_n3A_457, %get3A_474 : vector<16xi1>, vector<16xi32>
        %select_n3A_494 = arith.select %lt3A_487, %select_n3A_492, %select_n3A_460 : vector<16xi1>, vector<16xf32>
        %select_n3A_495 = arith.select %lt3A_487, %select_n3A_493, %select_n3A_461 : vector<16xi1>, vector<16xi32>
        %select_n3A_496 = arith.select %lt3A_487, %select_n3A_460, %mul3A_485 : vector<16xi1>, vector<16xf32>
        %select_n3A_497 = arith.select %lt3A_487, %select_n3A_461, %get3A_474 : vector<16xi1>, vector<16xi32>
        %select_n3A_498 = arith.select %lt3A_488, %select_n3A_496, %select_n3A_464 : vector<16xi1>, vector<16xf32>
        %select_n3A_499 = arith.select %lt3A_488, %select_n3A_497, %select_n3A_465 : vector<16xi1>, vector<16xi32>
        %select_n3A_500 = arith.select %lt3A_488, %select_n3A_464, %mul3A_485 : vector<16xi1>, vector<16xf32>
        %select_n3A_501 = arith.select %lt3A_488, %select_n3A_465, %get3A_474 : vector<16xi1>, vector<16xi32>
        %select_n3A_502 = arith.select %lt3A_489, %select_n3A_500, %select_n3A_468 : vector<16xi1>, vector<16xf32>
        %select_n3A_503 = arith.select %lt3A_489, %select_n3A_501, %select_n3A_469 : vector<16xi1>, vector<16xi32>
        %add3A_504 = arith.constant 5632 : i32
        %add3A_505 = arith.addi %add3A_504, %mul3A_122 : i32
        %get3A_506 = arith.index_cast %add3A_505 : i32 to index
        %get3A_507 = tpu.vector_load %arg20[%get3A_506] {strides = array<i32>} : memref<12288xi32, #tpu.memory_space<vmem>>, vector<16xi32>,
        %get3A_508 = vector.shape_cast %get3A_507 : vector<16xi32> to vector<16xi32>
        %add3A_509 = arith.constant 5632 : i32
        %add3A_510 = arith.addi %add3A_509, %mul3A_122 : i32
        %get3A_511 = arith.index_cast %add3A_510 : i32 to index
        %get3A_512 = tpu.vector_load %arg21[%get3A_511] {strides = array<i32>} : memref<12288xf32, #tpu.memory_space<vmem>>, vector<16xf32>,
        %get3A_513 = vector.shape_cast %get3A_512 : vector<16xf32> to vector<16xf32>
        %get3A_514 = arith.constant 176 : index
        %get3A_515 = tpu.vector_load %arg25[%get3A_514] {strides = array<i32>} : memref<400xf32, #tpu.memory_space<vmem>>, vector<16xf32>,
        %get3A_516 = vector.shape_cast %get3A_515 : vector<16xf32> to vector<16xf32>
        %sub3A_517 = arith.subf %get3A_513, %get3A_124 : vector<16xf32>
        %abs3A_518 = math.absf %sub3A_517 : vector<16xf32>
        %mul3A_519 = arith.mulf %abs3A_518, %get3A_516 : vector<16xf32>
        %lt3A_520 = arith.cmpf olt, %mul3A_519, %select_n3A_490 : vector<16xf32>
        %lt3A_521 = arith.cmpf olt, %mul3A_519, %select_n3A_494 : vector<16xf32>
        %lt3A_522 = arith.cmpf olt, %mul3A_519, %select_n3A_498 : vector<16xf32>
        %lt3A_523 = arith.cmpf olt, %mul3A_519, %select_n3A_502 : vector<16xf32>
        %select_n3A_524 = arith.select %lt3A_520, %mul3A_519, %select_n3A_490 : vector<16xi1>, vector<16xf32>
        %select_n3A_525 = arith.select %lt3A_520, %get3A_508, %select_n3A_491 : vector<16xi1>, vector<16xi32>
        %select_n3A_526 = arith.select %lt3A_520, %select_n3A_490, %mul3A_519 : vector<16xi1>, vector<16xf32>
        %select_n3A_527 = arith.select %lt3A_520, %select_n3A_491, %get3A_508 : vector<16xi1>, vector<16xi32>
        %select_n3A_528 = arith.select %lt3A_521, %select_n3A_526, %select_n3A_494 : vector<16xi1>, vector<16xf32>
        %select_n3A_529 = arith.select %lt3A_521, %select_n3A_527, %select_n3A_495 : vector<16xi1>, vector<16xi32>
        %select_n3A_530 = arith.select %lt3A_521, %select_n3A_494, %mul3A_519 : vector<16xi1>, vector<16xf32>
        %select_n3A_531 = arith.select %lt3A_521, %select_n3A_495, %get3A_508 : vector<16xi1>, vector<16xi32>
        %select_n3A_532 = arith.select %lt3A_522, %select_n3A_530, %select_n3A_498 : vector<16xi1>, vector<16xf32>
        %select_n3A_533 = arith.select %lt3A_522, %select_n3A_531, %select_n3A_499 : vector<16xi1>, vector<16xi32>
        %select_n3A_534 = arith.select %lt3A_522, %select_n3A_498, %mul3A_519 : vector<16xi1>, vector<16xf32>
        %select_n3A_535 = arith.select %lt3A_522, %select_n3A_499, %get3A_508 : vector<16xi1>, vector<16xi32>
        %select_n3A_536 = arith.select %lt3A_523, %select_n3A_534, %select_n3A_502 : vector<16xi1>, vector<16xf32>
        %select_n3A_537 = arith.select %lt3A_523, %select_n3A_535, %select_n3A_503 : vector<16xi1>, vector<16xi32>
        %add3A_538 = arith.constant 6144 : i32
        %add3A_539 = arith.addi %add3A_538, %mul3A_122 : i32
        %get3A_540 = arith.index_cast %add3A_539 : i32 to index
        %get3A_541 = tpu.vector_load %arg20[%get3A_540] {strides = array<i32>} : memref<12288xi32, #tpu.memory_space<vmem>>, vector<16xi32>,
        %get3A_542 = vector.shape_cast %get3A_541 : vector<16xi32> to vector<16xi32>
        %add3A_543 = arith.constant 6144 : i32
        %add3A_544 = arith.addi %add3A_543, %mul3A_122 : i32
        %get3A_545 = arith.index_cast %add3A_544 : i32 to index
        %get3A_546 = tpu.vector_load %arg21[%get3A_545] {strides = array<i32>} : memref<12288xf32, #tpu.memory_space<vmem>>, vector<16xf32>,
        %get3A_547 = vector.shape_cast %get3A_546 : vector<16xf32> to vector<16xf32>
        %get3A_548 = arith.constant 208 : index
        %get3A_549 = tpu.vector_load %arg25[%get3A_548] {strides = array<i32>} : memref<400xf32, #tpu.memory_space<vmem>>, vector<16xf32>,
        %get3A_550 = vector.shape_cast %get3A_549 : vector<16xf32> to vector<16xf32>
        %sub3A_551 = arith.subf %get3A_547, %get3A_124 : vector<16xf32>
        %abs3A_552 = math.absf %sub3A_551 : vector<16xf32>
        %mul3A_553 = arith.mulf %abs3A_552, %get3A_550 : vector<16xf32>
        %lt3A_554 = arith.cmpf olt, %mul3A_553, %select_n3A_524 : vector<16xf32>
        %lt3A_555 = arith.cmpf olt, %mul3A_553, %select_n3A_528 : vector<16xf32>
        %lt3A_556 = arith.cmpf olt, %mul3A_553, %select_n3A_532 : vector<16xf32>
        %lt3A_557 = arith.cmpf olt, %mul3A_553, %select_n3A_536 : vector<16xf32>
        %select_n3A_558 = arith.select %lt3A_554, %mul3A_553, %select_n3A_524 : vector<16xi1>, vector<16xf32>
        %select_n3A_559 = arith.select %lt3A_554, %get3A_542, %select_n3A_525 : vector<16xi1>, vector<16xi32>
        %select_n3A_560 = arith.select %lt3A_554, %select_n3A_524, %mul3A_553 : vector<16xi1>, vector<16xf32>
        %select_n3A_561 = arith.select %lt3A_554, %select_n3A_525, %get3A_542 : vector<16xi1>, vector<16xi32>
        %select_n3A_562 = arith.select %lt3A_555, %select_n3A_560, %select_n3A_528 : vector<16xi1>, vector<16xf32>
        %select_n3A_563 = arith.select %lt3A_555, %select_n3A_561, %select_n3A_529 : vector<16xi1>, vector<16xi32>
        %select_n3A_564 = arith.select %lt3A_555, %select_n3A_528, %mul3A_553 : vector<16xi1>, vector<16xf32>
        %select_n3A_565 = arith.select %lt3A_555, %select_n3A_529, %get3A_542 : vector<16xi1>, vector<16xi32>
        %select_n3A_566 = arith.select %lt3A_556, %select_n3A_564, %select_n3A_532 : vector<16xi1>, vector<16xf32>
        %select_n3A_567 = arith.select %lt3A_556, %select_n3A_565, %select_n3A_533 : vector<16xi1>, vector<16xi32>
        %select_n3A_568 = arith.select %lt3A_556, %select_n3A_532, %mul3A_553 : vector<16xi1>, vector<16xf32>
        %select_n3A_569 = arith.select %lt3A_556, %select_n3A_533, %get3A_542 : vector<16xi1>, vector<16xi32>
        %select_n3A_570 = arith.select %lt3A_557, %select_n3A_568, %select_n3A_536 : vector<16xi1>, vector<16xf32>
        %select_n3A_571 = arith.select %lt3A_557, %select_n3A_569, %select_n3A_537 : vector<16xi1>, vector<16xi32>
        %add3A_572 = arith.constant 6656 : i32
        %add3A_573 = arith.addi %add3A_572, %mul3A_122 : i32
        %get3A_574 = arith.index_cast %add3A_573 : i32 to index
        %get3A_575 = tpu.vector_load %arg20[%get3A_574] {strides = array<i32>} : memref<12288xi32, #tpu.memory_space<vmem>>, vector<16xi32>,
        %get3A_576 = vector.shape_cast %get3A_575 : vector<16xi32> to vector<16xi32>
        %add3A_577 = arith.constant 6656 : i32
        %add3A_578 = arith.addi %add3A_577, %mul3A_122 : i32
        %get3A_579 = arith.index_cast %add3A_578 : i32 to index
        %get3A_580 = tpu.vector_load %arg21[%get3A_579] {strides = array<i32>} : memref<12288xf32, #tpu.memory_space<vmem>>, vector<16xf32>,
        %get3A_581 = vector.shape_cast %get3A_580 : vector<16xf32> to vector<16xf32>
        %get3A_582 = arith.constant 224 : index
        %get3A_583 = tpu.vector_load %arg25[%get3A_582] {strides = array<i32>} : memref<400xf32, #tpu.memory_space<vmem>>, vector<16xf32>,
        %get3A_584 = vector.shape_cast %get3A_583 : vector<16xf32> to vector<16xf32>
        %sub3A_585 = arith.subf %get3A_581, %get3A_124 : vector<16xf32>
        %abs3A_586 = math.absf %sub3A_585 : vector<16xf32>
        %mul3A_587 = arith.mulf %abs3A_586, %get3A_584 : vector<16xf32>
        %lt3A_588 = arith.cmpf olt, %mul3A_587, %select_n3A_558 : vector<16xf32>
        %lt3A_589 = arith.cmpf olt, %mul3A_587, %select_n3A_562 : vector<16xf32>
        %lt3A_590 = arith.cmpf olt, %mul3A_587, %select_n3A_566 : vector<16xf32>
        %lt3A_591 = arith.cmpf olt, %mul3A_587, %select_n3A_570 : vector<16xf32>
        %select_n3A_592 = arith.select %lt3A_588, %mul3A_587, %select_n3A_558 : vector<16xi1>, vector<16xf32>
        %select_n3A_593 = arith.select %lt3A_588, %get3A_576, %select_n3A_559 : vector<16xi1>, vector<16xi32>
        %select_n3A_594 = arith.select %lt3A_588, %select_n3A_558, %mul3A_587 : vector<16xi1>, vector<16xf32>
        %select_n3A_595 = arith.select %lt3A_588, %select_n3A_559, %get3A_576 : vector<16xi1>, vector<16xi32>
        %select_n3A_596 = arith.select %lt3A_589, %select_n3A_594, %select_n3A_562 : vector<16xi1>, vector<16xf32>
        %select_n3A_597 = arith.select %lt3A_589, %select_n3A_595, %select_n3A_563 : vector<16xi1>, vector<16xi32>
        %select_n3A_598 = arith.select %lt3A_589, %select_n3A_562, %mul3A_587 : vector<16xi1>, vector<16xf32>
        %select_n3A_599 = arith.select %lt3A_589, %select_n3A_563, %get3A_576 : vector<16xi1>, vector<16xi32>
        %select_n3A_600 = arith.select %lt3A_590, %select_n3A_598, %select_n3A_566 : vector<16xi1>, vector<16xf32>
        %select_n3A_601 = arith.select %lt3A_590, %select_n3A_599, %select_n3A_567 : vector<16xi1>, vector<16xi32>
        %select_n3A_602 = arith.select %lt3A_590, %select_n3A_566, %mul3A_587 : vector<16xi1>, vector<16xf32>
        %select_n3A_603 = arith.select %lt3A_590, %select_n3A_567, %get3A_576 : vector<16xi1>, vector<16xi32>
        %select_n3A_604 = arith.select %lt3A_591, %select_n3A_602, %select_n3A_570 : vector<16xi1>, vector<16xf32>
        %select_n3A_605 = arith.select %lt3A_591, %select_n3A_603, %select_n3A_571 : vector<16xi1>, vector<16xi32>
        %add3A_606 = arith.constant 7168 : i32
        %add3A_607 = arith.addi %add3A_606, %mul3A_122 : i32
        %get3A_608 = arith.index_cast %add3A_607 : i32 to index
        %get3A_609 = tpu.vector_load %arg20[%get3A_608] {strides = array<i32>} : memref<12288xi32, #tpu.memory_space<vmem>>, vector<16xi32>,
        %get3A_610 = vector.shape_cast %get3A_609 : vector<16xi32> to vector<16xi32>
        %add3A_611 = arith.constant 7168 : i32
        %add3A_612 = arith.addi %add3A_611, %mul3A_122 : i32
        %get3A_613 = arith.index_cast %add3A_612 : i32 to index
        %get3A_614 = tpu.vector_load %arg21[%get3A_613] {strides = array<i32>} : memref<12288xf32, #tpu.memory_space<vmem>>, vector<16xf32>,
        %get3A_615 = vector.shape_cast %get3A_614 : vector<16xf32> to vector<16xf32>
        %get3A_616 = arith.constant 240 : index
        %get3A_617 = tpu.vector_load %arg25[%get3A_616] {strides = array<i32>} : memref<400xf32, #tpu.memory_space<vmem>>, vector<16xf32>,
        %get3A_618 = vector.shape_cast %get3A_617 : vector<16xf32> to vector<16xf32>
        %sub3A_619 = arith.subf %get3A_615, %get3A_124 : vector<16xf32>
        %abs3A_620 = math.absf %sub3A_619 : vector<16xf32>
        %mul3A_621 = arith.mulf %abs3A_620, %get3A_618 : vector<16xf32>
        %lt3A_622 = arith.cmpf olt, %mul3A_621, %select_n3A_592 : vector<16xf32>
        %lt3A_623 = arith.cmpf olt, %mul3A_621, %select_n3A_596 : vector<16xf32>
        %lt3A_624 = arith.cmpf olt, %mul3A_621, %select_n3A_600 : vector<16xf32>
        %lt3A_625 = arith.cmpf olt, %mul3A_621, %select_n3A_604 : vector<16xf32>
        %select_n3A_626 = arith.select %lt3A_622, %mul3A_621, %select_n3A_592 : vector<16xi1>, vector<16xf32>
        %select_n3A_627 = arith.select %lt3A_622, %get3A_610, %select_n3A_593 : vector<16xi1>, vector<16xi32>
        %select_n3A_628 = arith.select %lt3A_622, %select_n3A_592, %mul3A_621 : vector<16xi1>, vector<16xf32>
        %select_n3A_629 = arith.select %lt3A_622, %select_n3A_593, %get3A_610 : vector<16xi1>, vector<16xi32>
        %select_n3A_630 = arith.select %lt3A_623, %select_n3A_628, %select_n3A_596 : vector<16xi1>, vector<16xf32>
        %select_n3A_631 = arith.select %lt3A_623, %select_n3A_629, %select_n3A_597 : vector<16xi1>, vector<16xi32>
        %select_n3A_632 = arith.select %lt3A_623, %select_n3A_596, %mul3A_621 : vector<16xi1>, vector<16xf32>
        %select_n3A_633 = arith.select %lt3A_623, %select_n3A_597, %get3A_610 : vector<16xi1>, vector<16xi32>
        %select_n3A_634 = arith.select %lt3A_624, %select_n3A_632, %select_n3A_600 : vector<16xi1>, vector<16xf32>
        %select_n3A_635 = arith.select %lt3A_624, %select_n3A_633, %select_n3A_601 : vector<16xi1>, vector<16xi32>
        %select_n3A_636 = arith.select %lt3A_624, %select_n3A_600, %mul3A_621 : vector<16xi1>, vector<16xf32>
        %select_n3A_637 = arith.select %lt3A_624, %select_n3A_601, %get3A_610 : vector<16xi1>, vector<16xi32>
        %select_n3A_638 = arith.select %lt3A_625, %select_n3A_636, %select_n3A_604 : vector<16xi1>, vector<16xf32>
        %select_n3A_639 = arith.select %lt3A_625, %select_n3A_637, %select_n3A_605 : vector<16xi1>, vector<16xi32>
        %add3A_640 = arith.constant 7680 : i32
        %add3A_641 = arith.addi %add3A_640, %mul3A_122 : i32
        %get3A_642 = arith.index_cast %add3A_641 : i32 to index
        %get3A_643 = tpu.vector_load %arg20[%get3A_642] {strides = array<i32>} : memref<12288xi32, #tpu.memory_space<vmem>>, vector<16xi32>,
        %get3A_644 = vector.shape_cast %get3A_643 : vector<16xi32> to vector<16xi32>
        %add3A_645 = arith.constant 7680 : i32
        %add3A_646 = arith.addi %add3A_645, %mul3A_122 : i32
        %get3A_647 = arith.index_cast %add3A_646 : i32 to index
        %get3A_648 = tpu.vector_load %arg21[%get3A_647] {strides = array<i32>} : memref<12288xf32, #tpu.memory_space<vmem>>, vector<16xf32>,
        %get3A_649 = vector.shape_cast %get3A_648 : vector<16xf32> to vector<16xf32>
        %get3A_650 = arith.constant 256 : index
        %get3A_651 = tpu.vector_load %arg25[%get3A_650] {strides = array<i32>} : memref<400xf32, #tpu.memory_space<vmem>>, vector<16xf32>,
        %get3A_652 = vector.shape_cast %get3A_651 : vector<16xf32> to vector<16xf32>
        %sub3A_653 = arith.subf %get3A_649, %get3A_124 : vector<16xf32>
        %abs3A_654 = math.absf %sub3A_653 : vector<16xf32>
        %mul3A_655 = arith.mulf %abs3A_654, %get3A_652 : vector<16xf32>
        %lt3A_656 = arith.cmpf olt, %mul3A_655, %select_n3A_626 : vector<16xf32>
        %lt3A_657 = arith.cmpf olt, %mul3A_655, %select_n3A_630 : vector<16xf32>
        %lt3A_658 = arith.cmpf olt, %mul3A_655, %select_n3A_634 : vector<16xf32>
        %lt3A_659 = arith.cmpf olt, %mul3A_655, %select_n3A_638 : vector<16xf32>
        %select_n3A_660 = arith.select %lt3A_656, %mul3A_655, %select_n3A_626 : vector<16xi1>, vector<16xf32>
        %select_n3A_661 = arith.select %lt3A_656, %get3A_644, %select_n3A_627 : vector<16xi1>, vector<16xi32>
        %select_n3A_662 = arith.select %lt3A_656, %select_n3A_626, %mul3A_655 : vector<16xi1>, vector<16xf32>
        %select_n3A_663 = arith.select %lt3A_656, %select_n3A_627, %get3A_644 : vector<16xi1>, vector<16xi32>
        %select_n3A_664 = arith.select %lt3A_657, %select_n3A_662, %select_n3A_630 : vector<16xi1>, vector<16xf32>
        %select_n3A_665 = arith.select %lt3A_657, %select_n3A_663, %select_n3A_631 : vector<16xi1>, vector<16xi32>
        %select_n3A_666 = arith.select %lt3A_657, %select_n3A_630, %mul3A_655 : vector<16xi1>, vector<16xf32>
        %select_n3A_667 = arith.select %lt3A_657, %select_n3A_631, %get3A_644 : vector<16xi1>, vector<16xi32>
        %select_n3A_668 = arith.select %lt3A_658, %select_n3A_666, %select_n3A_634 : vector<16xi1>, vector<16xf32>
        %select_n3A_669 = arith.select %lt3A_658, %select_n3A_667, %select_n3A_635 : vector<16xi1>, vector<16xi32>
        %select_n3A_670 = arith.select %lt3A_658, %select_n3A_634, %mul3A_655 : vector<16xi1>, vector<16xf32>
        %select_n3A_671 = arith.select %lt3A_658, %select_n3A_635, %get3A_644 : vector<16xi1>, vector<16xi32>
        %select_n3A_672 = arith.select %lt3A_659, %select_n3A_670, %select_n3A_638 : vector<16xi1>, vector<16xf32>
        %select_n3A_673 = arith.select %lt3A_659, %select_n3A_671, %select_n3A_639 : vector<16xi1>, vector<16xi32>
        %add3A_674 = arith.constant 8192 : i32
        %add3A_675 = arith.addi %add3A_674, %mul3A_122 : i32
        %get3A_676 = arith.index_cast %add3A_675 : i32 to index
        %get3A_677 = tpu.vector_load %arg20[%get3A_676] {strides = array<i32>} : memref<12288xi32, #tpu.memory_space<vmem>>, vector<16xi32>,
        %get3A_678 = vector.shape_cast %get3A_677 : vector<16xi32> to vector<16xi32>
        %add3A_679 = arith.constant 8192 : i32
        %add3A_680 = arith.addi %add3A_679, %mul3A_122 : i32
        %get3A_681 = arith.index_cast %add3A_680 : i32 to index
        %get3A_682 = tpu.vector_load %arg21[%get3A_681] {strides = array<i32>} : memref<12288xf32, #tpu.memory_space<vmem>>, vector<16xf32>,
        %get3A_683 = vector.shape_cast %get3A_682 : vector<16xf32> to vector<16xf32>
        %get3A_684 = arith.constant 272 : index
        %get3A_685 = tpu.vector_load %arg25[%get3A_684] {strides = array<i32>} : memref<400xf32, #tpu.memory_space<vmem>>, vector<16xf32>,
        %get3A_686 = vector.shape_cast %get3A_685 : vector<16xf32> to vector<16xf32>
        %sub3A_687 = arith.subf %get3A_683, %get3A_124 : vector<16xf32>
        %abs3A_688 = math.absf %sub3A_687 : vector<16xf32>
        %mul3A_689 = arith.mulf %abs3A_688, %get3A_686 : vector<16xf32>
        %lt3A_690 = arith.cmpf olt, %mul3A_689, %select_n3A_660 : vector<16xf32>
        %lt3A_691 = arith.cmpf olt, %mul3A_689, %select_n3A_664 : vector<16xf32>
        %lt3A_692 = arith.cmpf olt, %mul3A_689, %select_n3A_668 : vector<16xf32>
        %lt3A_693 = arith.cmpf olt, %mul3A_689, %select_n3A_672 : vector<16xf32>
        %select_n3A_694 = arith.select %lt3A_690, %mul3A_689, %select_n3A_660 : vector<16xi1>, vector<16xf32>
        %select_n3A_695 = arith.select %lt3A_690, %get3A_678, %select_n3A_661 : vector<16xi1>, vector<16xi32>
        %select_n3A_696 = arith.select %lt3A_690, %select_n3A_660, %mul3A_689 : vector<16xi1>, vector<16xf32>
        %select_n3A_697 = arith.select %lt3A_690, %select_n3A_661, %get3A_678 : vector<16xi1>, vector<16xi32>
        %select_n3A_698 = arith.select %lt3A_691, %select_n3A_696, %select_n3A_664 : vector<16xi1>, vector<16xf32>
        %select_n3A_699 = arith.select %lt3A_691, %select_n3A_697, %select_n3A_665 : vector<16xi1>, vector<16xi32>
        %select_n3A_700 = arith.select %lt3A_691, %select_n3A_664, %mul3A_689 : vector<16xi1>, vector<16xf32>
        %select_n3A_701 = arith.select %lt3A_691, %select_n3A_665, %get3A_678 : vector<16xi1>, vector<16xi32>
        %select_n3A_702 = arith.select %lt3A_692, %select_n3A_700, %select_n3A_668 : vector<16xi1>, vector<16xf32>
        %select_n3A_703 = arith.select %lt3A_692, %select_n3A_701, %select_n3A_669 : vector<16xi1>, vector<16xi32>
        %select_n3A_704 = arith.select %lt3A_692, %select_n3A_668, %mul3A_689 : vector<16xi1>, vector<16xf32>
        %select_n3A_705 = arith.select %lt3A_692, %select_n3A_669, %get3A_678 : vector<16xi1>, vector<16xi32>
        %select_n3A_706 = arith.select %lt3A_693, %select_n3A_704, %select_n3A_672 : vector<16xi1>, vector<16xf32>
        %select_n3A_707 = arith.select %lt3A_693, %select_n3A_705, %select_n3A_673 : vector<16xi1>, vector<16xi32>
        %add3A_708 = arith.constant 8704 : i32
        %add3A_709 = arith.addi %add3A_708, %mul3A_122 : i32
        %get3A_710 = arith.index_cast %add3A_709 : i32 to index
        %get3A_711 = tpu.vector_load %arg20[%get3A_710] {strides = array<i32>} : memref<12288xi32, #tpu.memory_space<vmem>>, vector<16xi32>,
        %get3A_712 = vector.shape_cast %get3A_711 : vector<16xi32> to vector<16xi32>
        %add3A_713 = arith.constant 8704 : i32
        %add3A_714 = arith.addi %add3A_713, %mul3A_122 : i32
        %get3A_715 = arith.index_cast %add3A_714 : i32 to index
        %get3A_716 = tpu.vector_load %arg21[%get3A_715] {strides = array<i32>} : memref<12288xf32, #tpu.memory_space<vmem>>, vector<16xf32>,
        %get3A_717 = vector.shape_cast %get3A_716 : vector<16xf32> to vector<16xf32>
        %get3A_718 = arith.constant 288 : index
        %get3A_719 = tpu.vector_load %arg25[%get3A_718] {strides = array<i32>} : memref<400xf32, #tpu.memory_space<vmem>>, vector<16xf32>,
        %get3A_720 = vector.shape_cast %get3A_719 : vector<16xf32> to vector<16xf32>
        %sub3A_721 = arith.subf %get3A_717, %get3A_124 : vector<16xf32>
        %abs3A_722 = math.absf %sub3A_721 : vector<16xf32>
        %mul3A_723 = arith.mulf %abs3A_722, %get3A_720 : vector<16xf32>
        %lt3A_724 = arith.cmpf olt, %mul3A_723, %select_n3A_694 : vector<16xf32>
        %lt3A_725 = arith.cmpf olt, %mul3A_723, %select_n3A_698 : vector<16xf32>
        %lt3A_726 = arith.cmpf olt, %mul3A_723, %select_n3A_702 : vector<16xf32>
        %lt3A_727 = arith.cmpf olt, %mul3A_723, %select_n3A_706 : vector<16xf32>
        %select_n3A_728 = arith.select %lt3A_724, %mul3A_723, %select_n3A_694 : vector<16xi1>, vector<16xf32>
        %select_n3A_729 = arith.select %lt3A_724, %get3A_712, %select_n3A_695 : vector<16xi1>, vector<16xi32>
        %select_n3A_730 = arith.select %lt3A_724, %select_n3A_694, %mul3A_723 : vector<16xi1>, vector<16xf32>
        %select_n3A_731 = arith.select %lt3A_724, %select_n3A_695, %get3A_712 : vector<16xi1>, vector<16xi32>
        %select_n3A_732 = arith.select %lt3A_725, %select_n3A_730, %select_n3A_698 : vector<16xi1>, vector<16xf32>
        %select_n3A_733 = arith.select %lt3A_725, %select_n3A_731, %select_n3A_699 : vector<16xi1>, vector<16xi32>
        %select_n3A_734 = arith.select %lt3A_725, %select_n3A_698, %mul3A_723 : vector<16xi1>, vector<16xf32>
        %select_n3A_735 = arith.select %lt3A_725, %select_n3A_699, %get3A_712 : vector<16xi1>, vector<16xi32>
        %select_n3A_736 = arith.select %lt3A_726, %select_n3A_734, %select_n3A_702 : vector<16xi1>, vector<16xf32>
        %select_n3A_737 = arith.select %lt3A_726, %select_n3A_735, %select_n3A_703 : vector<16xi1>, vector<16xi32>
        %select_n3A_738 = arith.select %lt3A_726, %select_n3A_702, %mul3A_723 : vector<16xi1>, vector<16xf32>
        %select_n3A_739 = arith.select %lt3A_726, %select_n3A_703, %get3A_712 : vector<16xi1>, vector<16xi32>
        %select_n3A_740 = arith.select %lt3A_727, %select_n3A_738, %select_n3A_706 : vector<16xi1>, vector<16xf32>
        %select_n3A_741 = arith.select %lt3A_727, %select_n3A_739, %select_n3A_707 : vector<16xi1>, vector<16xi32>
        %add3A_742 = arith.constant 9216 : i32
        %add3A_743 = arith.addi %add3A_742, %mul3A_122 : i32
        %get3A_744 = arith.index_cast %add3A_743 : i32 to index
        %get3A_745 = tpu.vector_load %arg20[%get3A_744] {strides = array<i32>} : memref<12288xi32, #tpu.memory_space<vmem>>, vector<16xi32>,
        %get3A_746 = vector.shape_cast %get3A_745 : vector<16xi32> to vector<16xi32>
        %add3A_747 = arith.constant 9216 : i32
        %add3A_748 = arith.addi %add3A_747, %mul3A_122 : i32
        %get3A_749 = arith.index_cast %add3A_748 : i32 to index
        %get3A_750 = tpu.vector_load %arg21[%get3A_749] {strides = array<i32>} : memref<12288xf32, #tpu.memory_space<vmem>>, vector<16xf32>,
        %get3A_751 = vector.shape_cast %get3A_750 : vector<16xf32> to vector<16xf32>
        %get3A_752 = arith.constant 304 : index
        %get3A_753 = tpu.vector_load %arg25[%get3A_752] {strides = array<i32>} : memref<400xf32, #tpu.memory_space<vmem>>, vector<16xf32>,
        %get3A_754 = vector.shape_cast %get3A_753 : vector<16xf32> to vector<16xf32>
        %sub3A_755 = arith.subf %get3A_751, %get3A_124 : vector<16xf32>
        %abs3A_756 = math.absf %sub3A_755 : vector<16xf32>
        %mul3A_757 = arith.mulf %abs3A_756, %get3A_754 : vector<16xf32>
        %lt3A_758 = arith.cmpf olt, %mul3A_757, %select_n3A_728 : vector<16xf32>
        %lt3A_759 = arith.cmpf olt, %mul3A_757, %select_n3A_732 : vector<16xf32>
        %lt3A_760 = arith.cmpf olt, %mul3A_757, %select_n3A_736 : vector<16xf32>
        %lt3A_761 = arith.cmpf olt, %mul3A_757, %select_n3A_740 : vector<16xf32>
        %select_n3A_762 = arith.select %lt3A_758, %mul3A_757, %select_n3A_728 : vector<16xi1>, vector<16xf32>
        %select_n3A_763 = arith.select %lt3A_758, %get3A_746, %select_n3A_729 : vector<16xi1>, vector<16xi32>
        %select_n3A_764 = arith.select %lt3A_758, %select_n3A_728, %mul3A_757 : vector<16xi1>, vector<16xf32>
        %select_n3A_765 = arith.select %lt3A_758, %select_n3A_729, %get3A_746 : vector<16xi1>, vector<16xi32>
        %select_n3A_766 = arith.select %lt3A_759, %select_n3A_764, %select_n3A_732 : vector<16xi1>, vector<16xf32>
        %select_n3A_767 = arith.select %lt3A_759, %select_n3A_765, %select_n3A_733 : vector<16xi1>, vector<16xi32>
        %select_n3A_768 = arith.select %lt3A_759, %select_n3A_732, %mul3A_757 : vector<16xi1>, vector<16xf32>
        %select_n3A_769 = arith.select %lt3A_759, %select_n3A_733, %get3A_746 : vector<16xi1>, vector<16xi32>
        %select_n3A_770 = arith.select %lt3A_760, %select_n3A_768, %select_n3A_736 : vector<16xi1>, vector<16xf32>
        %select_n3A_771 = arith.select %lt3A_760, %select_n3A_769, %select_n3A_737 : vector<16xi1>, vector<16xi32>
        %select_n3A_772 = arith.select %lt3A_760, %select_n3A_736, %mul3A_757 : vector<16xi1>, vector<16xf32>
        %select_n3A_773 = arith.select %lt3A_760, %select_n3A_737, %get3A_746 : vector<16xi1>, vector<16xi32>
        %select_n3A_774 = arith.select %lt3A_761, %select_n3A_772, %select_n3A_740 : vector<16xi1>, vector<16xf32>
        %select_n3A_775 = arith.select %lt3A_761, %select_n3A_773, %select_n3A_741 : vector<16xi1>, vector<16xi32>
        %add3A_776 = arith.constant 9728 : i32
        %add3A_777 = arith.addi %add3A_776, %mul3A_122 : i32
        %get3A_778 = arith.index_cast %add3A_777 : i32 to index
        %get3A_779 = tpu.vector_load %arg20[%get3A_778] {strides = array<i32>} : memref<12288xi32, #tpu.memory_space<vmem>>, vector<16xi32>,
        %get3A_780 = vector.shape_cast %get3A_779 : vector<16xi32> to vector<16xi32>
        %add3A_781 = arith.constant 9728 : i32
        %add3A_782 = arith.addi %add3A_781, %mul3A_122 : i32
        %get3A_783 = arith.index_cast %add3A_782 : i32 to index
        %get3A_784 = tpu.vector_load %arg21[%get3A_783] {strides = array<i32>} : memref<12288xf32, #tpu.memory_space<vmem>>, vector<16xf32>,
        %get3A_785 = vector.shape_cast %get3A_784 : vector<16xf32> to vector<16xf32>
        %get3A_786 = arith.constant 320 : index
        %get3A_787 = tpu.vector_load %arg25[%get3A_786] {strides = array<i32>} : memref<400xf32, #tpu.memory_space<vmem>>, vector<16xf32>,
        %get3A_788 = vector.shape_cast %get3A_787 : vector<16xf32> to vector<16xf32>
        %sub3A_789 = arith.subf %get3A_785, %get3A_124 : vector<16xf32>
        %abs3A_790 = math.absf %sub3A_789 : vector<16xf32>
        %mul3A_791 = arith.mulf %abs3A_790, %get3A_788 : vector<16xf32>
        %lt3A_792 = arith.cmpf olt, %mul3A_791, %select_n3A_762 : vector<16xf32>
        %lt3A_793 = arith.cmpf olt, %mul3A_791, %select_n3A_766 : vector<16xf32>
        %lt3A_794 = arith.cmpf olt, %mul3A_791, %select_n3A_770 : vector<16xf32>
        %lt3A_795 = arith.cmpf olt, %mul3A_791, %select_n3A_774 : vector<16xf32>
        %select_n3A_796 = arith.select %lt3A_792, %mul3A_791, %select_n3A_762 : vector<16xi1>, vector<16xf32>
        %select_n3A_797 = arith.select %lt3A_792, %get3A_780, %select_n3A_763 : vector<16xi1>, vector<16xi32>
        %select_n3A_798 = arith.select %lt3A_792, %select_n3A_762, %mul3A_791 : vector<16xi1>, vector<16xf32>
        %select_n3A_799 = arith.select %lt3A_792, %select_n3A_763, %get3A_780 : vector<16xi1>, vector<16xi32>
        %select_n3A_800 = arith.select %lt3A_793, %select_n3A_798, %select_n3A_766 : vector<16xi1>, vector<16xf32>
        %select_n3A_801 = arith.select %lt3A_793, %select_n3A_799, %select_n3A_767 : vector<16xi1>, vector<16xi32>
        %select_n3A_802 = arith.select %lt3A_793, %select_n3A_766, %mul3A_791 : vector<16xi1>, vector<16xf32>
        %select_n3A_803 = arith.select %lt3A_793, %select_n3A_767, %get3A_780 : vector<16xi1>, vector<16xi32>
        %select_n3A_804 = arith.select %lt3A_794, %select_n3A_802, %select_n3A_770 : vector<16xi1>, vector<16xf32>
        %select_n3A_805 = arith.select %lt3A_794, %select_n3A_803, %select_n3A_771 : vector<16xi1>, vector<16xi32>
        %select_n3A_806 = arith.select %lt3A_794, %select_n3A_770, %mul3A_791 : vector<16xi1>, vector<16xf32>
        %select_n3A_807 = arith.select %lt3A_794, %select_n3A_771, %get3A_780 : vector<16xi1>, vector<16xi32>
        %select_n3A_808 = arith.select %lt3A_795, %select_n3A_806, %select_n3A_774 : vector<16xi1>, vector<16xf32>
        %select_n3A_809 = arith.select %lt3A_795, %select_n3A_807, %select_n3A_775 : vector<16xi1>, vector<16xi32>
        %add3A_810 = arith.constant 10240 : i32
        %add3A_811 = arith.addi %add3A_810, %mul3A_122 : i32
        %get3A_812 = arith.index_cast %add3A_811 : i32 to index
        %get3A_813 = tpu.vector_load %arg20[%get3A_812] {strides = array<i32>} : memref<12288xi32, #tpu.memory_space<vmem>>, vector<16xi32>,
        %get3A_814 = vector.shape_cast %get3A_813 : vector<16xi32> to vector<16xi32>
        %add3A_815 = arith.constant 10240 : i32
        %add3A_816 = arith.addi %add3A_815, %mul3A_122 : i32
        %get3A_817 = arith.index_cast %add3A_816 : i32 to index
        %get3A_818 = tpu.vector_load %arg21[%get3A_817] {strides = array<i32>} : memref<12288xf32, #tpu.memory_space<vmem>>, vector<16xf32>,
        %get3A_819 = vector.shape_cast %get3A_818 : vector<16xf32> to vector<16xf32>
        %get3A_820 = arith.constant 336 : index
        %get3A_821 = tpu.vector_load %arg25[%get3A_820] {strides = array<i32>} : memref<400xf32, #tpu.memory_space<vmem>>, vector<16xf32>,
        %get3A_822 = vector.shape_cast %get3A_821 : vector<16xf32> to vector<16xf32>
        %sub3A_823 = arith.subf %get3A_819, %get3A_124 : vector<16xf32>
        %abs3A_824 = math.absf %sub3A_823 : vector<16xf32>
        %mul3A_825 = arith.mulf %abs3A_824, %get3A_822 : vector<16xf32>
        %lt3A_826 = arith.cmpf olt, %mul3A_825, %select_n3A_796 : vector<16xf32>
        %lt3A_827 = arith.cmpf olt, %mul3A_825, %select_n3A_800 : vector<16xf32>
        %lt3A_828 = arith.cmpf olt, %mul3A_825, %select_n3A_804 : vector<16xf32>
        %lt3A_829 = arith.cmpf olt, %mul3A_825, %select_n3A_808 : vector<16xf32>
        %select_n3A_830 = arith.select %lt3A_826, %mul3A_825, %select_n3A_796 : vector<16xi1>, vector<16xf32>
        %select_n3A_831 = arith.select %lt3A_826, %get3A_814, %select_n3A_797 : vector<16xi1>, vector<16xi32>
        %select_n3A_832 = arith.select %lt3A_826, %select_n3A_796, %mul3A_825 : vector<16xi1>, vector<16xf32>
        %select_n3A_833 = arith.select %lt3A_826, %select_n3A_797, %get3A_814 : vector<16xi1>, vector<16xi32>
        %select_n3A_834 = arith.select %lt3A_827, %select_n3A_832, %select_n3A_800 : vector<16xi1>, vector<16xf32>
        %select_n3A_835 = arith.select %lt3A_827, %select_n3A_833, %select_n3A_801 : vector<16xi1>, vector<16xi32>
        %select_n3A_836 = arith.select %lt3A_827, %select_n3A_800, %mul3A_825 : vector<16xi1>, vector<16xf32>
        %select_n3A_837 = arith.select %lt3A_827, %select_n3A_801, %get3A_814 : vector<16xi1>, vector<16xi32>
        %select_n3A_838 = arith.select %lt3A_828, %select_n3A_836, %select_n3A_804 : vector<16xi1>, vector<16xf32>
        %select_n3A_839 = arith.select %lt3A_828, %select_n3A_837, %select_n3A_805 : vector<16xi1>, vector<16xi32>
        %select_n3A_840 = arith.select %lt3A_828, %select_n3A_804, %mul3A_825 : vector<16xi1>, vector<16xf32>
        %select_n3A_841 = arith.select %lt3A_828, %select_n3A_805, %get3A_814 : vector<16xi1>, vector<16xi32>
        %select_n3A_842 = arith.select %lt3A_829, %select_n3A_840, %select_n3A_808 : vector<16xi1>, vector<16xf32>
        %select_n3A_843 = arith.select %lt3A_829, %select_n3A_841, %select_n3A_809 : vector<16xi1>, vector<16xi32>
        %add3A_844 = arith.constant 10752 : i32
        %add3A_845 = arith.addi %add3A_844, %mul3A_122 : i32
        %get3A_846 = arith.index_cast %add3A_845 : i32 to index
        %get3A_847 = tpu.vector_load %arg20[%get3A_846] {strides = array<i32>} : memref<12288xi32, #tpu.memory_space<vmem>>, vector<16xi32>,
        %get3A_848 = vector.shape_cast %get3A_847 : vector<16xi32> to vector<16xi32>
        %add3A_849 = arith.constant 10752 : i32
        %add3A_850 = arith.addi %add3A_849, %mul3A_122 : i32
        %get3A_851 = arith.index_cast %add3A_850 : i32 to index
        %get3A_852 = tpu.vector_load %arg21[%get3A_851] {strides = array<i32>} : memref<12288xf32, #tpu.memory_space<vmem>>, vector<16xf32>,
        %get3A_853 = vector.shape_cast %get3A_852 : vector<16xf32> to vector<16xf32>
        %get3A_854 = arith.constant 352 : index
        %get3A_855 = tpu.vector_load %arg25[%get3A_854] {strides = array<i32>} : memref<400xf32, #tpu.memory_space<vmem>>, vector<16xf32>,
        %get3A_856 = vector.shape_cast %get3A_855 : vector<16xf32> to vector<16xf32>
        %sub3A_857 = arith.subf %get3A_853, %get3A_124 : vector<16xf32>
        %abs3A_858 = math.absf %sub3A_857 : vector<16xf32>
        %mul3A_859 = arith.mulf %abs3A_858, %get3A_856 : vector<16xf32>
        %lt3A_860 = arith.cmpf olt, %mul3A_859, %select_n3A_830 : vector<16xf32>
        %lt3A_861 = arith.cmpf olt, %mul3A_859, %select_n3A_834 : vector<16xf32>
        %lt3A_862 = arith.cmpf olt, %mul3A_859, %select_n3A_838 : vector<16xf32>
        %lt3A_863 = arith.cmpf olt, %mul3A_859, %select_n3A_842 : vector<16xf32>
        %select_n3A_864 = arith.select %lt3A_860, %mul3A_859, %select_n3A_830 : vector<16xi1>, vector<16xf32>
        %select_n3A_865 = arith.select %lt3A_860, %get3A_848, %select_n3A_831 : vector<16xi1>, vector<16xi32>
        %select_n3A_866 = arith.select %lt3A_860, %select_n3A_830, %mul3A_859 : vector<16xi1>, vector<16xf32>
        %select_n3A_867 = arith.select %lt3A_860, %select_n3A_831, %get3A_848 : vector<16xi1>, vector<16xi32>
        %select_n3A_868 = arith.select %lt3A_861, %select_n3A_866, %select_n3A_834 : vector<16xi1>, vector<16xf32>
        %select_n3A_869 = arith.select %lt3A_861, %select_n3A_867, %select_n3A_835 : vector<16xi1>, vector<16xi32>
        %select_n3A_870 = arith.select %lt3A_861, %select_n3A_834, %mul3A_859 : vector<16xi1>, vector<16xf32>
        %select_n3A_871 = arith.select %lt3A_861, %select_n3A_835, %get3A_848 : vector<16xi1>, vector<16xi32>
        %select_n3A_872 = arith.select %lt3A_862, %select_n3A_870, %select_n3A_838 : vector<16xi1>, vector<16xf32>
        %select_n3A_873 = arith.select %lt3A_862, %select_n3A_871, %select_n3A_839 : vector<16xi1>, vector<16xi32>
        %select_n3A_874 = arith.select %lt3A_862, %select_n3A_838, %mul3A_859 : vector<16xi1>, vector<16xf32>
        %select_n3A_875 = arith.select %lt3A_862, %select_n3A_839, %get3A_848 : vector<16xi1>, vector<16xi32>
        %select_n3A_876 = arith.select %lt3A_863, %select_n3A_874, %select_n3A_842 : vector<16xi1>, vector<16xf32>
        %select_n3A_877 = arith.select %lt3A_863, %select_n3A_875, %select_n3A_843 : vector<16xi1>, vector<16xi32>
        %add3A_878 = arith.constant 11264 : i32
        %add3A_879 = arith.addi %add3A_878, %mul3A_122 : i32
        %get3A_880 = arith.index_cast %add3A_879 : i32 to index
        %get3A_881 = tpu.vector_load %arg20[%get3A_880] {strides = array<i32>} : memref<12288xi32, #tpu.memory_space<vmem>>, vector<16xi32>,
        %get3A_882 = vector.shape_cast %get3A_881 : vector<16xi32> to vector<16xi32>
        %add3A_883 = arith.constant 11264 : i32
        %add3A_884 = arith.addi %add3A_883, %mul3A_122 : i32
        %get3A_885 = arith.index_cast %add3A_884 : i32 to index
        %get3A_886 = tpu.vector_load %arg21[%get3A_885] {strides = array<i32>} : memref<12288xf32, #tpu.memory_space<vmem>>, vector<16xf32>,
        %get3A_887 = vector.shape_cast %get3A_886 : vector<16xf32> to vector<16xf32>
        %get3A_888 = arith.constant 368 : index
        %get3A_889 = tpu.vector_load %arg25[%get3A_888] {strides = array<i32>} : memref<400xf32, #tpu.memory_space<vmem>>, vector<16xf32>,
        %get3A_890 = vector.shape_cast %get3A_889 : vector<16xf32> to vector<16xf32>
        %sub3A_891 = arith.subf %get3A_887, %get3A_124 : vector<16xf32>
        %abs3A_892 = math.absf %sub3A_891 : vector<16xf32>
        %mul3A_893 = arith.mulf %abs3A_892, %get3A_890 : vector<16xf32>
        %lt3A_894 = arith.cmpf olt, %mul3A_893, %select_n3A_864 : vector<16xf32>
        %lt3A_895 = arith.cmpf olt, %mul3A_893, %select_n3A_868 : vector<16xf32>
        %lt3A_896 = arith.cmpf olt, %mul3A_893, %select_n3A_872 : vector<16xf32>
        %lt3A_897 = arith.cmpf olt, %mul3A_893, %select_n3A_876 : vector<16xf32>
        %select_n3A_898 = arith.select %lt3A_894, %mul3A_893, %select_n3A_864 : vector<16xi1>, vector<16xf32>
        %select_n3A_899 = arith.select %lt3A_894, %get3A_882, %select_n3A_865 : vector<16xi1>, vector<16xi32>
        %select_n3A_900 = arith.select %lt3A_894, %select_n3A_864, %mul3A_893 : vector<16xi1>, vector<16xf32>
        %select_n3A_901 = arith.select %lt3A_894, %select_n3A_865, %get3A_882 : vector<16xi1>, vector<16xi32>
        %select_n3A_902 = arith.select %lt3A_895, %select_n3A_900, %select_n3A_868 : vector<16xi1>, vector<16xf32>
        %select_n3A_903 = arith.select %lt3A_895, %select_n3A_901, %select_n3A_869 : vector<16xi1>, vector<16xi32>
        %select_n3A_904 = arith.select %lt3A_895, %select_n3A_868, %mul3A_893 : vector<16xi1>, vector<16xf32>
        %select_n3A_905 = arith.select %lt3A_895, %select_n3A_869, %get3A_882 : vector<16xi1>, vector<16xi32>
        %select_n3A_906 = arith.select %lt3A_896, %select_n3A_904, %select_n3A_872 : vector<16xi1>, vector<16xf32>
        %select_n3A_907 = arith.select %lt3A_896, %select_n3A_905, %select_n3A_873 : vector<16xi1>, vector<16xi32>
        %select_n3A_908 = arith.select %lt3A_896, %select_n3A_872, %mul3A_893 : vector<16xi1>, vector<16xf32>
        %select_n3A_909 = arith.select %lt3A_896, %select_n3A_873, %get3A_882 : vector<16xi1>, vector<16xi32>
        %select_n3A_910 = arith.select %lt3A_897, %select_n3A_908, %select_n3A_876 : vector<16xi1>, vector<16xf32>
        %select_n3A_911 = arith.select %lt3A_897, %select_n3A_909, %select_n3A_877 : vector<16xi1>, vector<16xi32>
        %add3A_912 = arith.constant 11776 : i32
        %add3A_913 = arith.addi %add3A_912, %mul3A_122 : i32
        %get3A_914 = arith.index_cast %add3A_913 : i32 to index
        %get3A_915 = tpu.vector_load %arg20[%get3A_914] {strides = array<i32>} : memref<12288xi32, #tpu.memory_space<vmem>>, vector<16xi32>,
        %get3A_916 = vector.shape_cast %get3A_915 : vector<16xi32> to vector<16xi32>
        %add3A_917 = arith.constant 11776 : i32
        %add3A_918 = arith.addi %add3A_917, %mul3A_122 : i32
        %get3A_919 = arith.index_cast %add3A_918 : i32 to index
        %get3A_920 = tpu.vector_load %arg21[%get3A_919] {strides = array<i32>} : memref<12288xf32, #tpu.memory_space<vmem>>, vector<16xf32>,
        %get3A_921 = vector.shape_cast %get3A_920 : vector<16xf32> to vector<16xf32>
        %get3A_922 = arith.constant 384 : index
        %get3A_923 = tpu.vector_load %arg25[%get3A_922] {strides = array<i32>} : memref<400xf32, #tpu.memory_space<vmem>>, vector<16xf32>,
        %get3A_924 = vector.shape_cast %get3A_923 : vector<16xf32> to vector<16xf32>
        %sub3A_925 = arith.subf %get3A_921, %get3A_124 : vector<16xf32>
        %abs3A_926 = math.absf %sub3A_925 : vector<16xf32>
        %mul3A_927 = arith.mulf %abs3A_926, %get3A_924 : vector<16xf32>
        %lt3A_928 = arith.cmpf olt, %mul3A_927, %select_n3A_898 : vector<16xf32>
        %lt3A_929 = arith.cmpf olt, %mul3A_927, %select_n3A_902 : vector<16xf32>
        %lt3A_930 = arith.cmpf olt, %mul3A_927, %select_n3A_906 : vector<16xf32>
        %lt3A_931 = arith.cmpf olt, %mul3A_927, %select_n3A_910 : vector<16xf32>
        %select_n3A_932 = arith.select %lt3A_928, %mul3A_927, %select_n3A_898 : vector<16xi1>, vector<16xf32>
        %select_n3A_933 = arith.select %lt3A_928, %get3A_916, %select_n3A_899 : vector<16xi1>, vector<16xi32>
        %select_n3A_934 = arith.select %lt3A_928, %select_n3A_898, %mul3A_927 : vector<16xi1>, vector<16xf32>
        %select_n3A_935 = arith.select %lt3A_928, %select_n3A_899, %get3A_916 : vector<16xi1>, vector<16xi32>
        %select_n3A_936 = arith.select %lt3A_929, %select_n3A_934, %select_n3A_902 : vector<16xi1>, vector<16xf32>
        %select_n3A_937 = arith.select %lt3A_929, %select_n3A_935, %select_n3A_903 : vector<16xi1>, vector<16xi32>
        %select_n3A_938 = arith.select %lt3A_929, %select_n3A_902, %mul3A_927 : vector<16xi1>, vector<16xf32>
        %select_n3A_939 = arith.select %lt3A_929, %select_n3A_903, %get3A_916 : vector<16xi1>, vector<16xi32>
        %select_n3A_940 = arith.select %lt3A_930, %select_n3A_938, %select_n3A_906 : vector<16xi1>, vector<16xf32>
        %select_n3A_941 = arith.select %lt3A_930, %select_n3A_939, %select_n3A_907 : vector<16xi1>, vector<16xi32>
        %select_n3A_942 = arith.select %lt3A_930, %select_n3A_906, %mul3A_927 : vector<16xi1>, vector<16xf32>
        %select_n3A_943 = arith.select %lt3A_930, %select_n3A_907, %get3A_916 : vector<16xi1>, vector<16xi32>
        %select_n3A_944 = arith.select %lt3A_931, %select_n3A_942, %select_n3A_910 : vector<16xi1>, vector<16xf32>
        %select_n3A_945 = arith.select %lt3A_931, %select_n3A_943, %select_n3A_911 : vector<16xi1>, vector<16xi32>
        %mul3A_946 = arith.constant 2048 : i32
        %mul3A_947 = vector.broadcast %mul3A_946 : i32 to vector<16xi32>
        %mul3A_948 = arith.muli %get3A_127, %mul3A_947 : vector<16xi32>
        %add3A_949 = arith.addi %mul3A_948, %get3A_130 : vector<16xi32>
        %swap3A = arith.index_cast %mul3A_122 : i32 to index
        %swap3A_950 = tpu.vector_load %arg22[%swap3A] {strides = array<i32>} : memref<2560xi32, #tpu.memory_space<vmem>>, vector<16xi32>,
        %swap3A_951 = vector.shape_cast %swap3A_950 : vector<16xi32> to vector<16xi32>
        %swap3A_952 = vector.shape_cast %add3A_949 : vector<16xi32> to vector<16xi32>
        tpu.vector_store %arg22[%swap3A], %swap3A_952 {strides = array<i32>} : memref<2560xi32, #tpu.memory_space<vmem>>, vector<16xi32>,
        %gt3A = arith.constant 1.000000e+00 : f32
        %gt3A_953 = vector.broadcast %gt3A : f32 to vector<16xf32>
        %gt3A_954 = arith.cmpf ogt, %select_n3A_932, %gt3A_953 : vector<16xf32>
        %jit3A = arith.constant 131073 : i32
        %broadcast_in_dim3A_955 = vector.broadcast %jit3A : i32 to vector<16xi32>
        %select_n3A_956 = arith.select %gt3A_954, %broadcast_in_dim3A_955, %select_n3A_933 : vector<16xi1>, vector<16xi32>
        %add3A_957 = arith.constant 512 : i32
        %add3A_958 = arith.addi %add3A_957, %mul3A_122 : i32
        %swap3A_959 = arith.index_cast %add3A_958 : i32 to index
        %swap3A_960 = tpu.vector_load %arg22[%swap3A_959] {strides = array<i32>} : memref<2560xi32, #tpu.memory_space<vmem>>, vector<16xi32>,
        %swap3A_961 = vector.shape_cast %swap3A_960 : vector<16xi32> to vector<16xi32>
        %swap3A_962 = vector.shape_cast %select_n3A_956 : vector<16xi32> to vector<16xi32>
        tpu.vector_store %arg22[%swap3A_959], %swap3A_962 {strides = array<i32>} : memref<2560xi32, #tpu.memory_space<vmem>>, vector<16xi32>,
        %gt3A_963 = arith.constant 1.000000e+00 : f32
        %gt3A_964 = vector.broadcast %gt3A_963 : f32 to vector<16xf32>
        %gt3A_965 = arith.cmpf ogt, %select_n3A_936, %gt3A_964 : vector<16xf32>
        %jit3A_966 = arith.constant 131073 : i32
        %broadcast_in_dim3A_967 = vector.broadcast %jit3A_966 : i32 to vector<16xi32>
        %select_n3A_968 = arith.select %gt3A_965, %broadcast_in_dim3A_967, %select_n3A_937 : vector<16xi1>, vector<16xi32>
        %add3A_969 = arith.constant 1024 : i32
        %add3A_970 = arith.addi %add3A_969, %mul3A_122 : i32
        %swap3A_971 = arith.index_cast %add3A_970 : i32 to index
        %swap3A_972 = tpu.vector_load %arg22[%swap3A_971] {strides = array<i32>} : memref<2560xi32, #tpu.memory_space<vmem>>, vector<16xi32>,
        %swap3A_973 = vector.shape_cast %swap3A_972 : vector<16xi32> to vector<16xi32>
        %swap3A_974 = vector.shape_cast %select_n3A_968 : vector<16xi32> to vector<16xi32>
        tpu.vector_store %arg22[%swap3A_971], %swap3A_974 {strides = array<i32>} : memref<2560xi32, #tpu.memory_space<vmem>>, vector<16xi32>,
        %gt3A_975 = arith.constant 1.000000e+00 : f32
        %gt3A_976 = vector.broadcast %gt3A_975 : f32 to vector<16xf32>
        %gt3A_977 = arith.cmpf ogt, %select_n3A_940, %gt3A_976 : vector<16xf32>
        %jit3A_978 = arith.constant 131073 : i32
        %broadcast_in_dim3A_979 = vector.broadcast %jit3A_978 : i32 to vector<16xi32>
        %select_n3A_980 = arith.select %gt3A_977, %broadcast_in_dim3A_979, %select_n3A_941 : vector<16xi1>, vector<16xi32>
        %add3A_981 = arith.constant 1536 : i32
        %add3A_982 = arith.addi %add3A_981, %mul3A_122 : i32
        %swap3A_983 = arith.index_cast %add3A_982 : i32 to index
        %swap3A_984 = tpu.vector_load %arg22[%swap3A_983] {strides = array<i32>} : memref<2560xi32, #tpu.memory_space<vmem>>, vector<16xi32>,
        %swap3A_985 = vector.shape_cast %swap3A_984 : vector<16xi32> to vector<16xi32>
        %swap3A_986 = vector.shape_cast %select_n3A_980 : vector<16xi32> to vector<16xi32>
        tpu.vector_store %arg22[%swap3A_983], %swap3A_986 {strides = array<i32>} : memref<2560xi32, #tpu.memory_space<vmem>>, vector<16xi32>,
        %gt3A_987 = arith.constant 1.000000e+00 : f32
        %gt3A_988 = vector.broadcast %gt3A_987 : f32 to vector<16xf32>
        %gt3A_989 = arith.cmpf ogt, %select_n3A_944, %gt3A_988 : vector<16xf32>
        %jit3A_990 = arith.constant 131073 : i32
        %broadcast_in_dim3A_991 = vector.broadcast %jit3A_990 : i32 to vector<16xi32>
        %select_n3A_992 = arith.select %gt3A_989, %broadcast_in_dim3A_991, %select_n3A_945 : vector<16xi1>, vector<16xi32>
        %add3A_993 = arith.constant 2048 : i32
        %add3A_994 = arith.addi %add3A_993, %mul3A_122 : i32
        %swap3A_995 = arith.index_cast %add3A_994 : i32 to index
        %swap3A_996 = tpu.vector_load %arg22[%swap3A_995] {strides = array<i32>} : memref<2560xi32, #tpu.memory_space<vmem>>, vector<16xi32>,
        %swap3A_997 = vector.shape_cast %swap3A_996 : vector<16xi32> to vector<16xi32>
        %swap3A_998 = vector.shape_cast %select_n3A_992 : vector<16xi32> to vector<16xi32>
        tpu.vector_store %arg22[%swap3A_995], %swap3A_998 {strides = array<i32>} : memref<2560xi32, #tpu.memory_space<vmem>>, vector<16xi32>,
      }
      %scan3A_79 = arith.constant 32 : i32
      %dma_start3A_80 = arith.constant 0 : i32
      %dma_start3A_81 = tpu.memref_slice %arg27[%dma_start3A_80] : memref<131080xi32, #tpu.memory_space<vmem_shared>> -> memref<131080xi32, #tpu.memory_space<vmem_shared>>
      tpu.enqueue_indirect_dma source(%dma_start3A_81 : memref<131080xi32, #tpu.memory_space<vmem_shared>>) target(%arg23 : memref<2560xi32, #tpu.memory_space<vmem>>) offsets(%arg22 : memref<2560xi32, #tpu.memory_space<vmem>>) semaphore(%arg34 : memref<!tpu.dma_semaphore, #tpu.memory_space<semaphore_mem>>)
      %dma_wait3A_82 = arith.constant 0 : i32
      %dma_wait3A_83 = tpu.memref_slice %arg27[%dma_wait3A_82] : memref<131080xi32, #tpu.memory_space<vmem_shared>> -> memref<131080xi32, #tpu.memory_space<vmem_shared>>
      tpu.wait_indirect_dma semaphore(%arg30 : memref<!tpu.dma_semaphore, #tpu.memory_space<semaphore_mem>>) src(%dma_wait3A_83 : memref<131080xi32, #tpu.memory_space<vmem_shared>>) dst(%arg15 : memref<2560xi32, #tpu.memory_space<vmem>>)
      %scan3A_84 = arith.constant 0 : i32
      %scan3A_85 = arith.constant 32 : i32
      %scan3A_86 = arith.addi %scan3A_84, %scan3A_85 : i32
      %scan3A_87 = arith.constant 1 : i32
      scf.for %scan3A_120 = %scan3A_84 to %scan3A_86 step %scan3A_87  : i32 {
        %mul3A_121 = arith.constant 16 : i32
        %mul3A_122 = arith.muli %scan3A_120, %mul3A_121 : i32
        %add3A_123 = arith.constant 0 : i32
        %add3A_124 = arith.addi %add3A_123, %mul3A_122 : i32
        %get3A = arith.index_cast %add3A_124 : i32 to index
        %get3A_125 = tpu.vector_load %arg15[%get3A] {strides = array<i32>} : memref<2560xi32, #tpu.memory_space<vmem>>, vector<16xi32>,
        %get3A_126 = vector.shape_cast %get3A_125 : vector<16xi32> to vector<16xi32>
        %add3A_127 = arith.constant 512 : i32
        %add3A_128 = arith.addi %add3A_127, %mul3A_122 : i32
        %get3A_129 = arith.index_cast %add3A_128 : i32 to index
        %get3A_130 = tpu.vector_load %arg15[%get3A_129] {strides = array<i32>} : memref<2560xi32, #tpu.memory_space<vmem>>, vector<16xi32>,
        %get3A_131 = vector.shape_cast %get3A_130 : vector<16xi32> to vector<16xi32>
        %add3A_132 = arith.constant 1024 : i32
        %add3A_133 = arith.addi %add3A_132, %mul3A_122 : i32
        %get3A_134 = arith.index_cast %add3A_133 : i32 to index
        %get3A_135 = tpu.vector_load %arg15[%get3A_134] {strides = array<i32>} : memref<2560xi32, #tpu.memory_space<vmem>>, vector<16xi32>,
        %get3A_136 = vector.shape_cast %get3A_135 : vector<16xi32> to vector<16xi32>
        %add3A_137 = arith.constant 1536 : i32
        %add3A_138 = arith.addi %add3A_137, %mul3A_122 : i32
        %get3A_139 = arith.index_cast %add3A_138 : i32 to index
        %get3A_140 = tpu.vector_load %arg15[%get3A_139] {strides = array<i32>} : memref<2560xi32, #tpu.memory_space<vmem>>, vector<16xi32>,
        %get3A_141 = vector.shape_cast %get3A_140 : vector<16xi32> to vector<16xi32>
        %add3A_142 = arith.constant 2048 : i32
        %add3A_143 = arith.addi %add3A_142, %mul3A_122 : i32
        %get3A_144 = arith.index_cast %add3A_143 : i32 to index
        %get3A_145 = tpu.vector_load %arg15[%get3A_144] {strides = array<i32>} : memref<2560xi32, #tpu.memory_space<vmem>>, vector<16xi32>,
        %get3A_146 = vector.shape_cast %get3A_145 : vector<16xi32> to vector<16xi32>
        %broadcast_in_dim3A = arith.constant 1 : i32
        %broadcast_in_dim3A_147 = vector.broadcast %broadcast_in_dim3A : i32 to vector<16xi32>
        %broadcast_in_dim3A_148 = arith.constant 0 : i32
        %broadcast_in_dim3A_149 = vector.broadcast %broadcast_in_dim3A_148 : i32 to vector<16xi32>
        %eq3A_150 = arith.cmpi eq, %get3A_126, %get3A_131 : vector<16xi32>
        %select_n3A = arith.select %eq3A_150, %broadcast_in_dim3A_147, %broadcast_in_dim3A_149 : vector<16xi1>, vector<16xi32>
        %eq3A_151 = arith.cmpi eq, %get3A_126, %get3A_136 : vector<16xi32>
        %select_n3A_152 = arith.select %eq3A_151, %broadcast_in_dim3A_147, %broadcast_in_dim3A_149 : vector<16xi1>, vector<16xi32>
        %eq3A_153 = arith.cmpi eq, %get3A_126, %get3A_141 : vector<16xi32>
        %select_n3A_154 = arith.select %eq3A_153, %broadcast_in_dim3A_147, %broadcast_in_dim3A_149 : vector<16xi1>, vector<16xi32>
        %eq3A_155 = arith.cmpi eq, %get3A_126, %get3A_146 : vector<16xi32>
        %select_n3A_156 = arith.select %eq3A_155, %broadcast_in_dim3A_147, %broadcast_in_dim3A_149 : vector<16xi1>, vector<16xi32>
        %eq3A_157 = arith.cmpi eq, %get3A_131, %get3A_136 : vector<16xi32>
        %select_n3A_158 = arith.select %eq3A_157, %broadcast_in_dim3A_147, %broadcast_in_dim3A_149 : vector<16xi1>, vector<16xi32>
        %eq3A_159 = arith.cmpi eq, %get3A_131, %get3A_141 : vector<16xi32>
        %select_n3A_160 = arith.select %eq3A_159, %broadcast_in_dim3A_147, %broadcast_in_dim3A_149 : vector<16xi1>, vector<16xi32>
        %eq3A_161 = arith.cmpi eq, %get3A_131, %get3A_146 : vector<16xi32>
        %select_n3A_162 = arith.select %eq3A_161, %broadcast_in_dim3A_147, %broadcast_in_dim3A_149 : vector<16xi1>, vector<16xi32>
        %eq3A_163 = arith.cmpi eq, %get3A_136, %get3A_141 : vector<16xi32>
        %select_n3A_164 = arith.select %eq3A_163, %broadcast_in_dim3A_147, %broadcast_in_dim3A_149 : vector<16xi1>, vector<16xi32>
        %eq3A_165 = arith.cmpi eq, %get3A_136, %get3A_146 : vector<16xi32>
        %select_n3A_166 = arith.select %eq3A_165, %broadcast_in_dim3A_147, %broadcast_in_dim3A_149 : vector<16xi1>, vector<16xi32>
        %eq3A_167 = arith.cmpi eq, %get3A_141, %get3A_146 : vector<16xi32>
        %select_n3A_168 = arith.select %eq3A_167, %broadcast_in_dim3A_147, %broadcast_in_dim3A_149 : vector<16xi1>, vector<16xi32>
        %add3A_169 = arith.addi %broadcast_in_dim3A_147, %select_n3A : vector<16xi32>
        %add3A_170 = arith.addi %add3A_169, %select_n3A_152 : vector<16xi32>
        %add3A_171 = arith.addi %add3A_170, %select_n3A_154 : vector<16xi32>
        %add3A_172 = arith.addi %add3A_171, %select_n3A_156 : vector<16xi32>
        %ne3A = arith.constant 0 : i32
        %ne3A_173 = vector.broadcast %ne3A : i32 to vector<16xi32>
        %ne3A_174 = arith.cmpi ne, %get3A_126, %ne3A_173 : vector<16xi32>
        %ne3A_175 = arith.constant 20 : i32
        %ne3A_176 = vector.broadcast %ne3A_175 : i32 to vector<16xi32>
        %ne3A_177 = arith.cmpi ne, %get3A_126, %ne3A_176 : vector<16xi32>
        %and3A = arith.andi %ne3A_174, %ne3A_177 : vector<16xi1>
        %mul3A_178 = arith.constant 64 : i32
        %mul3A_179 = vector.broadcast %mul3A_178 : i32 to vector<16xi32>
        %mul3A_180 = arith.muli %add3A_172, %mul3A_179 : vector<16xi32>
        %sub3A = arith.constant 63 : i32
        %sub3A_181 = vector.broadcast %sub3A : i32 to vector<16xi32>
        %sub3A_182 = arith.subi %sub3A_181, %get3A_126 : vector<16xi32>
        %add3A_183 = arith.addi %mul3A_180, %sub3A_182 : vector<16xi32>
        %select_n3A_184 = arith.select %and3A, %add3A_183, %broadcast_in_dim3A_149 : vector<16xi1>, vector<16xi32>
        %max3A = arith.maxsi %broadcast_in_dim3A_149, %select_n3A_184 : vector<16xi32>
        %add3A_185 = arith.addi %broadcast_in_dim3A_147, %select_n3A : vector<16xi32>
        %add3A_186 = arith.addi %add3A_185, %select_n3A_158 : vector<16xi32>
        %add3A_187 = arith.addi %add3A_186, %select_n3A_160 : vector<16xi32>
        %add3A_188 = arith.addi %add3A_187, %select_n3A_162 : vector<16xi32>
        %ne3A_189 = arith.constant 0 : i32
        %ne3A_190 = vector.broadcast %ne3A_189 : i32 to vector<16xi32>
        %ne3A_191 = arith.cmpi ne, %get3A_131, %ne3A_190 : vector<16xi32>
        %ne3A_192 = arith.constant 20 : i32
        %ne3A_193 = vector.broadcast %ne3A_192 : i32 to vector<16xi32>
        %ne3A_194 = arith.cmpi ne, %get3A_131, %ne3A_193 : vector<16xi32>
        %and3A_195 = arith.andi %ne3A_191, %ne3A_194 : vector<16xi1>
        %mul3A_196 = arith.constant 64 : i32
        %mul3A_197 = vector.broadcast %mul3A_196 : i32 to vector<16xi32>
        %mul3A_198 = arith.muli %add3A_188, %mul3A_197 : vector<16xi32>
        %sub3A_199 = arith.constant 63 : i32
        %sub3A_200 = vector.broadcast %sub3A_199 : i32 to vector<16xi32>
        %sub3A_201 = arith.subi %sub3A_200, %get3A_131 : vector<16xi32>
        %add3A_202 = arith.addi %mul3A_198, %sub3A_201 : vector<16xi32>
        %select_n3A_203 = arith.select %and3A_195, %add3A_202, %broadcast_in_dim3A_149 : vector<16xi1>, vector<16xi32>
        %max3A_204 = arith.maxsi %max3A, %select_n3A_203 : vector<16xi32>
        %add3A_205 = arith.addi %broadcast_in_dim3A_147, %select_n3A_152 : vector<16xi32>
        %add3A_206 = arith.addi %add3A_205, %select_n3A_158 : vector<16xi32>
        %add3A_207 = arith.addi %add3A_206, %select_n3A_164 : vector<16xi32>
        %add3A_208 = arith.addi %add3A_207, %select_n3A_166 : vector<16xi32>
        %ne3A_209 = arith.constant 0 : i32
        %ne3A_210 = vector.broadcast %ne3A_209 : i32 to vector<16xi32>
        %ne3A_211 = arith.cmpi ne, %get3A_136, %ne3A_210 : vector<16xi32>
        %ne3A_212 = arith.constant 20 : i32
        %ne3A_213 = vector.broadcast %ne3A_212 : i32 to vector<16xi32>
        %ne3A_214 = arith.cmpi ne, %get3A_136, %ne3A_213 : vector<16xi32>
        %and3A_215 = arith.andi %ne3A_211, %ne3A_214 : vector<16xi1>
        %mul3A_216 = arith.constant 64 : i32
        %mul3A_217 = vector.broadcast %mul3A_216 : i32 to vector<16xi32>
        %mul3A_218 = arith.muli %add3A_208, %mul3A_217 : vector<16xi32>
        %sub3A_219 = arith.constant 63 : i32
        %sub3A_220 = vector.broadcast %sub3A_219 : i32 to vector<16xi32>
        %sub3A_221 = arith.subi %sub3A_220, %get3A_136 : vector<16xi32>
        %add3A_222 = arith.addi %mul3A_218, %sub3A_221 : vector<16xi32>
        %select_n3A_223 = arith.select %and3A_215, %add3A_222, %broadcast_in_dim3A_149 : vector<16xi1>, vector<16xi32>
        %max3A_224 = arith.maxsi %max3A_204, %select_n3A_223 : vector<16xi32>
        %add3A_225 = arith.addi %broadcast_in_dim3A_147, %select_n3A_154 : vector<16xi32>
        %add3A_226 = arith.addi %add3A_225, %select_n3A_160 : vector<16xi32>
        %add3A_227 = arith.addi %add3A_226, %select_n3A_164 : vector<16xi32>
        %add3A_228 = arith.addi %add3A_227, %select_n3A_168 : vector<16xi32>
        %ne3A_229 = arith.constant 0 : i32
        %ne3A_230 = vector.broadcast %ne3A_229 : i32 to vector<16xi32>
        %ne3A_231 = arith.cmpi ne, %get3A_141, %ne3A_230 : vector<16xi32>
        %ne3A_232 = arith.constant 20 : i32
        %ne3A_233 = vector.broadcast %ne3A_232 : i32 to vector<16xi32>
        %ne3A_234 = arith.cmpi ne, %get3A_141, %ne3A_233 : vector<16xi32>
        %and3A_235 = arith.andi %ne3A_231, %ne3A_234 : vector<16xi1>
        %mul3A_236 = arith.constant 64 : i32
        %mul3A_237 = vector.broadcast %mul3A_236 : i32 to vector<16xi32>
        %mul3A_238 = arith.muli %add3A_228, %mul3A_237 : vector<16xi32>
        %sub3A_239 = arith.constant 63 : i32
        %sub3A_240 = vector.broadcast %sub3A_239 : i32 to vector<16xi32>
        %sub3A_241 = arith.subi %sub3A_240, %get3A_141 : vector<16xi32>
        %add3A_242 = arith.addi %mul3A_238, %sub3A_241 : vector<16xi32>
        %select_n3A_243 = arith.select %and3A_235, %add3A_242, %broadcast_in_dim3A_149 : vector<16xi1>, vector<16xi32>
        %max3A_244 = arith.maxsi %max3A_224, %select_n3A_243 : vector<16xi32>
        %add3A_245 = arith.addi %broadcast_in_dim3A_147, %select_n3A_156 : vector<16xi32>
        %add3A_246 = arith.addi %add3A_245, %select_n3A_162 : vector<16xi32>
        %add3A_247 = arith.addi %add3A_246, %select_n3A_166 : vector<16xi32>
        %add3A_248 = arith.addi %add3A_247, %select_n3A_168 : vector<16xi32>
        %ne3A_249 = arith.constant 0 : i32
        %ne3A_250 = vector.broadcast %ne3A_249 : i32 to vector<16xi32>
        %ne3A_251 = arith.cmpi ne, %get3A_146, %ne3A_250 : vector<16xi32>
        %ne3A_252 = arith.constant 20 : i32
        %ne3A_253 = vector.broadcast %ne3A_252 : i32 to vector<16xi32>
        %ne3A_254 = arith.cmpi ne, %get3A_146, %ne3A_253 : vector<16xi32>
        %and3A_255 = arith.andi %ne3A_251, %ne3A_254 : vector<16xi1>
        %mul3A_256 = arith.constant 64 : i32
        %mul3A_257 = vector.broadcast %mul3A_256 : i32 to vector<16xi32>
        %mul3A_258 = arith.muli %add3A_248, %mul3A_257 : vector<16xi32>
        %sub3A_259 = arith.constant 63 : i32
        %sub3A_260 = vector.broadcast %sub3A_259 : i32 to vector<16xi32>
        %sub3A_261 = arith.subi %sub3A_260, %get3A_146 : vector<16xi32>
        %add3A_262 = arith.addi %mul3A_258, %sub3A_261 : vector<16xi32>
        %select_n3A_263 = arith.select %and3A_255, %add3A_262, %broadcast_in_dim3A_149 : vector<16xi1>, vector<16xi32>
        %max3A_264 = arith.maxsi %max3A_244, %select_n3A_263 : vector<16xi32>
        %gt3A = arith.constant 0 : i32
        %gt3A_265 = vector.broadcast %gt3A : i32 to vector<16xi32>
        %gt3A_266 = arith.cmpi sgt, %max3A_264, %gt3A_265 : vector<16xi32>
        %and3A_267 = arith.constant 63 : i32
        %and3A_268 = vector.broadcast %and3A_267 : i32 to vector<16xi32>
        %and3A_269 = arith.andi %max3A_264, %and3A_268 : vector<16xi32>
        %sub3A_270 = arith.constant 63 : i32
        %sub3A_271 = vector.broadcast %sub3A_270 : i32 to vector<16xi32>
        %sub3A_272 = arith.subi %sub3A_271, %and3A_269 : vector<16xi32>
        %select_n3A_273 = arith.select %gt3A_266, %sub3A_272, %broadcast_in_dim3A_147 : vector<16xi1>, vector<16xi32>
        %swap3A = arith.index_cast %mul3A_122 : i32 to index
        %swap3A_274 = tpu.vector_load %arg16[%swap3A] {strides = array<i32>} : memref<512xi32, #tpu.memory_space<vmem>>, vector<16xi32>,
        %swap3A_275 = vector.shape_cast %swap3A_274 : vector<16xi32> to vector<16xi32>
        %swap3A_276 = vector.shape_cast %select_n3A_273 : vector<16xi32> to vector<16xi32>
        tpu.vector_store %arg16[%swap3A], %swap3A_276 {strides = array<i32>} : memref<512xi32, #tpu.memory_space<vmem>>, vector<16xi32>,
      }
      %scan3A_88 = arith.constant 32 : i32
      %mul3A_89 = arith.constant 512 : i32
      %mul3A_90 = arith.muli %mul3A_11, %mul3A_89 : i32
      %add3A_91 = arith.addi %mul3A_2, %mul3A_90 : i32
      %dma_start3A_92 = tpu.memref_slice %arg8[%add3A_91] : memref<131072xi32, #tpu.memory_space<hbm>> -> memref<512xi32, #tpu.memory_space<hbm>>
      %dma_start3A_93 = tpu.memref_slice %arg8[%add3A_91] : memref<131072xi32, #tpu.memory_space<hbm>> -> memref<512xi32, #tpu.memory_space<hbm>>
      tpu.enqueue_dma source(%arg16 : memref<512xi32, #tpu.memory_space<vmem>>) target(%dma_start3A_93 : memref<512xi32, #tpu.memory_space<hbm>>) target_semaphore(%arg31 : memref<!tpu.dma_semaphore, #tpu.memory_space<semaphore_mem>>)
      %mul3A_94 = arith.constant 512 : i32
      %mul3A_95 = arith.muli %mul3A_11, %mul3A_94 : i32
      %add3A_96 = arith.addi %mul3A_2, %mul3A_95 : i32
      %dma_wait3A_97 = tpu.memref_slice %arg8[%add3A_96] : memref<131072xi32, #tpu.memory_space<hbm>> -> memref<512xi32, #tpu.memory_space<hbm>>
      %dma_wait3A_98 = tpu.memref_slice %arg8[%add3A_96] : memref<131072xi32, #tpu.memory_space<hbm>> -> memref<512xi32, #tpu.memory_space<hbm>>
      tpu.wait_dma2 semaphore(%arg31 : memref<!tpu.dma_semaphore, #tpu.memory_space<semaphore_mem>>) src(%arg16 : memref<512xi32, #tpu.memory_space<vmem>>) dst(%dma_wait3A_98 : memref<512xi32, #tpu.memory_space<hbm>>)
      %dma_wait3A_99 = arith.constant 0 : i32
      %dma_wait3A_100 = tpu.memref_slice %arg27[%dma_wait3A_99] : memref<131080xi32, #tpu.memory_space<vmem_shared>> -> memref<131080xi32, #tpu.memory_space<vmem_shared>>
      tpu.wait_indirect_dma semaphore(%arg34 : memref<!tpu.dma_semaphore, #tpu.memory_space<semaphore_mem>>) src(%dma_wait3A_100 : memref<131080xi32, #tpu.memory_space<vmem_shared>>) dst(%arg23 : memref<2560xi32, #tpu.memory_space<vmem>>)
      %scan3A_101 = arith.constant 0 : i32
      %scan3A_102 = arith.constant 32 : i32
      %scan3A_103 = arith.addi %scan3A_101, %scan3A_102 : i32
      %scan3A_104 = arith.constant 1 : i32
      scf.for %scan3A_120 = %scan3A_101 to %scan3A_103 step %scan3A_104  : i32 {
        %mul3A_121 = arith.constant 16 : i32
        %mul3A_122 = arith.muli %scan3A_120, %mul3A_121 : i32
        %add3A_123 = arith.constant 0 : i32
        %add3A_124 = arith.addi %add3A_123, %mul3A_122 : i32
        %get3A = arith.index_cast %add3A_124 : i32 to index
        %get3A_125 = tpu.vector_load %arg23[%get3A] {strides = array<i32>} : memref<2560xi32, #tpu.memory_space<vmem>>, vector<16xi32>,
        %get3A_126 = vector.shape_cast %get3A_125 : vector<16xi32> to vector<16xi32>
        %add3A_127 = arith.constant 512 : i32
        %add3A_128 = arith.addi %add3A_127, %mul3A_122 : i32
        %get3A_129 = arith.index_cast %add3A_128 : i32 to index
        %get3A_130 = tpu.vector_load %arg23[%get3A_129] {strides = array<i32>} : memref<2560xi32, #tpu.memory_space<vmem>>, vector<16xi32>,
        %get3A_131 = vector.shape_cast %get3A_130 : vector<16xi32> to vector<16xi32>
        %add3A_132 = arith.constant 1024 : i32
        %add3A_133 = arith.addi %add3A_132, %mul3A_122 : i32
        %get3A_134 = arith.index_cast %add3A_133 : i32 to index
        %get3A_135 = tpu.vector_load %arg23[%get3A_134] {strides = array<i32>} : memref<2560xi32, #tpu.memory_space<vmem>>, vector<16xi32>,
        %get3A_136 = vector.shape_cast %get3A_135 : vector<16xi32> to vector<16xi32>
        %add3A_137 = arith.constant 1536 : i32
        %add3A_138 = arith.addi %add3A_137, %mul3A_122 : i32
        %get3A_139 = arith.index_cast %add3A_138 : i32 to index
        %get3A_140 = tpu.vector_load %arg23[%get3A_139] {strides = array<i32>} : memref<2560xi32, #tpu.memory_space<vmem>>, vector<16xi32>,
        %get3A_141 = vector.shape_cast %get3A_140 : vector<16xi32> to vector<16xi32>
        %add3A_142 = arith.constant 2048 : i32
        %add3A_143 = arith.addi %add3A_142, %mul3A_122 : i32
        %get3A_144 = arith.index_cast %add3A_143 : i32 to index
        %get3A_145 = tpu.vector_load %arg23[%get3A_144] {strides = array<i32>} : memref<2560xi32, #tpu.memory_space<vmem>>, vector<16xi32>,
        %get3A_146 = vector.shape_cast %get3A_145 : vector<16xi32> to vector<16xi32>
        %broadcast_in_dim3A = arith.constant 1 : i32
        %broadcast_in_dim3A_147 = vector.broadcast %broadcast_in_dim3A : i32 to vector<16xi32>
        %broadcast_in_dim3A_148 = arith.constant 0 : i32
        %broadcast_in_dim3A_149 = vector.broadcast %broadcast_in_dim3A_148 : i32 to vector<16xi32>
        %eq3A_150 = arith.cmpi eq, %get3A_126, %get3A_131 : vector<16xi32>
        %select_n3A = arith.select %eq3A_150, %broadcast_in_dim3A_147, %broadcast_in_dim3A_149 : vector<16xi1>, vector<16xi32>
        %eq3A_151 = arith.cmpi eq, %get3A_126, %get3A_136 : vector<16xi32>
        %select_n3A_152 = arith.select %eq3A_151, %broadcast_in_dim3A_147, %broadcast_in_dim3A_149 : vector<16xi1>, vector<16xi32>
        %eq3A_153 = arith.cmpi eq, %get3A_126, %get3A_141 : vector<16xi32>
        %select_n3A_154 = arith.select %eq3A_153, %broadcast_in_dim3A_147, %broadcast_in_dim3A_149 : vector<16xi1>, vector<16xi32>
        %eq3A_155 = arith.cmpi eq, %get3A_126, %get3A_146 : vector<16xi32>
        %select_n3A_156 = arith.select %eq3A_155, %broadcast_in_dim3A_147, %broadcast_in_dim3A_149 : vector<16xi1>, vector<16xi32>
        %eq3A_157 = arith.cmpi eq, %get3A_131, %get3A_136 : vector<16xi32>
        %select_n3A_158 = arith.select %eq3A_157, %broadcast_in_dim3A_147, %broadcast_in_dim3A_149 : vector<16xi1>, vector<16xi32>
        %eq3A_159 = arith.cmpi eq, %get3A_131, %get3A_141 : vector<16xi32>
        %select_n3A_160 = arith.select %eq3A_159, %broadcast_in_dim3A_147, %broadcast_in_dim3A_149 : vector<16xi1>, vector<16xi32>
        %eq3A_161 = arith.cmpi eq, %get3A_131, %get3A_146 : vector<16xi32>
        %select_n3A_162 = arith.select %eq3A_161, %broadcast_in_dim3A_147, %broadcast_in_dim3A_149 : vector<16xi1>, vector<16xi32>
        %eq3A_163 = arith.cmpi eq, %get3A_136, %get3A_141 : vector<16xi32>
        %select_n3A_164 = arith.select %eq3A_163, %broadcast_in_dim3A_147, %broadcast_in_dim3A_149 : vector<16xi1>, vector<16xi32>
        %eq3A_165 = arith.cmpi eq, %get3A_136, %get3A_146 : vector<16xi32>
        %select_n3A_166 = arith.select %eq3A_165, %broadcast_in_dim3A_147, %broadcast_in_dim3A_149 : vector<16xi1>, vector<16xi32>
        %eq3A_167 = arith.cmpi eq, %get3A_141, %get3A_146 : vector<16xi32>
        %select_n3A_168 = arith.select %eq3A_167, %broadcast_in_dim3A_147, %broadcast_in_dim3A_149 : vector<16xi1>, vector<16xi32>
        %add3A_169 = arith.addi %broadcast_in_dim3A_147, %select_n3A : vector<16xi32>
        %add3A_170 = arith.addi %add3A_169, %select_n3A_152 : vector<16xi32>
        %add3A_171 = arith.addi %add3A_170, %select_n3A_154 : vector<16xi32>
        %add3A_172 = arith.addi %add3A_171, %select_n3A_156 : vector<16xi32>
        %ne3A = arith.constant 0 : i32
        %ne3A_173 = vector.broadcast %ne3A : i32 to vector<16xi32>
        %ne3A_174 = arith.cmpi ne, %get3A_126, %ne3A_173 : vector<16xi32>
        %ne3A_175 = arith.constant 20 : i32
        %ne3A_176 = vector.broadcast %ne3A_175 : i32 to vector<16xi32>
        %ne3A_177 = arith.cmpi ne, %get3A_126, %ne3A_176 : vector<16xi32>
        %and3A = arith.andi %ne3A_174, %ne3A_177 : vector<16xi1>
        %mul3A_178 = arith.constant 64 : i32
        %mul3A_179 = vector.broadcast %mul3A_178 : i32 to vector<16xi32>
        %mul3A_180 = arith.muli %add3A_172, %mul3A_179 : vector<16xi32>
        %sub3A = arith.constant 63 : i32
        %sub3A_181 = vector.broadcast %sub3A : i32 to vector<16xi32>
        %sub3A_182 = arith.subi %sub3A_181, %get3A_126 : vector<16xi32>
        %add3A_183 = arith.addi %mul3A_180, %sub3A_182 : vector<16xi32>
        %select_n3A_184 = arith.select %and3A, %add3A_183, %broadcast_in_dim3A_149 : vector<16xi1>, vector<16xi32>
        %max3A = arith.maxsi %broadcast_in_dim3A_149, %select_n3A_184 : vector<16xi32>
        %add3A_185 = arith.addi %broadcast_in_dim3A_147, %select_n3A : vector<16xi32>
        %add3A_186 = arith.addi %add3A_185, %select_n3A_158 : vector<16xi32>
        %add3A_187 = arith.addi %add3A_186, %select_n3A_160 : vector<16xi32>
        %add3A_188 = arith.addi %add3A_187, %select_n3A_162 : vector<16xi32>
        %ne3A_189 = arith.constant 0 : i32
        %ne3A_190 = vector.broadcast %ne3A_189 : i32 to vector<16xi32>
        %ne3A_191 = arith.cmpi ne, %get3A_131, %ne3A_190 : vector<16xi32>
        %ne3A_192 = arith.constant 20 : i32
        %ne3A_193 = vector.broadcast %ne3A_192 : i32 to vector<16xi32>
        %ne3A_194 = arith.cmpi ne, %get3A_131, %ne3A_193 : vector<16xi32>
        %and3A_195 = arith.andi %ne3A_191, %ne3A_194 : vector<16xi1>
        %mul3A_196 = arith.constant 64 : i32
        %mul3A_197 = vector.broadcast %mul3A_196 : i32 to vector<16xi32>
        %mul3A_198 = arith.muli %add3A_188, %mul3A_197 : vector<16xi32>
        %sub3A_199 = arith.constant 63 : i32
        %sub3A_200 = vector.broadcast %sub3A_199 : i32 to vector<16xi32>
        %sub3A_201 = arith.subi %sub3A_200, %get3A_131 : vector<16xi32>
        %add3A_202 = arith.addi %mul3A_198, %sub3A_201 : vector<16xi32>
        %select_n3A_203 = arith.select %and3A_195, %add3A_202, %broadcast_in_dim3A_149 : vector<16xi1>, vector<16xi32>
        %max3A_204 = arith.maxsi %max3A, %select_n3A_203 : vector<16xi32>
        %add3A_205 = arith.addi %broadcast_in_dim3A_147, %select_n3A_152 : vector<16xi32>
        %add3A_206 = arith.addi %add3A_205, %select_n3A_158 : vector<16xi32>
        %add3A_207 = arith.addi %add3A_206, %select_n3A_164 : vector<16xi32>
        %add3A_208 = arith.addi %add3A_207, %select_n3A_166 : vector<16xi32>
        %ne3A_209 = arith.constant 0 : i32
        %ne3A_210 = vector.broadcast %ne3A_209 : i32 to vector<16xi32>
        %ne3A_211 = arith.cmpi ne, %get3A_136, %ne3A_210 : vector<16xi32>
        %ne3A_212 = arith.constant 20 : i32
        %ne3A_213 = vector.broadcast %ne3A_212 : i32 to vector<16xi32>
        %ne3A_214 = arith.cmpi ne, %get3A_136, %ne3A_213 : vector<16xi32>
        %and3A_215 = arith.andi %ne3A_211, %ne3A_214 : vector<16xi1>
        %mul3A_216 = arith.constant 64 : i32
        %mul3A_217 = vector.broadcast %mul3A_216 : i32 to vector<16xi32>
        %mul3A_218 = arith.muli %add3A_208, %mul3A_217 : vector<16xi32>
        %sub3A_219 = arith.constant 63 : i32
        %sub3A_220 = vector.broadcast %sub3A_219 : i32 to vector<16xi32>
        %sub3A_221 = arith.subi %sub3A_220, %get3A_136 : vector<16xi32>
        %add3A_222 = arith.addi %mul3A_218, %sub3A_221 : vector<16xi32>
        %select_n3A_223 = arith.select %and3A_215, %add3A_222, %broadcast_in_dim3A_149 : vector<16xi1>, vector<16xi32>
        %max3A_224 = arith.maxsi %max3A_204, %select_n3A_223 : vector<16xi32>
        %add3A_225 = arith.addi %broadcast_in_dim3A_147, %select_n3A_154 : vector<16xi32>
        %add3A_226 = arith.addi %add3A_225, %select_n3A_160 : vector<16xi32>
        %add3A_227 = arith.addi %add3A_226, %select_n3A_164 : vector<16xi32>
        %add3A_228 = arith.addi %add3A_227, %select_n3A_168 : vector<16xi32>
        %ne3A_229 = arith.constant 0 : i32
        %ne3A_230 = vector.broadcast %ne3A_229 : i32 to vector<16xi32>
        %ne3A_231 = arith.cmpi ne, %get3A_141, %ne3A_230 : vector<16xi32>
        %ne3A_232 = arith.constant 20 : i32
        %ne3A_233 = vector.broadcast %ne3A_232 : i32 to vector<16xi32>
        %ne3A_234 = arith.cmpi ne, %get3A_141, %ne3A_233 : vector<16xi32>
        %and3A_235 = arith.andi %ne3A_231, %ne3A_234 : vector<16xi1>
        %mul3A_236 = arith.constant 64 : i32
        %mul3A_237 = vector.broadcast %mul3A_236 : i32 to vector<16xi32>
        %mul3A_238 = arith.muli %add3A_228, %mul3A_237 : vector<16xi32>
        %sub3A_239 = arith.constant 63 : i32
        %sub3A_240 = vector.broadcast %sub3A_239 : i32 to vector<16xi32>
        %sub3A_241 = arith.subi %sub3A_240, %get3A_141 : vector<16xi32>
        %add3A_242 = arith.addi %mul3A_238, %sub3A_241 : vector<16xi32>
        %select_n3A_243 = arith.select %and3A_235, %add3A_242, %broadcast_in_dim3A_149 : vector<16xi1>, vector<16xi32>
        %max3A_244 = arith.maxsi %max3A_224, %select_n3A_243 : vector<16xi32>
        %add3A_245 = arith.addi %broadcast_in_dim3A_147, %select_n3A_156 : vector<16xi32>
        %add3A_246 = arith.addi %add3A_245, %select_n3A_162 : vector<16xi32>
        %add3A_247 = arith.addi %add3A_246, %select_n3A_166 : vector<16xi32>
        %add3A_248 = arith.addi %add3A_247, %select_n3A_168 : vector<16xi32>
        %ne3A_249 = arith.constant 0 : i32
        %ne3A_250 = vector.broadcast %ne3A_249 : i32 to vector<16xi32>
        %ne3A_251 = arith.cmpi ne, %get3A_146, %ne3A_250 : vector<16xi32>
        %ne3A_252 = arith.constant 20 : i32
        %ne3A_253 = vector.broadcast %ne3A_252 : i32 to vector<16xi32>
        %ne3A_254 = arith.cmpi ne, %get3A_146, %ne3A_253 : vector<16xi32>
        %and3A_255 = arith.andi %ne3A_251, %ne3A_254 : vector<16xi1>
        %mul3A_256 = arith.constant 64 : i32
        %mul3A_257 = vector.broadcast %mul3A_256 : i32 to vector<16xi32>
        %mul3A_258 = arith.muli %add3A_248, %mul3A_257 : vector<16xi32>
        %sub3A_259 = arith.constant 63 : i32
        %sub3A_260 = vector.broadcast %sub3A_259 : i32 to vector<16xi32>
        %sub3A_261 = arith.subi %sub3A_260, %get3A_146 : vector<16xi32>
        %add3A_262 = arith.addi %mul3A_258, %sub3A_261 : vector<16xi32>
        %select_n3A_263 = arith.select %and3A_255, %add3A_262, %broadcast_in_dim3A_149 : vector<16xi1>, vector<16xi32>
        %max3A_264 = arith.maxsi %max3A_244, %select_n3A_263 : vector<16xi32>
        %gt3A = arith.constant 0 : i32
        %gt3A_265 = vector.broadcast %gt3A : i32 to vector<16xi32>
        %gt3A_266 = arith.cmpi sgt, %max3A_264, %gt3A_265 : vector<16xi32>
        %and3A_267 = arith.constant 63 : i32
        %and3A_268 = vector.broadcast %and3A_267 : i32 to vector<16xi32>
        %and3A_269 = arith.andi %max3A_264, %and3A_268 : vector<16xi32>
        %sub3A_270 = arith.constant 63 : i32
        %sub3A_271 = vector.broadcast %sub3A_270 : i32 to vector<16xi32>
        %sub3A_272 = arith.subi %sub3A_271, %and3A_269 : vector<16xi32>
        %select_n3A_273 = arith.select %gt3A_266, %sub3A_272, %broadcast_in_dim3A_147 : vector<16xi1>, vector<16xi32>
        %swap3A = arith.index_cast %mul3A_122 : i32 to index
        %swap3A_274 = tpu.vector_load %arg24[%swap3A] {strides = array<i32>} : memref<512xi32, #tpu.memory_space<vmem>>, vector<16xi32>,
        %swap3A_275 = vector.shape_cast %swap3A_274 : vector<16xi32> to vector<16xi32>
        %swap3A_276 = vector.shape_cast %select_n3A_273 : vector<16xi32> to vector<16xi32>
        tpu.vector_store %arg24[%swap3A], %swap3A_276 {strides = array<i32>} : memref<512xi32, #tpu.memory_space<vmem>>, vector<16xi32>,
      }
      %scan3A_105 = arith.constant 32 : i32
      %add3A_106 = arith.constant 1 : i32
      %add3A_107 = arith.addi %mul3A_11, %add3A_106 : i32
      %mul3A_108 = arith.constant 512 : i32
      %mul3A_109 = arith.muli %add3A_107, %mul3A_108 : i32
      %add3A_110 = arith.addi %mul3A_2, %mul3A_109 : i32
      %dma_start3A_111 = tpu.memref_slice %arg8[%add3A_110] : memref<131072xi32, #tpu.memory_space<hbm>> -> memref<512xi32, #tpu.memory_space<hbm>>
      %dma_start3A_112 = tpu.memref_slice %arg8[%add3A_110] : memref<131072xi32, #tpu.memory_space<hbm>> -> memref<512xi32, #tpu.memory_space<hbm>>
      tpu.enqueue_dma source(%arg24 : memref<512xi32, #tpu.memory_space<vmem>>) target(%dma_start3A_112 : memref<512xi32, #tpu.memory_space<hbm>>) target_semaphore(%arg35 : memref<!tpu.dma_semaphore, #tpu.memory_space<semaphore_mem>>)
      %add3A_113 = arith.constant 1 : i32
      %add3A_114 = arith.addi %mul3A_11, %add3A_113 : i32
      %mul3A_115 = arith.constant 512 : i32
      %mul3A_116 = arith.muli %add3A_114, %mul3A_115 : i32
      %add3A_117 = arith.addi %mul3A_2, %mul3A_116 : i32
      %dma_wait3A_118 = tpu.memref_slice %arg8[%add3A_117] : memref<131072xi32, #tpu.memory_space<hbm>> -> memref<512xi32, #tpu.memory_space<hbm>>
      %dma_wait3A_119 = tpu.memref_slice %arg8[%add3A_117] : memref<131072xi32, #tpu.memory_space<hbm>> -> memref<512xi32, #tpu.memory_space<hbm>>
      tpu.wait_dma2 semaphore(%arg35 : memref<!tpu.dma_semaphore, #tpu.memory_space<semaphore_mem>>) src(%arg24 : memref<512xi32, #tpu.memory_space<vmem>>) dst(%dma_wait3A_119 : memref<512xi32, #tpu.memory_space<hbm>>)
    }
    %scan3A_8 = arith.constant 4 : i32
    return
  }
}

</mosaic_0001>

<sc_bundles>
// kernel: _knn_sc.3.cloned.1.call-start
scs
__scs_entry_jumppad:
0x0: {  	(pc) =	sbr.rel $0x88, $3  }
0x1: {  	(tag) =	ssettag $0x0;
	lr =	simm.s32 $0x1  }
0x2: {  	[smem:$0x3F9B] =	sst lr;
	_ =	strace $0xD0000000  }
0x3: {  	_ = 	snop  }
0x4: {  	_ = 	snop  }
0x5: {  	_ = 	snop  }
0x6: {  	_ = 	snop  }
0x7: {  	_ = 	snop  }
__scs_overlays_trampoline_lowered:
0x8: {  	[smem:$0x3FAA] =	sst s0  }
0x9: {  	[smem:$0x3FAB] =	sst s1  }
0xa: {  	[smem:$0x3FAC] =	sst s2  }
0xb: {  	[smem:$0x3FAD] =	sst s3  }
0xc: {  	[smem:$0x3FAE] =	sst s4  }
0xd: {  	[smem:$0x3FAF] =	sst s5  }
0xe: {  	[smem:$0x3FB0] =	sst s6  }
0xf: {  	[smem:$0x3FB1] =	sst s7  }
0x10: {  	[smem:$0x3FB2] =	sst s8  }
0x11: {  	[smem:$0x3FB3] =	sst s9;
	s0 =	simm.s32 @!p0 $0x0  }
0x12: {  	s1 =	sld [smem:$0x3F99];
	s0 =	simm.s32 @p0 $0x1  }
0x13: {  	[smem:$0x3FB4] =	sst s0;
	s0 =	simm.s32 @!p1 $0x0  }
0x14: {  	s2 =	sld [smem:$0x3F98];
	s0 =	simm.s32 @p1 $0x1  }
0x15: {  	[smem:$0x3FB5] =	sst s0;
	s0 =	simm.s32 @!p2 $0x0  }
0x16: {  	s3 =	sld [smem:$0x3FDB];
	s0 =	simm.s32 @p2 $0x1  }
0x17: {  	s4 =	simm.s32 $0x1BF5;
	[smem:$0x3FB7] =	sst s0  }
0x18: {  	s0 =	sld [smem:$0x3F9A];
	_ =	swait.ge [sflag:s4], $0x0  }
0x19: {  	s7 =	sld [smem:$0x3F9B]  }
0x1a: {  	s8 =	sadd.s32 $0xFFFFE003, lr  }
0x1b: {  	s9 =	sadd.s32 $0xFFFFFEF7, lr;
	s5 =	simm.s32 $0xFFFFFFFF;
	p2 =	slt.u32 s8, $0xFFFFF086  }
0x1c: {  	p1 =	slt.u32 s9, $0xF7A;
	s5 =	simm.s32 @!p2 $0x0  }
0x1d: {  	s5 =	simm.s32 @p1 $0x1;
	p0 =	seq.s32 s7, s2  }
0x1e: {  	s7 =	smul.u32 @!p0 $0xF7A, s2;
	p2 =	seq.s32 @!p0 s5, $0x0  }
0x1f: {  	s9 =	smul.u32 $0xF7A, s1;
	s8 =	simm.s32 @!p0 $0x1BF5;
	p2 =	por !p2, p0  }
0x20: {  	[sflag:s8] =	ssyncset.s32 @!p0 $0xFFFFF086;
	s6 =	sadd.s32 @!p0 s3, s7;
	s7 =	simm.s32 @!p0 $0x108  }
0x21: {  	s3 =	sadd.s32 s3, s9;
	s6 =	sadd.s32 @!p0 $0x88, s6;
	s7 =	simm.s32 @p2 $0x1082  }
0x22: {  	[simem:s7], [sflag:s8] =	dma.local @!p0 [hbm:s6], $0xF7A  }
0x23: {  	s9 =	sor.u32 $0xD0000000, s2;
	s6 =	simm.s32 $0x108;
	_ =	swait.ge @!p0 [sflag:s8], $0x0  }
0x24: {  	s3 =	sadd.s32 $0x88, s3;
	s6 =	simm.s32 @!p1 $0x1082;
	[sflag:s4] =	ssyncset.s32 $0xFFFFF086  }
0x25: {  	[simem:s6], [sflag:s4] =	dma.local [hbm:s3], $0xF7A  }
0x26: {  	[smem:$0x3F9B] =	sst s1;
	(tag) =	ssettag s2;
	_ =	strace s9  }
0x27: {  	s1 =	sld [smem:$0x3FAB]  }
0x28: {  	s2 =	sld [smem:$0x3FAC]  }
0x29: {  	s4 =	sld [smem:$0x3FAE]  }
0x2a: {  	p0 =	seq.s32 s5, $0x0;
	s5 =	sld [smem:$0x3FAF]  }
0x2b: {  	s6 =	sld [smem:$0x3FB0]  }
0x2c: {  	s7 =	sld [smem:$0x3FB1]  }
0x2d: {  	s3 =	simm.s32 $0x108;
	s8 =	sld [smem:$0x3FB2]  }
0x2e: {  	s3 =	simm.s32 @!p0 $0x1082;
	s9 =	sld [smem:$0x3FB3]  }
0x2f: {  	lr =	sadd.s32 s0, s3;
	s0 =	sld [smem:$0x3FAA]  }
0x30: {  	s3 =	sld [smem:$0x3FAD]  }
0x31: {  	[smem:$0x3FB6] =	sst s10  }
0x32: {  	s10 =	sld [smem:$0x3FB4];
	_ =	sdelay $0x3  }
0x33: {  	p0 =	seq.s32 s10, $0x1;
	s10 =	sld [smem:$0x3FB6];
	_ =	sdelay $0x3  }
0x34: {  	[smem:$0x3FB6] =	sst s10  }
0x35: {  	s10 =	sld [smem:$0x3FB5];
	_ =	sdelay $0x3  }
0x36: {  	p1 =	seq.s32 s10, $0x1;
	s10 =	sld [smem:$0x3FB6];
	_ =	sdelay $0x3  }
0x37: {  	[smem:$0x3FB6] =	sst s10  }
0x38: {  	s10 =	sld [smem:$0x3FB7]  }
0x39: {  	_ = 	snop;
	(pc) =	sbr.ind lr, $3  }
0x3a: {  	_ = 	snop  }
0x3b: {  	_ = 	snop  }
0x3c: {  	p2 =	seq.s32 s10, $0x1;
	s10 =	sld [smem:$0x3FB6]  }
0x3d: {  	_ =	shalt  }
0x3e: {  	_ =	shalt  }
0x3f: {  	_ =	shalt  }
0x40: {  	_ =	shalt  }
0x41: {  	_ =	shalt  }
0x42: {  	_ =	shalt  }
0x43: {  	_ =	shalt  }
0x44: {  	_ =	shalt  }
0x45: {  	_ =	shalt  }
0x46: {  	_ =	shalt  }
0x47: {  	_ =	shalt  }
0x48: {  	_ =	shalt  }
0x49: {  	_ =	shalt  }
0x4a: {  	_ =	shalt  }
0x4b: {  	_ =	shalt  }
0x4c: {  	_ =	shalt  }
0x4d: {  	_ =	shalt  }
0x4e: {  	_ =	shalt  }
0x4f: {  	_ =	shalt  }
0x50: {  	_ =	shalt  }
0x51: {  	_ =	shalt  }
0x52: {  	_ =	shalt  }
0x53: {  	_ =	shalt  }
0x54: {  	_ =	shalt  }
0x55: {  	_ =	shalt  }
0x56: {  	_ =	shalt  }
0x57: {  	_ =	shalt  }
0x58: {  	_ =	shalt  }
0x59: {  	_ =	shalt  }
0x5a: {  	_ =	shalt  }
0x5b: {  	_ =	shalt  }
0x5c: {  	_ =	shalt  }
0x5d: {  	_ =	shalt  }
0x5e: {  	_ =	shalt  }
0x5f: {  	_ =	shalt  }
0x60: {  	_ =	shalt  }
0x61: {  	_ =	shalt  }
0x62: {  	_ =	shalt  }
0x63: {  	_ =	shalt  }
0x64: {  	_ =	shalt  }
0x65: {  	_ =	shalt  }
0x66: {  	_ =	shalt  }
0x67: {  	_ =	shalt  }
0x68: {  	_ =	shalt  }
0x69: {  	_ =	shalt  }
0x6a: {  	_ =	shalt  }
0x6b: {  	_ =	shalt  }
0x6c: {  	_ =	shalt  }
0x6d: {  	_ =	shalt  }
0x6e: {  	_ =	shalt  }
0x6f: {  	_ =	shalt  }
0x70: {  	_ =	shalt  }
0x71: {  	_ =	shalt  }
0x72: {  	_ =	shalt  }
0x73: {  	_ =	shalt  }
0x74: {  	_ =	shalt  }
0x75: {  	_ =	shalt  }
0x76: {  	_ =	shalt  }
0x77: {  	_ =	shalt  }
0x78: {  	_ =	shalt  }
0x79: {  	_ =	shalt  }
0x7a: {  	_ =	shalt  }
0x7b: {  	_ =	shalt  }
0x7c: {  	_ =	shalt  }
0x7d: {  	_ =	shalt  }
0x7e: {  	_ =	shalt  }
0x7f: {  	_ =	shalt  }
0x80: {  	_ =	shalt  }
0x81: {  	_ =	shalt  }
0x82: {  	_ =	shalt  }
0x83: {  	_ =	shalt  }
0x84: {  	_ =	shalt  }
0x85: {  	_ =	shalt  }
0x86: {  	_ =	shalt  }
0x87: {  	_ =	shalt  }
.Lfunc_end0:
.L_simem_size_0:
called_computation_lowered:
.L_overlay_start_0:
0x88: {  	s2 =	sld [smem:$0x3FD9]  }
0x89: {  	s3 =	sld [smem:$0x3FFE];
	_ =	sdelay $0x1  }
0x8a: {  	s1 =	srdreg.scid  }
0x8b: {  	s0 =	sand.u32 $0x1, s1  }
0x8c: {  	s18 =	sshll.u32 s0, $0xA;
	s2 =	sadd.s32 s3, s2  }
0x8d: {  	s2 =	sadd.s32 s2, s18  }
0x8e: {  	[smem:$0x3FC2] =	sst s2  }
0x8f: {  	_ = 	snop  }
0x90: {  	s2 =	sld [smem:$0x3FC9]  }
0x91: {  	s19 =	sld [smem:$0x3FC8]  }
0x92: {  	s4 =	sld [smem:$0x3FC7]  }
0x93: {  	s5 =	sld [smem:$0x3FC6]  }
0x94: {  	s6 =	sld [smem:$0x3FC5]  }
0x95: {  	s7 =	sld [smem:$0x3FC4]  }
0x96: {  	s8 =	sld [smem:$0x3FD0];
	(tm) =	ssettm $0x1  }
0x97: {  	s9 =	sld [smem:$0x3FFB];
	_ =	sdelay $0x3  }
0x98: {  	_ =	strace s9  }
0x99: {  	s9 =	sld [smem:$0x3FFC];
	_ =	sdelay $0x3  }
0x9a: {  	_ =	strace s9  }
0x9b: {  	s9 =	sld [smem:$0x3FFD];
	_ =	sdelay $0x3  }
0x9c: {  	_ =	strace s9  }
0x9d: {  	_ =	strace $0x8FFFFFFF  }
0x9e: {  	s20 =	sld [smem:$0x3FDB];
	_ =	sdelay $0x1  }
0x9f: {  	s10 =	simm.s32 $_scs_section_size  }
0xa0: {  	s11 =	simm.s32 $_size__tile_overlayer_lowered;
	s12 =	simm.s32 $_tile_overlayer_lowered  }
0xa1: {  	s23 =	simm.s32 $0x1BFF;
	s22 =	sshll.u32 s12, $0x1;
	s9 =	sadd.s32 s10, s20  }
0xa2: {  	s13 =	simm.s32 $0x0;
	s21 =	sshll.u32 s11, $0x1;
	s11 =	sadd.s32 s22, s9  }
0xa3: {  	[timem:s13], [sflag:s23] =	dma.local [hbm:s11], s21  }
0xa4: {  	_ =	swait.ge [sflag:s23], s21  }
0xa5: {  	s10 =	ssub.s32 $0x0, s21;
	[sflag:s23] =	ssyncset.done $0x0  }
0xa6: {  	[sflag:s23] =	ssyncadd.s32 s10;
	_ =	sdelay $0x1  }
0xa7: {  	s24 =	simm.s32 $0x1B8B  }
0xa8: {  	_ =	swait.ge [sflag:s24], $0x1  }
0xa9: {  	[sflag:s24] =	ssyncset.done $0x0  }
0xaa: {  	s25 =	simm.s32 $0x1B8E;
	[sflag:s24] =	ssyncadd.s32 $0xFFFFFFFF  }
0xab: {  	s26 =	simm.s32 $execute0_lowered;
	[smem:$0x3FD2] =	sst s25  }
0xac: {  	s10 =	sshll.u32 s26, $0x1;
	_ =	strace $0x80000046;
	[dreg:$0x1] =	wrdreg $0xFFFFFFFF  }
0xad: {  	s28 =	simm.s32 $_size_execute0_lowered;
	s9 =	sadd.s32 s9, s10;
	[dreg:$0x0] =	wrdreg $0x0  }
0xae: {  	s10 =	sshll.u32 s28, $0x1;
	[dreg:$0x2] =	wrdreg s9  }
0xaf: {  	[dreg:$0x3] =	wrdreg s10  }
0xb0: {  	[dreg:$0x4] =	wrdreg $0xC0  }
0xb1: {  	_ =	task [dreg:s13], $0x5FFFF  }
0xb2: {  	[dreg:$0x1] =	wrdreg $0xFFFFFFFF  }
0xb3: {  	[dreg:$0x0] =	wrdreg $0x60  }
0xb4: {  	[dreg:$0x2] =	wrdreg s2  }
0xb5: {  	[dreg:$0x3] =	wrdreg s19  }
0xb6: {  	[dreg:$0x4] =	wrdreg s4  }
0xb7: {  	[dreg:$0x5] =	wrdreg s5  }
0xb8: {  	[dreg:$0x6] =	wrdreg s6  }
0xb9: {  	[dreg:$0x7] =	wrdreg s7  }
0xba: {  	[dreg:$0x8] =	wrdreg s8  }
0xbb: {  	[dreg:$0x9] =	wrdreg $0xFA000  }
0xbc: {  	[dreg:$0xa] =	wrdreg $0x11A080  }
0xbd: {  	[dreg:$0xb] =	wrdreg $0x9  }
0xbe: {  	_ =	task.clear_ibuf [dreg:s13], $0xCFFFF;
	_ =	strace $0x90000046  }
0xbf: {  	s29 =	simm.s32 $0x9;
	_ =	strace $0x80000048  }
0xc0: {  	_ =	swait.ge [sflag:s29], $0x1  }
0xc1: {  	[sflag:s29] =	ssyncadd.s32 $0xFFFFFFFF  }
0xc2: {  	_ =	strace $0x90000048  }
0xc3: {  	_ =	sfence  }
0xc4: {  	s30 =	sld [smem:$0x0];
	_ =	sdelay $0x2  }
0xc5: {  	s31 =	sshll.u32 s1, $0xD;
	s1 =	sshrl.u32 s1, $0x2  }
0xc6: {  	s3 =	sand.u32 $0x4000, s31;
	s1 =	sadd.s32 s1, s30  }
0xc7: {  	s0 =	sor.u32 s3, s0;
	s1 =	sshll.u32 s1, $0x11  }
0xc8: {  	s0 =	sor.u32 s1, s0  }
0xc9: {  	s0 =	sadd.s32 $0x8F2B, s0  }
0xca: {  	[sflag:s0] =	ssyncadd.remote.s32 $0x1  }
0xcb: {  	_ =	sfence.sel $0xFFFF  }
0xcc: {  	[dreg:$0x0] =	wrdreg $0xFFFFFFFF;
	(pc) =	sbr.abs _section_cstart, $3  }
0xcd: {  	[dreg:$0x1] =	wrdreg $0xFFFFFFFF  }
0xce: {  	_ =	task.clear_ibuf [dreg:s13], $0x2FFFF;
	_ =	strace $0x9FFFFFFF  }
0xcf: {  	(tm) =	ssettm $0x7FFFFFFF  }
tec
execute0_lowered:
.L_overlay_start_1:
0x0: {  	(tag) =	ssettag $0x1  }
0x1: {  	s2 =	rddreg [dreg:$0x2]  }
0x2: {  	s3 =	rddreg [dreg:$0x3]  }
0x3: {  	s4 =	rddreg [dreg:$0x4]  }
0x4: {  	s7 =	rddreg [dreg:$0x6]  }
0x5: {  	s8 =	rddreg [dreg:$0x7]  }
0x6: {  	s9 =	rddreg [dreg:$0x8];
	s0 =	srdreg.scid;
	s10 =	simm.s32 $0x0  }
0x7: {  	s5 =	stileid.u32;
	s18 =	simm.s32 $0x1;
	s19 =	simm.s32 $0x3000  }
0x8: {  	s23 =	simm.s32 $0x5;
	s28 =	simm.s32 $0xA00;
	s30 =	simm.s32 $0x7000  }
0x9: {  	s31 =	simm.s32 $0x6;
	s13 =	simm.s32 $0x4;
	s12 =	simm.s32 $0x7  }
0xa: {  	s15 =	simm.s32 $0xF600;
	s16 =	simm.s32 $0x8;
	s17 =	simm.s32 $0x0  }
0xb: {  	s0 =	sand.u32 $0x1, s0;
	[smem:$0x7FF] =	sst s10;
	s26 =	sshll.u32 s5, $0xD  }
0xc: {  	p0 =	sne.s32 s5, $0x0;
	s5 =	simm.s32 $0xE200;
	s1 =	ssub.s32 $0x2, s0  }
0xd: {  	_ =	strace $0x80000047;
	s0 =	sshll.u32 s0, $0xC;
	s6 =	sshrl.u32 s1, $0x1  }
0xe: {  	s11 =	sor.u32 s0, s26;
	s0 =	sshrl.u32 @!p0 s8, $0x3;
	s26 =	simm.s32 $0x2  }
0xf: {  	s1 =	ssub.s32 s1, s6;
	[dreg:$0xb] =	wrdreg s0;
	s0 =	sshrl.u32 @!p0 s9, $0x3  }
0x10: {  	s6 =	simm.s32 $0x7A00;
	s29 =	smax.u32 s1, $0x1;
	[dreg:$0xc] =	wrdreg s0  }
0x11: {  	v0 =	vimm.s32 $0x0;
	v1 =	vimm.s32 $0x1;
	s0 =	simm.s32 $0xEC00;
	s1 =	simm.s32 $0x3;
	[dreg:$0xa] =	wrdreg s29  }
.LBB2_1:
0x12: {  	[dreg:$0xd] =	wrdreg s17  }
0x13: {  	s14 =	rddreg [dreg:$0x5];
	s25 =	simm.s32 $0xF800;
	s29 =	simm.s32 $0x9  }
0x14: {  	[tilespmem:s25], [sflag:$0x9] =	stream.linear.gather [hbm4b:s14+s10], $0x200, $0x38;
	[tilespmem:$0x13A10] =	vst v63  }
0x15: {  	_ =	swait.ge [sflag:s29], $0x200  }
0x16: {  	[sflag:s29] =	ssyncset.done $0x0  }
0x17: {  	s20 =	rddreg [dreg:$0xb];
	[sflag:s29] =	ssyncadd.s32 $0xFFFFFE00  }
0x18: {  	s14 =	simm.s32 @!p0 $0x1C09;
	s17 =	rddreg [dreg:$0x0]  }
0x19: {  	[spmem:s20], [sflag:s14] =	dma.local @!p0 [hbm:s17], $0x4010  }
0x1a: {  	s17 =	simm.s32 @!p0 $0x9  }
0x1b: {  	_ =	swait.ge @!p0 [sflag:s17], $0x4010  }
0x1c: {  	[sflag:s17] =	ssyncset.done @!p0 $0x0  }
0x1d: {  	s21 =	rddreg [dreg:$0xc];
	[sflag:s17] =	ssyncadd.s32 @!p0 $0xFFFFBFF0  }
0x1e: {  	s20 =	rddreg [dreg:$0x1]  }
0x1f: {  	[spmem:s21], [sflag:s14] =	dma.local @!p0 [hbm:s20], $0x4010  }
0x20: {  	_ =	swait.ge @!p0 [sflag:s17], $0x4010  }
0x21: {  	[sflag:s17] =	ssyncset.done @!p0 $0x0  }
0x22: {  	[sflag:s17] =	ssyncadd.s32 @!p0 $0xFFFFBFF0  }
0x23: {  	s14 =	simm.s32 $0x0;
	[bflag:$0x0] =	sbarrier.arrive $0xFFFF  }
.LBB2_2:
0x24: {  	s17 =	sshll.u32 s14, $0xA  }
0x25: {  	s17 =	sor.u32 s11, s17  }
0x26: {  	s20 =	sshrl.u32 s17, $0x3  }
0x27: {  	s17 =	simm.s32 $0x0;
	s21 =	sadd.s32 s2, s20  }
0x28: {  	[tilespmem:s17], [sflag:$0x1] =	stream.linear.gather [hbm4b:s21+s17], $0x200, $0x38;
	[tilespmem:$0x13A10] =	vst v63  }
0x29: {  	s22 =	sadd.s32 s3, s20;
	s21 =	simm.s32 $0x200  }
0x2a: {  	[tilespmem:s21], [sflag:$0x1] =	stream.linear.gather [hbm4b:s22+s17], $0x200, $0x38;
	[tilespmem:$0x13A10] =	vst v63  }
0x2b: {  	s24 =	simm.s32 $0x400;
	s29 =	sadd.s32 s4, s20  }
0x2c: {  	[tilespmem:s24], [sflag:$0x1] =	stream.linear.gather [hbm4b:s29+s17], $0x200, $0x38;
	[tilespmem:$0x13A10] =	vst v63  }
0x2d: {  	_ =	swait.ge [sflag:s18], $0x200  }
0x2e: {  	[sflag:s18] =	ssyncset.done $0x0  }
0x2f: {  	[sflag:s18] =	ssyncadd.s32 $0xFFFFFE00  }
0x30: {  	_ =	swait.ge [sflag:s18], $0x200  }
0x31: {  	[sflag:s18] =	ssyncset.done $0x0  }
0x32: {  	[sflag:s18] =	ssyncadd.s32 $0xFFFFFE00  }
0x33: {  	_ =	swait.ge [sflag:s18], $0x200  }
0x34: {  	[sflag:s18] =	ssyncset.done $0x0  }
0x35: {  	s22 =	simm.s32 $0x600;
	s24 =	simm.s32 $0x0;
	[sflag:s18] =	ssyncadd.s32 $0xFFFFFE00  }
.LBB2_3:
0x36: {  	v2 =	vld [tilespmem:s17+$0x0]  }
0x37: {  	v3 =	vld [tilespmem:s21+$0x0];
	_ =	sdelay $0x3  }
0x38: {  	v4 =	vadd.s32 $0x7FE, v2;
	v5 =	vadd.s32 $0xFFFFFFFF, v2;
	v6 =	vand.u32 $0x7FF, v2  }
0x39: {  	v7 =	vshll.u32 v3, $0xB;
	v8 =	vadd.s32 $0x1, v2;
	v9 =	vadd.s32 $0xFFFFFFBE, v3  }
0x3a: {  	v2 =	vadd.s32 $0x2, v2;
	v4 =	vand.u32 $0x7FF, v4;
	v10 =	vadd.s32 $0xFFFFF000, v7  }
0x3b: {  	v5 =	vand.u32 $0x7FF, v5;
	vm0 =	vlt.u32 v9, $0xFFFFFFC0;
	v25 =	vor.u32 v10, v4  }
0x3c: {  	v31 =	vadd.s32 $0xFFFFFFBF, v3;
	v11 =	vor.u32 v10, v5;
	v9 =	vsel vm0, $0x20000, v25  }
0x3d: {  	s25 =	sand.u32 $0x1F0, s24;
	v8 =	vand.u32 $0x7FF, v8;
	v27 =	vor.u32 v6, v10;
	v26 =	vsel vm0, $0x20000, v11;
	[tilespmem:s22+$0x0] =	vst v9  }
0x3e: {  	v2 =	vand.u32 $0x7FF, v2;
	v12 =	vor.u32 v10, v8;
	v28 =	vsel vm0, $0x20000, v27;
	[tilespmem:s25+$0x800] =	vst v26  }
0x3f: {  	v32 =	vadd.s32 $0xFFFFF800, v7;
	v30 =	vor.u32 v10, v2;
	v29 =	vsel vm0, $0x20000, v12;
	[tilespmem:s25+$0xA00] =	vst v28  }
0x40: {  	vm12 =	vlt.u32 v31, $0xFFFFFFC0;
	v33 =	vor.u32 v32, v4;
	v9 =	vsel vm0, $0x20000, v30;
	[tilespmem:s25+$0xC00] =	vst v29  }
0x41: {  	v35 =	vor.u32 v32, v5;
	v34 =	vsel vm12, $0x20000, v33;
	[tilespmem:s25+$0xE00] =	vst v9  }
0x42: {  	v37 =	vor.u32 v6, v32;
	v36 =	vsel vm12, $0x20000, v35;
	[tilespmem:s25+$0x1000] =	vst v34  }
0x43: {  	v39 =	vor.u32 v32, v8;
	v38 =	vsel vm12, $0x20000, v37;
	[tilespmem:s25+$0x1200] =	vst v36  }
0x44: {  	v41 =	vor.u32 v32, v2;
	v40 =	vsel vm12, $0x20000, v39;
	[tilespmem:s25+$0x1400] =	vst v38  }
0x45: {  	vm13 =	vgt.u32 v3, $0x3F;
	v43 =	vor.u32 v7, v4;
	v42 =	vsel vm12, $0x20000, v41;
	[tilespmem:s25+$0x1600] =	vst v40  }
0x46: {  	v50 =	vadd.s32 $0xFFFFFFC1, v3;
	v45 =	vor.u32 v7, v5;
	v44 =	vsel vm13, $0x20000, v43;
	[tilespmem:s25+$0x1800] =	vst v42  }
0x47: {  	v51 =	vadd.s32 $0x800, v7;
	v46 =	vor.u32 v7, v8;
	v47 =	vsel vm13, $0x20000, v45;
	[tilespmem:s25+$0x1A00] =	vst v44  }
0x48: {  	vm14 =	vlt.u32 v50, $0xFFFFFFC0;
	v52 =	vor.u32 v51, v4;
	v48 =	vsel vm13, $0x20000, v46;
	[tilespmem:s25+$0x1C00] =	vst v47  }
0x49: {  	v3 =	vadd.s32 $0xFFFFFFC2, v3;
	v54 =	vor.u32 v51, v5;
	v53 =	vsel vm14, $0x20000, v52;
	[tilespmem:s25+$0x1E00] =	vst v48  }
0x4a: {  	v49 =	vor.u32 v7, v2;
	v56 =	vor.u32 v6, v51;
	v55 =	vsel vm14, $0x20000, v54;
	[tilespmem:s25+$0x2200] =	vst v53  }
0x4b: {  	v57 =	vor.u32 v51, v8;
	v7 =	vadd.s32 $0x1000, v7;
	v58 =	vsel vm14, $0x20000, v56;
	[tilespmem:s25+$0x2400] =	vst v55  }
0x4c: {  	vm15 =	vlt.u32 v3, $0xFFFFFFC0;
	v59 =	vsel vm14, $0x20000, v57;
	v3 =	vor.u32 v7, v4;
	[tilespmem:s25+$0x2600] =	vst v58  }
0x4d: {  	v60 =	vor.u32 v51, v2;
	v2 =	vor.u32 v7, v2;
	v3 =	vsel vm15, $0x20000, v3;
	[tilespmem:s25+$0x2800] =	vst v59  }
0x4e: {  	v2 =	vsel vm15, $0x20000, v2;
	[tilespmem:s25+$0x2C00] =	vst v3  }
0x4f: {  	p1 =	sne.s32 s24, $0x1F0;
	v61 =	vor.u32 v7, v5;
	v9 =	vsel vm13, $0x20000, v49;
	[tilespmem:s25+$0x3400] =	vst v2  }
.Ltmp0:
0x50: {  	v3 =	vsel vm15, $0x20000, v61;
	[tilespmem:s25+$0x2000] =	vst v9;
	(pc) =	sbr.rel @p1 .LBB2_3-.Ltmp0, $4  }
0x51: {  	v62 =	vor.u32 v6, v7;
	v9 =	vsel vm14, $0x20000, v60;
	[tilespmem:s25+$0x2E00] =	vst v3  }
0x52: {  	v63 =	vor.u32 v7, v8;
	v3 =	vsel vm15, $0x20000, v62;
	[tilespmem:s25+$0x2A00] =	vst v9  }
0x53: {  	s21 =	sadd.s32 $0x10, s21;
	[tilespmem:s25+$0x3000] =	vst v3;
	v3 =	vsel vm15, $0x20000, v63  }
0x54: {  	s17 =	sadd.s32 $0x10, s17;
	s24 =	sadd.s32 $0x10, s24;
	s22 =	sadd.s32 $0x10, s22;
	[tilespmem:s25+$0x3200] =	vst v3  }
0x55: {  	s17 =	simm.s32 $0x600;
	s21 =	simm.s32 $0x3600  }
0x56: {  	[tilespmem:s21], [sflag:$0x2] =	stream.indirect.gather [spmem:s8], $0x1, s17, s19, $0xb8;
	[tilespmem:$0x13A10] =	vst v63  }
0x57: {  	s17 =	sor.u32 $0x40, s20  }
0x58: {  	s22 =	simm.s32 $0x7C00;
	s21 =	simm.s32 $0x0;
	s24 =	sadd.s32 s2, s17  }
0x59: {  	[tilespmem:s22], [sflag:$0x5] =	stream.linear.gather [hbm4b:s24+s21], $0x200, $0x38;
	[tilespmem:$0x13A10] =	vst v63  }
0x5a: {  	s25 =	sadd.s32 s3, s17;
	s24 =	simm.s32 $0x7E00  }
0x5b: {  	[tilespmem:s24], [sflag:$0x5] =	stream.linear.gather [hbm4b:s25+s21], $0x200, $0x38;
	[tilespmem:$0x13A10] =	vst v63  }
0x5c: {  	s29 =	simm.s32 $0x8000;
	s25 =	sadd.s32 s4, s17  }
0x5d: {  	[tilespmem:s29], [sflag:$0x5] =	stream.linear.gather [hbm4b:s25+s21], $0x200, $0x38;
	[tilespmem:$0x13A10] =	vst v63  }
0x5e: {  	_ =	swait.ge [sflag:s23], $0x200  }
0x5f: {  	[sflag:s23] =	ssyncset.done $0x0  }
0x60: {  	[sflag:s23] =	ssyncadd.s32 $0xFFFFFE00  }
0x61: {  	_ =	swait.ge [sflag:s23], $0x200  }
0x62: {  	[sflag:s23] =	ssyncset.done $0x0  }
0x63: {  	[sflag:s23] =	ssyncadd.s32 $0xFFFFFE00  }
0x64: {  	_ =	swait.ge [sflag:s23], $0x200  }
0x65: {  	[sflag:s23] =	ssyncset.done $0x0  }
0x66: {  	s25 =	simm.s32 $0x8200;
	[sflag:s23] =	ssyncadd.s32 $0xFFFFFE00  }
.LBB2_5:
0x67: {  	v2 =	vld [tilespmem:s22+$0x0]  }
0x68: {  	v3 =	vld [tilespmem:s24+$0x0];
	_ =	sdelay $0x3  }
0x69: {  	v4 =	vadd.s32 $0x7FE, v2;
	v5 =	vadd.s32 $0xFFFFFFFF, v2;
	v6 =	vand.u32 $0x7FF, v2  }
0x6a: {  	v7 =	vshll.u32 v3, $0xB;
	v8 =	vadd.s32 $0x1, v2;
	v9 =	vadd.s32 $0xFFFFFFBE, v3  }
0x6b: {  	v2 =	vadd.s32 $0x2, v2;
	v4 =	vand.u32 $0x7FF, v4;
	v10 =	vadd.s32 $0xFFFFF000, v7  }
0x6c: {  	v5 =	vand.u32 $0x7FF, v5;
	vm0 =	vlt.u32 v9, $0xFFFFFFC0;
	v25 =	vor.u32 v10, v4  }
0x6d: {  	v31 =	vadd.s32 $0xFFFFFFBF, v3;
	v11 =	vor.u32 v10, v5;
	v9 =	vsel vm0, $0x20000, v25  }
0x6e: {  	s29 =	sand.u32 $0x1F0, s21;
	v8 =	vand.u32 $0x7FF, v8;
	v27 =	vor.u32 v6, v10;
	v26 =	vsel vm0, $0x20000, v11;
	[tilespmem:s25+$0x0] =	vst v9  }
0x6f: {  	v2 =	vand.u32 $0x7FF, v2;
	v12 =	vor.u32 v10, v8;
	v28 =	vsel vm0, $0x20000, v27;
	[tilespmem:s29+$0x8400] =	vst v26  }
0x70: {  	v32 =	vadd.s32 $0xFFFFF800, v7;
	v30 =	vor.u32 v10, v2;
	v29 =	vsel vm0, $0x20000, v12;
	[tilespmem:s29+$0x8600] =	vst v28  }
0x71: {  	vm12 =	vlt.u32 v31, $0xFFFFFFC0;
	v33 =	vor.u32 v32, v4;
	v9 =	vsel vm0, $0x20000, v30;
	[tilespmem:s29+$0x8800] =	vst v29  }
0x72: {  	v35 =	vor.u32 v32, v5;
	v34 =	vsel vm12, $0x20000, v33;
	[tilespmem:s29+$0x8A00] =	vst v9  }
0x73: {  	v37 =	vor.u32 v6, v32;
	v36 =	vsel vm12, $0x20000, v35;
	[tilespmem:s29+$0x8C00] =	vst v34  }
0x74: {  	v39 =	vor.u32 v32, v8;
	v38 =	vsel vm12, $0x20000, v37;
	[tilespmem:s29+$0x8E00] =	vst v36  }
0x75: {  	v41 =	vor.u32 v32, v2;
	v40 =	vsel vm12, $0x20000, v39;
	[tilespmem:s29+$0x9000] =	vst v38  }
0x76: {  	vm13 =	vgt.u32 v3, $0x3F;
	v43 =	vor.u32 v7, v4;
	v42 =	vsel vm12, $0x20000, v41;
	[tilespmem:s29+$0x9200] =	vst v40  }
0x77: {  	v50 =	vadd.s32 $0xFFFFFFC1, v3;
	v45 =	vor.u32 v7, v5;
	v44 =	vsel vm13, $0x20000, v43;
	[tilespmem:s29+$0x9400] =	vst v42  }
0x78: {  	v51 =	vadd.s32 $0x800, v7;
	v46 =	vor.u32 v7, v8;
	v47 =	vsel vm13, $0x20000, v45;
	[tilespmem:s29+$0x9600] =	vst v44  }
0x79: {  	vm14 =	vlt.u32 v50, $0xFFFFFFC0;
	v52 =	vor.u32 v51, v4;
	v48 =	vsel vm13, $0x20000, v46;
	[tilespmem:s29+$0x9800] =	vst v47  }
0x7a: {  	v3 =	vadd.s32 $0xFFFFFFC2, v3;
	v54 =	vor.u32 v51, v5;
	v53 =	vsel vm14, $0x20000, v52;
	[tilespmem:s29+$0x9A00] =	vst v48  }
0x7b: {  	v49 =	vor.u32 v7, v2;
	v56 =	vor.u32 v6, v51;
	v55 =	vsel vm14, $0x20000, v54;
	[tilespmem:s29+$0x9E00] =	vst v53  }
0x7c: {  	v57 =	vor.u32 v51, v8;
	v7 =	vadd.s32 $0x1000, v7;
	v58 =	vsel vm14, $0x20000, v56;
	[tilespmem:s29+$0xA000] =	vst v55  }
0x7d: {  	vm15 =	vlt.u32 v3, $0xFFFFFFC0;
	v59 =	vsel vm14, $0x20000, v57;
	v3 =	vor.u32 v7, v4;
	[tilespmem:s29+$0xA200] =	vst v58  }
0x7e: {  	v60 =	vor.u32 v51, v2;
	v2 =	vor.u32 v7, v2;
	v3 =	vsel vm15, $0x20000, v3;
	[tilespmem:s29+$0xA400] =	vst v59  }
0x7f: {  	v2 =	vsel vm15, $0x20000, v2;
	[tilespmem:s29+$0xA800] =	vst v3  }
0x80: {  	p1 =	sne.s32 s21, $0x1F0;
	v61 =	vor.u32 v7, v5;
	v9 =	vsel vm13, $0x20000, v49;
	[tilespmem:s29+$0xB000] =	vst v2  }
.Ltmp1:
0x81: {  	v3 =	vsel vm15, $0x20000, v61;
	[tilespmem:s29+$0x9C00] =	vst v9;
	(pc) =	sbr.rel @p1 .LBB2_5-.Ltmp1, $4  }
0x82: {  	v62 =	vor.u32 v6, v7;
	v9 =	vsel vm14, $0x20000, v60;
	[tilespmem:s29+$0xAA00] =	vst v3  }
0x83: {  	v63 =	vor.u32 v7, v8;
	v3 =	vsel vm15, $0x20000, v62;
	[tilespmem:s29+$0xA600] =	vst v9  }
0x84: {  	s24 =	sadd.s32 $0x10, s24;
	[tilespmem:s29+$0xAC00] =	vst v3;
	v3 =	vsel vm15, $0x20000, v63  }
0x85: {  	s22 =	sadd.s32 $0x10, s22;
	s21 =	sadd.s32 $0x10, s21;
	s25 =	sadd.s32 $0x10, s25;
	[tilespmem:s29+$0xAE00] =	vst v3  }
0x86: {  	s21 =	simm.s32 $0x8200;
	s22 =	simm.s32 $0xB200  }
0x87: {  	[tilespmem:s22], [sflag:$0x6] =	stream.indirect.gather [spmem:s8], $0x1, s21, s19, $0xb8;
	[tilespmem:$0x13A10] =	vst v63  }
0x88: {  	_ =	swait.ge [sflag:s26], $0x3000  }
0x89: {  	[sflag:s26] =	ssyncset.done $0x0  }
0x8a: {  	s21 =	simm.s32 $0x0;
	[sflag:s26] =	ssyncadd.s32 $0xFFFFD000  }
.LBB2_7:
0x8b: {  	s22 =	sshra.s32 s21, $0x2;
	v4 =	vld [tilespmem:$0xF800]  }
0x8c: {  	v2 =	vld [tilespmem:s22+$0x400]  }
0x8d: {  	v3 =	vld [tilespmem:s22+$0x3600]  }
0x8e: {  	v5 =	vld [tilespmem:s22+$0x3800]  }
0x8f: {  	v7 =	vld [tilespmem:s22+$0x3A00]  }
0x90: {  	v43 =	vld [tilespmem:s22+$0x3E00]  }
0x91: {  	v16 =	vld [tilespmem:s22+$0x4000]  }
0x92: {  	v50 =	vld [tilespmem:s22+$0x4200]  }
0x93: {  	v6 =	vld [tilespmem:$0xF810]  }
0x94: {  	v44 =	vld [tilespmem:$0xF840];
	v3 =	vsub.f32 v3, v2  }
0x95: {  	v33 =	vld [tilespmem:$0xF820];
	v34 =	vsub.f32 v7, v2;
	v7 =	vsub.f32 v43, v2  }
0x96: {  	v32 =	vsub.f32 v5, v2;
	v16 =	vsub.f32 v16, v2  }
0x97: {  	v8 =	vld [tilespmem:s22+$0x600];
	v54 =	vsub.f32 v50, v2;
	v3 =	vand.u32 $0x7FFFFFFF, v3;
	v7 =	vand.u32 $0x7FFFFFFF, v7  }
0x98: {  	v49 =	vand.u32 $0x7FFFFFFF, v16;
	v3 =	vmul.f32 v3, v4;
	v4 =	vand.u32 $0x7FFFFFFF, v32  }
0x99: {  	v36 =	vld [tilespmem:s22+$0x3C00];
	v7 =	vmul.f32 v7, v44;
	v4 =	vmul.f32 v4, v6;
	v6 =	vand.u32 $0x7FFFFFFF, v34  }
0x9a: {  	v9 =	vld [tilespmem:s22+$0x800];
	vm0 =	vlt.f32 v3, $+Inf;
	vm1 =	vgt.f32 v3, $+Inf;
	v37 =	vmul.f32 v6, v33  }
0x9b: {  	vm0 =	vmor vm1, vm0;
	vm13 =	vlt.f32 v4, $+Inf;
	vm14 =	vgt.f32 v4, $+Inf  }
0x9c: {  	v40 =	vld [tilespmem:$0xF830];
	v3 =	vnsel vm0, $0x7F800000, v3;
	v35 =	vnsel vm0, $0x0, v8;
	vm0 =	vmor vm14, vm13  }
0x9d: {  	v10 =	vld [tilespmem:s22+$0xA00];
	vm7 =	vlt.f32 v37, $+Inf;
	vm3 =	vgt.f32 v37, $+Inf;
	vm2 =	vlt.f32 v4, v3  }
0x9e: {  	v8 =	vsub.f32 v36, v2;
	v11 =	vsel vm2, v4, v3;
	v3 =	vsel vm2, v3, v4  }
0x9f: {  	v38 =	vsel vm2, v9, v35;
	v39 =	vsel vm2, v35, v9;
	vm2 =	vmor vm3, vm7  }
0xa0: {  	v8 =	vand.u32 $0x7FFFFFFF, v8;
	v3 =	vnsel vm0, $0x7F800000, v3;
	v6 =	vnsel vm0, $0x0, v39  }
0xa1: {  	vm15 =	vlt.f32 v37, v11;
	v42 =	vmul.f32 v8, v40;
	vm6 =	vlt.f32 v37, v3  }
0xa2: {  	v13 =	vld [tilespmem:s22+$0xC00];
	v41 =	vsel vm15, v37, v11;
	v12 =	vsel vm15, v10, v38;
	v11 =	vsel vm15, v11, v37  }
0xa3: {  	v5 =	vsel vm15, v38, v10;
	v11 =	vsel vm6, v11, v3;
	v3 =	vsel vm6, v3, v37  }
0xa4: {  	v5 =	vsel vm6, v5, v6;
	v6 =	vsel vm6, v6, v10;
	vm8 =	vlt.f32 v42, v41  }
0xa5: {  	vm11 =	vlt.f32 v42, $+Inf;
	vm4 =	vgt.f32 v42, $+Inf;
	v3 =	vnsel vm2, $0x7F800000, v3  }
0xa6: {  	v6 =	vnsel vm2, $0x0, v6;
	vm9 =	vlt.f32 v42, v11;
	vm3 =	vmor vm4, vm11  }
0xa7: {  	v15 =	vld [tilespmem:s22+$0xE00];
	v45 =	vsel vm8, v42, v41;
	v14 =	vsel vm8, v13, v12;
	v9 =	vsel vm8, v41, v42  }
0xa8: {  	v47 =	vld [tilespmem:$0xF850];
	v12 =	vsel vm8, v12, v13;
	vm10 =	vlt.f32 v42, v3;
	v9 =	vsel vm9, v9, v11  }
0xa9: {  	v12 =	vsel vm9, v12, v5;
	v11 =	vsel vm9, v11, v42;
	v5 =	vsel vm9, v5, v13  }
0xaa: {  	vm12 =	vlt.f32 v7, v45;
	v11 =	vsel vm10, v11, v3;
	v3 =	vsel vm10, v3, v42  }
0xab: {  	v46 =	vsel vm10, v6, v13;
	v5 =	vsel vm10, v5, v6;
	vm13 =	vlt.f32 v7, v9  }
0xac: {  	v8 =	vsel vm12, v7, v45;
	v48 =	vsel vm12, v15, v14;
	v10 =	vsel vm12, v45, v7  }
0xad: {  	v14 =	vsel vm12, v14, v15;
	v6 =	vmul.f32 v49, v47;
	v3 =	vnsel vm3, $0x7F800000, v3  }
0xae: {  	v4 =	vnsel vm3, $0x0, v46;
	vm14 =	vlt.f32 v7, v11;
	v10 =	vsel vm13, v10, v9  }
0xaf: {  	v51 =	vld [tilespmem:s22+$0x1000];
	v14 =	vsel vm13, v14, v12;
	v9 =	vsel vm13, v9, v7;
	v12 =	vsel vm13, v12, v15  }
0xb0: {  	vm15 =	vlt.f32 v7, v3;
	v9 =	vsel vm14, v9, v11;
	v7 =	vsel vm14, v11, v7  }
0xb1: {  	v15 =	vsel vm14, v5, v15;
	v5 =	vsel vm14, v12, v5;
	vm6 =	vlt.f32 v6, v8  }
0xb2: {  	v52 =	vld [tilespmem:$0xF860];
	vm7 =	vlt.f32 v6, v10;
	v3 =	vsel vm15, v7, v3;
	v4 =	vsel vm15, v15, v4  }
0xb3: {  	vm8 =	vlt.f32 v6, v9;
	v53 =	vsel vm6, v6, v8;
	v8 =	vsel vm6, v8, v6  }
0xb4: {  	v56 =	vld [tilespmem:s22+$0x4400];
	v55 =	vsel vm6, v48, v51;
	v13 =	vsel vm6, v51, v48;
	v15 =	vand.u32 $0x7FFFFFFF, v54  }
0xb5: {  	vm9 =	vlt.f32 v6, v3;
	v8 =	vsel vm7, v8, v10;
	v10 =	vsel vm7, v10, v6  }
0xb6: {  	v57 =	vld [tilespmem:s22+$0x1200];
	v6 =	vsel vm8, v9, v6;
	v16 =	vsel vm7, v55, v14;
	v14 =	vsel vm7, v14, v51  }
0xb7: {  	v11 =	vsel vm8, v5, v51;
	v7 =	vmul.f32 v15, v52;
	v10 =	vsel vm8, v10, v9  }
0xb8: {  	v58 =	vld [tilespmem:$0xF870];
	v5 =	vsel vm8, v14, v5;
	v3 =	vsel vm9, v6, v3;
	v4 =	vsel vm9, v11, v4  }
0xb9: {  	v9 =	vsub.f32 v56, v2;
	vm10 =	vlt.f32 v7, v53;
	vm11 =	vlt.f32 v7, v8  }
0xba: {  	v62 =	vld [tilespmem:s22+$0x4600];
	vm12 =	vlt.f32 v7, v10;
	vm13 =	vlt.f32 v7, v3;
	v59 =	vsel vm10, v53, v7  }
0xbb: {  	v12 =	vsel vm10, v7, v53;
	v9 =	vand.u32 $0x7FFFFFFF, v9;
	v61 =	vsel vm10, v57, v13  }
0xbc: {  	v60 =	vld [tilespmem:s22+$0x1400];
	v13 =	vsel vm10, v13, v57;
	v15 =	vsel vm12, v5, v57;
	v11 =	vsel vm11, v59, v8  }
0xbd: {  	v23 =	vld [tilespmem:s22+$0x4800];
	v8 =	vsel vm11, v8, v7;
	v7 =	vsel vm12, v10, v7;
	v6 =	vmul.f32 v9, v58  }
0xbe: {  	v13 =	vsel vm11, v13, v16;
	v16 =	vsel vm11, v16, v57;
	v4 =	vsel vm13, v15, v4  }
0xbf: {  	v63 =	vld [tilespmem:$0xF880];
	v9 =	vsub.f32 v62, v2;
	v8 =	vsel vm12, v8, v10;
	v5 =	vsel vm12, v16, v5  }
0xc0: {  	v3 =	vsel vm13, v7, v3;
	vm14 =	vlt.f32 v6, v12;
	vm15 =	vlt.f32 v6, v11  }
0xc1: {  	vm6 =	vlt.f32 v6, v8;
	vm7 =	vlt.f32 v6, v3;
	v22 =	vand.u32 $0x7FFFFFFF, v9  }
0xc2: {  	v9 =	vsub.f32 v23, v2;
	v20 =	vsel vm14, v6, v12;
	v21 =	vsel vm14, v60, v61  }
0xc3: {  	v25 =	vld [tilespmem:$0xF890];
	v12 =	vsel vm14, v12, v6;
	v14 =	vsel vm14, v61, v60;
	v10 =	vsel vm6, v5, v60  }
0xc4: {  	v7 =	vmul.f32 v22, v63;
	v12 =	vsel vm15, v12, v11;
	v14 =	vsel vm15, v14, v13  }
0xc5: {  	v24 =	vld [tilespmem:s22+$0x1600];
	v11 =	vsel vm15, v11, v6;
	v6 =	vsel vm6, v8, v6;
	v13 =	vsel vm15, v13, v60  }
0xc6: {  	v4 =	vsel vm7, v10, v4;
	v9 =	vand.u32 $0x7FFFFFFF, v9;
	v11 =	vsel vm6, v11, v8  }
0xc7: {  	v5 =	vsel vm6, v13, v5;
	v3 =	vsel vm7, v6, v3;
	vm8 =	vlt.f32 v7, v20  }
0xc8: {  	vm9 =	vlt.f32 v7, v12;
	v6 =	vmul.f32 v9, v25;
	vm10 =	vlt.f32 v7, v11  }
0xc9: {  	v29 =	vld [tilespmem:s22+$0x4A00];
	vm11 =	vlt.f32 v7, v3;
	v26 =	vsel vm8, v7, v20;
	v27 =	vsel vm8, v20, v7  }
0xca: {  	v30 =	vld [tilespmem:s22+$0x1800];
	v28 =	vsel vm8, v21, v24;
	v16 =	vsel vm8, v24, v21;
	v13 =	vsel vm9, v27, v12  }
0xcb: {  	v12 =	vsel vm9, v12, v7;
	v7 =	vsel vm10, v11, v7;
	v15 =	vsel vm9, v28, v14  }
0xcc: {  	v14 =	vsel vm9, v14, v24;
	v8 =	vsel vm10, v5, v24;
	vm12 =	vlt.f32 v6, v26  }
0xcd: {  	v12 =	vsel vm10, v12, v11;
	v5 =	vsel vm10, v14, v5;
	v3 =	vsel vm11, v7, v3  }
0xce: {  	v31 =	vld [tilespmem:$0xF8A0];
	v4 =	vsel vm11, v8, v4;
	vm13 =	vlt.f32 v6, v13;
	v32 =	vsel vm12, v26, v6  }
0xcf: {  	v35 =	vld [tilespmem:s22+$0x4C00];
	v11 =	vsub.f32 v29, v2;
	v10 =	vsel vm12, v6, v26;
	v34 =	vsel vm12, v30, v16  }
0xd0: {  	v16 =	vsel vm12, v16, v30;
	vm14 =	vlt.f32 v6, v12;
	vm15 =	vlt.f32 v6, v3  }
0xd1: {  	v8 =	vsel vm13, v32, v13;
	v13 =	vsel vm13, v13, v6;
	v16 =	vsel vm13, v16, v15  }
0xd2: {  	v33 =	vld [tilespmem:s22+$0x1A00];
	v15 =	vsel vm13, v15, v30;
	v13 =	vsel vm14, v13, v12;
	v11 =	vand.u32 $0x7FFFFFFF, v11  }
0xd3: {  	v36 =	vld [tilespmem:$0xF8B0];
	v6 =	vsel vm14, v12, v6;
	v9 =	vsel vm14, v5, v30;
	v7 =	vmul.f32 v11, v31  }
0xd4: {  	v5 =	vsel vm14, v15, v5;
	v3 =	vsel vm15, v6, v3;
	v11 =	vsub.f32 v35, v2  }
0xd5: {  	v4 =	vsel vm15, v9, v4;
	vm6 =	vlt.f32 v7, v10;
	vm7 =	vlt.f32 v7, v8  }
0xd6: {  	vm8 =	vlt.f32 v7, v13;
	vm9 =	vlt.f32 v7, v3;
	v11 =	vand.u32 $0x7FFFFFFF, v11  }
0xd7: {  	v39 =	vld [tilespmem:s22+$0x4E00];
	v37 =	vsel vm6, v7, v10;
	v38 =	vsel vm6, v33, v34;
	v10 =	vsel vm6, v10, v7  }
0xd8: {  	v14 =	vsel vm6, v34, v33;
	v12 =	vsel vm8, v5, v33;
	v6 =	vmul.f32 v11, v36  }
0xd9: {  	v40 =	vld [tilespmem:s22+$0x1C00];
	v10 =	vsel vm7, v10, v8;
	v14 =	vsel vm7, v14, v16;
	v8 =	vsel vm7, v8, v7  }
0xda: {  	v7 =	vsel vm8, v13, v7;
	v16 =	vsel vm7, v16, v33;
	v4 =	vsel vm9, v12, v4  }
0xdb: {  	v8 =	vsel vm8, v8, v13;
	v5 =	vsel vm8, v16, v5;
	v3 =	vsel vm9, v7, v3  }
0xdc: {  	v41 =	vld [tilespmem:$0xF8D0];
	vm10 =	vlt.f32 v6, v37;
	vm11 =	vlt.f32 v6, v10;
	v13 =	vsub.f32 v39, v2  }
0xdd: {  	v44 =	vld [tilespmem:s22+$0x5000];
	vm12 =	vlt.f32 v6, v8;
	vm13 =	vlt.f32 v6, v3;
	v42 =	vsel vm10, v6, v37  }
0xde: {  	v9 =	vsel vm10, v37, v6;
	v43 =	vsel vm10, v38, v40;
	v15 =	vsel vm10, v40, v38  }
0xdf: {  	v9 =	vsel vm11, v9, v10;
	v10 =	vsel vm11, v10, v6;
	v6 =	vsel vm12, v8, v6  }
0xe0: {  	v45 =	vld [tilespmem:s22+$0x1E00];
	v16 =	vsel vm11, v43, v14;
	v13 =	vand.u32 $0x7FFFFFFF, v13;
	v14 =	vsel vm11, v14, v40  }
0xe1: {  	v46 =	vld [tilespmem:$0xF8E0];
	v11 =	vsel vm12, v5, v40;
	v10 =	vsel vm12, v10, v8;
	v7 =	vmul.f32 v13, v41  }
0xe2: {  	v50 =	vld [tilespmem:s22+$0x5200];
	v5 =	vsel vm12, v14, v5;
	v3 =	vsel vm13, v6, v3;
	v8 =	vsub.f32 v44, v2  }
0xe3: {  	v4 =	vsel vm13, v11, v4;
	vm14 =	vlt.f32 v7, v42;
	vm15 =	vlt.f32 v7, v9  }
0xe4: {  	vm6 =	vlt.f32 v7, v10;
	vm7 =	vlt.f32 v7, v3;
	v8 =	vand.u32 $0x7FFFFFFF, v8  }
0xe5: {  	v47 =	vsel vm14, v42, v7;
	v12 =	vsel vm14, v7, v42;
	v49 =	vsel vm14, v45, v15  }
0xe6: {  	v15 =	vsel vm14, v15, v45;
	v6 =	vmul.f32 v8, v46;
	v13 =	vsel vm6, v5, v45  }
0xe7: {  	v48 =	vld [tilespmem:s22+$0x2000];
	v8 =	vsub.f32 v50, v2;
	v11 =	vsel vm15, v47, v9;
	v9 =	vsel vm15, v9, v7  }
0xe8: {  	v51 =	vld [tilespmem:$0xF8F0];
	v7 =	vsel vm6, v10, v7;
	v15 =	vsel vm15, v15, v16;
	v16 =	vsel vm15, v16, v45  }
0xe9: {  	v4 =	vsel vm7, v13, v4;
	v9 =	vsel vm6, v9, v10;
	v5 =	vsel vm6, v16, v5  }
0xea: {  	v3 =	vsel vm7, v7, v3;
	vm8 =	vlt.f32 v6, v12;
	vm9 =	vlt.f32 v6, v11  }
0xeb: {  	v8 =	vand.u32 $0x7FFFFFFF, v8;
	vm10 =	vlt.f32 v6, v9;
	vm11 =	vlt.f32 v6, v3  }
0xec: {  	v54 =	vld [tilespmem:s22+$0x5400];
	v52 =	vsel vm8, v6, v12;
	v53 =	vsel vm8, v48, v49;
	v12 =	vsel vm8, v12, v6  }
0xed: {  	v14 =	vsel vm8, v49, v48;
	v7 =	vmul.f32 v8, v51;
	v12 =	vsel vm9, v12, v11  }
0xee: {  	v55 =	vld [tilespmem:s22+$0x2200];
	v14 =	vsel vm9, v14, v15;
	v11 =	vsel vm9, v11, v6;
	v6 =	vsel vm10, v9, v6  }
0xef: {  	v15 =	vsel vm9, v15, v48;
	v10 =	vsel vm10, v5, v48;
	v11 =	vsel vm10, v11, v9  }
0xf0: {  	v5 =	vsel vm10, v15, v5;
	v3 =	vsel vm11, v6, v3;
	v4 =	vsel vm11, v10, v4  }
0xf1: {  	v56 =	vld [tilespmem:$0xF900];
	vm12 =	vlt.f32 v7, v52;
	vm13 =	vlt.f32 v7, v12;
	v9 =	vsub.f32 v54, v2  }
0xf2: {  	v59 =	vld [tilespmem:s22+$0x5600];
	vm14 =	vlt.f32 v7, v11;
	vm15 =	vlt.f32 v7, v3;
	v57 =	vsel vm12, v7, v52  }
0xf3: {  	v13 =	vsel vm12, v52, v7;
	v58 =	vsel vm12, v53, v55;
	v16 =	vsel vm12, v55, v53  }
0xf4: {  	v13 =	vsel vm13, v13, v12;
	v12 =	vsel vm13, v12, v7;
	v7 =	vsel vm14, v11, v7  }
0xf5: {  	v60 =	vld [tilespmem:s22+$0x2400];
	v15 =	vsel vm13, v58, v14;
	v9 =	vand.u32 $0x7FFFFFFF, v9;
	v14 =	vsel vm13, v14, v55  }
0xf6: {  	v61 =	vld [tilespmem:$0xF910];
	v8 =	vsel vm14, v5, v55;
	v12 =	vsel vm14, v12, v11;
	v6 =	vmul.f32 v9, v56  }
0xf7: {  	v21 =	vld [tilespmem:s22+$0x5800];
	v5 =	vsel vm14, v14, v5;
	v3 =	vsel vm15, v7, v3;
	v11 =	vsub.f32 v59, v2  }
0xf8: {  	v4 =	vsel vm15, v8, v4;
	vm6 =	vlt.f32 v6, v57;
	vm7 =	vlt.f32 v6, v13  }
0xf9: {  	vm8 =	vlt.f32 v6, v12;
	vm9 =	vlt.f32 v6, v3;
	v11 =	vand.u32 $0x7FFFFFFF, v11  }
0xfa: {  	v62 =	vsel vm6, v57, v6;
	v10 =	vsel vm6, v6, v57;
	v20 =	vsel vm6, v60, v16  }
0xfb: {  	v16 =	vsel vm6, v16, v60;
	v7 =	vmul.f32 v11, v61;
	v9 =	vsel vm8, v5, v60  }
0xfc: {  	v63 =	vld [tilespmem:s22+$0x2600];
	v11 =	vsub.f32 v21, v2;
	v8 =	vsel vm7, v62, v13;
	v13 =	vsel vm7, v13, v6  }
0xfd: {  	v22 =	vld [tilespmem:$0xF920];
	v6 =	vsel vm8, v12, v6;
	v16 =	vsel vm7, v16, v15;
	v15 =	vsel vm7, v15, v60  }
0xfe: {  	v4 =	vsel vm9, v9, v4;
	v13 =	vsel vm8, v13, v12;
	v5 =	vsel vm8, v15, v5  }
0xff: {  	v3 =	vsel vm9, v6, v3;
	vm10 =	vlt.f32 v7, v10;
	vm11 =	vlt.f32 v7, v8  }
0x100: {  	v11 =	vand.u32 $0x7FFFFFFF, v11;
	vm12 =	vlt.f32 v7, v13;
	vm13 =	vlt.f32 v7, v3  }
0x101: {  	v25 =	vld [tilespmem:s22+$0x5A00];
	v23 =	vsel vm10, v7, v10;
	v24 =	vsel vm10, v63, v20;
	v10 =	vsel vm10, v10, v7  }
0x102: {  	v14 =	vsel vm10, v20, v63;
	v6 =	vmul.f32 v11, v22;
	v10 =	vsel vm11, v10, v8  }
0x103: {  	v26 =	vld [tilespmem:s22+$0x2800];
	v14 =	vsel vm11, v14, v16;
	v8 =	vsel vm11, v8, v7;
	v7 =	vsel vm12, v13, v7  }
0x104: {  	v16 =	vsel vm11, v16, v63;
	v12 =	vsel vm12, v5, v63;
	v8 =	vsel vm12, v8, v13  }
0x105: {  	v5 =	vsel vm12, v16, v5;
	v3 =	vsel vm13, v7, v3;
	v4 =	vsel vm13, v12, v4  }
0x106: {  	v27 =	vld [tilespmem:$0xF930];
	vm14 =	vlt.f32 v6, v23;
	vm15 =	vlt.f32 v6, v10;
	v13 =	vsub.f32 v25, v2  }
0x107: {  	v30 =	vld [tilespmem:s22+$0x5C00];
	vm6 =	vlt.f32 v6, v8;
	vm7 =	vlt.f32 v6, v3;
	v28 =	vsel vm14, v6, v23  }
0x108: {  	v9 =	vsel vm14, v23, v6;
	v29 =	vsel vm14, v24, v26;
	v15 =	vsel vm14, v26, v24  }
0x109: {  	v9 =	vsel vm15, v9, v10;
	v10 =	vsel vm15, v10, v6;
	v6 =	vsel vm6, v8, v6  }
0x10a: {  	v31 =	vld [tilespmem:s22+$0x2A00];
	v16 =	vsel vm15, v29, v14;
	v13 =	vand.u32 $0x7FFFFFFF, v13;
	v14 =	vsel vm15, v14, v26  }
0x10b: {  	v32 =	vld [tilespmem:$0xF940];
	v11 =	vsel vm6, v5, v26;
	v10 =	vsel vm6, v10, v8;
	v7 =	vmul.f32 v13, v27  }
0x10c: {  	v36 =	vld [tilespmem:s22+$0x5E00];
	v5 =	vsel vm6, v14, v5;
	v3 =	vsel vm7, v6, v3;
	v8 =	vsub.f32 v30, v2  }
0x10d: {  	v4 =	vsel vm7, v11, v4;
	vm8 =	vlt.f32 v7, v28;
	vm9 =	vlt.f32 v7, v9  }
0x10e: {  	vm10 =	vlt.f32 v7, v10;
	vm11 =	vlt.f32 v7, v3;
	v8 =	vand.u32 $0x7FFFFFFF, v8  }
0x10f: {  	v33 =	vsel vm8, v28, v7;
	v12 =	vsel vm8, v7, v28;
	v35 =	vsel vm8, v31, v15  }
0x110: {  	v15 =	vsel vm8, v15, v31;
	v6 =	vmul.f32 v8, v32;
	v13 =	vsel vm10, v5, v31  }
0x111: {  	v34 =	vld [tilespmem:s22+$0x2C00];
	v8 =	vsub.f32 v36, v2;
	v11 =	vsel vm9, v33, v9;
	v9 =	vsel vm9, v9, v7  }
0x112: {  	v37 =	vld [tilespmem:$0xF950];
	v7 =	vsel vm10, v10, v7;
	v15 =	vsel vm9, v15, v16;
	v16 =	vsel vm9, v16, v31  }
0x113: {  	v4 =	vsel vm11, v13, v4;
	v9 =	vsel vm10, v9, v10;
	v5 =	vsel vm10, v16, v5  }
0x114: {  	v3 =	vsel vm11, v7, v3;
	vm12 =	vlt.f32 v6, v12;
	vm13 =	vlt.f32 v6, v11  }
0x115: {  	v8 =	vand.u32 $0x7FFFFFFF, v8;
	vm14 =	vlt.f32 v6, v9;
	vm15 =	vlt.f32 v6, v3  }
0x116: {  	v40 =	vld [tilespmem:s22+$0x6000];
	v38 =	vsel vm12, v6, v12;
	v39 =	vsel vm12, v34, v35;
	v12 =	vsel vm12, v12, v6  }
0x117: {  	v14 =	vsel vm12, v35, v34;
	v7 =	vmul.f32 v8, v37;
	v12 =	vsel vm13, v12, v11  }
0x118: {  	v41 =	vld [tilespmem:s22+$0x2E00];
	v14 =	vsel vm13, v14, v15;
	v11 =	vsel vm13, v11, v6;
	v6 =	vsel vm14, v9, v6  }
0x119: {  	v15 =	vsel vm13, v15, v34;
	v10 =	vsel vm14, v5, v34;
	v11 =	vsel vm14, v11, v9  }
0x11a: {  	v5 =	vsel vm14, v15, v5;
	v3 =	vsel vm15, v6, v3;
	v4 =	vsel vm15, v10, v4  }
0x11b: {  	v42 =	vld [tilespmem:$0xF960];
	vm6 =	vlt.f32 v7, v38;
	vm7 =	vlt.f32 v7, v12;
	v9 =	vsub.f32 v40, v2  }
0x11c: {  	v45 =	vld [tilespmem:s22+$0x6200];
	vm8 =	vlt.f32 v7, v11;
	vm9 =	vlt.f32 v7, v3;
	v43 =	vsel vm6, v7, v38  }
0x11d: {  	v51 =	vld [tilespmem:s22+$0x6400];
	v13 =	vsel vm6, v38, v7;
	v44 =	vsel vm6, v39, v41;
	v16 =	vsel vm6, v41, v39  }
0x11e: {  	v13 =	vsel vm7, v13, v12;
	v12 =	vsel vm7, v12, v7;
	v7 =	vsel vm8, v11, v7  }
0x11f: {  	v46 =	vld [tilespmem:s22+$0x3000];
	v15 =	vsel vm7, v44, v14;
	v9 =	vand.u32 $0x7FFFFFFF, v9;
	v14 =	vsel vm7, v14, v41  }
0x120: {  	v47 =	vld [tilespmem:$0xF970];
	v8 =	vsel vm8, v5, v41;
	v12 =	vsel vm8, v12, v11;
	v6 =	vmul.f32 v9, v42  }
0x121: {  	v52 =	vld [tilespmem:$0xF980];
	v5 =	vsel vm8, v14, v5;
	v3 =	vsel vm9, v7, v3;
	v4 =	vsel vm9, v8, v4  }
0x122: {  	v11 =	vsub.f32 v45, v2;
	v2 =	vsub.f32 v51, v2;
	vm10 =	vlt.f32 v6, v43  }
0x123: {  	vm11 =	vlt.f32 v6, v13;
	vm12 =	vlt.f32 v6, v12;
	vm13 =	vlt.f32 v6, v3  }
0x124: {  	v11 =	vand.u32 $0x7FFFFFFF, v11;
	v2 =	vand.u32 $0x7FFFFFFF, v2;
	v48 =	vsel vm10, v43, v6  }
0x125: {  	v58 =	vld [tilespmem:s22+$0x200];
	v10 =	vsel vm10, v6, v43;
	v50 =	vsel vm10, v46, v16;
	v16 =	vsel vm10, v16, v46  }
0x126: {  	v7 =	vmul.f32 v11, v47;
	v9 =	vsel vm12, v5, v46;
	v2 =	vmul.f32 v2, v52  }
0x127: {  	v49 =	vld [tilespmem:s22+$0x3200];
	v8 =	vsel vm11, v48, v13;
	v13 =	vsel vm11, v13, v6;
	v6 =	vsel vm12, v12, v6  }
0x128: {  	v59 =	vld [tilespmem:s22+$0x0];
	v16 =	vsel vm11, v16, v15;
	v15 =	vsel vm11, v15, v46;
	v4 =	vsel vm13, v9, v4  }
0x129: {  	v13 =	vsel vm12, v13, v12;
	v5 =	vsel vm12, v15, v5;
	v3 =	vsel vm13, v6, v3  }
0x12a: {  	vm14 =	vlt.f32 v7, v10;
	vm15 =	vlt.f32 v7, v8;
	v6 =	vshll.u32 v58, $0xB  }
0x12b: {  	vm6 =	vlt.f32 v7, v13;
	vm7 =	vlt.f32 v7, v3;
	v53 =	vsel vm14, v7, v10  }
0x12c: {  	v54 =	vsel vm14, v49, v50;
	v10 =	vsel vm14, v10, v7;
	v14 =	vsel vm14, v50, v49  }
0x12d: {  	v57 =	vld [tilespmem:s22+$0x3400];
	v56 =	vsel vm15, v16, v49;
	v6 =	vadd.s32 v59, v6;
	v10 =	vsel vm15, v10, v8  }
0x12e: {  	v55 =	vsel vm15, v14, v16;
	v8 =	vsel vm15, v8, v7;
	v7 =	vsel vm6, v13, v7  }
0x12f: {  	v12 =	vsel vm6, v5, v49;
	v5 =	vsel vm6, v56, v5;
	vm8 =	vlt.f32 v2, v53  }
0x130: {  	v8 =	vsel vm6, v8, v13;
	v3 =	vsel vm7, v7, v3;
	v4 =	vsel vm7, v12, v4  }
0x131: {  	vm9 =	vlt.f32 v2, v10;
	v60 =	vsel vm8, v2, v53;
	v9 =	vsel vm8, v53, v2  }
0x132: {  	v61 =	vsel vm8, v57, v54;
	v62 =	vsel vm8, v54, v57;
	vm10 =	vlt.f32 v2, v8  }
0x133: {  	vm11 =	vlt.f32 v2, v3;
	v9 =	vsel vm9, v9, v10;
	v14 =	vsel vm9, v62, v55  }
0x134: {  	v10 =	vsel vm9, v10, v2;
	v11 =	vsel vm9, v55, v57;
	vm12 =	vgt.f32 v60, $1.000000000e+00  }
0x135: {  	p1 =	sne.s32 s21, $0x7C0;
	v10 =	vsel vm10, v10, v8;
	v11 =	vsel vm10, v11, v5;
	v2 =	vsel vm10, v8, v2  }
.Ltmp2:
0x136: {  	[tilespmem:s22+$0x6600] =	vst v6;
	v5 =	vsel vm10, v5, v57;
	v63 =	vsel vm12, $0x20001, v61;
	vm13 =	vgt.f32 v9, $1.000000000e+00;
	(pc) =	sbr.rel @p1 .LBB2_7-.Ltmp2, $4  }
0x137: {  	v2 =	vsel vm11, v2, v3;
	[tilespmem:s22+$0x6800] =	vst v63;
	v3 =	vsel vm13, $0x20001, v14;
	vm14 =	vgt.f32 v10, $1.000000000e+00  }
0x138: {  	v4 =	vsel vm11, v5, v4;
	[tilespmem:s22+$0x6A00] =	vst v3;
	v3 =	vsel vm14, $0x20001, v11;
	vm15 =	vgt.f32 v2, $1.000000000e+00  }
0x139: {  	[tilespmem:s22+$0x6C00] =	vst v3;
	v2 =	vsel vm15, $0x20001, v4  }
0x13a: {  	s21 =	sadd.s32 $0x40, s21;
	[tilespmem:s22+$0x6E00] =	vst v2  }
0x13b: {  	s21 =	simm.s32 $0x6600  }
0x13c: {  	[tilespmem:s30], [sflag:$0x3] =	stream.indirect.gather [spmem:s9], $0x1, s21, s28, $0xb8;
	[tilespmem:$0x13A10] =	vst v63  }
0x13d: {  	_ =	swait.ge [sflag:s31], $0x3000  }
0x13e: {  	[sflag:s31] =	ssyncset.done $0x0  }
0x13f: {  	s21 =	simm.s32 $0x0;
	[sflag:s31] =	ssyncadd.s32 $0xFFFFD000  }
.LBB2_9:
0x140: {  	s22 =	sshra.s32 s21, $0x2;
	v4 =	vld [tilespmem:$0xF800]  }
0x141: {  	v2 =	vld [tilespmem:s22+$0x8000]  }
0x142: {  	v3 =	vld [tilespmem:s22+$0xB200]  }
0x143: {  	v5 =	vld [tilespmem:s22+$0xB400]  }
0x144: {  	v7 =	vld [tilespmem:s22+$0xB600]  }
0x145: {  	v43 =	vld [tilespmem:s22+$0xBA00]  }
0x146: {  	v16 =	vld [tilespmem:s22+$0xBC00]  }
0x147: {  	v50 =	vld [tilespmem:s22+$0xBE00]  }
0x148: {  	v6 =	vld [tilespmem:$0xF810]  }
0x149: {  	v44 =	vld [tilespmem:$0xF840];
	v3 =	vsub.f32 v3, v2  }
0x14a: {  	v33 =	vld [tilespmem:$0xF820];
	v34 =	vsub.f32 v7, v2;
	v7 =	vsub.f32 v43, v2  }
0x14b: {  	v32 =	vsub.f32 v5, v2;
	v16 =	vsub.f32 v16, v2  }
0x14c: {  	v8 =	vld [tilespmem:s22+$0x8200];
	v54 =	vsub.f32 v50, v2;
	v3 =	vand.u32 $0x7FFFFFFF, v3;
	v7 =	vand.u32 $0x7FFFFFFF, v7  }
0x14d: {  	v49 =	vand.u32 $0x7FFFFFFF, v16;
	v3 =	vmul.f32 v3, v4;
	v4 =	vand.u32 $0x7FFFFFFF, v32  }
0x14e: {  	v36 =	vld [tilespmem:s22+$0xB800];
	v7 =	vmul.f32 v7, v44;
	v4 =	vmul.f32 v4, v6;
	v6 =	vand.u32 $0x7FFFFFFF, v34  }
0x14f: {  	v9 =	vld [tilespmem:s22+$0x8400];
	vm0 =	vlt.f32 v3, $+Inf;
	vm1 =	vgt.f32 v3, $+Inf;
	v37 =	vmul.f32 v6, v33  }
0x150: {  	vm0 =	vmor vm1, vm0;
	vm13 =	vlt.f32 v4, $+Inf;
	vm14 =	vgt.f32 v4, $+Inf  }
0x151: {  	v40 =	vld [tilespmem:$0xF830];
	v3 =	vnsel vm0, $0x7F800000, v3;
	v35 =	vnsel vm0, $0x0, v8;
	vm0 =	vmor vm14, vm13  }
0x152: {  	v10 =	vld [tilespmem:s22+$0x8600];
	vm7 =	vlt.f32 v37, $+Inf;
	vm3 =	vgt.f32 v37, $+Inf;
	vm2 =	vlt.f32 v4, v3  }
0x153: {  	v8 =	vsub.f32 v36, v2;
	v11 =	vsel vm2, v4, v3;
	v3 =	vsel vm2, v3, v4  }
0x154: {  	v38 =	vsel vm2, v9, v35;
	v39 =	vsel vm2, v35, v9;
	vm2 =	vmor vm3, vm7  }
0x155: {  	v8 =	vand.u32 $0x7FFFFFFF, v8;
	v3 =	vnsel vm0, $0x7F800000, v3;
	v6 =	vnsel vm0, $0x0, v39  }
0x156: {  	vm15 =	vlt.f32 v37, v11;
	v42 =	vmul.f32 v8, v40;
	vm6 =	vlt.f32 v37, v3  }
0x157: {  	v13 =	vld [tilespmem:s22+$0x8800];
	v41 =	vsel vm15, v37, v11;
	v12 =	vsel vm15, v10, v38;
	v11 =	vsel vm15, v11, v37  }
0x158: {  	v5 =	vsel vm15, v38, v10;
	v11 =	vsel vm6, v11, v3;
	v3 =	vsel vm6, v3, v37  }
0x159: {  	v5 =	vsel vm6, v5, v6;
	v6 =	vsel vm6, v6, v10;
	vm8 =	vlt.f32 v42, v41  }
0x15a: {  	vm11 =	vlt.f32 v42, $+Inf;
	vm4 =	vgt.f32 v42, $+Inf;
	v3 =	vnsel vm2, $0x7F800000, v3  }
0x15b: {  	v6 =	vnsel vm2, $0x0, v6;
	vm9 =	vlt.f32 v42, v11;
	vm3 =	vmor vm4, vm11  }
0x15c: {  	v15 =	vld [tilespmem:s22+$0x8A00];
	v45 =	vsel vm8, v42, v41;
	v14 =	vsel vm8, v13, v12;
	v9 =	vsel vm8, v41, v42  }
0x15d: {  	v47 =	vld [tilespmem:$0xF850];
	v12 =	vsel vm8, v12, v13;
	vm10 =	vlt.f32 v42, v3;
	v9 =	vsel vm9, v9, v11  }
0x15e: {  	v12 =	vsel vm9, v12, v5;
	v11 =	vsel vm9, v11, v42;
	v5 =	vsel vm9, v5, v13  }
0x15f: {  	vm12 =	vlt.f32 v7, v45;
	v11 =	vsel vm10, v11, v3;
	v3 =	vsel vm10, v3, v42  }
0x160: {  	v46 =	vsel vm10, v6, v13;
	v5 =	vsel vm10, v5, v6;
	vm13 =	vlt.f32 v7, v9  }
0x161: {  	v8 =	vsel vm12, v7, v45;
	v48 =	vsel vm12, v15, v14;
	v10 =	vsel vm12, v45, v7  }
0x162: {  	v14 =	vsel vm12, v14, v15;
	v6 =	vmul.f32 v49, v47;
	v3 =	vnsel vm3, $0x7F800000, v3  }
0x163: {  	v4 =	vnsel vm3, $0x0, v46;
	vm14 =	vlt.f32 v7, v11;
	v10 =	vsel vm13, v10, v9  }
0x164: {  	v51 =	vld [tilespmem:s22+$0x8C00];
	v14 =	vsel vm13, v14, v12;
	v9 =	vsel vm13, v9, v7;
	v12 =	vsel vm13, v12, v15  }
0x165: {  	vm15 =	vlt.f32 v7, v3;
	v9 =	vsel vm14, v9, v11;
	v7 =	vsel vm14, v11, v7  }
0x166: {  	v15 =	vsel vm14, v5, v15;
	v5 =	vsel vm14, v12, v5;
	vm6 =	vlt.f32 v6, v8  }
0x167: {  	v52 =	vld [tilespmem:$0xF860];
	vm7 =	vlt.f32 v6, v10;
	v3 =	vsel vm15, v7, v3;
	v4 =	vsel vm15, v15, v4  }
0x168: {  	vm8 =	vlt.f32 v6, v9;
	v53 =	vsel vm6, v6, v8;
	v8 =	vsel vm6, v8, v6  }
0x169: {  	v56 =	vld [tilespmem:s22+$0xC000];
	v55 =	vsel vm6, v48, v51;
	v13 =	vsel vm6, v51, v48;
	v15 =	vand.u32 $0x7FFFFFFF, v54  }
0x16a: {  	vm9 =	vlt.f32 v6, v3;
	v8 =	vsel vm7, v8, v10;
	v10 =	vsel vm7, v10, v6  }
0x16b: {  	v57 =	vld [tilespmem:s22+$0x8E00];
	v6 =	vsel vm8, v9, v6;
	v16 =	vsel vm7, v55, v14;
	v14 =	vsel vm7, v14, v51  }
0x16c: {  	v11 =	vsel vm8, v5, v51;
	v7 =	vmul.f32 v15, v52;
	v10 =	vsel vm8, v10, v9  }
0x16d: {  	v58 =	vld [tilespmem:$0xF870];
	v5 =	vsel vm8, v14, v5;
	v3 =	vsel vm9, v6, v3;
	v4 =	vsel vm9, v11, v4  }
0x16e: {  	v9 =	vsub.f32 v56, v2;
	vm10 =	vlt.f32 v7, v53;
	vm11 =	vlt.f32 v7, v8  }
0x16f: {  	v62 =	vld [tilespmem:s22+$0xC200];
	vm12 =	vlt.f32 v7, v10;
	vm13 =	vlt.f32 v7, v3;
	v59 =	vsel vm10, v53, v7  }
0x170: {  	v12 =	vsel vm10, v7, v53;
	v9 =	vand.u32 $0x7FFFFFFF, v9;
	v61 =	vsel vm10, v57, v13  }
0x171: {  	v60 =	vld [tilespmem:s22+$0x9000];
	v13 =	vsel vm10, v13, v57;
	v15 =	vsel vm12, v5, v57;
	v11 =	vsel vm11, v59, v8  }
0x172: {  	v23 =	vld [tilespmem:s22+$0xC400];
	v8 =	vsel vm11, v8, v7;
	v7 =	vsel vm12, v10, v7;
	v6 =	vmul.f32 v9, v58  }
0x173: {  	v13 =	vsel vm11, v13, v16;
	v16 =	vsel vm11, v16, v57;
	v4 =	vsel vm13, v15, v4  }
0x174: {  	v63 =	vld [tilespmem:$0xF880];
	v9 =	vsub.f32 v62, v2;
	v8 =	vsel vm12, v8, v10;
	v5 =	vsel vm12, v16, v5  }
0x175: {  	v3 =	vsel vm13, v7, v3;
	vm14 =	vlt.f32 v6, v12;
	vm15 =	vlt.f32 v6, v11  }
0x176: {  	vm6 =	vlt.f32 v6, v8;
	vm7 =	vlt.f32 v6, v3;
	v22 =	vand.u32 $0x7FFFFFFF, v9  }
0x177: {  	v9 =	vsub.f32 v23, v2;
	v20 =	vsel vm14, v6, v12;
	v21 =	vsel vm14, v60, v61  }
0x178: {  	v25 =	vld [tilespmem:$0xF890];
	v12 =	vsel vm14, v12, v6;
	v14 =	vsel vm14, v61, v60;
	v10 =	vsel vm6, v5, v60  }
0x179: {  	v7 =	vmul.f32 v22, v63;
	v12 =	vsel vm15, v12, v11;
	v14 =	vsel vm15, v14, v13  }
0x17a: {  	v24 =	vld [tilespmem:s22+$0x9200];
	v11 =	vsel vm15, v11, v6;
	v6 =	vsel vm6, v8, v6;
	v13 =	vsel vm15, v13, v60  }
0x17b: {  	v4 =	vsel vm7, v10, v4;
	v9 =	vand.u32 $0x7FFFFFFF, v9;
	v11 =	vsel vm6, v11, v8  }
0x17c: {  	v5 =	vsel vm6, v13, v5;
	v3 =	vsel vm7, v6, v3;
	vm8 =	vlt.f32 v7, v20  }
0x17d: {  	vm9 =	vlt.f32 v7, v12;
	v6 =	vmul.f32 v9, v25;
	vm10 =	vlt.f32 v7, v11  }
0x17e: {  	v29 =	vld [tilespmem:s22+$0xC600];
	vm11 =	vlt.f32 v7, v3;
	v26 =	vsel vm8, v7, v20;
	v27 =	vsel vm8, v20, v7  }
0x17f: {  	v30 =	vld [tilespmem:s22+$0x9400];
	v28 =	vsel vm8, v21, v24;
	v16 =	vsel vm8, v24, v21;
	v13 =	vsel vm9, v27, v12  }
0x180: {  	v12 =	vsel vm9, v12, v7;
	v7 =	vsel vm10, v11, v7;
	v15 =	vsel vm9, v28, v14  }
0x181: {  	v14 =	vsel vm9, v14, v24;
	v8 =	vsel vm10, v5, v24;
	vm12 =	vlt.f32 v6, v26  }
0x182: {  	v12 =	vsel vm10, v12, v11;
	v5 =	vsel vm10, v14, v5;
	v3 =	vsel vm11, v7, v3  }
0x183: {  	v31 =	vld [tilespmem:$0xF8A0];
	v4 =	vsel vm11, v8, v4;
	vm13 =	vlt.f32 v6, v13;
	v32 =	vsel vm12, v26, v6  }
0x184: {  	v35 =	vld [tilespmem:s22+$0xC800];
	v11 =	vsub.f32 v29, v2;
	v10 =	vsel vm12, v6, v26;
	v34 =	vsel vm12, v30, v16  }
0x185: {  	v16 =	vsel vm12, v16, v30;
	vm14 =	vlt.f32 v6, v12;
	vm15 =	vlt.f32 v6, v3  }
0x186: {  	v8 =	vsel vm13, v32, v13;
	v13 =	vsel vm13, v13, v6;
	v16 =	vsel vm13, v16, v15  }
0x187: {  	v33 =	vld [tilespmem:s22+$0x9600];
	v15 =	vsel vm13, v15, v30;
	v13 =	vsel vm14, v13, v12;
	v11 =	vand.u32 $0x7FFFFFFF, v11  }
0x188: {  	v36 =	vld [tilespmem:$0xF8B0];
	v6 =	vsel vm14, v12, v6;
	v9 =	vsel vm14, v5, v30;
	v7 =	vmul.f32 v11, v31  }
0x189: {  	v5 =	vsel vm14, v15, v5;
	v3 =	vsel vm15, v6, v3;
	v11 =	vsub.f32 v35, v2  }
0x18a: {  	v4 =	vsel vm15, v9, v4;
	vm6 =	vlt.f32 v7, v10;
	vm7 =	vlt.f32 v7, v8  }
0x18b: {  	vm8 =	vlt.f32 v7, v13;
	vm9 =	vlt.f32 v7, v3;
	v11 =	vand.u32 $0x7FFFFFFF, v11  }
0x18c: {  	v39 =	vld [tilespmem:s22+$0xCA00];
	v37 =	vsel vm6, v7, v10;
	v38 =	vsel vm6, v33, v34;
	v10 =	vsel vm6, v10, v7  }
0x18d: {  	v14 =	vsel vm6, v34, v33;
	v12 =	vsel vm8, v5, v33;
	v6 =	vmul.f32 v11, v36  }
0x18e: {  	v40 =	vld [tilespmem:s22+$0x9800];
	v10 =	vsel vm7, v10, v8;
	v14 =	vsel vm7, v14, v16;
	v8 =	vsel vm7, v8, v7  }
0x18f: {  	v7 =	vsel vm8, v13, v7;
	v16 =	vsel vm7, v16, v33;
	v4 =	vsel vm9, v12, v4  }
0x190: {  	v8 =	vsel vm8, v8, v13;
	v5 =	vsel vm8, v16, v5;
	v3 =	vsel vm9, v7, v3  }
0x191: {  	v41 =	vld [tilespmem:$0xF8D0];
	vm10 =	vlt.f32 v6, v37;
	vm11 =	vlt.f32 v6, v10;
	v13 =	vsub.f32 v39, v2  }
0x192: {  	v44 =	vld [tilespmem:s22+$0xCC00];
	vm12 =	vlt.f32 v6, v8;
	vm13 =	vlt.f32 v6, v3;
	v42 =	vsel vm10, v6, v37  }
0x193: {  	v9 =	vsel vm10, v37, v6;
	v43 =	vsel vm10, v38, v40;
	v15 =	vsel vm10, v40, v38  }
0x194: {  	v9 =	vsel vm11, v9, v10;
	v10 =	vsel vm11, v10, v6;
	v6 =	vsel vm12, v8, v6  }
0x195: {  	v45 =	vld [tilespmem:s22+$0x9A00];
	v16 =	vsel vm11, v43, v14;
	v13 =	vand.u32 $0x7FFFFFFF, v13;
	v14 =	vsel vm11, v14, v40  }
0x196: {  	v46 =	vld [tilespmem:$0xF8E0];
	v11 =	vsel vm12, v5, v40;
	v10 =	vsel vm12, v10, v8;
	v7 =	vmul.f32 v13, v41  }
0x197: {  	v50 =	vld [tilespmem:s22+$0xCE00];
	v5 =	vsel vm12, v14, v5;
	v3 =	vsel vm13, v6, v3;
	v8 =	vsub.f32 v44, v2  }
0x198: {  	v4 =	vsel vm13, v11, v4;
	vm14 =	vlt.f32 v7, v42;
	vm15 =	vlt.f32 v7, v9  }
0x199: {  	vm6 =	vlt.f32 v7, v10;
	vm7 =	vlt.f32 v7, v3;
	v8 =	vand.u32 $0x7FFFFFFF, v8  }
0x19a: {  	v47 =	vsel vm14, v42, v7;
	v12 =	vsel vm14, v7, v42;
	v49 =	vsel vm14, v45, v15  }
0x19b: {  	v15 =	vsel vm14, v15, v45;
	v6 =	vmul.f32 v8, v46;
	v13 =	vsel vm6, v5, v45  }
0x19c: {  	v48 =	vld [tilespmem:s22+$0x9C00];
	v8 =	vsub.f32 v50, v2;
	v11 =	vsel vm15, v47, v9;
	v9 =	vsel vm15, v9, v7  }
0x19d: {  	v51 =	vld [tilespmem:$0xF8F0];
	v7 =	vsel vm6, v10, v7;
	v15 =	vsel vm15, v15, v16;
	v16 =	vsel vm15, v16, v45  }
0x19e: {  	v4 =	vsel vm7, v13, v4;
	v9 =	vsel vm6, v9, v10;
	v5 =	vsel vm6, v16, v5  }
0x19f: {  	v3 =	vsel vm7, v7, v3;
	vm8 =	vlt.f32 v6, v12;
	vm9 =	vlt.f32 v6, v11  }
0x1a0: {  	v8 =	vand.u32 $0x7FFFFFFF, v8;
	vm10 =	vlt.f32 v6, v9;
	vm11 =	vlt.f32 v6, v3  }
0x1a1: {  	v54 =	vld [tilespmem:s22+$0xD000];
	v52 =	vsel vm8, v6, v12;
	v53 =	vsel vm8, v48, v49;
	v12 =	vsel vm8, v12, v6  }
0x1a2: {  	v14 =	vsel vm8, v49, v48;
	v7 =	vmul.f32 v8, v51;
	v12 =	vsel vm9, v12, v11  }
0x1a3: {  	v55 =	vld [tilespmem:s22+$0x9E00];
	v14 =	vsel vm9, v14, v15;
	v11 =	vsel vm9, v11, v6;
	v6 =	vsel vm10, v9, v6  }
0x1a4: {  	v15 =	vsel vm9, v15, v48;
	v10 =	vsel vm10, v5, v48;
	v11 =	vsel vm10, v11, v9  }
0x1a5: {  	v5 =	vsel vm10, v15, v5;
	v3 =	vsel vm11, v6, v3;
	v4 =	vsel vm11, v10, v4  }
0x1a6: {  	v56 =	vld [tilespmem:$0xF900];
	vm12 =	vlt.f32 v7, v52;
	vm13 =	vlt.f32 v7, v12;
	v9 =	vsub.f32 v54, v2  }
0x1a7: {  	v59 =	vld [tilespmem:s22+$0xD200];
	vm14 =	vlt.f32 v7, v11;
	vm15 =	vlt.f32 v7, v3;
	v57 =	vsel vm12, v7, v52  }
0x1a8: {  	v13 =	vsel vm12, v52, v7;
	v58 =	vsel vm12, v53, v55;
	v16 =	vsel vm12, v55, v53  }
0x1a9: {  	v13 =	vsel vm13, v13, v12;
	v12 =	vsel vm13, v12, v7;
	v7 =	vsel vm14, v11, v7  }
0x1aa: {  	v60 =	vld [tilespmem:s22+$0xA000];
	v15 =	vsel vm13, v58, v14;
	v9 =	vand.u32 $0x7FFFFFFF, v9;
	v14 =	vsel vm13, v14, v55  }
0x1ab: {  	v61 =	vld [tilespmem:$0xF910];
	v8 =	vsel vm14, v5, v55;
	v12 =	vsel vm14, v12, v11;
	v6 =	vmul.f32 v9, v56  }
0x1ac: {  	v21 =	vld [tilespmem:s22+$0xD400];
	v5 =	vsel vm14, v14, v5;
	v3 =	vsel vm15, v7, v3;
	v11 =	vsub.f32 v59, v2  }
0x1ad: {  	v4 =	vsel vm15, v8, v4;
	vm6 =	vlt.f32 v6, v57;
	vm7 =	vlt.f32 v6, v13  }
0x1ae: {  	vm8 =	vlt.f32 v6, v12;
	vm9 =	vlt.f32 v6, v3;
	v11 =	vand.u32 $0x7FFFFFFF, v11  }
0x1af: {  	v62 =	vsel vm6, v57, v6;
	v10 =	vsel vm6, v6, v57;
	v20 =	vsel vm6, v60, v16  }
0x1b0: {  	v16 =	vsel vm6, v16, v60;
	v7 =	vmul.f32 v11, v61;
	v9 =	vsel vm8, v5, v60  }
0x1b1: {  	v63 =	vld [tilespmem:s22+$0xA200];
	v11 =	vsub.f32 v21, v2;
	v8 =	vsel vm7, v62, v13;
	v13 =	vsel vm7, v13, v6  }
0x1b2: {  	v22 =	vld [tilespmem:$0xF920];
	v6 =	vsel vm8, v12, v6;
	v16 =	vsel vm7, v16, v15;
	v15 =	vsel vm7, v15, v60  }
0x1b3: {  	v4 =	vsel vm9, v9, v4;
	v13 =	vsel vm8, v13, v12;
	v5 =	vsel vm8, v15, v5  }
0x1b4: {  	v3 =	vsel vm9, v6, v3;
	vm10 =	vlt.f32 v7, v10;
	vm11 =	vlt.f32 v7, v8  }
0x1b5: {  	v11 =	vand.u32 $0x7FFFFFFF, v11;
	vm12 =	vlt.f32 v7, v13;
	vm13 =	vlt.f32 v7, v3  }
0x1b6: {  	v25 =	vld [tilespmem:s22+$0xD600];
	v23 =	vsel vm10, v7, v10;
	v24 =	vsel vm10, v63, v20;
	v10 =	vsel vm10, v10, v7  }
0x1b7: {  	v14 =	vsel vm10, v20, v63;
	v6 =	vmul.f32 v11, v22;
	v10 =	vsel vm11, v10, v8  }
0x1b8: {  	v26 =	vld [tilespmem:s22+$0xA400];
	v14 =	vsel vm11, v14, v16;
	v8 =	vsel vm11, v8, v7;
	v7 =	vsel vm12, v13, v7  }
0x1b9: {  	v16 =	vsel vm11, v16, v63;
	v12 =	vsel vm12, v5, v63;
	v8 =	vsel vm12, v8, v13  }
0x1ba: {  	v5 =	vsel vm12, v16, v5;
	v3 =	vsel vm13, v7, v3;
	v4 =	vsel vm13, v12, v4  }
0x1bb: {  	v27 =	vld [tilespmem:$0xF930];
	vm14 =	vlt.f32 v6, v23;
	vm15 =	vlt.f32 v6, v10;
	v13 =	vsub.f32 v25, v2  }
0x1bc: {  	v30 =	vld [tilespmem:s22+$0xD800];
	vm6 =	vlt.f32 v6, v8;
	vm7 =	vlt.f32 v6, v3;
	v28 =	vsel vm14, v6, v23  }
0x1bd: {  	v9 =	vsel vm14, v23, v6;
	v29 =	vsel vm14, v24, v26;
	v15 =	vsel vm14, v26, v24  }
0x1be: {  	v9 =	vsel vm15, v9, v10;
	v10 =	vsel vm15, v10, v6;
	v6 =	vsel vm6, v8, v6  }
0x1bf: {  	v31 =	vld [tilespmem:s22+$0xA600];
	v16 =	vsel vm15, v29, v14;
	v13 =	vand.u32 $0x7FFFFFFF, v13;
	v14 =	vsel vm15, v14, v26  }
0x1c0: {  	v32 =	vld [tilespmem:$0xF940];
	v11 =	vsel vm6, v5, v26;
	v10 =	vsel vm6, v10, v8;
	v7 =	vmul.f32 v13, v27  }
0x1c1: {  	v36 =	vld [tilespmem:s22+$0xDA00];
	v5 =	vsel vm6, v14, v5;
	v3 =	vsel vm7, v6, v3;
	v8 =	vsub.f32 v30, v2  }
0x1c2: {  	v4 =	vsel vm7, v11, v4;
	vm8 =	vlt.f32 v7, v28;
	vm9 =	vlt.f32 v7, v9  }
0x1c3: {  	vm10 =	vlt.f32 v7, v10;
	vm11 =	vlt.f32 v7, v3;
	v8 =	vand.u32 $0x7FFFFFFF, v8  }
0x1c4: {  	v33 =	vsel vm8, v28, v7;
	v12 =	vsel vm8, v7, v28;
	v35 =	vsel vm8, v31, v15  }
0x1c5: {  	v15 =	vsel vm8, v15, v31;
	v6 =	vmul.f32 v8, v32;
	v13 =	vsel vm10, v5, v31  }
0x1c6: {  	v34 =	vld [tilespmem:s22+$0xA800];
	v8 =	vsub.f32 v36, v2;
	v11 =	vsel vm9, v33, v9;
	v9 =	vsel vm9, v9, v7  }
0x1c7: {  	v37 =	vld [tilespmem:$0xF950];
	v7 =	vsel vm10, v10, v7;
	v15 =	vsel vm9, v15, v16;
	v16 =	vsel vm9, v16, v31  }
0x1c8: {  	v4 =	vsel vm11, v13, v4;
	v9 =	vsel vm10, v9, v10;
	v5 =	vsel vm10, v16, v5  }
0x1c9: {  	v3 =	vsel vm11, v7, v3;
	vm12 =	vlt.f32 v6, v12;
	vm13 =	vlt.f32 v6, v11  }
0x1ca: {  	v8 =	vand.u32 $0x7FFFFFFF, v8;
	vm14 =	vlt.f32 v6, v9;
	vm15 =	vlt.f32 v6, v3  }
0x1cb: {  	v40 =	vld [tilespmem:s22+$0xDC00];
	v38 =	vsel vm12, v6, v12;
	v39 =	vsel vm12, v34, v35;
	v12 =	vsel vm12, v12, v6  }
0x1cc: {  	v14 =	vsel vm12, v35, v34;
	v7 =	vmul.f32 v8, v37;
	v12 =	vsel vm13, v12, v11  }
0x1cd: {  	v41 =	vld [tilespmem:s22+$0xAA00];
	v14 =	vsel vm13, v14, v15;
	v11 =	vsel vm13, v11, v6;
	v6 =	vsel vm14, v9, v6  }
0x1ce: {  	v15 =	vsel vm13, v15, v34;
	v10 =	vsel vm14, v5, v34;
	v11 =	vsel vm14, v11, v9  }
0x1cf: {  	v5 =	vsel vm14, v15, v5;
	v3 =	vsel vm15, v6, v3;
	v4 =	vsel vm15, v10, v4  }
0x1d0: {  	v42 =	vld [tilespmem:$0xF960];
	vm6 =	vlt.f32 v7, v38;
	vm7 =	vlt.f32 v7, v12;
	v9 =	vsub.f32 v40, v2  }
0x1d1: {  	v45 =	vld [tilespmem:s22+$0xDE00];
	vm8 =	vlt.f32 v7, v11;
	vm9 =	vlt.f32 v7, v3;
	v43 =	vsel vm6, v7, v38  }
0x1d2: {  	v51 =	vld [tilespmem:s22+$0xE000];
	v13 =	vsel vm6, v38, v7;
	v44 =	vsel vm6, v39, v41;
	v16 =	vsel vm6, v41, v39  }
0x1d3: {  	v13 =	vsel vm7, v13, v12;
	v12 =	vsel vm7, v12, v7;
	v7 =	vsel vm8, v11, v7  }
0x1d4: {  	v46 =	vld [tilespmem:s22+$0xAC00];
	v15 =	vsel vm7, v44, v14;
	v9 =	vand.u32 $0x7FFFFFFF, v9;
	v14 =	vsel vm7, v14, v41  }
0x1d5: {  	v47 =	vld [tilespmem:$0xF970];
	v8 =	vsel vm8, v5, v41;
	v12 =	vsel vm8, v12, v11;
	v6 =	vmul.f32 v9, v42  }
0x1d6: {  	v52 =	vld [tilespmem:$0xF980];
	v5 =	vsel vm8, v14, v5;
	v3 =	vsel vm9, v7, v3;
	v4 =	vsel vm9, v8, v4  }
0x1d7: {  	v11 =	vsub.f32 v45, v2;
	v2 =	vsub.f32 v51, v2;
	vm10 =	vlt.f32 v6, v43  }
0x1d8: {  	vm11 =	vlt.f32 v6, v13;
	vm12 =	vlt.f32 v6, v12;
	vm13 =	vlt.f32 v6, v3  }
0x1d9: {  	v11 =	vand.u32 $0x7FFFFFFF, v11;
	v2 =	vand.u32 $0x7FFFFFFF, v2;
	v48 =	vsel vm10, v43, v6  }
0x1da: {  	v58 =	vld [tilespmem:s22+$0x7E00];
	v10 =	vsel vm10, v6, v43;
	v50 =	vsel vm10, v46, v16;
	v16 =	vsel vm10, v16, v46  }
0x1db: {  	v7 =	vmul.f32 v11, v47;
	v9 =	vsel vm12, v5, v46;
	v2 =	vmul.f32 v2, v52  }
0x1dc: {  	v49 =	vld [tilespmem:s22+$0xAE00];
	v8 =	vsel vm11, v48, v13;
	v13 =	vsel vm11, v13, v6;
	v6 =	vsel vm12, v12, v6  }
0x1dd: {  	v59 =	vld [tilespmem:s22+$0x7C00];
	v16 =	vsel vm11, v16, v15;
	v15 =	vsel vm11, v15, v46;
	v4 =	vsel vm13, v9, v4  }
0x1de: {  	v13 =	vsel vm12, v13, v12;
	v5 =	vsel vm12, v15, v5;
	v3 =	vsel vm13, v6, v3  }
0x1df: {  	vm14 =	vlt.f32 v7, v10;
	vm15 =	vlt.f32 v7, v8;
	v6 =	vshll.u32 v58, $0xB  }
0x1e0: {  	vm6 =	vlt.f32 v7, v13;
	vm7 =	vlt.f32 v7, v3;
	v53 =	vsel vm14, v7, v10  }
0x1e1: {  	v54 =	vsel vm14, v49, v50;
	v10 =	vsel vm14, v10, v7;
	v14 =	vsel vm14, v50, v49  }
0x1e2: {  	v57 =	vld [tilespmem:s22+$0xB000];
	v56 =	vsel vm15, v16, v49;
	v6 =	vadd.s32 v59, v6;
	v10 =	vsel vm15, v10, v8  }
0x1e3: {  	v55 =	vsel vm15, v14, v16;
	v8 =	vsel vm15, v8, v7;
	v7 =	vsel vm6, v13, v7  }
0x1e4: {  	v12 =	vsel vm6, v5, v49;
	v5 =	vsel vm6, v56, v5;
	vm8 =	vlt.f32 v2, v53  }
0x1e5: {  	v8 =	vsel vm6, v8, v13;
	v3 =	vsel vm7, v7, v3;
	v4 =	vsel vm7, v12, v4  }
0x1e6: {  	vm9 =	vlt.f32 v2, v10;
	v60 =	vsel vm8, v2, v53;
	v9 =	vsel vm8, v53, v2  }
0x1e7: {  	v61 =	vsel vm8, v57, v54;
	v62 =	vsel vm8, v54, v57;
	vm10 =	vlt.f32 v2, v8  }
0x1e8: {  	vm11 =	vlt.f32 v2, v3;
	v9 =	vsel vm9, v9, v10;
	v14 =	vsel vm9, v62, v55  }
0x1e9: {  	v10 =	vsel vm9, v10, v2;
	v11 =	vsel vm9, v55, v57;
	vm12 =	vgt.f32 v60, $1.000000000e+00  }
0x1ea: {  	p1 =	sne.s32 s21, $0x7C0;
	v10 =	vsel vm10, v10, v8;
	v11 =	vsel vm10, v11, v5;
	v2 =	vsel vm10, v8, v2  }
.Ltmp3:
0x1eb: {  	[tilespmem:s22+$0xE200] =	vst v6;
	v5 =	vsel vm10, v5, v57;
	v63 =	vsel vm12, $0x20001, v61;
	vm13 =	vgt.f32 v9, $1.000000000e+00;
	(pc) =	sbr.rel @p1 .LBB2_9-.Ltmp3, $4  }
0x1ec: {  	v2 =	vsel vm11, v2, v3;
	[tilespmem:s22+$0xE400] =	vst v63;
	v3 =	vsel vm13, $0x20001, v14;
	vm14 =	vgt.f32 v10, $1.000000000e+00  }
0x1ed: {  	v4 =	vsel vm11, v5, v4;
	[tilespmem:s22+$0xE600] =	vst v3;
	v3 =	vsel vm14, $0x20001, v11;
	vm15 =	vgt.f32 v2, $1.000000000e+00  }
0x1ee: {  	[tilespmem:s22+$0xE800] =	vst v3;
	v2 =	vsel vm15, $0x20001, v4  }
0x1ef: {  	s21 =	sadd.s32 $0x40, s21;
	[tilespmem:s22+$0xEA00] =	vst v2  }
0x1f0: {  	[tilespmem:s0], [sflag:$0x7] =	stream.indirect.gather [spmem:s9], $0x1, s5, s28, $0xb8;
	[tilespmem:$0x13A10] =	vst v63  }
0x1f1: {  	_ =	swait.ge [sflag:s1], $0xA00  }
0x1f2: {  	s21 =	simm.s32 $0x0;
	[sflag:s1] =	ssyncset.done $0x0  }
0x1f3: {  	s21 =	sand.u32 $0x1F0, s21;
	[sflag:s1] =	ssyncadd.s32 $0xFFFFF600  }
0x1f4: {  	v2 =	vld [tilespmem:s21+$0x7800]  }
0x1f5: {  	v3 =	vld [tilespmem:s21+$0x7600]  }
0x1f6: {  	v4 =	vld [tilespmem:s21+$0x7400]  }
0x1f7: {  	v5 =	vld [tilespmem:s21+$0x7200]  }
0x1f8: {  	s29 =	simm.s32 $0x7000  }
0x1f9: {  	v7 =	vld [tilespmem:s29+$0x0]  }
0x1fa: {  	vm0 =	vne.s32 v2, $0x0  }
0x1fb: {  	vm1 =	vne.s32 v2, $0x14;
	vm2 =	veq.s32 v3, v2;
	vm3 =	veq.s32 v4, v3  }
0x1fc: {  	vm4 =	veq.s32 v4, v2;
	vm5 =	vne.s32 v4, $0x14;
	vm11 =	veq.s32 v5, v2  }
0x1fd: {  	vm12 =	vne.s32 v5, $0x14;
	vm6 =	veq.s32 v5, v4;
	vm7 =	veq.s32 v5, v3  }
0x1fe: {  	vm13 =	veq.s32 v7, v5;
	vm14 =	veq.s32 v7, v4;
	vm15 =	vne.s32 v7, $0x0  }
0x1ff: {  	vm8 =	vne.s32 v7, $0x14;
	vm0 =	vmand vm0, vm1;
	v6 =	vsel vm2, $0x1, v0  }
0x200: {  	vm2 =	vne.s32 v4, $0x0;
	vm1 =	vne.s32 v3, $0x0;
	v8 =	vsel vm3, $0x1, v0  }
0x201: {  	v9 =	vsel vm4, $0x1, v0;
	vm3 =	vne.s32 v5, $0x0;
	v10 =	vsel vm6, $0x1, v0  }
0x202: {  	v11 =	vsel vm7, $0x1, v0;
	v12 =	vsel vm11, $0x1, v0;
	v13 =	vsel vm14, $0x1, v0  }
0x203: {  	v14 =	vsel vm13, $0x2, v1;
	vm3 =	vmand vm3, vm12;
	vm12 =	veq.s32 v7, v3  }
0x204: {  	vm13 =	veq.s32 v7, v2;
	v13 =	vadd.s32 v13, v14;
	v15 =	vsel vm12, $0x1, v0  }
0x205: {  	vm6 =	vmand vm15, vm8;
	v16 =	vsel vm13, $0x1, v0;
	v13 =	vadd.s32 v15, v13  }
0x206: {  	v63 =	vsel vm14, $0x2, v1;
	vm2 =	vmand vm2, vm5;
	v13 =	vadd.s32 v16, v13  }
0x207: {  	v60 =	vsel vm13, $0x2, v1;
	v14 =	vadd.s32 v10, v14;
	v13 =	vshll.u32 v13, $0x6  }
0x208: {  	v10 =	vadd.s32 v10, v63;
	v62 =	vadd.s32 v11, v14;
	v7 =	vsub.s32 v13, v7  }
0x209: {  	v61 =	vsel vm12, $0x2, v1;
	v13 =	vadd.s32 v12, v62;
	v7 =	vadd.s32 $0x3F, v7  }
0x20a: {  	v10 =	vadd.s32 v8, v10;
	v13 =	vshll.u32 v13, $0x6;
	vm14 =	vgt.s32 v7, $0x0  }
0x20b: {  	v10 =	vadd.s32 v9, v10;
	v5 =	vsub.s32 v13, v5;
	v7 =	vnsel vm14, $0x0, v7  }
0x20c: {  	v11 =	vadd.s32 v11, v61;
	v5 =	vadd.s32 $0x3F, v5;
	v7 =	vnsel vm6, $0x0, v7  }
0x20d: {  	v10 =	vshll.u32 v10, $0x6;
	v8 =	vadd.s32 v8, v11;
	vm15 =	vgt.s32 v7, v5  }
0x20e: {  	v4 =	vsub.s32 v10, v4;
	v12 =	vadd.s32 v12, v60;
	v5 =	vsel vm15, v7, v5  }
0x20f: {  	v4 =	vadd.s32 $0x3F, v4;
	v5 =	vsel vm3, v5, v7;
	v7 =	vadd.s32 v6, v8  }
0x210: {  	v8 =	vadd.s32 v9, v12;
	vm3 =	vgt.s32 v5, v4;
	v7 =	vshll.u32 v7, $0x6  }
0x211: {  	v6 =	vadd.s32 v6, v8;
	v4 =	vsel vm3, v5, v4;
	v7 =	vsub.s32 v7, v3  }
0x212: {  	v6 =	vshll.u32 v6, $0x6;
	v4 =	vsel vm2, v4, v5;
	v5 =	vadd.s32 $0x3F, v7  }
0x213: {  	vm2 =	vne.s32 v3, $0x14;
	v2 =	vsub.s32 v6, v2;
	vm3 =	vgt.s32 v4, v5  }
0x214: {  	vm1 =	vmand vm1, vm2;
	v2 =	vadd.s32 $0x3F, v2;
	v3 =	vsel vm3, v4, v5  }
0x215: {  	v2 =	vnsel vm0, $0x0, v2;
	v3 =	vsel vm1, v3, v4  }
0x216: {  	vm0 =	vgt.s32 v3, v2  }
0x217: {  	v2 =	vsel vm0, v3, v2  }
0x218: {  	v3 =	vandn.u32 $0x3F, v2;
	vm0 =	veq.s32 v2, $0x0  }
0x219: {  	s22 =	simm.s32 $0x10;
	s21 =	simm.s32 $0x7A00;
	v2 =	vsel vm0, $0x1, v3  }
0x21a: {  	s22 =	sand.u32 $0x1F0, s22;
	[tilespmem:s21+$0x0] =	vst v2  }
0x21b: {  	v2 =	vld [tilespmem:s22+$0x7800]  }
0x21c: {  	v3 =	vld [tilespmem:s22+$0x7600]  }
0x21d: {  	v5 =	vld [tilespmem:s22+$0x7400];
	_ =	sdelay $0x2  }
0x21e: {  	v6 =	vld [tilespmem:s22+$0x7200];
	vm0 =	vne.s32 v2, $0x0;
	vm1 =	vne.s32 v2, $0x14  }
0x21f: {  	vm2 =	veq.s32 v3, v2;
	vm0 =	vmand vm0, vm1  }
0x220: {  	s24 =	simm.s32 $0x20;
	s22 =	simm.s32 $0x7010;
	v4 =	vsel vm2, $0x1, v0;
	vm2 =	vne.s32 v5, $0x0;
	vm1 =	vne.s32 v3, $0x0  }
.LBB2_11:
0x221: {  	p1 =	sne.s32 s24, $0x1F0;
	v7 =	vld [tilespmem:s22+$0x0];
	vm3 =	veq.s32 v5, v3;
	vm4 =	veq.s32 v5, v2;
	vm5 =	vne.s32 v5, $0x14  }
0x222: {  	v8 =	vsel vm3, $0x1, v0;
	v9 =	vsel vm4, $0x1, v0;
	vm2 =	vmand vm2, vm5  }
0x223: {  	vm4 =	veq.s32 v6, v2;
	vm3 =	vne.s32 v6, $0x0;
	vm5 =	vne.s32 v6, $0x14  }
0x224: {  	vm6 =	veq.s32 v6, v5;
	vm7 =	veq.s32 v6, v3;
	vm3 =	vmand vm3, vm5  }
0x225: {  	v10 =	vsel vm6, $0x1, v0;
	v11 =	vsel vm7, $0x1, v0;
	v12 =	vsel vm4, $0x1, v0  }
0x226: {  	vm4 =	veq.s32 v7, v6;
	vm5 =	veq.s32 v7, v5;
	vm6 =	vne.s32 v7, $0x0  }
0x227: {  	vm7 =	veq.s32 v7, v3;
	v13 =	vsel vm5, $0x1, v0;
	v14 =	vsel vm4, $0x2, v1  }
0x228: {  	v15 =	vsel vm7, $0x1, v0;
	vm4 =	veq.s32 v7, v2;
	v13 =	vadd.s32 v13, v14  }
0x229: {  	vm8 =	vne.s32 v7, $0x14;
	v16 =	vsel vm4, $0x1, v0;
	v13 =	vadd.s32 v15, v13  }
0x22a: {  	vm6 =	vmand vm6, vm8;
	v15 =	vsel vm4, $0x2, v1;
	v13 =	vadd.s32 v16, v13  }
0x22b: {  	v14 =	vadd.s32 v10, v14;
	v16 =	vsel vm7, $0x2, v1;
	v13 =	vshll.u32 v13, $0x6  }
0x22c: {  	v7 =	vsub.s32 v13, v7;
	v13 =	vadd.s32 v11, v14;
	v14 =	vsel vm5, $0x2, v1  }
0x22d: {  	v7 =	vadd.s32 $0x3F, v7;
	v13 =	vadd.s32 v12, v13;
	v12 =	vadd.s32 v12, v15  }
0x22e: {  	v10 =	vadd.s32 v10, v14;
	vm4 =	vgt.s32 v7, $0x0;
	v13 =	vshll.u32 v13, $0x6  }
0x22f: {  	v10 =	vadd.s32 v8, v10;
	v7 =	vnsel vm4, $0x0, v7;
	v6 =	vsub.s32 v13, v6  }
0x230: {  	v10 =	vadd.s32 v9, v10;
	v7 =	vnsel vm6, $0x0, v7;
	v6 =	vadd.s32 $0x3F, v6  }
0x231: {  	v11 =	vadd.s32 v11, v16;
	v10 =	vshll.u32 v10, $0x6;
	vm4 =	vgt.s32 v7, v6  }
0x232: {  	v8 =	vadd.s32 v8, v11;
	v5 =	vsub.s32 v10, v5;
	v6 =	vsel vm4, v7, v6  }
0x233: {  	v5 =	vadd.s32 $0x3F, v5;
	v6 =	vsel vm3, v6, v7;
	v7 =	vadd.s32 v4, v8  }
0x234: {  	v8 =	vadd.s32 v9, v12;
	vm3 =	vgt.s32 v6, v5;
	v7 =	vshll.u32 v7, $0x6  }
0x235: {  	v4 =	vadd.s32 v4, v8;
	v5 =	vsel vm3, v6, v5;
	v7 =	vsub.s32 v7, v3  }
0x236: {  	v4 =	vshll.u32 v4, $0x6;
	v5 =	vsel vm2, v5, v6;
	v6 =	vadd.s32 $0x3F, v7  }
0x237: {  	vm2 =	vne.s32 v3, $0x14;
	v2 =	vsub.s32 v4, v2;
	vm3 =	vgt.s32 v5, v6  }
0x238: {  	vm1 =	vmand vm1, vm2;
	v2 =	vadd.s32 $0x3F, v2;
	v3 =	vsel vm3, v5, v6  }
0x239: {  	v2 =	vnsel vm0, $0x0, v2;
	v3 =	vsel vm1, v3, v5  }
0x23a: {  	vm0 =	vgt.s32 v3, v2  }
0x23b: {  	v2 =	vsel vm0, v3, v2  }
0x23c: {  	v3 =	vandn.u32 $0x3F, v2;
	vm0 =	veq.s32 v2, $0x0  }
0x23d: {  	s21 =	sadd.s32 $0x10, s21;
	v2 =	vsel vm0, $0x1, v3  }
0x23e: {  	s25 =	sand.u32 $0x1F0, s24;
	[tilespmem:s21+$0x0] =	vst v2  }
0x23f: {  	v2 =	vld [tilespmem:s25+$0x7800]  }
0x240: {  	v3 =	vld [tilespmem:s25+$0x7600]  }
0x241: {  	v5 =	vld [tilespmem:s25+$0x7400]  }
.Ltmp4:
0x242: {  	(pc) =	sbr.rel @p1 .LBB2_11-.Ltmp4, $4  }
0x243: {  	_ = 	snop  }
0x244: {  	v6 =	vld [tilespmem:s25+$0x7200];
	vm0 =	vne.s32 v2, $0x0;
	vm1 =	vne.s32 v2, $0x14  }
0x245: {  	vm2 =	veq.s32 v3, v2;
	vm0 =	vmand vm0, vm1  }
0x246: {  	s24 =	sadd.s32 $0x10, s24;
	s22 =	sadd.s32 $0x10, s22;
	vm1 =	vne.s32 v3, $0x0;
	v4 =	vsel vm2, $0x1, v0;
	vm2 =	vne.s32 v5, $0x0  }
0x247: {  	v7 =	vld [tilespmem:s22+$0x0];
	vm3 =	veq.s32 v5, v3;
	vm4 =	veq.s32 v5, v2;
	vm5 =	vne.s32 v5, $0x14  }
0x248: {  	v8 =	vsel vm3, $0x1, v0;
	v9 =	vsel vm4, $0x1, v0;
	vm2 =	vmand vm2, vm5  }
0x249: {  	vm10 =	veq.s32 v6, v2;
	vm3 =	vne.s32 v6, $0x0;
	vm11 =	vne.s32 v6, $0x14  }
0x24a: {  	vm6 =	veq.s32 v6, v5;
	vm7 =	veq.s32 v6, v3;
	vm3 =	vmand vm3, vm11  }
0x24b: {  	v10 =	vsel vm6, $0x1, v0;
	v11 =	vsel vm7, $0x1, v0;
	v12 =	vsel vm10, $0x1, v0  }
0x24c: {  	vm12 =	veq.s32 v7, v6;
	vm13 =	veq.s32 v7, v5;
	vm14 =	vne.s32 v7, $0x0  }
0x24d: {  	vm15 =	veq.s32 v7, v3;
	v13 =	vsel vm13, $0x1, v0;
	v14 =	vsel vm12, $0x2, v1  }
0x24e: {  	v15 =	vsel vm15, $0x1, v0;
	vm12 =	veq.s32 v7, v2;
	v13 =	vadd.s32 v13, v14  }
0x24f: {  	vm8 =	vne.s32 v7, $0x14;
	v16 =	vsel vm12, $0x1, v0;
	v13 =	vadd.s32 v15, v13  }
0x250: {  	vm6 =	vmand vm14, vm8;
	v49 =	vsel vm15, $0x2, v1;
	v13 =	vadd.s32 v16, v13  }
0x251: {  	v51 =	vsel vm13, $0x2, v1;
	v14 =	vadd.s32 v10, v14;
	v13 =	vshll.u32 v13, $0x6  }
0x252: {  	v48 =	vsel vm12, $0x2, v1;
	v50 =	vadd.s32 v11, v14;
	v7 =	vsub.s32 v13, v7  }
0x253: {  	v10 =	vadd.s32 v10, v51;
	v13 =	vadd.s32 v12, v50;
	v7 =	vadd.s32 $0x3F, v7  }
0x254: {  	v10 =	vadd.s32 v8, v10;
	v13 =	vshll.u32 v13, $0x6;
	vm13 =	vgt.s32 v7, $0x0  }
0x255: {  	v11 =	vadd.s32 v11, v49;
	v6 =	vsub.s32 v13, v6;
	v7 =	vnsel vm13, $0x0, v7  }
0x256: {  	v10 =	vadd.s32 v9, v10;
	v6 =	vadd.s32 $0x3F, v6;
	v7 =	vnsel vm6, $0x0, v7  }
0x257: {  	v8 =	vadd.s32 v8, v11;
	v10 =	vshll.u32 v10, $0x6;
	vm14 =	vgt.s32 v7, v6  }
0x258: {  	v12 =	vadd.s32 v12, v48;
	v5 =	vsub.s32 v10, v5;
	v6 =	vsel vm14, v7, v6  }
0x259: {  	v5 =	vadd.s32 $0x3F, v5;
	v6 =	vsel vm3, v6, v7;
	v7 =	vadd.s32 v4, v8  }
0x25a: {  	v8 =	vadd.s32 v9, v12;
	vm3 =	vgt.s32 v6, v5;
	v7 =	vshll.u32 v7, $0x6  }
0x25b: {  	v4 =	vadd.s32 v4, v8;
	v5 =	vsel vm3, v6, v5;
	v7 =	vsub.s32 v7, v3  }
0x25c: {  	v4 =	vshll.u32 v4, $0x6;
	v5 =	vsel vm2, v5, v6;
	v6 =	vadd.s32 $0x3F, v7  }
0x25d: {  	vm2 =	vne.s32 v3, $0x14;
	v2 =	vsub.s32 v4, v2;
	vm3 =	vgt.s32 v5, v6  }
0x25e: {  	vm1 =	vmand vm1, vm2;
	v2 =	vadd.s32 $0x3F, v2;
	v3 =	vsel vm3, v5, v6  }
0x25f: {  	v2 =	vnsel vm0, $0x0, v2;
	v3 =	vsel vm1, v3, v5  }
0x260: {  	vm0 =	vgt.s32 v3, v2  }
0x261: {  	v2 =	vsel vm0, v3, v2  }
0x262: {  	v3 =	vandn.u32 $0x3F, v2;
	vm0 =	veq.s32 v2, $0x0  }
0x263: {  	s21 =	sadd.s32 $0x10, s21;
	v2 =	vsel vm0, $0x1, v3  }
0x264: {  	s20 =	sadd.s32 s7, s20;
	s22 =	simm.s32 $0x0;
	[tilespmem:s21+$0x0] =	vst v2  }
0x265: {  	[hbm4b:s20+s22] =	stream.linear.scatter [tilespmem:s6], [sflag:$0x4], $0x200, $0x38;
	[tilespmem:$0x13A10] =	vst v63  }
0x266: {  	_ =	swait.ge [sflag:s13], $0x200  }
0x267: {  	[sflag:s13] =	ssyncset.done $0x0  }
0x268: {  	[sflag:s13] =	ssyncadd.s32 $0xFFFFFE00  }
0x269: {  	_ =	swait.ge [sflag:s12], $0xA00  }
0x26a: {  	[sflag:s12] =	ssyncset.done $0x0  }
0x26b: {  	s24 =	sand.u32 $0x1F0, s22;
	[sflag:s12] =	ssyncadd.s32 $0xFFFFF600  }
0x26c: {  	v2 =	vld [tilespmem:s24+$0xF400]  }
0x26d: {  	v3 =	vld [tilespmem:s24+$0xF200]  }
0x26e: {  	v4 =	vld [tilespmem:s24+$0xF000]  }
0x26f: {  	v5 =	vld [tilespmem:s24+$0xEE00]  }
0x270: {  	s25 =	simm.s32 $0xEC00  }
0x271: {  	v7 =	vld [tilespmem:s25+$0x0]  }
0x272: {  	vm0 =	vne.s32 v2, $0x0  }
0x273: {  	vm1 =	vne.s32 v2, $0x14;
	vm2 =	veq.s32 v3, v2;
	vm3 =	veq.s32 v4, v3  }
0x274: {  	vm15 =	veq.s32 v4, v2;
	vm8 =	vne.s32 v4, $0x14;
	vm9 =	veq.s32 v5, v2  }
0x275: {  	vm10 =	vne.s32 v5, $0x14;
	vm11 =	veq.s32 v5, v4;
	vm12 =	veq.s32 v5, v3  }
0x276: {  	vm13 =	veq.s32 v7, v5;
	vm5 =	veq.s32 v7, v4;
	vm14 =	vne.s32 v7, $0x0  }
0x277: {  	vm0 =	vmand vm0, vm1;
	v6 =	vsel vm2, $0x1, v0;
	vm2 =	vne.s32 v4, $0x0  }
0x278: {  	vm1 =	vne.s32 v3, $0x0;
	v8 =	vsel vm3, $0x1, v0;
	v52 =	vsel vm15, $0x1, v0  }
0x279: {  	vm3 =	vne.s32 v5, $0x0;
	v53 =	vsel vm11, $0x1, v0;
	v54 =	vsel vm12, $0x1, v0  }
0x27a: {  	v55 =	vsel vm9, $0x1, v0;
	v56 =	vsel vm5, $0x1, v0;
	vm15 =	veq.s32 v7, v3  }
0x27b: {  	v57 =	vsel vm13, $0x2, v1;
	vm12 =	veq.s32 v7, v2;
	vm13 =	vne.s32 v7, $0x14  }
0x27c: {  	v63 =	vsel vm5, $0x2, v1;
	v58 =	vsel vm15, $0x1, v0;
	v13 =	vadd.s32 v56, v57  }
0x27d: {  	vm2 =	vmand vm2, vm8;
	v59 =	vsel vm12, $0x1, v0;
	v13 =	vadd.s32 v58, v13  }
0x27e: {  	vm3 =	vmand vm3, vm10;
	vm6 =	vmand vm14, vm13;
	v13 =	vadd.s32 v59, v13  }
0x27f: {  	v60 =	vsel vm12, $0x2, v1;
	v14 =	vadd.s32 v53, v57;
	v13 =	vshll.u32 v13, $0x6  }
0x280: {  	v61 =	vsel vm15, $0x2, v1;
	v62 =	vadd.s32 v54, v14;
	v7 =	vsub.s32 v13, v7  }
0x281: {  	v10 =	vadd.s32 v53, v63;
	v13 =	vadd.s32 v55, v62;
	v7 =	vadd.s32 $0x3F, v7  }
0x282: {  	v12 =	vadd.s32 v55, v60;
	v13 =	vshll.u32 v13, $0x6;
	vm14 =	vgt.s32 v7, $0x0  }
0x283: {  	v10 =	vadd.s32 v8, v10;
	v5 =	vsub.s32 v13, v5;
	v7 =	vnsel vm14, $0x0, v7  }
0x284: {  	v10 =	vadd.s32 v52, v10;
	v5 =	vadd.s32 $0x3F, v5;
	v7 =	vnsel vm6, $0x0, v7  }
0x285: {  	v11 =	vadd.s32 v54, v61;
	v10 =	vshll.u32 v10, $0x6;
	vm15 =	vgt.s32 v7, v5  }
0x286: {  	v8 =	vadd.s32 v8, v11;
	v4 =	vsub.s32 v10, v4;
	v5 =	vsel vm15, v7, v5  }
0x287: {  	v4 =	vadd.s32 $0x3F, v4;
	v5 =	vsel vm3, v5, v7;
	v7 =	vadd.s32 v6, v8  }
0x288: {  	v8 =	vadd.s32 v52, v12;
	vm3 =	vgt.s32 v5, v4;
	v7 =	vshll.u32 v7, $0x6  }
0x289: {  	v6 =	vadd.s32 v6, v8;
	v4 =	vsel vm3, v5, v4;
	v7 =	vsub.s32 v7, v3  }
0x28a: {  	v6 =	vshll.u32 v6, $0x6;
	v4 =	vsel vm2, v4, v5;
	v5 =	vadd.s32 $0x3F, v7  }
0x28b: {  	vm2 =	vne.s32 v3, $0x14;
	v2 =	vsub.s32 v6, v2;
	vm3 =	vgt.s32 v4, v5  }
0x28c: {  	vm1 =	vmand vm1, vm2;
	v2 =	vadd.s32 $0x3F, v2;
	v3 =	vsel vm3, v4, v5  }
0x28d: {  	v2 =	vnsel vm0, $0x0, v2;
	v3 =	vsel vm1, v3, v4  }
0x28e: {  	vm0 =	vgt.s32 v3, v2  }
0x28f: {  	v2 =	vsel vm0, v3, v2  }
0x290: {  	v3 =	vandn.u32 $0x3F, v2;
	vm0 =	veq.s32 v2, $0x0  }
0x291: {  	s29 =	simm.s32 $0x10;
	s20 =	simm.s32 $0xF600;
	v2 =	vsel vm0, $0x1, v3  }
0x292: {  	s21 =	sand.u32 $0x1F0, s29;
	[tilespmem:s20+$0x0] =	vst v2  }
0x293: {  	v2 =	vld [tilespmem:s21+$0xF400]  }
0x294: {  	v3 =	vld [tilespmem:s21+$0xF200]  }
0x295: {  	v5 =	vld [tilespmem:s21+$0xF000];
	_ =	sdelay $0x2  }
0x296: {  	v6 =	vld [tilespmem:s21+$0xEE00];
	vm0 =	vne.s32 v2, $0x0;
	vm1 =	vne.s32 v2, $0x14  }
0x297: {  	vm2 =	veq.s32 v3, v2;
	vm0 =	vmand vm0, vm1  }
0x298: {  	s22 =	simm.s32 $0x20;
	s21 =	simm.s32 $0xEC10;
	v4 =	vsel vm2, $0x1, v0;
	vm2 =	vne.s32 v5, $0x0;
	vm1 =	vne.s32 v3, $0x0  }
.LBB2_13:
0x299: {  	p1 =	sne.s32 s22, $0x1F0;
	v7 =	vld [tilespmem:s21+$0x0];
	vm3 =	veq.s32 v5, v3;
	vm4 =	veq.s32 v5, v2;
	vm5 =	vne.s32 v5, $0x14  }
0x29a: {  	v8 =	vsel vm3, $0x1, v0;
	v9 =	vsel vm4, $0x1, v0;
	vm2 =	vmand vm2, vm5  }
0x29b: {  	vm4 =	veq.s32 v6, v2;
	vm3 =	vne.s32 v6, $0x0;
	vm5 =	vne.s32 v6, $0x14  }
0x29c: {  	vm6 =	veq.s32 v6, v5;
	vm7 =	veq.s32 v6, v3;
	vm3 =	vmand vm3, vm5  }
0x29d: {  	v10 =	vsel vm6, $0x1, v0;
	v11 =	vsel vm7, $0x1, v0;
	v12 =	vsel vm4, $0x1, v0  }
0x29e: {  	vm4 =	veq.s32 v7, v6;
	vm5 =	veq.s32 v7, v5;
	vm6 =	vne.s32 v7, $0x0  }
0x29f: {  	vm7 =	veq.s32 v7, v3;
	v13 =	vsel vm5, $0x1, v0;
	v14 =	vsel vm4, $0x2, v1  }
0x2a0: {  	v15 =	vsel vm7, $0x1, v0;
	vm4 =	veq.s32 v7, v2;
	v13 =	vadd.s32 v13, v14  }
0x2a1: {  	vm8 =	vne.s32 v7, $0x14;
	v16 =	vsel vm4, $0x1, v0;
	v13 =	vadd.s32 v15, v13  }
0x2a2: {  	vm6 =	vmand vm6, vm8;
	v15 =	vsel vm4, $0x2, v1;
	v13 =	vadd.s32 v16, v13  }
0x2a3: {  	v14 =	vadd.s32 v10, v14;
	v16 =	vsel vm7, $0x2, v1;
	v13 =	vshll.u32 v13, $0x6  }
0x2a4: {  	v7 =	vsub.s32 v13, v7;
	v13 =	vadd.s32 v11, v14;
	v14 =	vsel vm5, $0x2, v1  }
0x2a5: {  	v7 =	vadd.s32 $0x3F, v7;
	v13 =	vadd.s32 v12, v13;
	v12 =	vadd.s32 v12, v15  }
0x2a6: {  	v10 =	vadd.s32 v10, v14;
	vm4 =	vgt.s32 v7, $0x0;
	v13 =	vshll.u32 v13, $0x6  }
0x2a7: {  	v10 =	vadd.s32 v8, v10;
	v7 =	vnsel vm4, $0x0, v7;
	v6 =	vsub.s32 v13, v6  }
0x2a8: {  	v10 =	vadd.s32 v9, v10;
	v7 =	vnsel vm6, $0x0, v7;
	v6 =	vadd.s32 $0x3F, v6  }
0x2a9: {  	v11 =	vadd.s32 v11, v16;
	v10 =	vshll.u32 v10, $0x6;
	vm4 =	vgt.s32 v7, v6  }
0x2aa: {  	v8 =	vadd.s32 v8, v11;
	v5 =	vsub.s32 v10, v5;
	v6 =	vsel vm4, v7, v6  }
0x2ab: {  	v5 =	vadd.s32 $0x3F, v5;
	v6 =	vsel vm3, v6, v7;
	v7 =	vadd.s32 v4, v8  }
0x2ac: {  	v8 =	vadd.s32 v9, v12;
	vm3 =	vgt.s32 v6, v5;
	v7 =	vshll.u32 v7, $0x6  }
0x2ad: {  	v4 =	vadd.s32 v4, v8;
	v5 =	vsel vm3, v6, v5;
	v7 =	vsub.s32 v7, v3  }
0x2ae: {  	v4 =	vshll.u32 v4, $0x6;
	v5 =	vsel vm2, v5, v6;
	v6 =	vadd.s32 $0x3F, v7  }
0x2af: {  	vm2 =	vne.s32 v3, $0x14;
	v2 =	vsub.s32 v4, v2;
	vm3 =	vgt.s32 v5, v6  }
0x2b0: {  	vm1 =	vmand vm1, vm2;
	v2 =	vadd.s32 $0x3F, v2;
	v3 =	vsel vm3, v5, v6  }
0x2b1: {  	v2 =	vnsel vm0, $0x0, v2;
	v3 =	vsel vm1, v3, v5  }
0x2b2: {  	vm0 =	vgt.s32 v3, v2  }
0x2b3: {  	v2 =	vsel vm0, v3, v2  }
0x2b4: {  	v3 =	vandn.u32 $0x3F, v2;
	vm0 =	veq.s32 v2, $0x0  }
0x2b5: {  	s20 =	sadd.s32 $0x10, s20;
	v2 =	vsel vm0, $0x1, v3  }
0x2b6: {  	s24 =	sand.u32 $0x1F0, s22;
	[tilespmem:s20+$0x0] =	vst v2  }
0x2b7: {  	v2 =	vld [tilespmem:s24+$0xF400]  }
0x2b8: {  	v3 =	vld [tilespmem:s24+$0xF200]  }
0x2b9: {  	v5 =	vld [tilespmem:s24+$0xF000]  }
.Ltmp5:
0x2ba: {  	(pc) =	sbr.rel @p1 .LBB2_13-.Ltmp5, $4  }
0x2bb: {  	_ = 	snop  }
0x2bc: {  	v6 =	vld [tilespmem:s24+$0xEE00];
	vm0 =	vne.s32 v2, $0x0;
	vm1 =	vne.s32 v2, $0x14  }
0x2bd: {  	vm2 =	veq.s32 v3, v2;
	vm0 =	vmand vm0, vm1  }
0x2be: {  	s22 =	sadd.s32 $0x10, s22;
	s21 =	sadd.s32 $0x10, s21;
	vm1 =	vne.s32 v3, $0x0;
	v4 =	vsel vm2, $0x1, v0;
	vm2 =	vne.s32 v5, $0x0  }
0x2bf: {  	v7 =	vld [tilespmem:s21+$0x0];
	vm3 =	veq.s32 v5, v3;
	vm4 =	veq.s32 v5, v2;
	vm5 =	vne.s32 v5, $0x14  }
0x2c0: {  	v8 =	vsel vm3, $0x1, v0;
	v9 =	vsel vm4, $0x1, v0;
	vm2 =	vmand vm2, vm5  }
0x2c1: {  	vm15 =	veq.s32 v6, v2;
	vm9 =	vne.s32 v6, $0x0;
	vm10 =	vne.s32 v6, $0x14  }
0x2c2: {  	vm6 =	veq.s32 v6, v5;
	vm7 =	veq.s32 v6, v3;
	vm3 =	vmand vm9, vm10  }
0x2c3: {  	v10 =	vsel vm6, $0x1, v0;
	v11 =	vsel vm7, $0x1, v0;
	v12 =	vsel vm15, $0x1, v0  }
0x2c4: {  	vm11 =	veq.s32 v7, v6;
	vm12 =	veq.s32 v7, v5;
	vm13 =	vne.s32 v7, $0x0  }
0x2c5: {  	vm14 =	veq.s32 v7, v3;
	v13 =	vsel vm12, $0x1, v0;
	v14 =	vsel vm11, $0x2, v1  }
0x2c6: {  	vm15 =	veq.s32 v7, v2;
	v15 =	vsel vm14, $0x1, v0;
	v13 =	vadd.s32 v13, v14  }
0x2c7: {  	vm8 =	vne.s32 v7, $0x14;
	v16 =	vsel vm15, $0x1, v0;
	v13 =	vadd.s32 v15, v13  }
0x2c8: {  	vm6 =	vmand vm13, vm8;
	v54 =	vsel vm15, $0x2, v1;
	v13 =	vadd.s32 v16, v13  }
0x2c9: {  	v55 =	vsel vm14, $0x2, v1;
	v14 =	vadd.s32 v10, v14;
	v13 =	vshll.u32 v13, $0x6  }
0x2ca: {  	v57 =	vsel vm12, $0x2, v1;
	v56 =	vadd.s32 v11, v14;
	v7 =	vsub.s32 v13, v7  }
0x2cb: {  	v10 =	vadd.s32 v10, v57;
	v13 =	vadd.s32 v12, v56;
	v7 =	vadd.s32 $0x3F, v7  }
0x2cc: {  	v10 =	vadd.s32 v8, v10;
	v13 =	vshll.u32 v13, $0x6;
	vm12 =	vgt.s32 v7, $0x0  }
0x2cd: {  	v11 =	vadd.s32 v11, v55;
	v58 =	vsub.s32 v13, v6;
	v7 =	vnsel vm12, $0x0, v7  }
0x2ce: {  	v10 =	vadd.s32 v9, v10;
	v6 =	vadd.s32 $0x3F, v58;
	v7 =	vnsel vm6, $0x0, v7  }
0x2cf: {  	v8 =	vadd.s32 v8, v11;
	v10 =	vshll.u32 v10, $0x6;
	vm13 =	vgt.s32 v7, v6  }
0x2d0: {  	v60 =	vadd.s32 v4, v8;
	v59 =	vsub.s32 v10, v5;
	v6 =	vsel vm13, v7, v6  }
0x2d1: {  	v12 =	vadd.s32 v12, v54;
	v5 =	vadd.s32 $0x3F, v59;
	v6 =	vsel vm3, v6, v7  }
0x2d2: {  	v61 =	vadd.s32 v9, v12;
	v7 =	vshll.u32 v60, $0x6;
	vm3 =	vgt.s32 v6, v5  }
0x2d3: {  	v62 =	vadd.s32 v4, v61;
	v7 =	vsub.s32 v7, v3;
	v5 =	vsel vm3, v6, v5  }
0x2d4: {  	v4 =	vshll.u32 v62, $0x6;
	v63 =	vadd.s32 $0x3F, v7;
	v5 =	vsel vm2, v5, v6  }
0x2d5: {  	vm14 =	vne.s32 v3, $0x14;
	v2 =	vsub.s32 v4, v2;
	vm15 =	vgt.s32 v5, v63  }
0x2d6: {  	vm1 =	vmand vm1, vm14;
	v2 =	vadd.s32 $0x3F, v2;
	v3 =	vsel vm15, v5, v63  }
0x2d7: {  	v2 =	vnsel vm0, $0x0, v2;
	v3 =	vsel vm1, v3, v5  }
0x2d8: {  	vm0 =	vgt.s32 v3, v2  }
0x2d9: {  	v2 =	vsel vm0, v3, v2  }
0x2da: {  	s14 =	sadd.s32 $0x1, s14;
	v3 =	vandn.u32 $0x3F, v2;
	vm0 =	veq.s32 v2, $0x0  }
0x2db: {  	s20 =	sadd.s32 $0x10, s20;
	p1 =	sne.s32 s14, $0x4;
	v2 =	vsel vm0, $0x1, v3  }
.Ltmp6:
0x2dc: {  	s17 =	sadd.s32 s7, s17;
	[tilespmem:s20+$0x0] =	vst v2;
	(pc) =	sbr.rel @p1 .LBB2_2-.Ltmp6, $4  }
0x2dd: {  	[hbm4b:s17+s10] =	stream.linear.scatter [tilespmem:s15], [sflag:$0x8], $0x200, $0x38;
	[tilespmem:$0x13A10] =	vst v63  }
0x2de: {  	_ =	swait.ge [sflag:s16], $0x200  }
0x2df: {  	[sflag:s16] =	ssyncset.done $0x0  }
0x2e0: {  	[sflag:s16] =	ssyncadd.s32 $0xFFFFFE00  }
0x2e1: {  	s17 =	rddreg [dreg:$0xd]  }
0x2e2: {  	s14 =	rddreg [dreg:$0xa];
	s17 =	sadd.s32 $0x1, s17  }
0x2e3: {  	p1 =	sne.s32 s17, s14  }
.Ltmp7:
0x2e4: {  	_ = 	snop;
	(pc) =	sbr.rel @p1 .LBB2_1-.Ltmp7, $1  }
0x2e5: {  	_ =	sdelay $0x3  }
0x2e6: {  	_ =	sfence.sel $0x180000  }
0x2e7: {  	[bflag:$0x0] =	sbarrier.arrive $0xFFFF  }
0x2e8: {  	_ =	strace $0x90000047  }
0x2e9: {  	[bflag:$0x2] =	sbarrier.arrive $0xFFFF  }
0x2ea: {  	s0 =	rddreg [dreg:$0x9]  }
0x2eb: {  	s0 =	sadd.s32 @!p0 $0x100000, s0  }
0x2ec: {  	[sflag:s0] =	ssyncadd.tile.s32 @!p0 $0x1;
	_ =	shalt  }
.Lfunc_end2:
_tile_overlayer_lowered:
.L_overlay_start_2:
0x2ed: {  	(tag) =	ssettag $0x2  }
0x2ee: {  	s0 =	rddreg [dreg:$0x0];
	s2 =	stileid.u32  }
0x2ef: {  	s1 =	rddreg [dreg:$0x1];
	p0 =	sne.s32 s2, $0x0  }
0x2f0: {  	s3 =	rddreg [dreg:$0x2];
	[bflag:$0x3] =	sbarrier.arrive $0xFFFF;
	s2 =	simm.s32 @!p0 $0x1C09  }
0x2f1: {  	[timem:s3], [sflag:s2] =	dma.local @!p0 [hbm:s0], s1  }
0x2f2: {  	s0 =	simm.s32 @!p0 $0x9  }
0x2f3: {  	_ =	swait.ge @!p0 [sflag:s0], s1  }
0x2f4: {  	s1 =	ssub.s32 @!p0 $0x0, s1;
	[sflag:s0] =	ssyncset.done @!p0 $0x0  }
0x2f5: {  	[sflag:s0] =	ssyncadd.s32 @!p0 s1  }
0x2f6: {  	[bflag:$0x3] =	sbarrier.arrive $0xFFFF  }
0x2f7: {  	_ =	shalt  }

</sc_bundles>
